<compile_context>
chip_gen: v7x
topology: tpu7x:2x2x1
jax: 0.10.2.dev20260603
libtpu: 0.0.44.dev20260713+nightly
codegen_flags: <defaults>
</compile_context>

<pallas_src>
import functools

import jax
import jax.numpy as jnp
import numpy as np
from jax import lax
from jax.experimental import pallas as pl
from jax.experimental.pallas import tpu as pltpu
from jax.experimental.pallas import tpu_sc as plsc

_NC = 2
_NS = 16
_NW = _NC * _NS
_QTR = 100
_NBUF = 8
_CH = 66
_LANES = 16
_D = 128
_VPR = _D // _LANES

_PERM = np.array([32 * (c // 32) + 2 * (c % 16) + ((c % 32) // 16)
                  for c in range(_D)], dtype=np.int32)


def _sc_pool_call(s_pad, table_rows):
    seg_w = s_pad // _NW
    nchunk = seg_w // _CH
    ntasks = 4 * _CH
    mesh = plsc.VectorSubcoreMesh(core_axis_name="c", subcore_axis_name="s")

    def body(ids_hbm, table_hbm, out_hbm, idx_v, rows_v, stage_v, sems):
        wid = lax.axis_index("s") * _NC + lax.axis_index("c")
        seg0 = wid * seg_w

        def chunk_body(cidx, carry):
            cbase = seg0 + cidx * _CH
            pltpu.sync_copy(ids_hbm.at[pl.ds(cbase, _CH)], idx_v)
            for b in range(_NBUF):
                pltpu.async_copy(
                    table_hbm.at[idx_v.at[b // 4, b % 4]],
                    rows_v.at[b], sems.at[b])

            def group_body(g, carry2):
                t0 = g * _NBUF
                s0 = g * (_NBUF // 4)
                accs = None
                for b in range(_NBUF):
                    s = s0 + b // 4
                    h = b % 4
                    pltpu.make_async_copy(
                        table_hbm.at[idx_v.at[s, h]],
                        rows_v.at[b], sems.at[b]).wait()
                    if h == 0:
                        accs = tuple(jnp.zeros((_LANES,), jnp.float32)
                                     for _ in range(2 * _VPR))

                    def acc_body(j, a, _b=b):
                        a = list(a)
                        for r in range(4):
                            row = j * 4 + r
                            bank = (r % 2) * _VPR
                            for g2 in range(_VPR // 2):
                                w = rows_v[_b, row,
                                           pl.ds(g2 * _LANES, _LANES)]
                                lo = lax.bitcast_convert_type(
                                    lax.shift_left(w, 16), jnp.float32)
                                hi = lax.bitcast_convert_type(
                                    lax.bitwise_and(w, jnp.int32(-65536)),
                                    jnp.float32)
                                a[bank + 2 * g2] = a[bank + 2 * g2] + lo
                                a[bank + 2 * g2 + 1] = (
                                    a[bank + 2 * g2 + 1] + hi)
                        return tuple(a)

                    accs = lax.fori_loop(0, _QTR // 4, acc_body, accs)
                    if h == 3:
                        for k in range(2 * _VPR):
                            stage_v[s, pl.ds(k * _LANES, _LANES)] = accs[k]
                    nxt_t = t0 + b + _NBUF
                    nxt_s = s + _NBUF // 4
                    @pl.when(nxt_t < ntasks)
                    def _issue(_b=b, _h=h, _s=nxt_s):
                        pltpu.async_copy(
                            table_hbm.at[idx_v.at[_s, _h]],
                            rows_v.at[_b], sems.at[_b])
                return carry2

            lax.fori_loop(0, ntasks // _NBUF, group_body, 0)
            pltpu.sync_copy(stage_v, out_hbm.at[pl.ds(cbase, _CH)])
            return carry

        lax.fori_loop(0, nchunk, chunk_body, 0)

    return pl.kernel(
        body,
        out_type=jax.ShapeDtypeStruct((s_pad, 2 * _D), jnp.float32),
        mesh=mesh,
        compiler_params=pltpu.CompilerParams(use_tc_tiling_on_sc=False),
        scratch_types=[
            pltpu.VMEM((_CH, 4, _QTR), jnp.int32),
            pltpu.VMEM((_NBUF, _QTR, _D // 2), jnp.int32),
            pltpu.VMEM((_CH, 2 * _D), jnp.float32),
            pltpu.SemaphoreType.DMA((_NBUF,)),
        ],
    )


_PREC = lax.Precision.DEFAULT


def _dense_call(bsz, blk, nb, few, n_blk_off):
    grid = (bsz // blk,)
    d = _D
    dm = 2 * d
    dh = 2 * dm
    fnb = float(nb)

    def body(qlp, qrp, qld, qrd, slp, srp, sld, srd,
             gwT, gb, w1T, b1, w2T, b2, lng, lnb, wihT, whhT, bih, bhh,
             out_ref):
        dot = functools.partial(jnp.dot, preferred_element_type=jnp.float32,
                                precision=_PREC)
        gwTv = gwT[...]
        gbv = gb[...]

        def nenc(p, deg):
            return jnp.tanh((dot(p, gwTv) + fnb * gbv) / deg)

        lngv = lng[...]
        lnbv = lnb[...]
        w1Tv = w1T[...]
        b1v = b1[...]
        w2Tv = w2T[...]
        b2v = b2[...]

        def senc(x):
            hh = jnp.maximum(dot(x, w1Tv) + b1v, 0.0)
            hh = dot(hh, w2Tv) + b2v
            z = hh + x
            mu = jnp.mean(z, axis=-1, keepdims=True)
            var = jnp.sum((z - mu) ** 2, axis=-1, keepdims=True) / (dm - 1)
            return (z - mu) / (jnp.sqrt(var) + 1e-3) * lngv + lnbv

        sl = nenc(slp[...], sld[...])
        sr = nenc(srp[...], srd[...])
        sgall = senc(jnp.concatenate([sl, sr], axis=1))
        smask = (lax.broadcasted_iota(jnp.int32, sgall.shape, 0)
                 < few).astype(jnp.float32)
        sg = jnp.sum(sgall * smask, axis=0, keepdims=True) / float(few)

        ql = nenc(qlp[...], qld[...])
        qr = nenc(qrp[...], qrd[...])
        qg = senc(jnp.concatenate([ql, qr], axis=1))

        whhTv = whhT[...]
        xp = dot(qg, wihT[...]) + bih[...] + bhh[...]
        sterm = dot(sg, whhTv[dm:dh])
        whhTl = whhTv[0:dm]
        h = None
        c = None
        for step in range(4):
            gates = xp if step == 0 else xp + dot(h, whhTl) + sterm
            ig = jax.nn.sigmoid(gates[:, 0:dh])
            fg = jax.nn.sigmoid(gates[:, dh:2 * dh])
            gg = jnp.tanh(gates[:, 2 * dh:3 * dh])
            og = jax.nn.sigmoid(gates[:, 3 * dh:4 * dh])
            c = ig * gg if step == 0 else fg * c + ig * gg
            h = qg + (og * jnp.tanh(c))[:, 0:dm]
        out_ref[...] = jnp.sum(h * sg, axis=1, keepdims=True)

    row_spec = lambda cols: pl.BlockSpec((blk, cols), lambda i: (i, 0))
    full = lambda shape: pl.BlockSpec(shape, lambda i: (0,) * len(shape))
    return pl.pallas_call(
        body,
        grid=grid,
        in_specs=[
            pl.BlockSpec((blk, dm), lambda i: (i, 0)),
            pl.BlockSpec((blk, dm), lambda i: (i + n_blk_off, 0)),
            row_spec(1), row_spec(1),
            full((8, dm)), full((8, dm)), full((8, 1)), full((8, 1)),
            full((dm, d)), full((1, d)),
            full((dm, dh)), full((1, dh)),
            full((dh, dm)), full((1, dm)),
            full((1, dm)), full((1, dm)),
            full((dm, 4 * dh)), full((dh, 4 * dh)),
            full((1, 4 * dh)), full((1, 4 * dh)),
        ],
        out_specs=row_spec(1),
        out_shape=jax.ShapeDtypeStruct((bsz, 1), jnp.float32),
    )


def kernel(query, support, query_left_connections, query_left_degrees,
           query_right_connections, query_right_degrees,
           support_left_connections, support_left_degrees,
           support_right_connections, support_right_degrees,
           symbol_emb, gcn_w_W, gcn_w_b, se_w1, se_b1, se_w2, se_b2,
           ln_g, ln_b, qe_wih, qe_whh, qe_bih, qe_bhh):
    bsz = query_left_connections.shape[0]
    few = support_left_connections.shape[0]
    nb = query_left_connections.shape[1]

    n_zpad = 512
    table = jnp.concatenate(
        [symbol_emb, jnp.zeros((n_zpad, symbol_emb.shape[1]),
                               symbol_emb.dtype)], axis=0)
    zbase = symbol_emb.shape[0]
    rt = table.shape[0]
    tb = table.astype(jnp.bfloat16).reshape(rt, _D // 2, 2)
    table_p = lax.bitcast_convert_type(tb, jnp.int32)

    s_raw = 2 * bsz + 2 * few
    unit = _NW * _CH
    s_pad = -(-s_raw // unit) * unit
    dummy = jnp.zeros((s_pad - s_raw, 4, _QTR), jnp.int32)
    dummy = zbase + (
        lax.broadcasted_iota(jnp.int32, dummy.shape, 0) * (2 * nb)
        + lax.broadcasted_iota(jnp.int32, dummy.shape, 1) * _QTR
        + lax.broadcasted_iota(jnp.int32, dummy.shape, 2)) % n_zpad
    ids = jnp.concatenate([
        query_left_connections.reshape(bsz, 4, _QTR),
        query_right_connections.reshape(bsz, 4, _QTR),
        support_left_connections.reshape(few, 4, _QTR),
        support_right_connections.reshape(few, 4, _QTR),
        dummy,
    ], axis=0).astype(jnp.int32)

    pooled = _sc_pool_call(s_pad, rt)(ids, table_p)

    off = 2 * bsz
    pad_s = jnp.zeros((8 - few, 2 * _D), jnp.float32)
    slp = jnp.concatenate([pooled[off:off + few], pad_s], 0)
    srp = jnp.concatenate([pooled[off + few:off + 2 * few], pad_s], 0)
    pad_d = jnp.ones((8 - few, 1), jnp.float32)
    sld = jnp.concatenate([support_left_degrees.reshape(few, 1), pad_d], 0)
    srd = jnp.concatenate([support_right_degrees.reshape(few, 1), pad_d], 0)

    gwT = gcn_w_W.T
    gw_perm = jnp.concatenate([gwT[_PERM], gwT[_D + _PERM]], axis=0)

    blk = 512
    scores = _dense_call(bsz, blk, nb, few, bsz // blk)(
        pooled, pooled,
        query_left_degrees.reshape(bsz, 1),
        query_right_degrees.reshape(bsz, 1),
        slp, srp, sld, srd,
        gw_perm, gcn_w_b.reshape(1, _D),
        se_w1.T, se_b1.reshape(1, -1),
        se_w2.T, se_b2.reshape(1, -1),
        ln_g.reshape(1, -1), ln_b.reshape(1, -1),
        qe_wih.T, qe_whh.T,
        qe_bih.reshape(1, -1), qe_bhh.reshape(1, -1),
    )
    return scores.reshape(bsz)

# --- scband reference (transcript-rebuilt; emitter-appended) ---
"""Pipeline reference for scband-embed-matcher-33706903339053 (READ-ONLY COPY).

The authoritative reference and input builder live on the scoring server;
editing this copy changes nothing except your own understanding.
"""

import jax, jax.numpy as jnp
import numpy as np

EMBED_DIM = 128
NUM_SYMBOLS = 100000
D_MODEL = 2 * EMBED_DIM
D_INNER = 2 * D_MODEL
PROCESS_STEPS = 4
B = 4096
FEW = 5
NB = 200


def setup_inputs(seed: int = 0) -> dict:
    key = jax.random.key(seed)
    ks = jax.random.split(key, 24)
    inp = {}
    inp['query'] = jax.random.randint(ks[0], (B, 2), 0, NUM_SYMBOLS)
    inp['support'] = jax.random.randint(ks[1], (FEW, 2), 0, NUM_SYMBOLS)
    inp['query_left_connections'] = jax.random.randint(ks[2], (B, NB, 2), 0, NUM_SYMBOLS)
    inp['query_left_degrees'] = jnp.ones((B,), jnp.float32)
    inp['query_right_connections'] = jax.random.randint(ks[3], (B, NB, 2), 0, NUM_SYMBOLS)
    inp['query_right_degrees'] = jnp.ones((B,), jnp.float32)
    inp['support_left_connections'] = jax.random.randint(ks[4], (FEW, NB, 2), 0, NUM_SYMBOLS)
    inp['support_left_degrees'] = jnp.ones((FEW,), jnp.float32)
    inp['support_right_connections'] = jax.random.randint(ks[5], (FEW, NB, 2), 0, NUM_SYMBOLS)
    inp['support_right_degrees'] = jnp.ones((FEW,), jnp.float32)
    emb = jax.random.normal(ks[6], (NUM_SYMBOLS + 1, EMBED_DIM), jnp.float32) * 0.02
    inp['symbol_emb'] = emb.at[NUM_SYMBOLS].set(0.0)
    inp['gcn_w_W'] = jax.random.normal(ks[7], (EMBED_DIM, 2 * EMBED_DIM), jnp.float32) * 0.05
    inp['gcn_w_b'] = jnp.zeros((EMBED_DIM,), jnp.float32)
    inp['se_w1'] = jax.random.normal(ks[8], (D_INNER, D_MODEL), jnp.float32) * 0.05
    inp['se_b1'] = jnp.zeros((D_INNER,), jnp.float32)
    inp['se_w2'] = jax.random.normal(ks[9], (D_MODEL, D_INNER), jnp.float32) * 0.05
    inp['se_b2'] = jnp.zeros((D_MODEL,), jnp.float32)
    inp['ln_g'] = jnp.ones((D_MODEL,), jnp.float32)
    inp['ln_b'] = jnp.zeros((D_MODEL,), jnp.float32)
    inp['qe_wih'] = jax.random.normal(ks[10], (4 * 2 * D_MODEL, D_MODEL), jnp.float32) * 0.05
    inp['qe_whh'] = jax.random.normal(ks[11], (4 * 2 * D_MODEL, 2 * D_MODEL), jnp.float32) * 0.05
    inp['qe_bih'] = jnp.zeros((4 * 2 * D_MODEL,), jnp.float32)
    inp['qe_bhh'] = jnp.zeros((4 * 2 * D_MODEL,), jnp.float32)
    return inp


def _lstm_cell(x, h, c, wih, whh, bih, bhh):
    gates = x @ wih.T + bih + h @ whh.T + bhh
    i, f, g, o = jnp.split(gates, 4, axis=1)
    i = jax.nn.sigmoid(i)
    f = jax.nn.sigmoid(f)
    g = jnp.tanh(g)
    o = jax.nn.sigmoid(o)
    c2 = f * c + i * g
    h2 = o * jnp.tanh(c2)
    return h2, c2


def _layer_norm(z, g, b, eps=1e-3):
    mu = jnp.mean(z, axis=-1, keepdims=True)
    sigma = jnp.std(z, axis=-1, keepdims=True, ddof=1)
    return ((z - mu) / (sigma + eps)) * g + b


def _support_encoder(x, w1, b1, w2, b2, ln_g, ln_b):
    residual = x
    h = jax.nn.relu(x @ w1.T + b1)
    h = h @ w2.T + b2
    return _layer_norm(h + residual, ln_g, ln_b)


def _neighbor_encoder(emb, gw, gb, connections, degrees):
    relations = connections[:, :, 0]
    entities = connections[:, :, 1]
    rel_embeds = jnp.take(emb, relations, axis=0)
    ent_embeds = jnp.take(emb, entities, axis=0)
    concat_embeds = jnp.concatenate((rel_embeds, ent_embeds), axis=-1)
    out = concat_embeds @ gw.T + gb
    out = jnp.sum(out, axis=1)
    out = out / degrees[:, None]
    return jnp.tanh(out)


def _query_encoder(support, query, wih, whh, bih, bhh):
    bsz = query.shape[0]
    h_r = jnp.zeros((bsz, 2 * D_MODEL), query.dtype)
    c = jnp.zeros((bsz, 2 * D_MODEL), query.dtype)
    h = query
    for _ in range(PROCESS_STEPS):
        h_r_, c = _lstm_cell(query, h_r, c, wih, whh, bih, bhh)
        h = query + h_r_[:, :D_MODEL]
        attn = jax.nn.softmax(h @ support.T, axis=1)
        r = attn @ support
        h_r = jnp.concatenate((h, r), axis=1)
    return h


def reference(query, support, query_left_connections, query_left_degrees,
              query_right_connections, query_right_degrees,
              support_left_connections, support_left_degrees,
              support_right_connections, support_right_degrees,
              symbol_emb, gcn_w_W, gcn_w_b, se_w1, se_b1, se_w2, se_b2,
              ln_g, ln_b, qe_wih, qe_whh, qe_bih, qe_bhh):
    ql = _neighbor_encoder(symbol_emb, gcn_w_W, gcn_w_b, query_left_connections, query_left_degrees)
    qr = _neighbor_encoder(symbol_emb, gcn_w_W, gcn_w_b, query_right_connections, query_right_degrees)
    sl = _neighbor_encoder(symbol_emb, gcn_w_W, gcn_w_b, support_left_connections, support_left_degrees)
    sr = _neighbor_encoder(symbol_emb, gcn_w_W, gcn_w_b, support_right_connections, support_right_degrees)
    query_neighbor = jnp.concatenate((ql, qr), axis=-1)
    support_neighbor = jnp.concatenate((sl, sr), axis=-1)
    support_g = _support_encoder(support_neighbor, se_w1, se_b1, se_w2, se_b2, ln_g, ln_b)
    query_g = _support_encoder(query_neighbor, se_w1, se_b1, se_w2, se_b2, ln_g, ln_b)
    support_g = jnp.mean(support_g, axis=0, keepdims=True)
    query_f = _query_encoder(support_g, query_g, qe_wih, qe_whh, qe_bih, qe_bhh)
    matching_scores = jnp.squeeze(query_f @ support_g.T)
    return matching_scores


if False:  # reference __main__ guard neutralized (emitter)
    out = reference(**setup_inputs())
    print(out.shape, out.dtype)

if __name__ == "__main__":
    import jax
    _d = setup_inputs()
    print(jax.jit(kernel)(*tuple(_d.values())))

</pallas_src>

<mosaic_0001>
#map = affine_map<(d0, d1) -> (0, 0, 0)>
#map1 = affine_map<(d0, d1) -> (0, 0)>
module attributes {stable_mosaic.version = 14 : i64} {
  func.func @body(%arg0: i32, %arg1: i32, %arg2: memref<8448x4x100xi32, #tpu.memory_space<hbm>>, %arg3: memref<100513x64xi32, #tpu.memory_space<hbm>>, %arg4: memref<8448x256xf32, #tpu.memory_space<hbm>>, %arg5: memref<66x4x100xi32, #tpu.memory_space<vmem>>, %arg6: memref<8x100x64xi32, #tpu.memory_space<vmem>>, %arg7: memref<66x256xf32, #tpu.memory_space<vmem>>, %arg8: memref<8x!tpu.dma_semaphore, #tpu.memory_space<semaphore_mem>>) attributes {dimension_semantics = [#tpu.dimension_semantics<core_parallel>, #tpu.dimension_semantics<subcore_parallel>], iteration_bounds = array<i64: 2, 16>, scalar_prefetch = 0 : i64, scratch_operands = 4 : i64, tpu.core_type = #tpu.core_type<sc_vector_subcore>, window_params = [{transform_indices = #map}, {transform_indices = #map1}, {transform_indices = #map1}]} {
    %mul3A = arith.constant 2 : i32
    %mul3A_0 = arith.muli %arg1, %mul3A : i32
    %add3A = arith.addi %mul3A_0, %arg0 : i32
    %mul3A_1 = arith.constant 264 : i32
    %mul3A_2 = arith.muli %add3A, %mul3A_1 : i32
    %scan3A = arith.constant 0 : i32
    %scan3A_3 = arith.constant 0 : i32
    %scan3A_4 = arith.constant 4 : i32
    %scan3A_5 = arith.addi %scan3A_3, %scan3A_4 : i32
    %scan3A_6 = arith.constant 1 : i32
    scf.for %scan3A_8 = %scan3A_3 to %scan3A_5 step %scan3A_6  : i32 {
      %mul3A_9 = arith.constant 66 : i32
      %mul3A_10 = arith.muli %scan3A_8, %mul3A_9 : i32
      %add3A_11 = arith.addi %mul3A_2, %mul3A_10 : i32
      "tpu.region"() ({
        %run_scoped3A = tpu.sem_alloc : memref<!tpu.dma_semaphore, #tpu.memory_space<semaphore_mem>>
        %dma_start3A_145 = arith.constant 0 : i32
        %dma_start3A_146 = arith.constant 0 : i32
        %dma_start3A_147 = tpu.memref_slice %arg2[%add3A_11, %dma_start3A_145, %dma_start3A_146] : memref<8448x4x100xi32, #tpu.memory_space<hbm>> -> memref<66x4x100xi32, #tpu.memory_space<hbm>>
        %dma_start3A_148 = arith.constant 0 : i32
        %dma_start3A_149 = arith.constant 0 : i32
        %dma_start3A_150 = tpu.memref_slice %arg2[%add3A_11, %dma_start3A_148, %dma_start3A_149] : memref<8448x4x100xi32, #tpu.memory_space<hbm>> -> memref<66x4x100xi32, #tpu.memory_space<hbm>>
        tpu.enqueue_dma source(%dma_start3A_150 : memref<66x4x100xi32, #tpu.memory_space<hbm>>) target(%arg5 : memref<66x4x100xi32, #tpu.memory_space<vmem>>) target_semaphore(%run_scoped3A : memref<!tpu.dma_semaphore, #tpu.memory_space<semaphore_mem>>)
        %dma_wait3A = arith.constant 0 : i32
        %dma_wait3A_151 = arith.constant 0 : i32
        %dma_wait3A_152 = tpu.memref_slice %arg2[%add3A_11, %dma_wait3A, %dma_wait3A_151] : memref<8448x4x100xi32, #tpu.memory_space<hbm>> -> memref<66x4x100xi32, #tpu.memory_space<hbm>>
        %dma_wait3A_153 = arith.constant 0 : i32
        %dma_wait3A_154 = arith.constant 0 : i32
        %dma_wait3A_155 = tpu.memref_slice %arg2[%add3A_11, %dma_wait3A_153, %dma_wait3A_154] : memref<8448x4x100xi32, #tpu.memory_space<hbm>> -> memref<66x4x100xi32, #tpu.memory_space<hbm>>
        tpu.wait_dma2 semaphore(%run_scoped3A : memref<!tpu.dma_semaphore, #tpu.memory_space<semaphore_mem>>) src(%dma_wait3A_155 : memref<66x4x100xi32, #tpu.memory_space<hbm>>) dst(%arg5 : memref<66x4x100xi32, #tpu.memory_space<vmem>>)
        tpu.yield
      }) : () -> ()
      %dma_start3A = arith.constant 0 : i32
      %dma_start3A_12 = arith.constant 0 : i32
      %dma_start3A_13 = arith.constant 0 : i32
      %dma_start3A_14 = arith.constant 0 : i32
      %dma_start3A_15 = arith.constant 0 : i32
      %dma_start3A_16 = arith.constant 0 : i32
      %dma_start3A_17 = tpu.memref_slice %arg6[%dma_start3A_13, %dma_start3A_15, %dma_start3A_16] : memref<8x100x64xi32, #tpu.memory_space<vmem>> -> memref<1x100x64xi32, #tpu.memory_space<vmem>>
      %dma_start3A_18 = tpu.memref_squeeze %dma_start3A_17 : memref<1x100x64xi32, #tpu.memory_space<vmem>> -> memref<100x64xi32, #tpu.memory_space<vmem>>
      %dma_start3A_19 = arith.constant 0 : i32
      %dma_start3A_20 = tpu.memref_slice %arg5[%dma_start3A, %dma_start3A_12, %dma_start3A_19] : memref<66x4x100xi32, #tpu.memory_space<vmem>> -> memref<1x1x100xi32, #tpu.memory_space<vmem>>
      %dma_start3A_21 = tpu.memref_squeeze %dma_start3A_20 : memref<1x1x100xi32, #tpu.memory_space<vmem>> -> memref<100xi32, #tpu.memory_space<vmem>>
      %dma_start3A_22 = arith.constant 0 : i32
      %dma_start3A_23 = arith.constant 0 : i32
      %dma_start3A_24 = tpu.memref_slice %arg3[%dma_start3A_22, %dma_start3A_23] : memref<100513x64xi32, #tpu.memory_space<hbm>> -> memref<100513x64xi32, #tpu.memory_space<hbm>>
      %dma_start3A_25 = tpu.memref_slice %arg8[%dma_start3A_14] : memref<8x!tpu.dma_semaphore, #tpu.memory_space<semaphore_mem>> -> memref<1x!tpu.dma_semaphore, #tpu.memory_space<semaphore_mem>>
      %dma_start3A_26 = tpu.memref_squeeze %dma_start3A_25 : memref<1x!tpu.dma_semaphore, #tpu.memory_space<semaphore_mem>> -> memref<!tpu.dma_semaphore, #tpu.memory_space<semaphore_mem>>
      tpu.enqueue_indirect_dma source(%dma_start3A_24 : memref<100513x64xi32, #tpu.memory_space<hbm>>) target(%dma_start3A_18 : memref<100x64xi32, #tpu.memory_space<vmem>>) offsets(%dma_start3A_21 : memref<100xi32, #tpu.memory_space<vmem>>) semaphore(%dma_start3A_26 : memref<!tpu.dma_semaphore, #tpu.memory_space<semaphore_mem>>)
      %dma_start3A_27 = arith.constant 0 : i32
      %dma_start3A_28 = arith.constant 1 : i32
      %dma_start3A_29 = arith.constant 1 : i32
      %dma_start3A_30 = arith.constant 1 : i32
      %dma_start3A_31 = arith.constant 0 : i32
      %dma_start3A_32 = arith.constant 0 : i32
      %dma_start3A_33 = tpu.memref_slice %arg6[%dma_start3A_29, %dma_start3A_31, %dma_start3A_32] : memref<8x100x64xi32, #tpu.memory_space<vmem>> -> memref<1x100x64xi32, #tpu.memory_space<vmem>>
      %dma_start3A_34 = tpu.memref_squeeze %dma_start3A_33 : memref<1x100x64xi32, #tpu.memory_space<vmem>> -> memref<100x64xi32, #tpu.memory_space<vmem>>
      %dma_start3A_35 = arith.constant 0 : i32
      %dma_start3A_36 = tpu.memref_slice %arg5[%dma_start3A_27, %dma_start3A_28, %dma_start3A_35] : memref<66x4x100xi32, #tpu.memory_space<vmem>> -> memref<1x1x100xi32, #tpu.memory_space<vmem>>
      %dma_start3A_37 = tpu.memref_squeeze %dma_start3A_36 : memref<1x1x100xi32, #tpu.memory_space<vmem>> -> memref<100xi32, #tpu.memory_space<vmem>>
      %dma_start3A_38 = arith.constant 0 : i32
      %dma_start3A_39 = arith.constant 0 : i32
      %dma_start3A_40 = tpu.memref_slice %arg3[%dma_start3A_38, %dma_start3A_39] : memref<100513x64xi32, #tpu.memory_space<hbm>> -> memref<100513x64xi32, #tpu.memory_space<hbm>>
      %dma_start3A_41 = tpu.memref_slice %arg8[%dma_start3A_30] : memref<8x!tpu.dma_semaphore, #tpu.memory_space<semaphore_mem>> -> memref<1x!tpu.dma_semaphore, #tpu.memory_space<semaphore_mem>>
      %dma_start3A_42 = tpu.memref_squeeze %dma_start3A_41 : memref<1x!tpu.dma_semaphore, #tpu.memory_space<semaphore_mem>> -> memref<!tpu.dma_semaphore, #tpu.memory_space<semaphore_mem>>
      tpu.enqueue_indirect_dma source(%dma_start3A_40 : memref<100513x64xi32, #tpu.memory_space<hbm>>) target(%dma_start3A_34 : memref<100x64xi32, #tpu.memory_space<vmem>>) offsets(%dma_start3A_37 : memref<100xi32, #tpu.memory_space<vmem>>) semaphore(%dma_start3A_42 : memref<!tpu.dma_semaphore, #tpu.memory_space<semaphore_mem>>)
      %dma_start3A_43 = arith.constant 0 : i32
      %dma_start3A_44 = arith.constant 2 : i32
      %dma_start3A_45 = arith.constant 2 : i32
      %dma_start3A_46 = arith.constant 2 : i32
      %dma_start3A_47 = arith.constant 0 : i32
      %dma_start3A_48 = arith.constant 0 : i32
      %dma_start3A_49 = tpu.memref_slice %arg6[%dma_start3A_45, %dma_start3A_47, %dma_start3A_48] : memref<8x100x64xi32, #tpu.memory_space<vmem>> -> memref<1x100x64xi32, #tpu.memory_space<vmem>>
      %dma_start3A_50 = tpu.memref_squeeze %dma_start3A_49 : memref<1x100x64xi32, #tpu.memory_space<vmem>> -> memref<100x64xi32, #tpu.memory_space<vmem>>
      %dma_start3A_51 = arith.constant 0 : i32
      %dma_start3A_52 = tpu.memref_slice %arg5[%dma_start3A_43, %dma_start3A_44, %dma_start3A_51] : memref<66x4x100xi32, #tpu.memory_space<vmem>> -> memref<1x1x100xi32, #tpu.memory_space<vmem>>
      %dma_start3A_53 = tpu.memref_squeeze %dma_start3A_52 : memref<1x1x100xi32, #tpu.memory_space<vmem>> -> memref<100xi32, #tpu.memory_space<vmem>>
      %dma_start3A_54 = arith.constant 0 : i32
      %dma_start3A_55 = arith.constant 0 : i32
      %dma_start3A_56 = tpu.memref_slice %arg3[%dma_start3A_54, %dma_start3A_55] : memref<100513x64xi32, #tpu.memory_space<hbm>> -> memref<100513x64xi32, #tpu.memory_space<hbm>>
      %dma_start3A_57 = tpu.memref_slice %arg8[%dma_start3A_46] : memref<8x!tpu.dma_semaphore, #tpu.memory_space<semaphore_mem>> -> memref<1x!tpu.dma_semaphore, #tpu.memory_space<semaphore_mem>>
      %dma_start3A_58 = tpu.memref_squeeze %dma_start3A_57 : memref<1x!tpu.dma_semaphore, #tpu.memory_space<semaphore_mem>> -> memref<!tpu.dma_semaphore, #tpu.memory_space<semaphore_mem>>
      tpu.enqueue_indirect_dma source(%dma_start3A_56 : memref<100513x64xi32, #tpu.memory_space<hbm>>) target(%dma_start3A_50 : memref<100x64xi32, #tpu.memory_space<vmem>>) offsets(%dma_start3A_53 : memref<100xi32, #tpu.memory_space<vmem>>) semaphore(%dma_start3A_58 : memref<!tpu.dma_semaphore, #tpu.memory_space<semaphore_mem>>)
      %dma_start3A_59 = arith.constant 0 : i32
      %dma_start3A_60 = arith.constant 3 : i32
      %dma_start3A_61 = arith.constant 3 : i32
      %dma_start3A_62 = arith.constant 3 : i32
      %dma_start3A_63 = arith.constant 0 : i32
      %dma_start3A_64 = arith.constant 0 : i32
      %dma_start3A_65 = tpu.memref_slice %arg6[%dma_start3A_61, %dma_start3A_63, %dma_start3A_64] : memref<8x100x64xi32, #tpu.memory_space<vmem>> -> memref<1x100x64xi32, #tpu.memory_space<vmem>>
      %dma_start3A_66 = tpu.memref_squeeze %dma_start3A_65 : memref<1x100x64xi32, #tpu.memory_space<vmem>> -> memref<100x64xi32, #tpu.memory_space<vmem>>
      %dma_start3A_67 = arith.constant 0 : i32
      %dma_start3A_68 = tpu.memref_slice %arg5[%dma_start3A_59, %dma_start3A_60, %dma_start3A_67] : memref<66x4x100xi32, #tpu.memory_space<vmem>> -> memref<1x1x100xi32, #tpu.memory_space<vmem>>
      %dma_start3A_69 = tpu.memref_squeeze %dma_start3A_68 : memref<1x1x100xi32, #tpu.memory_space<vmem>> -> memref<100xi32, #tpu.memory_space<vmem>>
      %dma_start3A_70 = arith.constant 0 : i32
      %dma_start3A_71 = arith.constant 0 : i32
      %dma_start3A_72 = tpu.memref_slice %arg3[%dma_start3A_70, %dma_start3A_71] : memref<100513x64xi32, #tpu.memory_space<hbm>> -> memref<100513x64xi32, #tpu.memory_space<hbm>>
      %dma_start3A_73 = tpu.memref_slice %arg8[%dma_start3A_62] : memref<8x!tpu.dma_semaphore, #tpu.memory_space<semaphore_mem>> -> memref<1x!tpu.dma_semaphore, #tpu.memory_space<semaphore_mem>>
      %dma_start3A_74 = tpu.memref_squeeze %dma_start3A_73 : memref<1x!tpu.dma_semaphore, #tpu.memory_space<semaphore_mem>> -> memref<!tpu.dma_semaphore, #tpu.memory_space<semaphore_mem>>
      tpu.enqueue_indirect_dma source(%dma_start3A_72 : memref<100513x64xi32, #tpu.memory_space<hbm>>) target(%dma_start3A_66 : memref<100x64xi32, #tpu.memory_space<vmem>>) offsets(%dma_start3A_69 : memref<100xi32, #tpu.memory_space<vmem>>) semaphore(%dma_start3A_74 : memref<!tpu.dma_semaphore, #tpu.memory_space<semaphore_mem>>)
      %dma_start3A_75 = arith.constant 1 : i32
      %dma_start3A_76 = arith.constant 0 : i32
      %dma_start3A_77 = arith.constant 4 : i32
      %dma_start3A_78 = arith.constant 4 : i32
      %dma_start3A_79 = arith.constant 0 : i32
      %dma_start3A_80 = arith.constant 0 : i32
      %dma_start3A_81 = tpu.memref_slice %arg6[%dma_start3A_77, %dma_start3A_79, %dma_start3A_80] : memref<8x100x64xi32, #tpu.memory_space<vmem>> -> memref<1x100x64xi32, #tpu.memory_space<vmem>>
      %dma_start3A_82 = tpu.memref_squeeze %dma_start3A_81 : memref<1x100x64xi32, #tpu.memory_space<vmem>> -> memref<100x64xi32, #tpu.memory_space<vmem>>
      %dma_start3A_83 = arith.constant 0 : i32
      %dma_start3A_84 = tpu.memref_slice %arg5[%dma_start3A_75, %dma_start3A_76, %dma_start3A_83] : memref<66x4x100xi32, #tpu.memory_space<vmem>> -> memref<1x1x100xi32, #tpu.memory_space<vmem>>
      %dma_start3A_85 = tpu.memref_squeeze %dma_start3A_84 : memref<1x1x100xi32, #tpu.memory_space<vmem>> -> memref<100xi32, #tpu.memory_space<vmem>>
      %dma_start3A_86 = arith.constant 0 : i32
      %dma_start3A_87 = arith.constant 0 : i32
      %dma_start3A_88 = tpu.memref_slice %arg3[%dma_start3A_86, %dma_start3A_87] : memref<100513x64xi32, #tpu.memory_space<hbm>> -> memref<100513x64xi32, #tpu.memory_space<hbm>>
      %dma_start3A_89 = tpu.memref_slice %arg8[%dma_start3A_78] : memref<8x!tpu.dma_semaphore, #tpu.memory_space<semaphore_mem>> -> memref<1x!tpu.dma_semaphore, #tpu.memory_space<semaphore_mem>>
      %dma_start3A_90 = tpu.memref_squeeze %dma_start3A_89 : memref<1x!tpu.dma_semaphore, #tpu.memory_space<semaphore_mem>> -> memref<!tpu.dma_semaphore, #tpu.memory_space<semaphore_mem>>
      tpu.enqueue_indirect_dma source(%dma_start3A_88 : memref<100513x64xi32, #tpu.memory_space<hbm>>) target(%dma_start3A_82 : memref<100x64xi32, #tpu.memory_space<vmem>>) offsets(%dma_start3A_85 : memref<100xi32, #tpu.memory_space<vmem>>) semaphore(%dma_start3A_90 : memref<!tpu.dma_semaphore, #tpu.memory_space<semaphore_mem>>)
      %dma_start3A_91 = arith.constant 1 : i32
      %dma_start3A_92 = arith.constant 1 : i32
      %dma_start3A_93 = arith.constant 5 : i32
      %dma_start3A_94 = arith.constant 5 : i32
      %dma_start3A_95 = arith.constant 0 : i32
      %dma_start3A_96 = arith.constant 0 : i32
      %dma_start3A_97 = tpu.memref_slice %arg6[%dma_start3A_93, %dma_start3A_95, %dma_start3A_96] : memref<8x100x64xi32, #tpu.memory_space<vmem>> -> memref<1x100x64xi32, #tpu.memory_space<vmem>>
      %dma_start3A_98 = tpu.memref_squeeze %dma_start3A_97 : memref<1x100x64xi32, #tpu.memory_space<vmem>> -> memref<100x64xi32, #tpu.memory_space<vmem>>
      %dma_start3A_99 = arith.constant 0 : i32
      %dma_start3A_100 = tpu.memref_slice %arg5[%dma_start3A_91, %dma_start3A_92, %dma_start3A_99] : memref<66x4x100xi32, #tpu.memory_space<vmem>> -> memref<1x1x100xi32, #tpu.memory_space<vmem>>
      %dma_start3A_101 = tpu.memref_squeeze %dma_start3A_100 : memref<1x1x100xi32, #tpu.memory_space<vmem>> -> memref<100xi32, #tpu.memory_space<vmem>>
      %dma_start3A_102 = arith.constant 0 : i32
      %dma_start3A_103 = arith.constant 0 : i32
      %dma_start3A_104 = tpu.memref_slice %arg3[%dma_start3A_102, %dma_start3A_103] : memref<100513x64xi32, #tpu.memory_space<hbm>> -> memref<100513x64xi32, #tpu.memory_space<hbm>>
      %dma_start3A_105 = tpu.memref_slice %arg8[%dma_start3A_94] : memref<8x!tpu.dma_semaphore, #tpu.memory_space<semaphore_mem>> -> memref<1x!tpu.dma_semaphore, #tpu.memory_space<semaphore_mem>>
      %dma_start3A_106 = tpu.memref_squeeze %dma_start3A_105 : memref<1x!tpu.dma_semaphore, #tpu.memory_space<semaphore_mem>> -> memref<!tpu.dma_semaphore, #tpu.memory_space<semaphore_mem>>
      tpu.enqueue_indirect_dma source(%dma_start3A_104 : memref<100513x64xi32, #tpu.memory_space<hbm>>) target(%dma_start3A_98 : memref<100x64xi32, #tpu.memory_space<vmem>>) offsets(%dma_start3A_101 : memref<100xi32, #tpu.memory_space<vmem>>) semaphore(%dma_start3A_106 : memref<!tpu.dma_semaphore, #tpu.memory_space<semaphore_mem>>)
      %dma_start3A_107 = arith.constant 1 : i32
      %dma_start3A_108 = arith.constant 2 : i32
      %dma_start3A_109 = arith.constant 6 : i32
      %dma_start3A_110 = arith.constant 6 : i32
      %dma_start3A_111 = arith.constant 0 : i32
      %dma_start3A_112 = arith.constant 0 : i32
      %dma_start3A_113 = tpu.memref_slice %arg6[%dma_start3A_109, %dma_start3A_111, %dma_start3A_112] : memref<8x100x64xi32, #tpu.memory_space<vmem>> -> memref<1x100x64xi32, #tpu.memory_space<vmem>>
      %dma_start3A_114 = tpu.memref_squeeze %dma_start3A_113 : memref<1x100x64xi32, #tpu.memory_space<vmem>> -> memref<100x64xi32, #tpu.memory_space<vmem>>
      %dma_start3A_115 = arith.constant 0 : i32
      %dma_start3A_116 = tpu.memref_slice %arg5[%dma_start3A_107, %dma_start3A_108, %dma_start3A_115] : memref<66x4x100xi32, #tpu.memory_space<vmem>> -> memref<1x1x100xi32, #tpu.memory_space<vmem>>
      %dma_start3A_117 = tpu.memref_squeeze %dma_start3A_116 : memref<1x1x100xi32, #tpu.memory_space<vmem>> -> memref<100xi32, #tpu.memory_space<vmem>>
      %dma_start3A_118 = arith.constant 0 : i32
      %dma_start3A_119 = arith.constant 0 : i32
      %dma_start3A_120 = tpu.memref_slice %arg3[%dma_start3A_118, %dma_start3A_119] : memref<100513x64xi32, #tpu.memory_space<hbm>> -> memref<100513x64xi32, #tpu.memory_space<hbm>>
      %dma_start3A_121 = tpu.memref_slice %arg8[%dma_start3A_110] : memref<8x!tpu.dma_semaphore, #tpu.memory_space<semaphore_mem>> -> memref<1x!tpu.dma_semaphore, #tpu.memory_space<semaphore_mem>>
      %dma_start3A_122 = tpu.memref_squeeze %dma_start3A_121 : memref<1x!tpu.dma_semaphore, #tpu.memory_space<semaphore_mem>> -> memref<!tpu.dma_semaphore, #tpu.memory_space<semaphore_mem>>
      tpu.enqueue_indirect_dma source(%dma_start3A_120 : memref<100513x64xi32, #tpu.memory_space<hbm>>) target(%dma_start3A_114 : memref<100x64xi32, #tpu.memory_space<vmem>>) offsets(%dma_start3A_117 : memref<100xi32, #tpu.memory_space<vmem>>) semaphore(%dma_start3A_122 : memref<!tpu.dma_semaphore, #tpu.memory_space<semaphore_mem>>)
      %dma_start3A_123 = arith.constant 1 : i32
      %dma_start3A_124 = arith.constant 3 : i32
      %dma_start3A_125 = arith.constant 7 : i32
      %dma_start3A_126 = arith.constant 7 : i32
      %dma_start3A_127 = arith.constant 0 : i32
      %dma_start3A_128 = arith.constant 0 : i32
      %dma_start3A_129 = tpu.memref_slice %arg6[%dma_start3A_125, %dma_start3A_127, %dma_start3A_128] : memref<8x100x64xi32, #tpu.memory_space<vmem>> -> memref<1x100x64xi32, #tpu.memory_space<vmem>>
      %dma_start3A_130 = tpu.memref_squeeze %dma_start3A_129 : memref<1x100x64xi32, #tpu.memory_space<vmem>> -> memref<100x64xi32, #tpu.memory_space<vmem>>
      %dma_start3A_131 = arith.constant 0 : i32
      %dma_start3A_132 = tpu.memref_slice %arg5[%dma_start3A_123, %dma_start3A_124, %dma_start3A_131] : memref<66x4x100xi32, #tpu.memory_space<vmem>> -> memref<1x1x100xi32, #tpu.memory_space<vmem>>
      %dma_start3A_133 = tpu.memref_squeeze %dma_start3A_132 : memref<1x1x100xi32, #tpu.memory_space<vmem>> -> memref<100xi32, #tpu.memory_space<vmem>>
      %dma_start3A_134 = arith.constant 0 : i32
      %dma_start3A_135 = arith.constant 0 : i32
      %dma_start3A_136 = tpu.memref_slice %arg3[%dma_start3A_134, %dma_start3A_135] : memref<100513x64xi32, #tpu.memory_space<hbm>> -> memref<100513x64xi32, #tpu.memory_space<hbm>>
      %dma_start3A_137 = tpu.memref_slice %arg8[%dma_start3A_126] : memref<8x!tpu.dma_semaphore, #tpu.memory_space<semaphore_mem>> -> memref<1x!tpu.dma_semaphore, #tpu.memory_space<semaphore_mem>>
      %dma_start3A_138 = tpu.memref_squeeze %dma_start3A_137 : memref<1x!tpu.dma_semaphore, #tpu.memory_space<semaphore_mem>> -> memref<!tpu.dma_semaphore, #tpu.memory_space<semaphore_mem>>
      tpu.enqueue_indirect_dma source(%dma_start3A_136 : memref<100513x64xi32, #tpu.memory_space<hbm>>) target(%dma_start3A_130 : memref<100x64xi32, #tpu.memory_space<vmem>>) offsets(%dma_start3A_133 : memref<100xi32, #tpu.memory_space<vmem>>) semaphore(%dma_start3A_138 : memref<!tpu.dma_semaphore, #tpu.memory_space<semaphore_mem>>)
      %scan3A_139 = arith.constant 0 : i32
      %scan3A_140 = arith.constant 0 : i32
      %scan3A_141 = arith.constant 33 : i32
      %scan3A_142 = arith.addi %scan3A_140, %scan3A_141 : i32
      %scan3A_143 = arith.constant 1 : i32
      scf.for %scan3A_145 = %scan3A_140 to %scan3A_142 step %scan3A_143  : i32 {
        %mul3A_146 = arith.constant 8 : i32
        %mul3A_147 = arith.muli %scan3A_145, %mul3A_146 : i32
        %mul3A_148 = arith.constant 2 : i32
        %mul3A_149 = arith.muli %scan3A_145, %mul3A_148 : i32
        %add3A_150 = arith.constant 0 : i32
        %add3A_151 = arith.addi %mul3A_149, %add3A_150 : i32
        %dma_wait3A = arith.constant 0 : i32
        %dma_wait3A_152 = arith.constant 0 : i32
        %dma_wait3A_153 = arith.constant 0 : i32
        %dma_wait3A_154 = arith.constant 0 : i32
        %dma_wait3A_155 = arith.constant 0 : i32
        %dma_wait3A_156 = tpu.memref_slice %arg6[%dma_wait3A_152, %dma_wait3A_154, %dma_wait3A_155] : memref<8x100x64xi32, #tpu.memory_space<vmem>> -> memref<1x100x64xi32, #tpu.memory_space<vmem>>
        %dma_wait3A_157 = tpu.memref_squeeze %dma_wait3A_156 : memref<1x100x64xi32, #tpu.memory_space<vmem>> -> memref<100x64xi32, #tpu.memory_space<vmem>>
        %dma_wait3A_158 = arith.constant 0 : i32
        %dma_wait3A_159 = tpu.memref_slice %arg5[%add3A_151, %dma_wait3A, %dma_wait3A_158] : memref<66x4x100xi32, #tpu.memory_space<vmem>> -> memref<1x1x100xi32, #tpu.memory_space<vmem>>
        %dma_wait3A_160 = tpu.memref_squeeze %dma_wait3A_159 : memref<1x1x100xi32, #tpu.memory_space<vmem>> -> memref<100xi32, #tpu.memory_space<vmem>>
        %dma_wait3A_161 = arith.constant 0 : i32
        %dma_wait3A_162 = arith.constant 0 : i32
        %dma_wait3A_163 = tpu.memref_slice %arg3[%dma_wait3A_161, %dma_wait3A_162] : memref<100513x64xi32, #tpu.memory_space<hbm>> -> memref<100513x64xi32, #tpu.memory_space<hbm>>
        %dma_wait3A_164 = tpu.memref_slice %arg8[%dma_wait3A_153] : memref<8x!tpu.dma_semaphore, #tpu.memory_space<semaphore_mem>> -> memref<1x!tpu.dma_semaphore, #tpu.memory_space<semaphore_mem>>
        %dma_wait3A_165 = tpu.memref_squeeze %dma_wait3A_164 : memref<1x!tpu.dma_semaphore, #tpu.memory_space<semaphore_mem>> -> memref<!tpu.dma_semaphore, #tpu.memory_space<semaphore_mem>>
        tpu.wait_indirect_dma semaphore(%dma_wait3A_165 : memref<!tpu.dma_semaphore, #tpu.memory_space<semaphore_mem>>) src(%dma_wait3A_163 : memref<100513x64xi32, #tpu.memory_space<hbm>>) dst(%dma_wait3A_157 : memref<100x64xi32, #tpu.memory_space<vmem>>)
        %broadcast_in_dim3A = arith.constant 0.000000e+00 : f32
        %broadcast_in_dim3A_166 = vector.broadcast %broadcast_in_dim3A : f32 to vector<16xf32>
        %broadcast_in_dim3A_167 = arith.constant 0.000000e+00 : f32
        %broadcast_in_dim3A_168 = vector.broadcast %broadcast_in_dim3A_167 : f32 to vector<16xf32>
        %broadcast_in_dim3A_169 = arith.constant 0.000000e+00 : f32
        %broadcast_in_dim3A_170 = vector.broadcast %broadcast_in_dim3A_169 : f32 to vector<16xf32>
        %broadcast_in_dim3A_171 = arith.constant 0.000000e+00 : f32
        %broadcast_in_dim3A_172 = vector.broadcast %broadcast_in_dim3A_171 : f32 to vector<16xf32>
        %broadcast_in_dim3A_173 = arith.constant 0.000000e+00 : f32
        %broadcast_in_dim3A_174 = vector.broadcast %broadcast_in_dim3A_173 : f32 to vector<16xf32>
        %broadcast_in_dim3A_175 = arith.constant 0.000000e+00 : f32
        %broadcast_in_dim3A_176 = vector.broadcast %broadcast_in_dim3A_175 : f32 to vector<16xf32>
        %broadcast_in_dim3A_177 = arith.constant 0.000000e+00 : f32
        %broadcast_in_dim3A_178 = vector.broadcast %broadcast_in_dim3A_177 : f32 to vector<16xf32>
        %broadcast_in_dim3A_179 = arith.constant 0.000000e+00 : f32
        %broadcast_in_dim3A_180 = vector.broadcast %broadcast_in_dim3A_179 : f32 to vector<16xf32>
        %broadcast_in_dim3A_181 = arith.constant 0.000000e+00 : f32
        %broadcast_in_dim3A_182 = vector.broadcast %broadcast_in_dim3A_181 : f32 to vector<16xf32>
        %broadcast_in_dim3A_183 = arith.constant 0.000000e+00 : f32
        %broadcast_in_dim3A_184 = vector.broadcast %broadcast_in_dim3A_183 : f32 to vector<16xf32>
        %broadcast_in_dim3A_185 = arith.constant 0.000000e+00 : f32
        %broadcast_in_dim3A_186 = vector.broadcast %broadcast_in_dim3A_185 : f32 to vector<16xf32>
        %broadcast_in_dim3A_187 = arith.constant 0.000000e+00 : f32
        %broadcast_in_dim3A_188 = vector.broadcast %broadcast_in_dim3A_187 : f32 to vector<16xf32>
        %broadcast_in_dim3A_189 = arith.constant 0.000000e+00 : f32
        %broadcast_in_dim3A_190 = vector.broadcast %broadcast_in_dim3A_189 : f32 to vector<16xf32>
        %broadcast_in_dim3A_191 = arith.constant 0.000000e+00 : f32
        %broadcast_in_dim3A_192 = vector.broadcast %broadcast_in_dim3A_191 : f32 to vector<16xf32>
        %broadcast_in_dim3A_193 = arith.constant 0.000000e+00 : f32
        %broadcast_in_dim3A_194 = vector.broadcast %broadcast_in_dim3A_193 : f32 to vector<16xf32>
        %broadcast_in_dim3A_195 = arith.constant 0.000000e+00 : f32
        %broadcast_in_dim3A_196 = vector.broadcast %broadcast_in_dim3A_195 : f32 to vector<16xf32>
        %scan3A_197 = arith.constant 0 : i32
        %scan3A_198 = arith.constant 25 : i32
        %scan3A_199 = arith.addi %scan3A_197, %scan3A_198 : i32
        %scan3A_200 = arith.constant 1 : i32
        %scan3A_201:16 = scf.for %scan3A_640 = %scan3A_197 to %scan3A_199 step %scan3A_200 iter_args(%scan3A_641 = %broadcast_in_dim3A_166, %scan3A_642 = %broadcast_in_dim3A_168, %scan3A_643 = %broadcast_in_dim3A_170, %scan3A_644 = %broadcast_in_dim3A_172, %scan3A_645 = %broadcast_in_dim3A_174, %scan3A_646 = %broadcast_in_dim3A_176, %scan3A_647 = %broadcast_in_dim3A_178, %scan3A_648 = %broadcast_in_dim3A_180, %scan3A_649 = %broadcast_in_dim3A_182, %scan3A_650 = %broadcast_in_dim3A_184, %scan3A_651 = %broadcast_in_dim3A_186, %scan3A_652 = %broadcast_in_dim3A_188, %scan3A_653 = %broadcast_in_dim3A_190, %scan3A_654 = %broadcast_in_dim3A_192, %scan3A_655 = %broadcast_in_dim3A_194, %scan3A_656 = %broadcast_in_dim3A_196) -> (vector<16xf32>, vector<16xf32>, vector<16xf32>, vector<16xf32>, vector<16xf32>, vector<16xf32>, vector<16xf32>, vector<16xf32>, vector<16xf32>, vector<16xf32>, vector<16xf32>, vector<16xf32>, vector<16xf32>, vector<16xf32>, vector<16xf32>, vector<16xf32>)  : i32 {
          %mul3A_657 = arith.constant 4 : i32
          %mul3A_658 = arith.muli %scan3A_640, %mul3A_657 : i32
          %add3A_659 = arith.constant 0 : i32
          %add3A_660 = arith.addi %mul3A_658, %add3A_659 : i32
          %get3A = arith.constant 0 : i32
          %get3A_661 = arith.index_cast %get3A : i32 to index
          %get3A_662 = arith.index_cast %add3A_660 : i32 to index
          %get3A_663 = arith.constant 0 : index
          %get3A_664 = tpu.vector_load %arg6[%get3A_661, %get3A_662, %get3A_663] {strides = array<i32>} : memref<8x100x64xi32, #tpu.memory_space<vmem>>, vector<1x1x16xi32>,
          %get3A_665 = vector.shape_cast %get3A_664 : vector<1x1x16xi32> to vector<16xi32>
          %shift_left3A = arith.constant 16 : i32
          %shift_left3A_666 = vector.broadcast %shift_left3A : i32 to vector<16xi32>
          %shift_left3A_667 = arith.shli %get3A_665, %shift_left3A_666 : vector<16xi32>
          %bitcast_convert_type3A = tpu.bitcast %shift_left3A_667 : vector<16xi32> -> vector<16xf32>
          %and3A = arith.constant -65536 : i32
          %and3A_668 = vector.broadcast %and3A : i32 to vector<16xi32>
          %and3A_669 = arith.andi %get3A_665, %and3A_668 : vector<16xi32>
          %bitcast_convert_type3A_670 = tpu.bitcast %and3A_669 : vector<16xi32> -> vector<16xf32>
          %add3A_671 = arith.addf %scan3A_641, %bitcast_convert_type3A : vector<16xf32>
          %add3A_672 = arith.addf %scan3A_642, %bitcast_convert_type3A_670 : vector<16xf32>
          %get3A_673 = arith.constant 0 : i32
          %get3A_674 = arith.index_cast %get3A_673 : i32 to index
          %get3A_675 = arith.index_cast %add3A_660 : i32 to index
          %get3A_676 = arith.constant 16 : index
          %get3A_677 = tpu.vector_load %arg6[%get3A_674, %get3A_675, %get3A_676] {strides = array<i32>} : memref<8x100x64xi32, #tpu.memory_space<vmem>>, vector<1x1x16xi32>,
          %get3A_678 = vector.shape_cast %get3A_677 : vector<1x1x16xi32> to vector<16xi32>
          %shift_left3A_679 = arith.constant 16 : i32
          %shift_left3A_680 = vector.broadcast %shift_left3A_679 : i32 to vector<16xi32>
          %shift_left3A_681 = arith.shli %get3A_678, %shift_left3A_680 : vector<16xi32>
          %bitcast_convert_type3A_682 = tpu.bitcast %shift_left3A_681 : vector<16xi32> -> vector<16xf32>
          %and3A_683 = arith.constant -65536 : i32
          %and3A_684 = vector.broadcast %and3A_683 : i32 to vector<16xi32>
          %and3A_685 = arith.andi %get3A_678, %and3A_684 : vector<16xi32>
          %bitcast_convert_type3A_686 = tpu.bitcast %and3A_685 : vector<16xi32> -> vector<16xf32>
          %add3A_687 = arith.addf %scan3A_643, %bitcast_convert_type3A_682 : vector<16xf32>
          %add3A_688 = arith.addf %scan3A_644, %bitcast_convert_type3A_686 : vector<16xf32>
          %get3A_689 = arith.constant 0 : i32
          %get3A_690 = arith.index_cast %get3A_689 : i32 to index
          %get3A_691 = arith.index_cast %add3A_660 : i32 to index
          %get3A_692 = arith.constant 32 : index
          %get3A_693 = tpu.vector_load %arg6[%get3A_690, %get3A_691, %get3A_692] {strides = array<i32>} : memref<8x100x64xi32, #tpu.memory_space<vmem>>, vector<1x1x16xi32>,
          %get3A_694 = vector.shape_cast %get3A_693 : vector<1x1x16xi32> to vector<16xi32>
          %shift_left3A_695 = arith.constant 16 : i32
          %shift_left3A_696 = vector.broadcast %shift_left3A_695 : i32 to vector<16xi32>
          %shift_left3A_697 = arith.shli %get3A_694, %shift_left3A_696 : vector<16xi32>
          %bitcast_convert_type3A_698 = tpu.bitcast %shift_left3A_697 : vector<16xi32> -> vector<16xf32>
          %and3A_699 = arith.constant -65536 : i32
          %and3A_700 = vector.broadcast %and3A_699 : i32 to vector<16xi32>
          %and3A_701 = arith.andi %get3A_694, %and3A_700 : vector<16xi32>
          %bitcast_convert_type3A_702 = tpu.bitcast %and3A_701 : vector<16xi32> -> vector<16xf32>
          %add3A_703 = arith.addf %scan3A_645, %bitcast_convert_type3A_698 : vector<16xf32>
          %add3A_704 = arith.addf %scan3A_646, %bitcast_convert_type3A_702 : vector<16xf32>
          %get3A_705 = arith.constant 0 : i32
          %get3A_706 = arith.index_cast %get3A_705 : i32 to index
          %get3A_707 = arith.index_cast %add3A_660 : i32 to index
          %get3A_708 = arith.constant 48 : index
          %get3A_709 = tpu.vector_load %arg6[%get3A_706, %get3A_707, %get3A_708] {strides = array<i32>} : memref<8x100x64xi32, #tpu.memory_space<vmem>>, vector<1x1x16xi32>,
          %get3A_710 = vector.shape_cast %get3A_709 : vector<1x1x16xi32> to vector<16xi32>
          %shift_left3A_711 = arith.constant 16 : i32
          %shift_left3A_712 = vector.broadcast %shift_left3A_711 : i32 to vector<16xi32>
          %shift_left3A_713 = arith.shli %get3A_710, %shift_left3A_712 : vector<16xi32>
          %bitcast_convert_type3A_714 = tpu.bitcast %shift_left3A_713 : vector<16xi32> -> vector<16xf32>
          %and3A_715 = arith.constant -65536 : i32
          %and3A_716 = vector.broadcast %and3A_715 : i32 to vector<16xi32>
          %and3A_717 = arith.andi %get3A_710, %and3A_716 : vector<16xi32>
          %bitcast_convert_type3A_718 = tpu.bitcast %and3A_717 : vector<16xi32> -> vector<16xf32>
          %add3A_719 = arith.addf %scan3A_647, %bitcast_convert_type3A_714 : vector<16xf32>
          %add3A_720 = arith.addf %scan3A_648, %bitcast_convert_type3A_718 : vector<16xf32>
          %mul3A_721 = arith.constant 4 : i32
          %mul3A_722 = arith.muli %scan3A_640, %mul3A_721 : i32
          %add3A_723 = arith.constant 1 : i32
          %add3A_724 = arith.addi %mul3A_722, %add3A_723 : i32
          %get3A_725 = arith.constant 0 : i32
          %get3A_726 = arith.index_cast %get3A_725 : i32 to index
          %get3A_727 = arith.index_cast %add3A_724 : i32 to index
          %get3A_728 = arith.constant 0 : index
          %get3A_729 = tpu.vector_load %arg6[%get3A_726, %get3A_727, %get3A_728] {strides = array<i32>} : memref<8x100x64xi32, #tpu.memory_space<vmem>>, vector<1x1x16xi32>,
          %get3A_730 = vector.shape_cast %get3A_729 : vector<1x1x16xi32> to vector<16xi32>
          %shift_left3A_731 = arith.constant 16 : i32
          %shift_left3A_732 = vector.broadcast %shift_left3A_731 : i32 to vector<16xi32>
          %shift_left3A_733 = arith.shli %get3A_730, %shift_left3A_732 : vector<16xi32>
          %bitcast_convert_type3A_734 = tpu.bitcast %shift_left3A_733 : vector<16xi32> -> vector<16xf32>
          %and3A_735 = arith.constant -65536 : i32
          %and3A_736 = vector.broadcast %and3A_735 : i32 to vector<16xi32>
          %and3A_737 = arith.andi %get3A_730, %and3A_736 : vector<16xi32>
          %bitcast_convert_type3A_738 = tpu.bitcast %and3A_737 : vector<16xi32> -> vector<16xf32>
          %add3A_739 = arith.addf %scan3A_649, %bitcast_convert_type3A_734 : vector<16xf32>
          %add3A_740 = arith.addf %scan3A_650, %bitcast_convert_type3A_738 : vector<16xf32>
          %get3A_741 = arith.constant 0 : i32
          %get3A_742 = arith.index_cast %get3A_741 : i32 to index
          %get3A_743 = arith.index_cast %add3A_724 : i32 to index
          %get3A_744 = arith.constant 16 : index
          %get3A_745 = tpu.vector_load %arg6[%get3A_742, %get3A_743, %get3A_744] {strides = array<i32>} : memref<8x100x64xi32, #tpu.memory_space<vmem>>, vector<1x1x16xi32>,
          %get3A_746 = vector.shape_cast %get3A_745 : vector<1x1x16xi32> to vector<16xi32>
          %shift_left3A_747 = arith.constant 16 : i32
          %shift_left3A_748 = vector.broadcast %shift_left3A_747 : i32 to vector<16xi32>
          %shift_left3A_749 = arith.shli %get3A_746, %shift_left3A_748 : vector<16xi32>
          %bitcast_convert_type3A_750 = tpu.bitcast %shift_left3A_749 : vector<16xi32> -> vector<16xf32>
          %and3A_751 = arith.constant -65536 : i32
          %and3A_752 = vector.broadcast %and3A_751 : i32 to vector<16xi32>
          %and3A_753 = arith.andi %get3A_746, %and3A_752 : vector<16xi32>
          %bitcast_convert_type3A_754 = tpu.bitcast %and3A_753 : vector<16xi32> -> vector<16xf32>
          %add3A_755 = arith.addf %scan3A_651, %bitcast_convert_type3A_750 : vector<16xf32>
          %add3A_756 = arith.addf %scan3A_652, %bitcast_convert_type3A_754 : vector<16xf32>
          %get3A_757 = arith.constant 0 : i32
          %get3A_758 = arith.index_cast %get3A_757 : i32 to index
          %get3A_759 = arith.index_cast %add3A_724 : i32 to index
          %get3A_760 = arith.constant 32 : index
          %get3A_761 = tpu.vector_load %arg6[%get3A_758, %get3A_759, %get3A_760] {strides = array<i32>} : memref<8x100x64xi32, #tpu.memory_space<vmem>>, vector<1x1x16xi32>,
          %get3A_762 = vector.shape_cast %get3A_761 : vector<1x1x16xi32> to vector<16xi32>
          %shift_left3A_763 = arith.constant 16 : i32
          %shift_left3A_764 = vector.broadcast %shift_left3A_763 : i32 to vector<16xi32>
          %shift_left3A_765 = arith.shli %get3A_762, %shift_left3A_764 : vector<16xi32>
          %bitcast_convert_type3A_766 = tpu.bitcast %shift_left3A_765 : vector<16xi32> -> vector<16xf32>
          %and3A_767 = arith.constant -65536 : i32
          %and3A_768 = vector.broadcast %and3A_767 : i32 to vector<16xi32>
          %and3A_769 = arith.andi %get3A_762, %and3A_768 : vector<16xi32>
          %bitcast_convert_type3A_770 = tpu.bitcast %and3A_769 : vector<16xi32> -> vector<16xf32>
          %add3A_771 = arith.addf %scan3A_653, %bitcast_convert_type3A_766 : vector<16xf32>
          %add3A_772 = arith.addf %scan3A_654, %bitcast_convert_type3A_770 : vector<16xf32>
          %get3A_773 = arith.constant 0 : i32
          %get3A_774 = arith.index_cast %get3A_773 : i32 to index
          %get3A_775 = arith.index_cast %add3A_724 : i32 to index
          %get3A_776 = arith.constant 48 : index
          %get3A_777 = tpu.vector_load %arg6[%get3A_774, %get3A_775, %get3A_776] {strides = array<i32>} : memref<8x100x64xi32, #tpu.memory_space<vmem>>, vector<1x1x16xi32>,
          %get3A_778 = vector.shape_cast %get3A_777 : vector<1x1x16xi32> to vector<16xi32>
          %shift_left3A_779 = arith.constant 16 : i32
          %shift_left3A_780 = vector.broadcast %shift_left3A_779 : i32 to vector<16xi32>
          %shift_left3A_781 = arith.shli %get3A_778, %shift_left3A_780 : vector<16xi32>
          %bitcast_convert_type3A_782 = tpu.bitcast %shift_left3A_781 : vector<16xi32> -> vector<16xf32>
          %and3A_783 = arith.constant -65536 : i32
          %and3A_784 = vector.broadcast %and3A_783 : i32 to vector<16xi32>
          %and3A_785 = arith.andi %get3A_778, %and3A_784 : vector<16xi32>
          %bitcast_convert_type3A_786 = tpu.bitcast %and3A_785 : vector<16xi32> -> vector<16xf32>
          %add3A_787 = arith.addf %scan3A_655, %bitcast_convert_type3A_782 : vector<16xf32>
          %add3A_788 = arith.addf %scan3A_656, %bitcast_convert_type3A_786 : vector<16xf32>
          %mul3A_789 = arith.constant 4 : i32
          %mul3A_790 = arith.muli %scan3A_640, %mul3A_789 : i32
          %add3A_791 = arith.constant 2 : i32
          %add3A_792 = arith.addi %mul3A_790, %add3A_791 : i32
          %get3A_793 = arith.constant 0 : i32
          %get3A_794 = arith.index_cast %get3A_793 : i32 to index
          %get3A_795 = arith.index_cast %add3A_792 : i32 to index
          %get3A_796 = arith.constant 0 : index
          %get3A_797 = tpu.vector_load %arg6[%get3A_794, %get3A_795, %get3A_796] {strides = array<i32>} : memref<8x100x64xi32, #tpu.memory_space<vmem>>, vector<1x1x16xi32>,
          %get3A_798 = vector.shape_cast %get3A_797 : vector<1x1x16xi32> to vector<16xi32>
          %shift_left3A_799 = arith.constant 16 : i32
          %shift_left3A_800 = vector.broadcast %shift_left3A_799 : i32 to vector<16xi32>
          %shift_left3A_801 = arith.shli %get3A_798, %shift_left3A_800 : vector<16xi32>
          %bitcast_convert_type3A_802 = tpu.bitcast %shift_left3A_801 : vector<16xi32> -> vector<16xf32>
          %and3A_803 = arith.constant -65536 : i32
          %and3A_804 = vector.broadcast %and3A_803 : i32 to vector<16xi32>
          %and3A_805 = arith.andi %get3A_798, %and3A_804 : vector<16xi32>
          %bitcast_convert_type3A_806 = tpu.bitcast %and3A_805 : vector<16xi32> -> vector<16xf32>
          %add3A_807 = arith.addf %add3A_671, %bitcast_convert_type3A_802 : vector<16xf32>
          %add3A_808 = arith.addf %add3A_672, %bitcast_convert_type3A_806 : vector<16xf32>
          %get3A_809 = arith.constant 0 : i32
          %get3A_810 = arith.index_cast %get3A_809 : i32 to index
          %get3A_811 = arith.index_cast %add3A_792 : i32 to index
          %get3A_812 = arith.constant 16 : index
          %get3A_813 = tpu.vector_load %arg6[%get3A_810, %get3A_811, %get3A_812] {strides = array<i32>} : memref<8x100x64xi32, #tpu.memory_space<vmem>>, vector<1x1x16xi32>,
          %get3A_814 = vector.shape_cast %get3A_813 : vector<1x1x16xi32> to vector<16xi32>
          %shift_left3A_815 = arith.constant 16 : i32
          %shift_left3A_816 = vector.broadcast %shift_left3A_815 : i32 to vector<16xi32>
          %shift_left3A_817 = arith.shli %get3A_814, %shift_left3A_816 : vector<16xi32>
          %bitcast_convert_type3A_818 = tpu.bitcast %shift_left3A_817 : vector<16xi32> -> vector<16xf32>
          %and3A_819 = arith.constant -65536 : i32
          %and3A_820 = vector.broadcast %and3A_819 : i32 to vector<16xi32>
          %and3A_821 = arith.andi %get3A_814, %and3A_820 : vector<16xi32>
          %bitcast_convert_type3A_822 = tpu.bitcast %and3A_821 : vector<16xi32> -> vector<16xf32>
          %add3A_823 = arith.addf %add3A_687, %bitcast_convert_type3A_818 : vector<16xf32>
          %add3A_824 = arith.addf %add3A_688, %bitcast_convert_type3A_822 : vector<16xf32>
          %get3A_825 = arith.constant 0 : i32
          %get3A_826 = arith.index_cast %get3A_825 : i32 to index
          %get3A_827 = arith.index_cast %add3A_792 : i32 to index
          %get3A_828 = arith.constant 32 : index
          %get3A_829 = tpu.vector_load %arg6[%get3A_826, %get3A_827, %get3A_828] {strides = array<i32>} : memref<8x100x64xi32, #tpu.memory_space<vmem>>, vector<1x1x16xi32>,
          %get3A_830 = vector.shape_cast %get3A_829 : vector<1x1x16xi32> to vector<16xi32>
          %shift_left3A_831 = arith.constant 16 : i32
          %shift_left3A_832 = vector.broadcast %shift_left3A_831 : i32 to vector<16xi32>
          %shift_left3A_833 = arith.shli %get3A_830, %shift_left3A_832 : vector<16xi32>
          %bitcast_convert_type3A_834 = tpu.bitcast %shift_left3A_833 : vector<16xi32> -> vector<16xf32>
          %and3A_835 = arith.constant -65536 : i32
          %and3A_836 = vector.broadcast %and3A_835 : i32 to vector<16xi32>
          %and3A_837 = arith.andi %get3A_830, %and3A_836 : vector<16xi32>
          %bitcast_convert_type3A_838 = tpu.bitcast %and3A_837 : vector<16xi32> -> vector<16xf32>
          %add3A_839 = arith.addf %add3A_703, %bitcast_convert_type3A_834 : vector<16xf32>
          %add3A_840 = arith.addf %add3A_704, %bitcast_convert_type3A_838 : vector<16xf32>
          %get3A_841 = arith.constant 0 : i32
          %get3A_842 = arith.index_cast %get3A_841 : i32 to index
          %get3A_843 = arith.index_cast %add3A_792 : i32 to index
          %get3A_844 = arith.constant 48 : index
          %get3A_845 = tpu.vector_load %arg6[%get3A_842, %get3A_843, %get3A_844] {strides = array<i32>} : memref<8x100x64xi32, #tpu.memory_space<vmem>>, vector<1x1x16xi32>,
          %get3A_846 = vector.shape_cast %get3A_845 : vector<1x1x16xi32> to vector<16xi32>
          %shift_left3A_847 = arith.constant 16 : i32
          %shift_left3A_848 = vector.broadcast %shift_left3A_847 : i32 to vector<16xi32>
          %shift_left3A_849 = arith.shli %get3A_846, %shift_left3A_848 : vector<16xi32>
          %bitcast_convert_type3A_850 = tpu.bitcast %shift_left3A_849 : vector<16xi32> -> vector<16xf32>
          %and3A_851 = arith.constant -65536 : i32
          %and3A_852 = vector.broadcast %and3A_851 : i32 to vector<16xi32>
          %and3A_853 = arith.andi %get3A_846, %and3A_852 : vector<16xi32>
          %bitcast_convert_type3A_854 = tpu.bitcast %and3A_853 : vector<16xi32> -> vector<16xf32>
          %add3A_855 = arith.addf %add3A_719, %bitcast_convert_type3A_850 : vector<16xf32>
          %add3A_856 = arith.addf %add3A_720, %bitcast_convert_type3A_854 : vector<16xf32>
          %mul3A_857 = arith.constant 4 : i32
          %mul3A_858 = arith.muli %scan3A_640, %mul3A_857 : i32
          %add3A_859 = arith.constant 3 : i32
          %add3A_860 = arith.addi %mul3A_858, %add3A_859 : i32
          %get3A_861 = arith.constant 0 : i32
          %get3A_862 = arith.index_cast %get3A_861 : i32 to index
          %get3A_863 = arith.index_cast %add3A_860 : i32 to index
          %get3A_864 = arith.constant 0 : index
          %get3A_865 = tpu.vector_load %arg6[%get3A_862, %get3A_863, %get3A_864] {strides = array<i32>} : memref<8x100x64xi32, #tpu.memory_space<vmem>>, vector<1x1x16xi32>,
          %get3A_866 = vector.shape_cast %get3A_865 : vector<1x1x16xi32> to vector<16xi32>
          %shift_left3A_867 = arith.constant 16 : i32
          %shift_left3A_868 = vector.broadcast %shift_left3A_867 : i32 to vector<16xi32>
          %shift_left3A_869 = arith.shli %get3A_866, %shift_left3A_868 : vector<16xi32>
          %bitcast_convert_type3A_870 = tpu.bitcast %shift_left3A_869 : vector<16xi32> -> vector<16xf32>
          %and3A_871 = arith.constant -65536 : i32
          %and3A_872 = vector.broadcast %and3A_871 : i32 to vector<16xi32>
          %and3A_873 = arith.andi %get3A_866, %and3A_872 : vector<16xi32>
          %bitcast_convert_type3A_874 = tpu.bitcast %and3A_873 : vector<16xi32> -> vector<16xf32>
          %add3A_875 = arith.addf %add3A_739, %bitcast_convert_type3A_870 : vector<16xf32>
          %add3A_876 = arith.addf %add3A_740, %bitcast_convert_type3A_874 : vector<16xf32>
          %get3A_877 = arith.constant 0 : i32
          %get3A_878 = arith.index_cast %get3A_877 : i32 to index
          %get3A_879 = arith.index_cast %add3A_860 : i32 to index
          %get3A_880 = arith.constant 16 : index
          %get3A_881 = tpu.vector_load %arg6[%get3A_878, %get3A_879, %get3A_880] {strides = array<i32>} : memref<8x100x64xi32, #tpu.memory_space<vmem>>, vector<1x1x16xi32>,
          %get3A_882 = vector.shape_cast %get3A_881 : vector<1x1x16xi32> to vector<16xi32>
          %shift_left3A_883 = arith.constant 16 : i32
          %shift_left3A_884 = vector.broadcast %shift_left3A_883 : i32 to vector<16xi32>
          %shift_left3A_885 = arith.shli %get3A_882, %shift_left3A_884 : vector<16xi32>
          %bitcast_convert_type3A_886 = tpu.bitcast %shift_left3A_885 : vector<16xi32> -> vector<16xf32>
          %and3A_887 = arith.constant -65536 : i32
          %and3A_888 = vector.broadcast %and3A_887 : i32 to vector<16xi32>
          %and3A_889 = arith.andi %get3A_882, %and3A_888 : vector<16xi32>
          %bitcast_convert_type3A_890 = tpu.bitcast %and3A_889 : vector<16xi32> -> vector<16xf32>
          %add3A_891 = arith.addf %add3A_755, %bitcast_convert_type3A_886 : vector<16xf32>
          %add3A_892 = arith.addf %add3A_756, %bitcast_convert_type3A_890 : vector<16xf32>
          %get3A_893 = arith.constant 0 : i32
          %get3A_894 = arith.index_cast %get3A_893 : i32 to index
          %get3A_895 = arith.index_cast %add3A_860 : i32 to index
          %get3A_896 = arith.constant 32 : index
          %get3A_897 = tpu.vector_load %arg6[%get3A_894, %get3A_895, %get3A_896] {strides = array<i32>} : memref<8x100x64xi32, #tpu.memory_space<vmem>>, vector<1x1x16xi32>,
          %get3A_898 = vector.shape_cast %get3A_897 : vector<1x1x16xi32> to vector<16xi32>
          %shift_left3A_899 = arith.constant 16 : i32
          %shift_left3A_900 = vector.broadcast %shift_left3A_899 : i32 to vector<16xi32>
          %shift_left3A_901 = arith.shli %get3A_898, %shift_left3A_900 : vector<16xi32>
          %bitcast_convert_type3A_902 = tpu.bitcast %shift_left3A_901 : vector<16xi32> -> vector<16xf32>
          %and3A_903 = arith.constant -65536 : i32
          %and3A_904 = vector.broadcast %and3A_903 : i32 to vector<16xi32>
          %and3A_905 = arith.andi %get3A_898, %and3A_904 : vector<16xi32>
          %bitcast_convert_type3A_906 = tpu.bitcast %and3A_905 : vector<16xi32> -> vector<16xf32>
          %add3A_907 = arith.addf %add3A_771, %bitcast_convert_type3A_902 : vector<16xf32>
          %add3A_908 = arith.addf %add3A_772, %bitcast_convert_type3A_906 : vector<16xf32>
          %get3A_909 = arith.constant 0 : i32
          %get3A_910 = arith.index_cast %get3A_909 : i32 to index
          %get3A_911 = arith.index_cast %add3A_860 : i32 to index
          %get3A_912 = arith.constant 48 : index
          %get3A_913 = tpu.vector_load %arg6[%get3A_910, %get3A_911, %get3A_912] {strides = array<i32>} : memref<8x100x64xi32, #tpu.memory_space<vmem>>, vector<1x1x16xi32>,
          %get3A_914 = vector.shape_cast %get3A_913 : vector<1x1x16xi32> to vector<16xi32>
          %shift_left3A_915 = arith.constant 16 : i32
          %shift_left3A_916 = vector.broadcast %shift_left3A_915 : i32 to vector<16xi32>
          %shift_left3A_917 = arith.shli %get3A_914, %shift_left3A_916 : vector<16xi32>
          %bitcast_convert_type3A_918 = tpu.bitcast %shift_left3A_917 : vector<16xi32> -> vector<16xf32>
          %and3A_919 = arith.constant -65536 : i32
          %and3A_920 = vector.broadcast %and3A_919 : i32 to vector<16xi32>
          %and3A_921 = arith.andi %get3A_914, %and3A_920 : vector<16xi32>
          %bitcast_convert_type3A_922 = tpu.bitcast %and3A_921 : vector<16xi32> -> vector<16xf32>
          %add3A_923 = arith.addf %add3A_787, %bitcast_convert_type3A_918 : vector<16xf32>
          %add3A_924 = arith.addf %add3A_788, %bitcast_convert_type3A_922 : vector<16xf32>
          scf.yield %add3A_807, %add3A_808, %add3A_823, %add3A_824, %add3A_839, %add3A_840, %add3A_855, %add3A_856, %add3A_875, %add3A_876, %add3A_891, %add3A_892, %add3A_907, %add3A_908, %add3A_923, %add3A_924 : vector<16xf32>, vector<16xf32>, vector<16xf32>, vector<16xf32>, vector<16xf32>, vector<16xf32>, vector<16xf32>, vector<16xf32>, vector<16xf32>, vector<16xf32>, vector<16xf32>, vector<16xf32>, vector<16xf32>, vector<16xf32>, vector<16xf32>, vector<16xf32>
        }
        %scan3A_202 = arith.constant 25 : i32
        %add3A_203 = arith.constant 0 : i32
        %add3A_204 = arith.addi %mul3A_147, %add3A_203 : i32
        %add3A_205 = arith.constant 8 : i32
        %add3A_206 = arith.addi %add3A_204, %add3A_205 : i32
        %add3A_207 = arith.constant 2 : i32
        %add3A_208 = arith.addi %add3A_151, %add3A_207 : i32
        %lt3A = arith.constant 264 : i32
        %lt3A_209 = arith.cmpi slt, %add3A_206, %lt3A : i32
        %convert_element_type3A = arith.extui %lt3A_209 : i1 to i32
        %cond3A = arith.constant 0 : i32
        %cond3A_210 = arith.cmpi ne, %convert_element_type3A, %cond3A : i32
        scf.if %cond3A_210 {
          %dma_start3A_640 = arith.constant 0 : i32
          %dma_start3A_641 = arith.constant 0 : i32
          %dma_start3A_642 = arith.constant 0 : i32
          %dma_start3A_643 = arith.constant 0 : i32
          %dma_start3A_644 = arith.constant 0 : i32
          %dma_start3A_645 = tpu.memref_slice %arg6[%dma_start3A_641, %dma_start3A_643, %dma_start3A_644] : memref<8x100x64xi32, #tpu.memory_space<vmem>> -> memref<1x100x64xi32, #tpu.memory_space<vmem>>
          %dma_start3A_646 = tpu.memref_squeeze %dma_start3A_645 : memref<1x100x64xi32, #tpu.memory_space<vmem>> -> memref<100x64xi32, #tpu.memory_space<vmem>>
          %dma_start3A_647 = arith.constant 0 : i32
          %dma_start3A_648 = tpu.memref_slice %arg5[%add3A_208, %dma_start3A_640, %dma_start3A_647] : memref<66x4x100xi32, #tpu.memory_space<vmem>> -> memref<1x1x100xi32, #tpu.memory_space<vmem>>
          %dma_start3A_649 = tpu.memref_squeeze %dma_start3A_648 : memref<1x1x100xi32, #tpu.memory_space<vmem>> -> memref<100xi32, #tpu.memory_space<vmem>>
          %dma_start3A_650 = arith.constant 0 : i32
          %dma_start3A_651 = arith.constant 0 : i32
          %dma_start3A_652 = tpu.memref_slice %arg3[%dma_start3A_650, %dma_start3A_651] : memref<100513x64xi32, #tpu.memory_space<hbm>> -> memref<100513x64xi32, #tpu.memory_space<hbm>>
          %dma_start3A_653 = tpu.memref_slice %arg8[%dma_start3A_642] : memref<8x!tpu.dma_semaphore, #tpu.memory_space<semaphore_mem>> -> memref<1x!tpu.dma_semaphore, #tpu.memory_space<semaphore_mem>>
          %dma_start3A_654 = tpu.memref_squeeze %dma_start3A_653 : memref<1x!tpu.dma_semaphore, #tpu.memory_space<semaphore_mem>> -> memref<!tpu.dma_semaphore, #tpu.memory_space<semaphore_mem>>
          tpu.enqueue_indirect_dma source(%dma_start3A_652 : memref<100513x64xi32, #tpu.memory_space<hbm>>) target(%dma_start3A_646 : memref<100x64xi32, #tpu.memory_space<vmem>>) offsets(%dma_start3A_649 : memref<100xi32, #tpu.memory_space<vmem>>) semaphore(%dma_start3A_654 : memref<!tpu.dma_semaphore, #tpu.memory_space<semaphore_mem>>)
        } else {
        }
        %add3A_211 = arith.constant 0 : i32
        %add3A_212 = arith.addi %mul3A_149, %add3A_211 : i32
        %dma_wait3A_213 = arith.constant 1 : i32
        %dma_wait3A_214 = arith.constant 1 : i32
        %dma_wait3A_215 = arith.constant 1 : i32
        %dma_wait3A_216 = arith.constant 0 : i32
        %dma_wait3A_217 = arith.constant 0 : i32
        %dma_wait3A_218 = tpu.memref_slice %arg6[%dma_wait3A_214, %dma_wait3A_216, %dma_wait3A_217] : memref<8x100x64xi32, #tpu.memory_space<vmem>> -> memref<1x100x64xi32, #tpu.memory_space<vmem>>
        %dma_wait3A_219 = tpu.memref_squeeze %dma_wait3A_218 : memref<1x100x64xi32, #tpu.memory_space<vmem>> -> memref<100x64xi32, #tpu.memory_space<vmem>>
        %dma_wait3A_220 = arith.constant 0 : i32
        %dma_wait3A_221 = tpu.memref_slice %arg5[%add3A_212, %dma_wait3A_213, %dma_wait3A_220] : memref<66x4x100xi32, #tpu.memory_space<vmem>> -> memref<1x1x100xi32, #tpu.memory_space<vmem>>
        %dma_wait3A_222 = tpu.memref_squeeze %dma_wait3A_221 : memref<1x1x100xi32, #tpu.memory_space<vmem>> -> memref<100xi32, #tpu.memory_space<vmem>>
        %dma_wait3A_223 = arith.constant 0 : i32
        %dma_wait3A_224 = arith.constant 0 : i32
        %dma_wait3A_225 = tpu.memref_slice %arg3[%dma_wait3A_223, %dma_wait3A_224] : memref<100513x64xi32, #tpu.memory_space<hbm>> -> memref<100513x64xi32, #tpu.memory_space<hbm>>
        %dma_wait3A_226 = tpu.memref_slice %arg8[%dma_wait3A_215] : memref<8x!tpu.dma_semaphore, #tpu.memory_space<semaphore_mem>> -> memref<1x!tpu.dma_semaphore, #tpu.memory_space<semaphore_mem>>
        %dma_wait3A_227 = tpu.memref_squeeze %dma_wait3A_226 : memref<1x!tpu.dma_semaphore, #tpu.memory_space<semaphore_mem>> -> memref<!tpu.dma_semaphore, #tpu.memory_space<semaphore_mem>>
        tpu.wait_indirect_dma semaphore(%dma_wait3A_227 : memref<!tpu.dma_semaphore, #tpu.memory_space<semaphore_mem>>) src(%dma_wait3A_225 : memref<100513x64xi32, #tpu.memory_space<hbm>>) dst(%dma_wait3A_219 : memref<100x64xi32, #tpu.memory_space<vmem>>)
        %scan3A_228 = arith.constant 0 : i32
        %scan3A_229 = arith.constant 25 : i32
        %scan3A_230 = arith.addi %scan3A_228, %scan3A_229 : i32
        %scan3A_231 = arith.constant 1 : i32
        %scan3A_232:16 = scf.for %scan3A_640 = %scan3A_228 to %scan3A_230 step %scan3A_231 iter_args(%scan3A_641 = %scan3A_201#0, %scan3A_642 = %scan3A_201#1, %scan3A_643 = %scan3A_201#2, %scan3A_644 = %scan3A_201#3, %scan3A_645 = %scan3A_201#4, %scan3A_646 = %scan3A_201#5, %scan3A_647 = %scan3A_201#6, %scan3A_648 = %scan3A_201#7, %scan3A_649 = %scan3A_201#8, %scan3A_650 = %scan3A_201#9, %scan3A_651 = %scan3A_201#10, %scan3A_652 = %scan3A_201#11, %scan3A_653 = %scan3A_201#12, %scan3A_654 = %scan3A_201#13, %scan3A_655 = %scan3A_201#14, %scan3A_656 = %scan3A_201#15) -> (vector<16xf32>, vector<16xf32>, vector<16xf32>, vector<16xf32>, vector<16xf32>, vector<16xf32>, vector<16xf32>, vector<16xf32>, vector<16xf32>, vector<16xf32>, vector<16xf32>, vector<16xf32>, vector<16xf32>, vector<16xf32>, vector<16xf32>, vector<16xf32>)  : i32 {
          %mul3A_657 = arith.constant 4 : i32
          %mul3A_658 = arith.muli %scan3A_640, %mul3A_657 : i32
          %add3A_659 = arith.constant 0 : i32
          %add3A_660 = arith.addi %mul3A_658, %add3A_659 : i32
          %get3A = arith.constant 1 : i32
          %get3A_661 = arith.index_cast %get3A : i32 to index
          %get3A_662 = arith.index_cast %add3A_660 : i32 to index
          %get3A_663 = arith.constant 0 : index
          %get3A_664 = tpu.vector_load %arg6[%get3A_661, %get3A_662, %get3A_663] {strides = array<i32>} : memref<8x100x64xi32, #tpu.memory_space<vmem>>, vector<1x1x16xi32>,
          %get3A_665 = vector.shape_cast %get3A_664 : vector<1x1x16xi32> to vector<16xi32>
          %shift_left3A = arith.constant 16 : i32
          %shift_left3A_666 = vector.broadcast %shift_left3A : i32 to vector<16xi32>
          %shift_left3A_667 = arith.shli %get3A_665, %shift_left3A_666 : vector<16xi32>
          %bitcast_convert_type3A = tpu.bitcast %shift_left3A_667 : vector<16xi32> -> vector<16xf32>
          %and3A = arith.constant -65536 : i32
          %and3A_668 = vector.broadcast %and3A : i32 to vector<16xi32>
          %and3A_669 = arith.andi %get3A_665, %and3A_668 : vector<16xi32>
          %bitcast_convert_type3A_670 = tpu.bitcast %and3A_669 : vector<16xi32> -> vector<16xf32>
          %add3A_671 = arith.addf %scan3A_641, %bitcast_convert_type3A : vector<16xf32>
          %add3A_672 = arith.addf %scan3A_642, %bitcast_convert_type3A_670 : vector<16xf32>
          %get3A_673 = arith.constant 1 : i32
          %get3A_674 = arith.index_cast %get3A_673 : i32 to index
          %get3A_675 = arith.index_cast %add3A_660 : i32 to index
          %get3A_676 = arith.constant 16 : index
          %get3A_677 = tpu.vector_load %arg6[%get3A_674, %get3A_675, %get3A_676] {strides = array<i32>} : memref<8x100x64xi32, #tpu.memory_space<vmem>>, vector<1x1x16xi32>,
          %get3A_678 = vector.shape_cast %get3A_677 : vector<1x1x16xi32> to vector<16xi32>
          %shift_left3A_679 = arith.constant 16 : i32
          %shift_left3A_680 = vector.broadcast %shift_left3A_679 : i32 to vector<16xi32>
          %shift_left3A_681 = arith.shli %get3A_678, %shift_left3A_680 : vector<16xi32>
          %bitcast_convert_type3A_682 = tpu.bitcast %shift_left3A_681 : vector<16xi32> -> vector<16xf32>
          %and3A_683 = arith.constant -65536 : i32
          %and3A_684 = vector.broadcast %and3A_683 : i32 to vector<16xi32>
          %and3A_685 = arith.andi %get3A_678, %and3A_684 : vector<16xi32>
          %bitcast_convert_type3A_686 = tpu.bitcast %and3A_685 : vector<16xi32> -> vector<16xf32>
          %add3A_687 = arith.addf %scan3A_643, %bitcast_convert_type3A_682 : vector<16xf32>
          %add3A_688 = arith.addf %scan3A_644, %bitcast_convert_type3A_686 : vector<16xf32>
          %get3A_689 = arith.constant 1 : i32
          %get3A_690 = arith.index_cast %get3A_689 : i32 to index
          %get3A_691 = arith.index_cast %add3A_660 : i32 to index
          %get3A_692 = arith.constant 32 : index
          %get3A_693 = tpu.vector_load %arg6[%get3A_690, %get3A_691, %get3A_692] {strides = array<i32>} : memref<8x100x64xi32, #tpu.memory_space<vmem>>, vector<1x1x16xi32>,
          %get3A_694 = vector.shape_cast %get3A_693 : vector<1x1x16xi32> to vector<16xi32>
          %shift_left3A_695 = arith.constant 16 : i32
          %shift_left3A_696 = vector.broadcast %shift_left3A_695 : i32 to vector<16xi32>
          %shift_left3A_697 = arith.shli %get3A_694, %shift_left3A_696 : vector<16xi32>
          %bitcast_convert_type3A_698 = tpu.bitcast %shift_left3A_697 : vector<16xi32> -> vector<16xf32>
          %and3A_699 = arith.constant -65536 : i32
          %and3A_700 = vector.broadcast %and3A_699 : i32 to vector<16xi32>
          %and3A_701 = arith.andi %get3A_694, %and3A_700 : vector<16xi32>
          %bitcast_convert_type3A_702 = tpu.bitcast %and3A_701 : vector<16xi32> -> vector<16xf32>
          %add3A_703 = arith.addf %scan3A_645, %bitcast_convert_type3A_698 : vector<16xf32>
          %add3A_704 = arith.addf %scan3A_646, %bitcast_convert_type3A_702 : vector<16xf32>
          %get3A_705 = arith.constant 1 : i32
          %get3A_706 = arith.index_cast %get3A_705 : i32 to index
          %get3A_707 = arith.index_cast %add3A_660 : i32 to index
          %get3A_708 = arith.constant 48 : index
          %get3A_709 = tpu.vector_load %arg6[%get3A_706, %get3A_707, %get3A_708] {strides = array<i32>} : memref<8x100x64xi32, #tpu.memory_space<vmem>>, vector<1x1x16xi32>,
          %get3A_710 = vector.shape_cast %get3A_709 : vector<1x1x16xi32> to vector<16xi32>
          %shift_left3A_711 = arith.constant 16 : i32
          %shift_left3A_712 = vector.broadcast %shift_left3A_711 : i32 to vector<16xi32>
          %shift_left3A_713 = arith.shli %get3A_710, %shift_left3A_712 : vector<16xi32>
          %bitcast_convert_type3A_714 = tpu.bitcast %shift_left3A_713 : vector<16xi32> -> vector<16xf32>
          %and3A_715 = arith.constant -65536 : i32
          %and3A_716 = vector.broadcast %and3A_715 : i32 to vector<16xi32>
          %and3A_717 = arith.andi %get3A_710, %and3A_716 : vector<16xi32>
          %bitcast_convert_type3A_718 = tpu.bitcast %and3A_717 : vector<16xi32> -> vector<16xf32>
          %add3A_719 = arith.addf %scan3A_647, %bitcast_convert_type3A_714 : vector<16xf32>
          %add3A_720 = arith.addf %scan3A_648, %bitcast_convert_type3A_718 : vector<16xf32>
          %mul3A_721 = arith.constant 4 : i32
          %mul3A_722 = arith.muli %scan3A_640, %mul3A_721 : i32
          %add3A_723 = arith.constant 1 : i32
          %add3A_724 = arith.addi %mul3A_722, %add3A_723 : i32
          %get3A_725 = arith.constant 1 : i32
          %get3A_726 = arith.index_cast %get3A_725 : i32 to index
          %get3A_727 = arith.index_cast %add3A_724 : i32 to index
          %get3A_728 = arith.constant 0 : index
          %get3A_729 = tpu.vector_load %arg6[%get3A_726, %get3A_727, %get3A_728] {strides = array<i32>} : memref<8x100x64xi32, #tpu.memory_space<vmem>>, vector<1x1x16xi32>,
          %get3A_730 = vector.shape_cast %get3A_729 : vector<1x1x16xi32> to vector<16xi32>
          %shift_left3A_731 = arith.constant 16 : i32
          %shift_left3A_732 = vector.broadcast %shift_left3A_731 : i32 to vector<16xi32>
          %shift_left3A_733 = arith.shli %get3A_730, %shift_left3A_732 : vector<16xi32>
          %bitcast_convert_type3A_734 = tpu.bitcast %shift_left3A_733 : vector<16xi32> -> vector<16xf32>
          %and3A_735 = arith.constant -65536 : i32
          %and3A_736 = vector.broadcast %and3A_735 : i32 to vector<16xi32>
          %and3A_737 = arith.andi %get3A_730, %and3A_736 : vector<16xi32>
          %bitcast_convert_type3A_738 = tpu.bitcast %and3A_737 : vector<16xi32> -> vector<16xf32>
          %add3A_739 = arith.addf %scan3A_649, %bitcast_convert_type3A_734 : vector<16xf32>
          %add3A_740 = arith.addf %scan3A_650, %bitcast_convert_type3A_738 : vector<16xf32>
          %get3A_741 = arith.constant 1 : i32
          %get3A_742 = arith.index_cast %get3A_741 : i32 to index
          %get3A_743 = arith.index_cast %add3A_724 : i32 to index
          %get3A_744 = arith.constant 16 : index
          %get3A_745 = tpu.vector_load %arg6[%get3A_742, %get3A_743, %get3A_744] {strides = array<i32>} : memref<8x100x64xi32, #tpu.memory_space<vmem>>, vector<1x1x16xi32>,
          %get3A_746 = vector.shape_cast %get3A_745 : vector<1x1x16xi32> to vector<16xi32>
          %shift_left3A_747 = arith.constant 16 : i32
          %shift_left3A_748 = vector.broadcast %shift_left3A_747 : i32 to vector<16xi32>
          %shift_left3A_749 = arith.shli %get3A_746, %shift_left3A_748 : vector<16xi32>
          %bitcast_convert_type3A_750 = tpu.bitcast %shift_left3A_749 : vector<16xi32> -> vector<16xf32>
          %and3A_751 = arith.constant -65536 : i32
          %and3A_752 = vector.broadcast %and3A_751 : i32 to vector<16xi32>
          %and3A_753 = arith.andi %get3A_746, %and3A_752 : vector<16xi32>
          %bitcast_convert_type3A_754 = tpu.bitcast %and3A_753 : vector<16xi32> -> vector<16xf32>
          %add3A_755 = arith.addf %scan3A_651, %bitcast_convert_type3A_750 : vector<16xf32>
          %add3A_756 = arith.addf %scan3A_652, %bitcast_convert_type3A_754 : vector<16xf32>
          %get3A_757 = arith.constant 1 : i32
          %get3A_758 = arith.index_cast %get3A_757 : i32 to index
          %get3A_759 = arith.index_cast %add3A_724 : i32 to index
          %get3A_760 = arith.constant 32 : index
          %get3A_761 = tpu.vector_load %arg6[%get3A_758, %get3A_759, %get3A_760] {strides = array<i32>} : memref<8x100x64xi32, #tpu.memory_space<vmem>>, vector<1x1x16xi32>,
          %get3A_762 = vector.shape_cast %get3A_761 : vector<1x1x16xi32> to vector<16xi32>
          %shift_left3A_763 = arith.constant 16 : i32
          %shift_left3A_764 = vector.broadcast %shift_left3A_763 : i32 to vector<16xi32>
          %shift_left3A_765 = arith.shli %get3A_762, %shift_left3A_764 : vector<16xi32>
          %bitcast_convert_type3A_766 = tpu.bitcast %shift_left3A_765 : vector<16xi32> -> vector<16xf32>
          %and3A_767 = arith.constant -65536 : i32
          %and3A_768 = vector.broadcast %and3A_767 : i32 to vector<16xi32>
          %and3A_769 = arith.andi %get3A_762, %and3A_768 : vector<16xi32>
          %bitcast_convert_type3A_770 = tpu.bitcast %and3A_769 : vector<16xi32> -> vector<16xf32>
          %add3A_771 = arith.addf %scan3A_653, %bitcast_convert_type3A_766 : vector<16xf32>
          %add3A_772 = arith.addf %scan3A_654, %bitcast_convert_type3A_770 : vector<16xf32>
          %get3A_773 = arith.constant 1 : i32
          %get3A_774 = arith.index_cast %get3A_773 : i32 to index
          %get3A_775 = arith.index_cast %add3A_724 : i32 to index
          %get3A_776 = arith.constant 48 : index
          %get3A_777 = tpu.vector_load %arg6[%get3A_774, %get3A_775, %get3A_776] {strides = array<i32>} : memref<8x100x64xi32, #tpu.memory_space<vmem>>, vector<1x1x16xi32>,
          %get3A_778 = vector.shape_cast %get3A_777 : vector<1x1x16xi32> to vector<16xi32>
          %shift_left3A_779 = arith.constant 16 : i32
          %shift_left3A_780 = vector.broadcast %shift_left3A_779 : i32 to vector<16xi32>
          %shift_left3A_781 = arith.shli %get3A_778, %shift_left3A_780 : vector<16xi32>
          %bitcast_convert_type3A_782 = tpu.bitcast %shift_left3A_781 : vector<16xi32> -> vector<16xf32>
          %and3A_783 = arith.constant -65536 : i32
          %and3A_784 = vector.broadcast %and3A_783 : i32 to vector<16xi32>
          %and3A_785 = arith.andi %get3A_778, %and3A_784 : vector<16xi32>
          %bitcast_convert_type3A_786 = tpu.bitcast %and3A_785 : vector<16xi32> -> vector<16xf32>
          %add3A_787 = arith.addf %scan3A_655, %bitcast_convert_type3A_782 : vector<16xf32>
          %add3A_788 = arith.addf %scan3A_656, %bitcast_convert_type3A_786 : vector<16xf32>
          %mul3A_789 = arith.constant 4 : i32
          %mul3A_790 = arith.muli %scan3A_640, %mul3A_789 : i32
          %add3A_791 = arith.constant 2 : i32
          %add3A_792 = arith.addi %mul3A_790, %add3A_791 : i32
          %get3A_793 = arith.constant 1 : i32
          %get3A_794 = arith.index_cast %get3A_793 : i32 to index
          %get3A_795 = arith.index_cast %add3A_792 : i32 to index
          %get3A_796 = arith.constant 0 : index
          %get3A_797 = tpu.vector_load %arg6[%get3A_794, %get3A_795, %get3A_796] {strides = array<i32>} : memref<8x100x64xi32, #tpu.memory_space<vmem>>, vector<1x1x16xi32>,
          %get3A_798 = vector.shape_cast %get3A_797 : vector<1x1x16xi32> to vector<16xi32>
          %shift_left3A_799 = arith.constant 16 : i32
          %shift_left3A_800 = vector.broadcast %shift_left3A_799 : i32 to vector<16xi32>
          %shift_left3A_801 = arith.shli %get3A_798, %shift_left3A_800 : vector<16xi32>
          %bitcast_convert_type3A_802 = tpu.bitcast %shift_left3A_801 : vector<16xi32> -> vector<16xf32>
          %and3A_803 = arith.constant -65536 : i32
          %and3A_804 = vector.broadcast %and3A_803 : i32 to vector<16xi32>
          %and3A_805 = arith.andi %get3A_798, %and3A_804 : vector<16xi32>
          %bitcast_convert_type3A_806 = tpu.bitcast %and3A_805 : vector<16xi32> -> vector<16xf32>
          %add3A_807 = arith.addf %add3A_671, %bitcast_convert_type3A_802 : vector<16xf32>
          %add3A_808 = arith.addf %add3A_672, %bitcast_convert_type3A_806 : vector<16xf32>
          %get3A_809 = arith.constant 1 : i32
          %get3A_810 = arith.index_cast %get3A_809 : i32 to index
          %get3A_811 = arith.index_cast %add3A_792 : i32 to index
          %get3A_812 = arith.constant 16 : index
          %get3A_813 = tpu.vector_load %arg6[%get3A_810, %get3A_811, %get3A_812] {strides = array<i32>} : memref<8x100x64xi32, #tpu.memory_space<vmem>>, vector<1x1x16xi32>,
          %get3A_814 = vector.shape_cast %get3A_813 : vector<1x1x16xi32> to vector<16xi32>
          %shift_left3A_815 = arith.constant 16 : i32
          %shift_left3A_816 = vector.broadcast %shift_left3A_815 : i32 to vector<16xi32>
          %shift_left3A_817 = arith.shli %get3A_814, %shift_left3A_816 : vector<16xi32>
          %bitcast_convert_type3A_818 = tpu.bitcast %shift_left3A_817 : vector<16xi32> -> vector<16xf32>
          %and3A_819 = arith.constant -65536 : i32
          %and3A_820 = vector.broadcast %and3A_819 : i32 to vector<16xi32>
          %and3A_821 = arith.andi %get3A_814, %and3A_820 : vector<16xi32>
          %bitcast_convert_type3A_822 = tpu.bitcast %and3A_821 : vector<16xi32> -> vector<16xf32>
          %add3A_823 = arith.addf %add3A_687, %bitcast_convert_type3A_818 : vector<16xf32>
          %add3A_824 = arith.addf %add3A_688, %bitcast_convert_type3A_822 : vector<16xf32>
          %get3A_825 = arith.constant 1 : i32
          %get3A_826 = arith.index_cast %get3A_825 : i32 to index
          %get3A_827 = arith.index_cast %add3A_792 : i32 to index
          %get3A_828 = arith.constant 32 : index
          %get3A_829 = tpu.vector_load %arg6[%get3A_826, %get3A_827, %get3A_828] {strides = array<i32>} : memref<8x100x64xi32, #tpu.memory_space<vmem>>, vector<1x1x16xi32>,
          %get3A_830 = vector.shape_cast %get3A_829 : vector<1x1x16xi32> to vector<16xi32>
          %shift_left3A_831 = arith.constant 16 : i32
          %shift_left3A_832 = vector.broadcast %shift_left3A_831 : i32 to vector<16xi32>
          %shift_left3A_833 = arith.shli %get3A_830, %shift_left3A_832 : vector<16xi32>
          %bitcast_convert_type3A_834 = tpu.bitcast %shift_left3A_833 : vector<16xi32> -> vector<16xf32>
          %and3A_835 = arith.constant -65536 : i32
          %and3A_836 = vector.broadcast %and3A_835 : i32 to vector<16xi32>
          %and3A_837 = arith.andi %get3A_830, %and3A_836 : vector<16xi32>
          %bitcast_convert_type3A_838 = tpu.bitcast %and3A_837 : vector<16xi32> -> vector<16xf32>
          %add3A_839 = arith.addf %add3A_703, %bitcast_convert_type3A_834 : vector<16xf32>
          %add3A_840 = arith.addf %add3A_704, %bitcast_convert_type3A_838 : vector<16xf32>
          %get3A_841 = arith.constant 1 : i32
          %get3A_842 = arith.index_cast %get3A_841 : i32 to index
          %get3A_843 = arith.index_cast %add3A_792 : i32 to index
          %get3A_844 = arith.constant 48 : index
          %get3A_845 = tpu.vector_load %arg6[%get3A_842, %get3A_843, %get3A_844] {strides = array<i32>} : memref<8x100x64xi32, #tpu.memory_space<vmem>>, vector<1x1x16xi32>,
          %get3A_846 = vector.shape_cast %get3A_845 : vector<1x1x16xi32> to vector<16xi32>
          %shift_left3A_847 = arith.constant 16 : i32
          %shift_left3A_848 = vector.broadcast %shift_left3A_847 : i32 to vector<16xi32>
          %shift_left3A_849 = arith.shli %get3A_846, %shift_left3A_848 : vector<16xi32>
          %bitcast_convert_type3A_850 = tpu.bitcast %shift_left3A_849 : vector<16xi32> -> vector<16xf32>
          %and3A_851 = arith.constant -65536 : i32
          %and3A_852 = vector.broadcast %and3A_851 : i32 to vector<16xi32>
          %and3A_853 = arith.andi %get3A_846, %and3A_852 : vector<16xi32>
          %bitcast_convert_type3A_854 = tpu.bitcast %and3A_853 : vector<16xi32> -> vector<16xf32>
          %add3A_855 = arith.addf %add3A_719, %bitcast_convert_type3A_850 : vector<16xf32>
          %add3A_856 = arith.addf %add3A_720, %bitcast_convert_type3A_854 : vector<16xf32>
          %mul3A_857 = arith.constant 4 : i32
          %mul3A_858 = arith.muli %scan3A_640, %mul3A_857 : i32
          %add3A_859 = arith.constant 3 : i32
          %add3A_860 = arith.addi %mul3A_858, %add3A_859 : i32
          %get3A_861 = arith.constant 1 : i32
          %get3A_862 = arith.index_cast %get3A_861 : i32 to index
          %get3A_863 = arith.index_cast %add3A_860 : i32 to index
          %get3A_864 = arith.constant 0 : index
          %get3A_865 = tpu.vector_load %arg6[%get3A_862, %get3A_863, %get3A_864] {strides = array<i32>} : memref<8x100x64xi32, #tpu.memory_space<vmem>>, vector<1x1x16xi32>,
          %get3A_866 = vector.shape_cast %get3A_865 : vector<1x1x16xi32> to vector<16xi32>
          %shift_left3A_867 = arith.constant 16 : i32
          %shift_left3A_868 = vector.broadcast %shift_left3A_867 : i32 to vector<16xi32>
          %shift_left3A_869 = arith.shli %get3A_866, %shift_left3A_868 : vector<16xi32>
          %bitcast_convert_type3A_870 = tpu.bitcast %shift_left3A_869 : vector<16xi32> -> vector<16xf32>
          %and3A_871 = arith.constant -65536 : i32
          %and3A_872 = vector.broadcast %and3A_871 : i32 to vector<16xi32>
          %and3A_873 = arith.andi %get3A_866, %and3A_872 : vector<16xi32>
          %bitcast_convert_type3A_874 = tpu.bitcast %and3A_873 : vector<16xi32> -> vector<16xf32>
          %add3A_875 = arith.addf %add3A_739, %bitcast_convert_type3A_870 : vector<16xf32>
          %add3A_876 = arith.addf %add3A_740, %bitcast_convert_type3A_874 : vector<16xf32>
          %get3A_877 = arith.constant 1 : i32
          %get3A_878 = arith.index_cast %get3A_877 : i32 to index
          %get3A_879 = arith.index_cast %add3A_860 : i32 to index
          %get3A_880 = arith.constant 16 : index
          %get3A_881 = tpu.vector_load %arg6[%get3A_878, %get3A_879, %get3A_880] {strides = array<i32>} : memref<8x100x64xi32, #tpu.memory_space<vmem>>, vector<1x1x16xi32>,
          %get3A_882 = vector.shape_cast %get3A_881 : vector<1x1x16xi32> to vector<16xi32>
          %shift_left3A_883 = arith.constant 16 : i32
          %shift_left3A_884 = vector.broadcast %shift_left3A_883 : i32 to vector<16xi32>
          %shift_left3A_885 = arith.shli %get3A_882, %shift_left3A_884 : vector<16xi32>
          %bitcast_convert_type3A_886 = tpu.bitcast %shift_left3A_885 : vector<16xi32> -> vector<16xf32>
          %and3A_887 = arith.constant -65536 : i32
          %and3A_888 = vector.broadcast %and3A_887 : i32 to vector<16xi32>
          %and3A_889 = arith.andi %get3A_882, %and3A_888 : vector<16xi32>
          %bitcast_convert_type3A_890 = tpu.bitcast %and3A_889 : vector<16xi32> -> vector<16xf32>
          %add3A_891 = arith.addf %add3A_755, %bitcast_convert_type3A_886 : vector<16xf32>
          %add3A_892 = arith.addf %add3A_756, %bitcast_convert_type3A_890 : vector<16xf32>
          %get3A_893 = arith.constant 1 : i32
          %get3A_894 = arith.index_cast %get3A_893 : i32 to index
          %get3A_895 = arith.index_cast %add3A_860 : i32 to index
          %get3A_896 = arith.constant 32 : index
          %get3A_897 = tpu.vector_load %arg6[%get3A_894, %get3A_895, %get3A_896] {strides = array<i32>} : memref<8x100x64xi32, #tpu.memory_space<vmem>>, vector<1x1x16xi32>,
          %get3A_898 = vector.shape_cast %get3A_897 : vector<1x1x16xi32> to vector<16xi32>
          %shift_left3A_899 = arith.constant 16 : i32
          %shift_left3A_900 = vector.broadcast %shift_left3A_899 : i32 to vector<16xi32>
          %shift_left3A_901 = arith.shli %get3A_898, %shift_left3A_900 : vector<16xi32>
          %bitcast_convert_type3A_902 = tpu.bitcast %shift_left3A_901 : vector<16xi32> -> vector<16xf32>
          %and3A_903 = arith.constant -65536 : i32
          %and3A_904 = vector.broadcast %and3A_903 : i32 to vector<16xi32>
          %and3A_905 = arith.andi %get3A_898, %and3A_904 : vector<16xi32>
          %bitcast_convert_type3A_906 = tpu.bitcast %and3A_905 : vector<16xi32> -> vector<16xf32>
          %add3A_907 = arith.addf %add3A_771, %bitcast_convert_type3A_902 : vector<16xf32>
          %add3A_908 = arith.addf %add3A_772, %bitcast_convert_type3A_906 : vector<16xf32>
          %get3A_909 = arith.constant 1 : i32
          %get3A_910 = arith.index_cast %get3A_909 : i32 to index
          %get3A_911 = arith.index_cast %add3A_860 : i32 to index
          %get3A_912 = arith.constant 48 : index
          %get3A_913 = tpu.vector_load %arg6[%get3A_910, %get3A_911, %get3A_912] {strides = array<i32>} : memref<8x100x64xi32, #tpu.memory_space<vmem>>, vector<1x1x16xi32>,
          %get3A_914 = vector.shape_cast %get3A_913 : vector<1x1x16xi32> to vector<16xi32>
          %shift_left3A_915 = arith.constant 16 : i32
          %shift_left3A_916 = vector.broadcast %shift_left3A_915 : i32 to vector<16xi32>
          %shift_left3A_917 = arith.shli %get3A_914, %shift_left3A_916 : vector<16xi32>
          %bitcast_convert_type3A_918 = tpu.bitcast %shift_left3A_917 : vector<16xi32> -> vector<16xf32>
          %and3A_919 = arith.constant -65536 : i32
          %and3A_920 = vector.broadcast %and3A_919 : i32 to vector<16xi32>
          %and3A_921 = arith.andi %get3A_914, %and3A_920 : vector<16xi32>
          %bitcast_convert_type3A_922 = tpu.bitcast %and3A_921 : vector<16xi32> -> vector<16xf32>
          %add3A_923 = arith.addf %add3A_787, %bitcast_convert_type3A_918 : vector<16xf32>
          %add3A_924 = arith.addf %add3A_788, %bitcast_convert_type3A_922 : vector<16xf32>
          scf.yield %add3A_807, %add3A_808, %add3A_823, %add3A_824, %add3A_839, %add3A_840, %add3A_855, %add3A_856, %add3A_875, %add3A_876, %add3A_891, %add3A_892, %add3A_907, %add3A_908, %add3A_923, %add3A_924 : vector<16xf32>, vector<16xf32>, vector<16xf32>, vector<16xf32>, vector<16xf32>, vector<16xf32>, vector<16xf32>, vector<16xf32>, vector<16xf32>, vector<16xf32>, vector<16xf32>, vector<16xf32>, vector<16xf32>, vector<16xf32>, vector<16xf32>, vector<16xf32>
        }
        %scan3A_233 = arith.constant 25 : i32
        %add3A_234 = arith.constant 1 : i32
        %add3A_235 = arith.addi %mul3A_147, %add3A_234 : i32
        %add3A_236 = arith.constant 8 : i32
        %add3A_237 = arith.addi %add3A_235, %add3A_236 : i32
        %add3A_238 = arith.constant 2 : i32
        %add3A_239 = arith.addi %add3A_212, %add3A_238 : i32
        %lt3A_240 = arith.constant 264 : i32
        %lt3A_241 = arith.cmpi slt, %add3A_237, %lt3A_240 : i32
        %convert_element_type3A_242 = arith.extui %lt3A_241 : i1 to i32
        %cond3A_243 = arith.constant 0 : i32
        %cond3A_244 = arith.cmpi ne, %convert_element_type3A_242, %cond3A_243 : i32
        scf.if %cond3A_244 {
          %dma_start3A_640 = arith.constant 1 : i32
          %dma_start3A_641 = arith.constant 1 : i32
          %dma_start3A_642 = arith.constant 1 : i32
          %dma_start3A_643 = arith.constant 0 : i32
          %dma_start3A_644 = arith.constant 0 : i32
          %dma_start3A_645 = tpu.memref_slice %arg6[%dma_start3A_641, %dma_start3A_643, %dma_start3A_644] : memref<8x100x64xi32, #tpu.memory_space<vmem>> -> memref<1x100x64xi32, #tpu.memory_space<vmem>>
          %dma_start3A_646 = tpu.memref_squeeze %dma_start3A_645 : memref<1x100x64xi32, #tpu.memory_space<vmem>> -> memref<100x64xi32, #tpu.memory_space<vmem>>
          %dma_start3A_647 = arith.constant 0 : i32
          %dma_start3A_648 = tpu.memref_slice %arg5[%add3A_239, %dma_start3A_640, %dma_start3A_647] : memref<66x4x100xi32, #tpu.memory_space<vmem>> -> memref<1x1x100xi32, #tpu.memory_space<vmem>>
          %dma_start3A_649 = tpu.memref_squeeze %dma_start3A_648 : memref<1x1x100xi32, #tpu.memory_space<vmem>> -> memref<100xi32, #tpu.memory_space<vmem>>
          %dma_start3A_650 = arith.constant 0 : i32
          %dma_start3A_651 = arith.constant 0 : i32
          %dma_start3A_652 = tpu.memref_slice %arg3[%dma_start3A_650, %dma_start3A_651] : memref<100513x64xi32, #tpu.memory_space<hbm>> -> memref<100513x64xi32, #tpu.memory_space<hbm>>
          %dma_start3A_653 = tpu.memref_slice %arg8[%dma_start3A_642] : memref<8x!tpu.dma_semaphore, #tpu.memory_space<semaphore_mem>> -> memref<1x!tpu.dma_semaphore, #tpu.memory_space<semaphore_mem>>
          %dma_start3A_654 = tpu.memref_squeeze %dma_start3A_653 : memref<1x!tpu.dma_semaphore, #tpu.memory_space<semaphore_mem>> -> memref<!tpu.dma_semaphore, #tpu.memory_space<semaphore_mem>>
          tpu.enqueue_indirect_dma source(%dma_start3A_652 : memref<100513x64xi32, #tpu.memory_space<hbm>>) target(%dma_start3A_646 : memref<100x64xi32, #tpu.memory_space<vmem>>) offsets(%dma_start3A_649 : memref<100xi32, #tpu.memory_space<vmem>>) semaphore(%dma_start3A_654 : memref<!tpu.dma_semaphore, #tpu.memory_space<semaphore_mem>>)
        } else {
        }
        %add3A_245 = arith.constant 0 : i32
        %add3A_246 = arith.addi %mul3A_149, %add3A_245 : i32
        %dma_wait3A_247 = arith.constant 2 : i32
        %dma_wait3A_248 = arith.constant 2 : i32
        %dma_wait3A_249 = arith.constant 2 : i32
        %dma_wait3A_250 = arith.constant 0 : i32
        %dma_wait3A_251 = arith.constant 0 : i32
        %dma_wait3A_252 = tpu.memref_slice %arg6[%dma_wait3A_248, %dma_wait3A_250, %dma_wait3A_251] : memref<8x100x64xi32, #tpu.memory_space<vmem>> -> memref<1x100x64xi32, #tpu.memory_space<vmem>>
        %dma_wait3A_253 = tpu.memref_squeeze %dma_wait3A_252 : memref<1x100x64xi32, #tpu.memory_space<vmem>> -> memref<100x64xi32, #tpu.memory_space<vmem>>
        %dma_wait3A_254 = arith.constant 0 : i32
        %dma_wait3A_255 = tpu.memref_slice %arg5[%add3A_246, %dma_wait3A_247, %dma_wait3A_254] : memref<66x4x100xi32, #tpu.memory_space<vmem>> -> memref<1x1x100xi32, #tpu.memory_space<vmem>>
        %dma_wait3A_256 = tpu.memref_squeeze %dma_wait3A_255 : memref<1x1x100xi32, #tpu.memory_space<vmem>> -> memref<100xi32, #tpu.memory_space<vmem>>
        %dma_wait3A_257 = arith.constant 0 : i32
        %dma_wait3A_258 = arith.constant 0 : i32
        %dma_wait3A_259 = tpu.memref_slice %arg3[%dma_wait3A_257, %dma_wait3A_258] : memref<100513x64xi32, #tpu.memory_space<hbm>> -> memref<100513x64xi32, #tpu.memory_space<hbm>>
        %dma_wait3A_260 = tpu.memref_slice %arg8[%dma_wait3A_249] : memref<8x!tpu.dma_semaphore, #tpu.memory_space<semaphore_mem>> -> memref<1x!tpu.dma_semaphore, #tpu.memory_space<semaphore_mem>>
        %dma_wait3A_261 = tpu.memref_squeeze %dma_wait3A_260 : memref<1x!tpu.dma_semaphore, #tpu.memory_space<semaphore_mem>> -> memref<!tpu.dma_semaphore, #tpu.memory_space<semaphore_mem>>
        tpu.wait_indirect_dma semaphore(%dma_wait3A_261 : memref<!tpu.dma_semaphore, #tpu.memory_space<semaphore_mem>>) src(%dma_wait3A_259 : memref<100513x64xi32, #tpu.memory_space<hbm>>) dst(%dma_wait3A_253 : memref<100x64xi32, #tpu.memory_space<vmem>>)
        %scan3A_262 = arith.constant 0 : i32
        %scan3A_263 = arith.constant 25 : i32
        %scan3A_264 = arith.addi %scan3A_262, %scan3A_263 : i32
        %scan3A_265 = arith.constant 1 : i32
        %scan3A_266:16 = scf.for %scan3A_640 = %scan3A_262 to %scan3A_264 step %scan3A_265 iter_args(%scan3A_641 = %scan3A_232#0, %scan3A_642 = %scan3A_232#1, %scan3A_643 = %scan3A_232#2, %scan3A_644 = %scan3A_232#3, %scan3A_645 = %scan3A_232#4, %scan3A_646 = %scan3A_232#5, %scan3A_647 = %scan3A_232#6, %scan3A_648 = %scan3A_232#7, %scan3A_649 = %scan3A_232#8, %scan3A_650 = %scan3A_232#9, %scan3A_651 = %scan3A_232#10, %scan3A_652 = %scan3A_232#11, %scan3A_653 = %scan3A_232#12, %scan3A_654 = %scan3A_232#13, %scan3A_655 = %scan3A_232#14, %scan3A_656 = %scan3A_232#15) -> (vector<16xf32>, vector<16xf32>, vector<16xf32>, vector<16xf32>, vector<16xf32>, vector<16xf32>, vector<16xf32>, vector<16xf32>, vector<16xf32>, vector<16xf32>, vector<16xf32>, vector<16xf32>, vector<16xf32>, vector<16xf32>, vector<16xf32>, vector<16xf32>)  : i32 {
          %mul3A_657 = arith.constant 4 : i32
          %mul3A_658 = arith.muli %scan3A_640, %mul3A_657 : i32
          %add3A_659 = arith.constant 0 : i32
          %add3A_660 = arith.addi %mul3A_658, %add3A_659 : i32
          %get3A = arith.constant 2 : i32
          %get3A_661 = arith.index_cast %get3A : i32 to index
          %get3A_662 = arith.index_cast %add3A_660 : i32 to index
          %get3A_663 = arith.constant 0 : index
          %get3A_664 = tpu.vector_load %arg6[%get3A_661, %get3A_662, %get3A_663] {strides = array<i32>} : memref<8x100x64xi32, #tpu.memory_space<vmem>>, vector<1x1x16xi32>,
          %get3A_665 = vector.shape_cast %get3A_664 : vector<1x1x16xi32> to vector<16xi32>
          %shift_left3A = arith.constant 16 : i32
          %shift_left3A_666 = vector.broadcast %shift_left3A : i32 to vector<16xi32>
          %shift_left3A_667 = arith.shli %get3A_665, %shift_left3A_666 : vector<16xi32>
          %bitcast_convert_type3A = tpu.bitcast %shift_left3A_667 : vector<16xi32> -> vector<16xf32>
          %and3A = arith.constant -65536 : i32
          %and3A_668 = vector.broadcast %and3A : i32 to vector<16xi32>
          %and3A_669 = arith.andi %get3A_665, %and3A_668 : vector<16xi32>
          %bitcast_convert_type3A_670 = tpu.bitcast %and3A_669 : vector<16xi32> -> vector<16xf32>
          %add3A_671 = arith.addf %scan3A_641, %bitcast_convert_type3A : vector<16xf32>
          %add3A_672 = arith.addf %scan3A_642, %bitcast_convert_type3A_670 : vector<16xf32>
          %get3A_673 = arith.constant 2 : i32
          %get3A_674 = arith.index_cast %get3A_673 : i32 to index
          %get3A_675 = arith.index_cast %add3A_660 : i32 to index
          %get3A_676 = arith.constant 16 : index
          %get3A_677 = tpu.vector_load %arg6[%get3A_674, %get3A_675, %get3A_676] {strides = array<i32>} : memref<8x100x64xi32, #tpu.memory_space<vmem>>, vector<1x1x16xi32>,
          %get3A_678 = vector.shape_cast %get3A_677 : vector<1x1x16xi32> to vector<16xi32>
          %shift_left3A_679 = arith.constant 16 : i32
          %shift_left3A_680 = vector.broadcast %shift_left3A_679 : i32 to vector<16xi32>
          %shift_left3A_681 = arith.shli %get3A_678, %shift_left3A_680 : vector<16xi32>
          %bitcast_convert_type3A_682 = tpu.bitcast %shift_left3A_681 : vector<16xi32> -> vector<16xf32>
          %and3A_683 = arith.constant -65536 : i32
          %and3A_684 = vector.broadcast %and3A_683 : i32 to vector<16xi32>
          %and3A_685 = arith.andi %get3A_678, %and3A_684 : vector<16xi32>
          %bitcast_convert_type3A_686 = tpu.bitcast %and3A_685 : vector<16xi32> -> vector<16xf32>
          %add3A_687 = arith.addf %scan3A_643, %bitcast_convert_type3A_682 : vector<16xf32>
          %add3A_688 = arith.addf %scan3A_644, %bitcast_convert_type3A_686 : vector<16xf32>
          %get3A_689 = arith.constant 2 : i32
          %get3A_690 = arith.index_cast %get3A_689 : i32 to index
          %get3A_691 = arith.index_cast %add3A_660 : i32 to index
          %get3A_692 = arith.constant 32 : index
          %get3A_693 = tpu.vector_load %arg6[%get3A_690, %get3A_691, %get3A_692] {strides = array<i32>} : memref<8x100x64xi32, #tpu.memory_space<vmem>>, vector<1x1x16xi32>,
          %get3A_694 = vector.shape_cast %get3A_693 : vector<1x1x16xi32> to vector<16xi32>
          %shift_left3A_695 = arith.constant 16 : i32
          %shift_left3A_696 = vector.broadcast %shift_left3A_695 : i32 to vector<16xi32>
          %shift_left3A_697 = arith.shli %get3A_694, %shift_left3A_696 : vector<16xi32>
          %bitcast_convert_type3A_698 = tpu.bitcast %shift_left3A_697 : vector<16xi32> -> vector<16xf32>
          %and3A_699 = arith.constant -65536 : i32
          %and3A_700 = vector.broadcast %and3A_699 : i32 to vector<16xi32>
          %and3A_701 = arith.andi %get3A_694, %and3A_700 : vector<16xi32>
          %bitcast_convert_type3A_702 = tpu.bitcast %and3A_701 : vector<16xi32> -> vector<16xf32>
          %add3A_703 = arith.addf %scan3A_645, %bitcast_convert_type3A_698 : vector<16xf32>
          %add3A_704 = arith.addf %scan3A_646, %bitcast_convert_type3A_702 : vector<16xf32>
          %get3A_705 = arith.constant 2 : i32
          %get3A_706 = arith.index_cast %get3A_705 : i32 to index
          %get3A_707 = arith.index_cast %add3A_660 : i32 to index
          %get3A_708 = arith.constant 48 : index
          %get3A_709 = tpu.vector_load %arg6[%get3A_706, %get3A_707, %get3A_708] {strides = array<i32>} : memref<8x100x64xi32, #tpu.memory_space<vmem>>, vector<1x1x16xi32>,
          %get3A_710 = vector.shape_cast %get3A_709 : vector<1x1x16xi32> to vector<16xi32>
          %shift_left3A_711 = arith.constant 16 : i32
          %shift_left3A_712 = vector.broadcast %shift_left3A_711 : i32 to vector<16xi32>
          %shift_left3A_713 = arith.shli %get3A_710, %shift_left3A_712 : vector<16xi32>
          %bitcast_convert_type3A_714 = tpu.bitcast %shift_left3A_713 : vector<16xi32> -> vector<16xf32>
          %and3A_715 = arith.constant -65536 : i32
          %and3A_716 = vector.broadcast %and3A_715 : i32 to vector<16xi32>
          %and3A_717 = arith.andi %get3A_710, %and3A_716 : vector<16xi32>
          %bitcast_convert_type3A_718 = tpu.bitcast %and3A_717 : vector<16xi32> -> vector<16xf32>
          %add3A_719 = arith.addf %scan3A_647, %bitcast_convert_type3A_714 : vector<16xf32>
          %add3A_720 = arith.addf %scan3A_648, %bitcast_convert_type3A_718 : vector<16xf32>
          %mul3A_721 = arith.constant 4 : i32
          %mul3A_722 = arith.muli %scan3A_640, %mul3A_721 : i32
          %add3A_723 = arith.constant 1 : i32
          %add3A_724 = arith.addi %mul3A_722, %add3A_723 : i32
          %get3A_725 = arith.constant 2 : i32
          %get3A_726 = arith.index_cast %get3A_725 : i32 to index
          %get3A_727 = arith.index_cast %add3A_724 : i32 to index
          %get3A_728 = arith.constant 0 : index
          %get3A_729 = tpu.vector_load %arg6[%get3A_726, %get3A_727, %get3A_728] {strides = array<i32>} : memref<8x100x64xi32, #tpu.memory_space<vmem>>, vector<1x1x16xi32>,
          %get3A_730 = vector.shape_cast %get3A_729 : vector<1x1x16xi32> to vector<16xi32>
          %shift_left3A_731 = arith.constant 16 : i32
          %shift_left3A_732 = vector.broadcast %shift_left3A_731 : i32 to vector<16xi32>
          %shift_left3A_733 = arith.shli %get3A_730, %shift_left3A_732 : vector<16xi32>
          %bitcast_convert_type3A_734 = tpu.bitcast %shift_left3A_733 : vector<16xi32> -> vector<16xf32>
          %and3A_735 = arith.constant -65536 : i32
          %and3A_736 = vector.broadcast %and3A_735 : i32 to vector<16xi32>
          %and3A_737 = arith.andi %get3A_730, %and3A_736 : vector<16xi32>
          %bitcast_convert_type3A_738 = tpu.bitcast %and3A_737 : vector<16xi32> -> vector<16xf32>
          %add3A_739 = arith.addf %scan3A_649, %bitcast_convert_type3A_734 : vector<16xf32>
          %add3A_740 = arith.addf %scan3A_650, %bitcast_convert_type3A_738 : vector<16xf32>
          %get3A_741 = arith.constant 2 : i32
          %get3A_742 = arith.index_cast %get3A_741 : i32 to index
          %get3A_743 = arith.index_cast %add3A_724 : i32 to index
          %get3A_744 = arith.constant 16 : index
          %get3A_745 = tpu.vector_load %arg6[%get3A_742, %get3A_743, %get3A_744] {strides = array<i32>} : memref<8x100x64xi32, #tpu.memory_space<vmem>>, vector<1x1x16xi32>,
          %get3A_746 = vector.shape_cast %get3A_745 : vector<1x1x16xi32> to vector<16xi32>
          %shift_left3A_747 = arith.constant 16 : i32
          %shift_left3A_748 = vector.broadcast %shift_left3A_747 : i32 to vector<16xi32>
          %shift_left3A_749 = arith.shli %get3A_746, %shift_left3A_748 : vector<16xi32>
          %bitcast_convert_type3A_750 = tpu.bitcast %shift_left3A_749 : vector<16xi32> -> vector<16xf32>
          %and3A_751 = arith.constant -65536 : i32
          %and3A_752 = vector.broadcast %and3A_751 : i32 to vector<16xi32>
          %and3A_753 = arith.andi %get3A_746, %and3A_752 : vector<16xi32>
          %bitcast_convert_type3A_754 = tpu.bitcast %and3A_753 : vector<16xi32> -> vector<16xf32>
          %add3A_755 = arith.addf %scan3A_651, %bitcast_convert_type3A_750 : vector<16xf32>
          %add3A_756 = arith.addf %scan3A_652, %bitcast_convert_type3A_754 : vector<16xf32>
          %get3A_757 = arith.constant 2 : i32
          %get3A_758 = arith.index_cast %get3A_757 : i32 to index
          %get3A_759 = arith.index_cast %add3A_724 : i32 to index
          %get3A_760 = arith.constant 32 : index
          %get3A_761 = tpu.vector_load %arg6[%get3A_758, %get3A_759, %get3A_760] {strides = array<i32>} : memref<8x100x64xi32, #tpu.memory_space<vmem>>, vector<1x1x16xi32>,
          %get3A_762 = vector.shape_cast %get3A_761 : vector<1x1x16xi32> to vector<16xi32>
          %shift_left3A_763 = arith.constant 16 : i32
          %shift_left3A_764 = vector.broadcast %shift_left3A_763 : i32 to vector<16xi32>
          %shift_left3A_765 = arith.shli %get3A_762, %shift_left3A_764 : vector<16xi32>
          %bitcast_convert_type3A_766 = tpu.bitcast %shift_left3A_765 : vector<16xi32> -> vector<16xf32>
          %and3A_767 = arith.constant -65536 : i32
          %and3A_768 = vector.broadcast %and3A_767 : i32 to vector<16xi32>
          %and3A_769 = arith.andi %get3A_762, %and3A_768 : vector<16xi32>
          %bitcast_convert_type3A_770 = tpu.bitcast %and3A_769 : vector<16xi32> -> vector<16xf32>
          %add3A_771 = arith.addf %scan3A_653, %bitcast_convert_type3A_766 : vector<16xf32>
          %add3A_772 = arith.addf %scan3A_654, %bitcast_convert_type3A_770 : vector<16xf32>
          %get3A_773 = arith.constant 2 : i32
          %get3A_774 = arith.index_cast %get3A_773 : i32 to index
          %get3A_775 = arith.index_cast %add3A_724 : i32 to index
          %get3A_776 = arith.constant 48 : index
          %get3A_777 = tpu.vector_load %arg6[%get3A_774, %get3A_775, %get3A_776] {strides = array<i32>} : memref<8x100x64xi32, #tpu.memory_space<vmem>>, vector<1x1x16xi32>,
          %get3A_778 = vector.shape_cast %get3A_777 : vector<1x1x16xi32> to vector<16xi32>
          %shift_left3A_779 = arith.constant 16 : i32
          %shift_left3A_780 = vector.broadcast %shift_left3A_779 : i32 to vector<16xi32>
          %shift_left3A_781 = arith.shli %get3A_778, %shift_left3A_780 : vector<16xi32>
          %bitcast_convert_type3A_782 = tpu.bitcast %shift_left3A_781 : vector<16xi32> -> vector<16xf32>
          %and3A_783 = arith.constant -65536 : i32
          %and3A_784 = vector.broadcast %and3A_783 : i32 to vector<16xi32>
          %and3A_785 = arith.andi %get3A_778, %and3A_784 : vector<16xi32>
          %bitcast_convert_type3A_786 = tpu.bitcast %and3A_785 : vector<16xi32> -> vector<16xf32>
          %add3A_787 = arith.addf %scan3A_655, %bitcast_convert_type3A_782 : vector<16xf32>
          %add3A_788 = arith.addf %scan3A_656, %bitcast_convert_type3A_786 : vector<16xf32>
          %mul3A_789 = arith.constant 4 : i32
          %mul3A_790 = arith.muli %scan3A_640, %mul3A_789 : i32
          %add3A_791 = arith.constant 2 : i32
          %add3A_792 = arith.addi %mul3A_790, %add3A_791 : i32
          %get3A_793 = arith.constant 2 : i32
          %get3A_794 = arith.index_cast %get3A_793 : i32 to index
          %get3A_795 = arith.index_cast %add3A_792 : i32 to index
          %get3A_796 = arith.constant 0 : index
          %get3A_797 = tpu.vector_load %arg6[%get3A_794, %get3A_795, %get3A_796] {strides = array<i32>} : memref<8x100x64xi32, #tpu.memory_space<vmem>>, vector<1x1x16xi32>,
          %get3A_798 = vector.shape_cast %get3A_797 : vector<1x1x16xi32> to vector<16xi32>
          %shift_left3A_799 = arith.constant 16 : i32
          %shift_left3A_800 = vector.broadcast %shift_left3A_799 : i32 to vector<16xi32>
          %shift_left3A_801 = arith.shli %get3A_798, %shift_left3A_800 : vector<16xi32>
          %bitcast_convert_type3A_802 = tpu.bitcast %shift_left3A_801 : vector<16xi32> -> vector<16xf32>
          %and3A_803 = arith.constant -65536 : i32
          %and3A_804 = vector.broadcast %and3A_803 : i32 to vector<16xi32>
          %and3A_805 = arith.andi %get3A_798, %and3A_804 : vector<16xi32>
          %bitcast_convert_type3A_806 = tpu.bitcast %and3A_805 : vector<16xi32> -> vector<16xf32>
          %add3A_807 = arith.addf %add3A_671, %bitcast_convert_type3A_802 : vector<16xf32>
          %add3A_808 = arith.addf %add3A_672, %bitcast_convert_type3A_806 : vector<16xf32>
          %get3A_809 = arith.constant 2 : i32
          %get3A_810 = arith.index_cast %get3A_809 : i32 to index
          %get3A_811 = arith.index_cast %add3A_792 : i32 to index
          %get3A_812 = arith.constant 16 : index
          %get3A_813 = tpu.vector_load %arg6[%get3A_810, %get3A_811, %get3A_812] {strides = array<i32>} : memref<8x100x64xi32, #tpu.memory_space<vmem>>, vector<1x1x16xi32>,
          %get3A_814 = vector.shape_cast %get3A_813 : vector<1x1x16xi32> to vector<16xi32>
          %shift_left3A_815 = arith.constant 16 : i32
          %shift_left3A_816 = vector.broadcast %shift_left3A_815 : i32 to vector<16xi32>
          %shift_left3A_817 = arith.shli %get3A_814, %shift_left3A_816 : vector<16xi32>
          %bitcast_convert_type3A_818 = tpu.bitcast %shift_left3A_817 : vector<16xi32> -> vector<16xf32>
          %and3A_819 = arith.constant -65536 : i32
          %and3A_820 = vector.broadcast %and3A_819 : i32 to vector<16xi32>
          %and3A_821 = arith.andi %get3A_814, %and3A_820 : vector<16xi32>
          %bitcast_convert_type3A_822 = tpu.bitcast %and3A_821 : vector<16xi32> -> vector<16xf32>
          %add3A_823 = arith.addf %add3A_687, %bitcast_convert_type3A_818 : vector<16xf32>
          %add3A_824 = arith.addf %add3A_688, %bitcast_convert_type3A_822 : vector<16xf32>
          %get3A_825 = arith.constant 2 : i32
          %get3A_826 = arith.index_cast %get3A_825 : i32 to index
          %get3A_827 = arith.index_cast %add3A_792 : i32 to index
          %get3A_828 = arith.constant 32 : index
          %get3A_829 = tpu.vector_load %arg6[%get3A_826, %get3A_827, %get3A_828] {strides = array<i32>} : memref<8x100x64xi32, #tpu.memory_space<vmem>>, vector<1x1x16xi32>,
          %get3A_830 = vector.shape_cast %get3A_829 : vector<1x1x16xi32> to vector<16xi32>
          %shift_left3A_831 = arith.constant 16 : i32
          %shift_left3A_832 = vector.broadcast %shift_left3A_831 : i32 to vector<16xi32>
          %shift_left3A_833 = arith.shli %get3A_830, %shift_left3A_832 : vector<16xi32>
          %bitcast_convert_type3A_834 = tpu.bitcast %shift_left3A_833 : vector<16xi32> -> vector<16xf32>
          %and3A_835 = arith.constant -65536 : i32
          %and3A_836 = vector.broadcast %and3A_835 : i32 to vector<16xi32>
          %and3A_837 = arith.andi %get3A_830, %and3A_836 : vector<16xi32>
          %bitcast_convert_type3A_838 = tpu.bitcast %and3A_837 : vector<16xi32> -> vector<16xf32>
          %add3A_839 = arith.addf %add3A_703, %bitcast_convert_type3A_834 : vector<16xf32>
          %add3A_840 = arith.addf %add3A_704, %bitcast_convert_type3A_838 : vector<16xf32>
          %get3A_841 = arith.constant 2 : i32
          %get3A_842 = arith.index_cast %get3A_841 : i32 to index
          %get3A_843 = arith.index_cast %add3A_792 : i32 to index
          %get3A_844 = arith.constant 48 : index
          %get3A_845 = tpu.vector_load %arg6[%get3A_842, %get3A_843, %get3A_844] {strides = array<i32>} : memref<8x100x64xi32, #tpu.memory_space<vmem>>, vector<1x1x16xi32>,
          %get3A_846 = vector.shape_cast %get3A_845 : vector<1x1x16xi32> to vector<16xi32>
          %shift_left3A_847 = arith.constant 16 : i32
          %shift_left3A_848 = vector.broadcast %shift_left3A_847 : i32 to vector<16xi32>
          %shift_left3A_849 = arith.shli %get3A_846, %shift_left3A_848 : vector<16xi32>
          %bitcast_convert_type3A_850 = tpu.bitcast %shift_left3A_849 : vector<16xi32> -> vector<16xf32>
          %and3A_851 = arith.constant -65536 : i32
          %and3A_852 = vector.broadcast %and3A_851 : i32 to vector<16xi32>
          %and3A_853 = arith.andi %get3A_846, %and3A_852 : vector<16xi32>
          %bitcast_convert_type3A_854 = tpu.bitcast %and3A_853 : vector<16xi32> -> vector<16xf32>
          %add3A_855 = arith.addf %add3A_719, %bitcast_convert_type3A_850 : vector<16xf32>
          %add3A_856 = arith.addf %add3A_720, %bitcast_convert_type3A_854 : vector<16xf32>
          %mul3A_857 = arith.constant 4 : i32
          %mul3A_858 = arith.muli %scan3A_640, %mul3A_857 : i32
          %add3A_859 = arith.constant 3 : i32
          %add3A_860 = arith.addi %mul3A_858, %add3A_859 : i32
          %get3A_861 = arith.constant 2 : i32
          %get3A_862 = arith.index_cast %get3A_861 : i32 to index
          %get3A_863 = arith.index_cast %add3A_860 : i32 to index
          %get3A_864 = arith.constant 0 : index
          %get3A_865 = tpu.vector_load %arg6[%get3A_862, %get3A_863, %get3A_864] {strides = array<i32>} : memref<8x100x64xi32, #tpu.memory_space<vmem>>, vector<1x1x16xi32>,
          %get3A_866 = vector.shape_cast %get3A_865 : vector<1x1x16xi32> to vector<16xi32>
          %shift_left3A_867 = arith.constant 16 : i32
          %shift_left3A_868 = vector.broadcast %shift_left3A_867 : i32 to vector<16xi32>
          %shift_left3A_869 = arith.shli %get3A_866, %shift_left3A_868 : vector<16xi32>
          %bitcast_convert_type3A_870 = tpu.bitcast %shift_left3A_869 : vector<16xi32> -> vector<16xf32>
          %and3A_871 = arith.constant -65536 : i32
          %and3A_872 = vector.broadcast %and3A_871 : i32 to vector<16xi32>
          %and3A_873 = arith.andi %get3A_866, %and3A_872 : vector<16xi32>
          %bitcast_convert_type3A_874 = tpu.bitcast %and3A_873 : vector<16xi32> -> vector<16xf32>
          %add3A_875 = arith.addf %add3A_739, %bitcast_convert_type3A_870 : vector<16xf32>
          %add3A_876 = arith.addf %add3A_740, %bitcast_convert_type3A_874 : vector<16xf32>
          %get3A_877 = arith.constant 2 : i32
          %get3A_878 = arith.index_cast %get3A_877 : i32 to index
          %get3A_879 = arith.index_cast %add3A_860 : i32 to index
          %get3A_880 = arith.constant 16 : index
          %get3A_881 = tpu.vector_load %arg6[%get3A_878, %get3A_879, %get3A_880] {strides = array<i32>} : memref<8x100x64xi32, #tpu.memory_space<vmem>>, vector<1x1x16xi32>,
          %get3A_882 = vector.shape_cast %get3A_881 : vector<1x1x16xi32> to vector<16xi32>
          %shift_left3A_883 = arith.constant 16 : i32
          %shift_left3A_884 = vector.broadcast %shift_left3A_883 : i32 to vector<16xi32>
          %shift_left3A_885 = arith.shli %get3A_882, %shift_left3A_884 : vector<16xi32>
          %bitcast_convert_type3A_886 = tpu.bitcast %shift_left3A_885 : vector<16xi32> -> vector<16xf32>
          %and3A_887 = arith.constant -65536 : i32
          %and3A_888 = vector.broadcast %and3A_887 : i32 to vector<16xi32>
          %and3A_889 = arith.andi %get3A_882, %and3A_888 : vector<16xi32>
          %bitcast_convert_type3A_890 = tpu.bitcast %and3A_889 : vector<16xi32> -> vector<16xf32>
          %add3A_891 = arith.addf %add3A_755, %bitcast_convert_type3A_886 : vector<16xf32>
          %add3A_892 = arith.addf %add3A_756, %bitcast_convert_type3A_890 : vector<16xf32>
          %get3A_893 = arith.constant 2 : i32
          %get3A_894 = arith.index_cast %get3A_893 : i32 to index
          %get3A_895 = arith.index_cast %add3A_860 : i32 to index
          %get3A_896 = arith.constant 32 : index
          %get3A_897 = tpu.vector_load %arg6[%get3A_894, %get3A_895, %get3A_896] {strides = array<i32>} : memref<8x100x64xi32, #tpu.memory_space<vmem>>, vector<1x1x16xi32>,
          %get3A_898 = vector.shape_cast %get3A_897 : vector<1x1x16xi32> to vector<16xi32>
          %shift_left3A_899 = arith.constant 16 : i32
          %shift_left3A_900 = vector.broadcast %shift_left3A_899 : i32 to vector<16xi32>
          %shift_left3A_901 = arith.shli %get3A_898, %shift_left3A_900 : vector<16xi32>
          %bitcast_convert_type3A_902 = tpu.bitcast %shift_left3A_901 : vector<16xi32> -> vector<16xf32>
          %and3A_903 = arith.constant -65536 : i32
          %and3A_904 = vector.broadcast %and3A_903 : i32 to vector<16xi32>
          %and3A_905 = arith.andi %get3A_898, %and3A_904 : vector<16xi32>
          %bitcast_convert_type3A_906 = tpu.bitcast %and3A_905 : vector<16xi32> -> vector<16xf32>
          %add3A_907 = arith.addf %add3A_771, %bitcast_convert_type3A_902 : vector<16xf32>
          %add3A_908 = arith.addf %add3A_772, %bitcast_convert_type3A_906 : vector<16xf32>
          %get3A_909 = arith.constant 2 : i32
          %get3A_910 = arith.index_cast %get3A_909 : i32 to index
          %get3A_911 = arith.index_cast %add3A_860 : i32 to index
          %get3A_912 = arith.constant 48 : index
          %get3A_913 = tpu.vector_load %arg6[%get3A_910, %get3A_911, %get3A_912] {strides = array<i32>} : memref<8x100x64xi32, #tpu.memory_space<vmem>>, vector<1x1x16xi32>,
          %get3A_914 = vector.shape_cast %get3A_913 : vector<1x1x16xi32> to vector<16xi32>
          %shift_left3A_915 = arith.constant 16 : i32
          %shift_left3A_916 = vector.broadcast %shift_left3A_915 : i32 to vector<16xi32>
          %shift_left3A_917 = arith.shli %get3A_914, %shift_left3A_916 : vector<16xi32>
          %bitcast_convert_type3A_918 = tpu.bitcast %shift_left3A_917 : vector<16xi32> -> vector<16xf32>
          %and3A_919 = arith.constant -65536 : i32
          %and3A_920 = vector.broadcast %and3A_919 : i32 to vector<16xi32>
          %and3A_921 = arith.andi %get3A_914, %and3A_920 : vector<16xi32>
          %bitcast_convert_type3A_922 = tpu.bitcast %and3A_921 : vector<16xi32> -> vector<16xf32>
          %add3A_923 = arith.addf %add3A_787, %bitcast_convert_type3A_918 : vector<16xf32>
          %add3A_924 = arith.addf %add3A_788, %bitcast_convert_type3A_922 : vector<16xf32>
          scf.yield %add3A_807, %add3A_808, %add3A_823, %add3A_824, %add3A_839, %add3A_840, %add3A_855, %add3A_856, %add3A_875, %add3A_876, %add3A_891, %add3A_892, %add3A_907, %add3A_908, %add3A_923, %add3A_924 : vector<16xf32>, vector<16xf32>, vector<16xf32>, vector<16xf32>, vector<16xf32>, vector<16xf32>, vector<16xf32>, vector<16xf32>, vector<16xf32>, vector<16xf32>, vector<16xf32>, vector<16xf32>, vector<16xf32>, vector<16xf32>, vector<16xf32>, vector<16xf32>
        }
        %scan3A_267 = arith.constant 25 : i32
        %add3A_268 = arith.constant 2 : i32
        %add3A_269 = arith.addi %mul3A_147, %add3A_268 : i32
        %add3A_270 = arith.constant 8 : i32
        %add3A_271 = arith.addi %add3A_269, %add3A_270 : i32
        %add3A_272 = arith.constant 2 : i32
        %add3A_273 = arith.addi %add3A_246, %add3A_272 : i32
        %lt3A_274 = arith.constant 264 : i32
        %lt3A_275 = arith.cmpi slt, %add3A_271, %lt3A_274 : i32
        %convert_element_type3A_276 = arith.extui %lt3A_275 : i1 to i32
        %cond3A_277 = arith.constant 0 : i32
        %cond3A_278 = arith.cmpi ne, %convert_element_type3A_276, %cond3A_277 : i32
        scf.if %cond3A_278 {
          %dma_start3A_640 = arith.constant 2 : i32
          %dma_start3A_641 = arith.constant 2 : i32
          %dma_start3A_642 = arith.constant 2 : i32
          %dma_start3A_643 = arith.constant 0 : i32
          %dma_start3A_644 = arith.constant 0 : i32
          %dma_start3A_645 = tpu.memref_slice %arg6[%dma_start3A_641, %dma_start3A_643, %dma_start3A_644] : memref<8x100x64xi32, #tpu.memory_space<vmem>> -> memref<1x100x64xi32, #tpu.memory_space<vmem>>
          %dma_start3A_646 = tpu.memref_squeeze %dma_start3A_645 : memref<1x100x64xi32, #tpu.memory_space<vmem>> -> memref<100x64xi32, #tpu.memory_space<vmem>>
          %dma_start3A_647 = arith.constant 0 : i32
          %dma_start3A_648 = tpu.memref_slice %arg5[%add3A_273, %dma_start3A_640, %dma_start3A_647] : memref<66x4x100xi32, #tpu.memory_space<vmem>> -> memref<1x1x100xi32, #tpu.memory_space<vmem>>
          %dma_start3A_649 = tpu.memref_squeeze %dma_start3A_648 : memref<1x1x100xi32, #tpu.memory_space<vmem>> -> memref<100xi32, #tpu.memory_space<vmem>>
          %dma_start3A_650 = arith.constant 0 : i32
          %dma_start3A_651 = arith.constant 0 : i32
          %dma_start3A_652 = tpu.memref_slice %arg3[%dma_start3A_650, %dma_start3A_651] : memref<100513x64xi32, #tpu.memory_space<hbm>> -> memref<100513x64xi32, #tpu.memory_space<hbm>>
          %dma_start3A_653 = tpu.memref_slice %arg8[%dma_start3A_642] : memref<8x!tpu.dma_semaphore, #tpu.memory_space<semaphore_mem>> -> memref<1x!tpu.dma_semaphore, #tpu.memory_space<semaphore_mem>>
          %dma_start3A_654 = tpu.memref_squeeze %dma_start3A_653 : memref<1x!tpu.dma_semaphore, #tpu.memory_space<semaphore_mem>> -> memref<!tpu.dma_semaphore, #tpu.memory_space<semaphore_mem>>
          tpu.enqueue_indirect_dma source(%dma_start3A_652 : memref<100513x64xi32, #tpu.memory_space<hbm>>) target(%dma_start3A_646 : memref<100x64xi32, #tpu.memory_space<vmem>>) offsets(%dma_start3A_649 : memref<100xi32, #tpu.memory_space<vmem>>) semaphore(%dma_start3A_654 : memref<!tpu.dma_semaphore, #tpu.memory_space<semaphore_mem>>)
        } else {
        }
        %add3A_279 = arith.constant 0 : i32
        %add3A_280 = arith.addi %mul3A_149, %add3A_279 : i32
        %dma_wait3A_281 = arith.constant 3 : i32
        %dma_wait3A_282 = arith.constant 3 : i32
        %dma_wait3A_283 = arith.constant 3 : i32
        %dma_wait3A_284 = arith.constant 0 : i32
        %dma_wait3A_285 = arith.constant 0 : i32
        %dma_wait3A_286 = tpu.memref_slice %arg6[%dma_wait3A_282, %dma_wait3A_284, %dma_wait3A_285] : memref<8x100x64xi32, #tpu.memory_space<vmem>> -> memref<1x100x64xi32, #tpu.memory_space<vmem>>
        %dma_wait3A_287 = tpu.memref_squeeze %dma_wait3A_286 : memref<1x100x64xi32, #tpu.memory_space<vmem>> -> memref<100x64xi32, #tpu.memory_space<vmem>>
        %dma_wait3A_288 = arith.constant 0 : i32
        %dma_wait3A_289 = tpu.memref_slice %arg5[%add3A_280, %dma_wait3A_281, %dma_wait3A_288] : memref<66x4x100xi32, #tpu.memory_space<vmem>> -> memref<1x1x100xi32, #tpu.memory_space<vmem>>
        %dma_wait3A_290 = tpu.memref_squeeze %dma_wait3A_289 : memref<1x1x100xi32, #tpu.memory_space<vmem>> -> memref<100xi32, #tpu.memory_space<vmem>>
        %dma_wait3A_291 = arith.constant 0 : i32
        %dma_wait3A_292 = arith.constant 0 : i32
        %dma_wait3A_293 = tpu.memref_slice %arg3[%dma_wait3A_291, %dma_wait3A_292] : memref<100513x64xi32, #tpu.memory_space<hbm>> -> memref<100513x64xi32, #tpu.memory_space<hbm>>
        %dma_wait3A_294 = tpu.memref_slice %arg8[%dma_wait3A_283] : memref<8x!tpu.dma_semaphore, #tpu.memory_space<semaphore_mem>> -> memref<1x!tpu.dma_semaphore, #tpu.memory_space<semaphore_mem>>
        %dma_wait3A_295 = tpu.memref_squeeze %dma_wait3A_294 : memref<1x!tpu.dma_semaphore, #tpu.memory_space<semaphore_mem>> -> memref<!tpu.dma_semaphore, #tpu.memory_space<semaphore_mem>>
        tpu.wait_indirect_dma semaphore(%dma_wait3A_295 : memref<!tpu.dma_semaphore, #tpu.memory_space<semaphore_mem>>) src(%dma_wait3A_293 : memref<100513x64xi32, #tpu.memory_space<hbm>>) dst(%dma_wait3A_287 : memref<100x64xi32, #tpu.memory_space<vmem>>)
        %scan3A_296 = arith.constant 0 : i32
        %scan3A_297 = arith.constant 25 : i32
        %scan3A_298 = arith.addi %scan3A_296, %scan3A_297 : i32
        %scan3A_299 = arith.constant 1 : i32
        %scan3A_300:16 = scf.for %scan3A_640 = %scan3A_296 to %scan3A_298 step %scan3A_299 iter_args(%scan3A_641 = %scan3A_266#0, %scan3A_642 = %scan3A_266#1, %scan3A_643 = %scan3A_266#2, %scan3A_644 = %scan3A_266#3, %scan3A_645 = %scan3A_266#4, %scan3A_646 = %scan3A_266#5, %scan3A_647 = %scan3A_266#6, %scan3A_648 = %scan3A_266#7, %scan3A_649 = %scan3A_266#8, %scan3A_650 = %scan3A_266#9, %scan3A_651 = %scan3A_266#10, %scan3A_652 = %scan3A_266#11, %scan3A_653 = %scan3A_266#12, %scan3A_654 = %scan3A_266#13, %scan3A_655 = %scan3A_266#14, %scan3A_656 = %scan3A_266#15) -> (vector<16xf32>, vector<16xf32>, vector<16xf32>, vector<16xf32>, vector<16xf32>, vector<16xf32>, vector<16xf32>, vector<16xf32>, vector<16xf32>, vector<16xf32>, vector<16xf32>, vector<16xf32>, vector<16xf32>, vector<16xf32>, vector<16xf32>, vector<16xf32>)  : i32 {
          %mul3A_657 = arith.constant 4 : i32
          %mul3A_658 = arith.muli %scan3A_640, %mul3A_657 : i32
          %add3A_659 = arith.constant 0 : i32
          %add3A_660 = arith.addi %mul3A_658, %add3A_659 : i32
          %get3A = arith.constant 3 : i32
          %get3A_661 = arith.index_cast %get3A : i32 to index
          %get3A_662 = arith.index_cast %add3A_660 : i32 to index
          %get3A_663 = arith.constant 0 : index
          %get3A_664 = tpu.vector_load %arg6[%get3A_661, %get3A_662, %get3A_663] {strides = array<i32>} : memref<8x100x64xi32, #tpu.memory_space<vmem>>, vector<1x1x16xi32>,
          %get3A_665 = vector.shape_cast %get3A_664 : vector<1x1x16xi32> to vector<16xi32>
          %shift_left3A = arith.constant 16 : i32
          %shift_left3A_666 = vector.broadcast %shift_left3A : i32 to vector<16xi32>
          %shift_left3A_667 = arith.shli %get3A_665, %shift_left3A_666 : vector<16xi32>
          %bitcast_convert_type3A = tpu.bitcast %shift_left3A_667 : vector<16xi32> -> vector<16xf32>
          %and3A = arith.constant -65536 : i32
          %and3A_668 = vector.broadcast %and3A : i32 to vector<16xi32>
          %and3A_669 = arith.andi %get3A_665, %and3A_668 : vector<16xi32>
          %bitcast_convert_type3A_670 = tpu.bitcast %and3A_669 : vector<16xi32> -> vector<16xf32>
          %add3A_671 = arith.addf %scan3A_641, %bitcast_convert_type3A : vector<16xf32>
          %add3A_672 = arith.addf %scan3A_642, %bitcast_convert_type3A_670 : vector<16xf32>
          %get3A_673 = arith.constant 3 : i32
          %get3A_674 = arith.index_cast %get3A_673 : i32 to index
          %get3A_675 = arith.index_cast %add3A_660 : i32 to index
          %get3A_676 = arith.constant 16 : index
          %get3A_677 = tpu.vector_load %arg6[%get3A_674, %get3A_675, %get3A_676] {strides = array<i32>} : memref<8x100x64xi32, #tpu.memory_space<vmem>>, vector<1x1x16xi32>,
          %get3A_678 = vector.shape_cast %get3A_677 : vector<1x1x16xi32> to vector<16xi32>
          %shift_left3A_679 = arith.constant 16 : i32
          %shift_left3A_680 = vector.broadcast %shift_left3A_679 : i32 to vector<16xi32>
          %shift_left3A_681 = arith.shli %get3A_678, %shift_left3A_680 : vector<16xi32>
          %bitcast_convert_type3A_682 = tpu.bitcast %shift_left3A_681 : vector<16xi32> -> vector<16xf32>
          %and3A_683 = arith.constant -65536 : i32
          %and3A_684 = vector.broadcast %and3A_683 : i32 to vector<16xi32>
          %and3A_685 = arith.andi %get3A_678, %and3A_684 : vector<16xi32>
          %bitcast_convert_type3A_686 = tpu.bitcast %and3A_685 : vector<16xi32> -> vector<16xf32>
          %add3A_687 = arith.addf %scan3A_643, %bitcast_convert_type3A_682 : vector<16xf32>
          %add3A_688 = arith.addf %scan3A_644, %bitcast_convert_type3A_686 : vector<16xf32>
          %get3A_689 = arith.constant 3 : i32
          %get3A_690 = arith.index_cast %get3A_689 : i32 to index
          %get3A_691 = arith.index_cast %add3A_660 : i32 to index
          %get3A_692 = arith.constant 32 : index
          %get3A_693 = tpu.vector_load %arg6[%get3A_690, %get3A_691, %get3A_692] {strides = array<i32>} : memref<8x100x64xi32, #tpu.memory_space<vmem>>, vector<1x1x16xi32>,
          %get3A_694 = vector.shape_cast %get3A_693 : vector<1x1x16xi32> to vector<16xi32>
          %shift_left3A_695 = arith.constant 16 : i32
          %shift_left3A_696 = vector.broadcast %shift_left3A_695 : i32 to vector<16xi32>
          %shift_left3A_697 = arith.shli %get3A_694, %shift_left3A_696 : vector<16xi32>
          %bitcast_convert_type3A_698 = tpu.bitcast %shift_left3A_697 : vector<16xi32> -> vector<16xf32>
          %and3A_699 = arith.constant -65536 : i32
          %and3A_700 = vector.broadcast %and3A_699 : i32 to vector<16xi32>
          %and3A_701 = arith.andi %get3A_694, %and3A_700 : vector<16xi32>
          %bitcast_convert_type3A_702 = tpu.bitcast %and3A_701 : vector<16xi32> -> vector<16xf32>
          %add3A_703 = arith.addf %scan3A_645, %bitcast_convert_type3A_698 : vector<16xf32>
          %add3A_704 = arith.addf %scan3A_646, %bitcast_convert_type3A_702 : vector<16xf32>
          %get3A_705 = arith.constant 3 : i32
          %get3A_706 = arith.index_cast %get3A_705 : i32 to index
          %get3A_707 = arith.index_cast %add3A_660 : i32 to index
          %get3A_708 = arith.constant 48 : index
          %get3A_709 = tpu.vector_load %arg6[%get3A_706, %get3A_707, %get3A_708] {strides = array<i32>} : memref<8x100x64xi32, #tpu.memory_space<vmem>>, vector<1x1x16xi32>,
          %get3A_710 = vector.shape_cast %get3A_709 : vector<1x1x16xi32> to vector<16xi32>
          %shift_left3A_711 = arith.constant 16 : i32
          %shift_left3A_712 = vector.broadcast %shift_left3A_711 : i32 to vector<16xi32>
          %shift_left3A_713 = arith.shli %get3A_710, %shift_left3A_712 : vector<16xi32>
          %bitcast_convert_type3A_714 = tpu.bitcast %shift_left3A_713 : vector<16xi32> -> vector<16xf32>
          %and3A_715 = arith.constant -65536 : i32
          %and3A_716 = vector.broadcast %and3A_715 : i32 to vector<16xi32>
          %and3A_717 = arith.andi %get3A_710, %and3A_716 : vector<16xi32>
          %bitcast_convert_type3A_718 = tpu.bitcast %and3A_717 : vector<16xi32> -> vector<16xf32>
          %add3A_719 = arith.addf %scan3A_647, %bitcast_convert_type3A_714 : vector<16xf32>
          %add3A_720 = arith.addf %scan3A_648, %bitcast_convert_type3A_718 : vector<16xf32>
          %mul3A_721 = arith.constant 4 : i32
          %mul3A_722 = arith.muli %scan3A_640, %mul3A_721 : i32
          %add3A_723 = arith.constant 1 : i32
          %add3A_724 = arith.addi %mul3A_722, %add3A_723 : i32
          %get3A_725 = arith.constant 3 : i32
          %get3A_726 = arith.index_cast %get3A_725 : i32 to index
          %get3A_727 = arith.index_cast %add3A_724 : i32 to index
          %get3A_728 = arith.constant 0 : index
          %get3A_729 = tpu.vector_load %arg6[%get3A_726, %get3A_727, %get3A_728] {strides = array<i32>} : memref<8x100x64xi32, #tpu.memory_space<vmem>>, vector<1x1x16xi32>,
          %get3A_730 = vector.shape_cast %get3A_729 : vector<1x1x16xi32> to vector<16xi32>
          %shift_left3A_731 = arith.constant 16 : i32
          %shift_left3A_732 = vector.broadcast %shift_left3A_731 : i32 to vector<16xi32>
          %shift_left3A_733 = arith.shli %get3A_730, %shift_left3A_732 : vector<16xi32>
          %bitcast_convert_type3A_734 = tpu.bitcast %shift_left3A_733 : vector<16xi32> -> vector<16xf32>
          %and3A_735 = arith.constant -65536 : i32
          %and3A_736 = vector.broadcast %and3A_735 : i32 to vector<16xi32>
          %and3A_737 = arith.andi %get3A_730, %and3A_736 : vector<16xi32>
          %bitcast_convert_type3A_738 = tpu.bitcast %and3A_737 : vector<16xi32> -> vector<16xf32>
          %add3A_739 = arith.addf %scan3A_649, %bitcast_convert_type3A_734 : vector<16xf32>
          %add3A_740 = arith.addf %scan3A_650, %bitcast_convert_type3A_738 : vector<16xf32>
          %get3A_741 = arith.constant 3 : i32
          %get3A_742 = arith.index_cast %get3A_741 : i32 to index
          %get3A_743 = arith.index_cast %add3A_724 : i32 to index
          %get3A_744 = arith.constant 16 : index
          %get3A_745 = tpu.vector_load %arg6[%get3A_742, %get3A_743, %get3A_744] {strides = array<i32>} : memref<8x100x64xi32, #tpu.memory_space<vmem>>, vector<1x1x16xi32>,
          %get3A_746 = vector.shape_cast %get3A_745 : vector<1x1x16xi32> to vector<16xi32>
          %shift_left3A_747 = arith.constant 16 : i32
          %shift_left3A_748 = vector.broadcast %shift_left3A_747 : i32 to vector<16xi32>
          %shift_left3A_749 = arith.shli %get3A_746, %shift_left3A_748 : vector<16xi32>
          %bitcast_convert_type3A_750 = tpu.bitcast %shift_left3A_749 : vector<16xi32> -> vector<16xf32>
          %and3A_751 = arith.constant -65536 : i32
          %and3A_752 = vector.broadcast %and3A_751 : i32 to vector<16xi32>
          %and3A_753 = arith.andi %get3A_746, %and3A_752 : vector<16xi32>
          %bitcast_convert_type3A_754 = tpu.bitcast %and3A_753 : vector<16xi32> -> vector<16xf32>
          %add3A_755 = arith.addf %scan3A_651, %bitcast_convert_type3A_750 : vector<16xf32>
          %add3A_756 = arith.addf %scan3A_652, %bitcast_convert_type3A_754 : vector<16xf32>
          %get3A_757 = arith.constant 3 : i32
          %get3A_758 = arith.index_cast %get3A_757 : i32 to index
          %get3A_759 = arith.index_cast %add3A_724 : i32 to index
          %get3A_760 = arith.constant 32 : index
          %get3A_761 = tpu.vector_load %arg6[%get3A_758, %get3A_759, %get3A_760] {strides = array<i32>} : memref<8x100x64xi32, #tpu.memory_space<vmem>>, vector<1x1x16xi32>,
          %get3A_762 = vector.shape_cast %get3A_761 : vector<1x1x16xi32> to vector<16xi32>
          %shift_left3A_763 = arith.constant 16 : i32
          %shift_left3A_764 = vector.broadcast %shift_left3A_763 : i32 to vector<16xi32>
          %shift_left3A_765 = arith.shli %get3A_762, %shift_left3A_764 : vector<16xi32>
          %bitcast_convert_type3A_766 = tpu.bitcast %shift_left3A_765 : vector<16xi32> -> vector<16xf32>
          %and3A_767 = arith.constant -65536 : i32
          %and3A_768 = vector.broadcast %and3A_767 : i32 to vector<16xi32>
          %and3A_769 = arith.andi %get3A_762, %and3A_768 : vector<16xi32>
          %bitcast_convert_type3A_770 = tpu.bitcast %and3A_769 : vector<16xi32> -> vector<16xf32>
          %add3A_771 = arith.addf %scan3A_653, %bitcast_convert_type3A_766 : vector<16xf32>
          %add3A_772 = arith.addf %scan3A_654, %bitcast_convert_type3A_770 : vector<16xf32>
          %get3A_773 = arith.constant 3 : i32
          %get3A_774 = arith.index_cast %get3A_773 : i32 to index
          %get3A_775 = arith.index_cast %add3A_724 : i32 to index
          %get3A_776 = arith.constant 48 : index
          %get3A_777 = tpu.vector_load %arg6[%get3A_774, %get3A_775, %get3A_776] {strides = array<i32>} : memref<8x100x64xi32, #tpu.memory_space<vmem>>, vector<1x1x16xi32>,
          %get3A_778 = vector.shape_cast %get3A_777 : vector<1x1x16xi32> to vector<16xi32>
          %shift_left3A_779 = arith.constant 16 : i32
          %shift_left3A_780 = vector.broadcast %shift_left3A_779 : i32 to vector<16xi32>
          %shift_left3A_781 = arith.shli %get3A_778, %shift_left3A_780 : vector<16xi32>
          %bitcast_convert_type3A_782 = tpu.bitcast %shift_left3A_781 : vector<16xi32> -> vector<16xf32>
          %and3A_783 = arith.constant -65536 : i32
          %and3A_784 = vector.broadcast %and3A_783 : i32 to vector<16xi32>
          %and3A_785 = arith.andi %get3A_778, %and3A_784 : vector<16xi32>
          %bitcast_convert_type3A_786 = tpu.bitcast %and3A_785 : vector<16xi32> -> vector<16xf32>
          %add3A_787 = arith.addf %scan3A_655, %bitcast_convert_type3A_782 : vector<16xf32>
          %add3A_788 = arith.addf %scan3A_656, %bitcast_convert_type3A_786 : vector<16xf32>
          %mul3A_789 = arith.constant 4 : i32
          %mul3A_790 = arith.muli %scan3A_640, %mul3A_789 : i32
          %add3A_791 = arith.constant 2 : i32
          %add3A_792 = arith.addi %mul3A_790, %add3A_791 : i32
          %get3A_793 = arith.constant 3 : i32
          %get3A_794 = arith.index_cast %get3A_793 : i32 to index
          %get3A_795 = arith.index_cast %add3A_792 : i32 to index
          %get3A_796 = arith.constant 0 : index
          %get3A_797 = tpu.vector_load %arg6[%get3A_794, %get3A_795, %get3A_796] {strides = array<i32>} : memref<8x100x64xi32, #tpu.memory_space<vmem>>, vector<1x1x16xi32>,
          %get3A_798 = vector.shape_cast %get3A_797 : vector<1x1x16xi32> to vector<16xi32>
          %shift_left3A_799 = arith.constant 16 : i32
          %shift_left3A_800 = vector.broadcast %shift_left3A_799 : i32 to vector<16xi32>
          %shift_left3A_801 = arith.shli %get3A_798, %shift_left3A_800 : vector<16xi32>
          %bitcast_convert_type3A_802 = tpu.bitcast %shift_left3A_801 : vector<16xi32> -> vector<16xf32>
          %and3A_803 = arith.constant -65536 : i32
          %and3A_804 = vector.broadcast %and3A_803 : i32 to vector<16xi32>
          %and3A_805 = arith.andi %get3A_798, %and3A_804 : vector<16xi32>
          %bitcast_convert_type3A_806 = tpu.bitcast %and3A_805 : vector<16xi32> -> vector<16xf32>
          %add3A_807 = arith.addf %add3A_671, %bitcast_convert_type3A_802 : vector<16xf32>
          %add3A_808 = arith.addf %add3A_672, %bitcast_convert_type3A_806 : vector<16xf32>
          %get3A_809 = arith.constant 3 : i32
          %get3A_810 = arith.index_cast %get3A_809 : i32 to index
          %get3A_811 = arith.index_cast %add3A_792 : i32 to index
          %get3A_812 = arith.constant 16 : index
          %get3A_813 = tpu.vector_load %arg6[%get3A_810, %get3A_811, %get3A_812] {strides = array<i32>} : memref<8x100x64xi32, #tpu.memory_space<vmem>>, vector<1x1x16xi32>,
          %get3A_814 = vector.shape_cast %get3A_813 : vector<1x1x16xi32> to vector<16xi32>
          %shift_left3A_815 = arith.constant 16 : i32
          %shift_left3A_816 = vector.broadcast %shift_left3A_815 : i32 to vector<16xi32>
          %shift_left3A_817 = arith.shli %get3A_814, %shift_left3A_816 : vector<16xi32>
          %bitcast_convert_type3A_818 = tpu.bitcast %shift_left3A_817 : vector<16xi32> -> vector<16xf32>
          %and3A_819 = arith.constant -65536 : i32
          %and3A_820 = vector.broadcast %and3A_819 : i32 to vector<16xi32>
          %and3A_821 = arith.andi %get3A_814, %and3A_820 : vector<16xi32>
          %bitcast_convert_type3A_822 = tpu.bitcast %and3A_821 : vector<16xi32> -> vector<16xf32>
          %add3A_823 = arith.addf %add3A_687, %bitcast_convert_type3A_818 : vector<16xf32>
          %add3A_824 = arith.addf %add3A_688, %bitcast_convert_type3A_822 : vector<16xf32>
          %get3A_825 = arith.constant 3 : i32
          %get3A_826 = arith.index_cast %get3A_825 : i32 to index
          %get3A_827 = arith.index_cast %add3A_792 : i32 to index
          %get3A_828 = arith.constant 32 : index
          %get3A_829 = tpu.vector_load %arg6[%get3A_826, %get3A_827, %get3A_828] {strides = array<i32>} : memref<8x100x64xi32, #tpu.memory_space<vmem>>, vector<1x1x16xi32>,
          %get3A_830 = vector.shape_cast %get3A_829 : vector<1x1x16xi32> to vector<16xi32>
          %shift_left3A_831 = arith.constant 16 : i32
          %shift_left3A_832 = vector.broadcast %shift_left3A_831 : i32 to vector<16xi32>
          %shift_left3A_833 = arith.shli %get3A_830, %shift_left3A_832 : vector<16xi32>
          %bitcast_convert_type3A_834 = tpu.bitcast %shift_left3A_833 : vector<16xi32> -> vector<16xf32>
          %and3A_835 = arith.constant -65536 : i32
          %and3A_836 = vector.broadcast %and3A_835 : i32 to vector<16xi32>
          %and3A_837 = arith.andi %get3A_830, %and3A_836 : vector<16xi32>
          %bitcast_convert_type3A_838 = tpu.bitcast %and3A_837 : vector<16xi32> -> vector<16xf32>
          %add3A_839 = arith.addf %add3A_703, %bitcast_convert_type3A_834 : vector<16xf32>
          %add3A_840 = arith.addf %add3A_704, %bitcast_convert_type3A_838 : vector<16xf32>
          %get3A_841 = arith.constant 3 : i32
          %get3A_842 = arith.index_cast %get3A_841 : i32 to index
          %get3A_843 = arith.index_cast %add3A_792 : i32 to index
          %get3A_844 = arith.constant 48 : index
          %get3A_845 = tpu.vector_load %arg6[%get3A_842, %get3A_843, %get3A_844] {strides = array<i32>} : memref<8x100x64xi32, #tpu.memory_space<vmem>>, vector<1x1x16xi32>,
          %get3A_846 = vector.shape_cast %get3A_845 : vector<1x1x16xi32> to vector<16xi32>
          %shift_left3A_847 = arith.constant 16 : i32
          %shift_left3A_848 = vector.broadcast %shift_left3A_847 : i32 to vector<16xi32>
          %shift_left3A_849 = arith.shli %get3A_846, %shift_left3A_848 : vector<16xi32>
          %bitcast_convert_type3A_850 = tpu.bitcast %shift_left3A_849 : vector<16xi32> -> vector<16xf32>
          %and3A_851 = arith.constant -65536 : i32
          %and3A_852 = vector.broadcast %and3A_851 : i32 to vector<16xi32>
          %and3A_853 = arith.andi %get3A_846, %and3A_852 : vector<16xi32>
          %bitcast_convert_type3A_854 = tpu.bitcast %and3A_853 : vector<16xi32> -> vector<16xf32>
          %add3A_855 = arith.addf %add3A_719, %bitcast_convert_type3A_850 : vector<16xf32>
          %add3A_856 = arith.addf %add3A_720, %bitcast_convert_type3A_854 : vector<16xf32>
          %mul3A_857 = arith.constant 4 : i32
          %mul3A_858 = arith.muli %scan3A_640, %mul3A_857 : i32
          %add3A_859 = arith.constant 3 : i32
          %add3A_860 = arith.addi %mul3A_858, %add3A_859 : i32
          %get3A_861 = arith.constant 3 : i32
          %get3A_862 = arith.index_cast %get3A_861 : i32 to index
          %get3A_863 = arith.index_cast %add3A_860 : i32 to index
          %get3A_864 = arith.constant 0 : index
          %get3A_865 = tpu.vector_load %arg6[%get3A_862, %get3A_863, %get3A_864] {strides = array<i32>} : memref<8x100x64xi32, #tpu.memory_space<vmem>>, vector<1x1x16xi32>,
          %get3A_866 = vector.shape_cast %get3A_865 : vector<1x1x16xi32> to vector<16xi32>
          %shift_left3A_867 = arith.constant 16 : i32
          %shift_left3A_868 = vector.broadcast %shift_left3A_867 : i32 to vector<16xi32>
          %shift_left3A_869 = arith.shli %get3A_866, %shift_left3A_868 : vector<16xi32>
          %bitcast_convert_type3A_870 = tpu.bitcast %shift_left3A_869 : vector<16xi32> -> vector<16xf32>
          %and3A_871 = arith.constant -65536 : i32
          %and3A_872 = vector.broadcast %and3A_871 : i32 to vector<16xi32>
          %and3A_873 = arith.andi %get3A_866, %and3A_872 : vector<16xi32>
          %bitcast_convert_type3A_874 = tpu.bitcast %and3A_873 : vector<16xi32> -> vector<16xf32>
          %add3A_875 = arith.addf %add3A_739, %bitcast_convert_type3A_870 : vector<16xf32>
          %add3A_876 = arith.addf %add3A_740, %bitcast_convert_type3A_874 : vector<16xf32>
          %get3A_877 = arith.constant 3 : i32
          %get3A_878 = arith.index_cast %get3A_877 : i32 to index
          %get3A_879 = arith.index_cast %add3A_860 : i32 to index
          %get3A_880 = arith.constant 16 : index
          %get3A_881 = tpu.vector_load %arg6[%get3A_878, %get3A_879, %get3A_880] {strides = array<i32>} : memref<8x100x64xi32, #tpu.memory_space<vmem>>, vector<1x1x16xi32>,
          %get3A_882 = vector.shape_cast %get3A_881 : vector<1x1x16xi32> to vector<16xi32>
          %shift_left3A_883 = arith.constant 16 : i32
          %shift_left3A_884 = vector.broadcast %shift_left3A_883 : i32 to vector<16xi32>
          %shift_left3A_885 = arith.shli %get3A_882, %shift_left3A_884 : vector<16xi32>
          %bitcast_convert_type3A_886 = tpu.bitcast %shift_left3A_885 : vector<16xi32> -> vector<16xf32>
          %and3A_887 = arith.constant -65536 : i32
          %and3A_888 = vector.broadcast %and3A_887 : i32 to vector<16xi32>
          %and3A_889 = arith.andi %get3A_882, %and3A_888 : vector<16xi32>
          %bitcast_convert_type3A_890 = tpu.bitcast %and3A_889 : vector<16xi32> -> vector<16xf32>
          %add3A_891 = arith.addf %add3A_755, %bitcast_convert_type3A_886 : vector<16xf32>
          %add3A_892 = arith.addf %add3A_756, %bitcast_convert_type3A_890 : vector<16xf32>
          %get3A_893 = arith.constant 3 : i32
          %get3A_894 = arith.index_cast %get3A_893 : i32 to index
          %get3A_895 = arith.index_cast %add3A_860 : i32 to index
          %get3A_896 = arith.constant 32 : index
          %get3A_897 = tpu.vector_load %arg6[%get3A_894, %get3A_895, %get3A_896] {strides = array<i32>} : memref<8x100x64xi32, #tpu.memory_space<vmem>>, vector<1x1x16xi32>,
          %get3A_898 = vector.shape_cast %get3A_897 : vector<1x1x16xi32> to vector<16xi32>
          %shift_left3A_899 = arith.constant 16 : i32
          %shift_left3A_900 = vector.broadcast %shift_left3A_899 : i32 to vector<16xi32>
          %shift_left3A_901 = arith.shli %get3A_898, %shift_left3A_900 : vector<16xi32>
          %bitcast_convert_type3A_902 = tpu.bitcast %shift_left3A_901 : vector<16xi32> -> vector<16xf32>
          %and3A_903 = arith.constant -65536 : i32
          %and3A_904 = vector.broadcast %and3A_903 : i32 to vector<16xi32>
          %and3A_905 = arith.andi %get3A_898, %and3A_904 : vector<16xi32>
          %bitcast_convert_type3A_906 = tpu.bitcast %and3A_905 : vector<16xi32> -> vector<16xf32>
          %add3A_907 = arith.addf %add3A_771, %bitcast_convert_type3A_902 : vector<16xf32>
          %add3A_908 = arith.addf %add3A_772, %bitcast_convert_type3A_906 : vector<16xf32>
          %get3A_909 = arith.constant 3 : i32
          %get3A_910 = arith.index_cast %get3A_909 : i32 to index
          %get3A_911 = arith.index_cast %add3A_860 : i32 to index
          %get3A_912 = arith.constant 48 : index
          %get3A_913 = tpu.vector_load %arg6[%get3A_910, %get3A_911, %get3A_912] {strides = array<i32>} : memref<8x100x64xi32, #tpu.memory_space<vmem>>, vector<1x1x16xi32>,
          %get3A_914 = vector.shape_cast %get3A_913 : vector<1x1x16xi32> to vector<16xi32>
          %shift_left3A_915 = arith.constant 16 : i32
          %shift_left3A_916 = vector.broadcast %shift_left3A_915 : i32 to vector<16xi32>
          %shift_left3A_917 = arith.shli %get3A_914, %shift_left3A_916 : vector<16xi32>
          %bitcast_convert_type3A_918 = tpu.bitcast %shift_left3A_917 : vector<16xi32> -> vector<16xf32>
          %and3A_919 = arith.constant -65536 : i32
          %and3A_920 = vector.broadcast %and3A_919 : i32 to vector<16xi32>
          %and3A_921 = arith.andi %get3A_914, %and3A_920 : vector<16xi32>
          %bitcast_convert_type3A_922 = tpu.bitcast %and3A_921 : vector<16xi32> -> vector<16xf32>
          %add3A_923 = arith.addf %add3A_787, %bitcast_convert_type3A_918 : vector<16xf32>
          %add3A_924 = arith.addf %add3A_788, %bitcast_convert_type3A_922 : vector<16xf32>
          scf.yield %add3A_807, %add3A_808, %add3A_823, %add3A_824, %add3A_839, %add3A_840, %add3A_855, %add3A_856, %add3A_875, %add3A_876, %add3A_891, %add3A_892, %add3A_907, %add3A_908, %add3A_923, %add3A_924 : vector<16xf32>, vector<16xf32>, vector<16xf32>, vector<16xf32>, vector<16xf32>, vector<16xf32>, vector<16xf32>, vector<16xf32>, vector<16xf32>, vector<16xf32>, vector<16xf32>, vector<16xf32>, vector<16xf32>, vector<16xf32>, vector<16xf32>, vector<16xf32>
        }
        %scan3A_301 = arith.constant 25 : i32
        %swap3A = arith.index_cast %add3A_280 : i32 to index
        %swap3A_302 = arith.constant 0 : index
        %swap3A_303 = tpu.vector_load %arg7[%swap3A, %swap3A_302] {strides = array<i32>} : memref<66x256xf32, #tpu.memory_space<vmem>>, vector<1x16xf32>,
        %swap3A_304 = vector.shape_cast %swap3A_303 : vector<1x16xf32> to vector<16xf32>
        %swap3A_305 = vector.shape_cast %scan3A_300#0 : vector<16xf32> to vector<1x16xf32>
        tpu.vector_store %arg7[%swap3A, %swap3A_302], %swap3A_305 {strides = array<i32>} : memref<66x256xf32, #tpu.memory_space<vmem>>, vector<1x16xf32>,
        %swap3A_306 = arith.index_cast %add3A_280 : i32 to index
        %swap3A_307 = arith.constant 16 : index
        %swap3A_308 = tpu.vector_load %arg7[%swap3A_306, %swap3A_307] {strides = array<i32>} : memref<66x256xf32, #tpu.memory_space<vmem>>, vector<1x16xf32>,
        %swap3A_309 = vector.shape_cast %swap3A_308 : vector<1x16xf32> to vector<16xf32>
        %swap3A_310 = vector.shape_cast %scan3A_300#1 : vector<16xf32> to vector<1x16xf32>
        tpu.vector_store %arg7[%swap3A_306, %swap3A_307], %swap3A_310 {strides = array<i32>} : memref<66x256xf32, #tpu.memory_space<vmem>>, vector<1x16xf32>,
        %swap3A_311 = arith.index_cast %add3A_280 : i32 to index
        %swap3A_312 = arith.constant 32 : index
        %swap3A_313 = tpu.vector_load %arg7[%swap3A_311, %swap3A_312] {strides = array<i32>} : memref<66x256xf32, #tpu.memory_space<vmem>>, vector<1x16xf32>,
        %swap3A_314 = vector.shape_cast %swap3A_313 : vector<1x16xf32> to vector<16xf32>
        %swap3A_315 = vector.shape_cast %scan3A_300#2 : vector<16xf32> to vector<1x16xf32>
        tpu.vector_store %arg7[%swap3A_311, %swap3A_312], %swap3A_315 {strides = array<i32>} : memref<66x256xf32, #tpu.memory_space<vmem>>, vector<1x16xf32>,
        %swap3A_316 = arith.index_cast %add3A_280 : i32 to index
        %swap3A_317 = arith.constant 48 : index
        %swap3A_318 = tpu.vector_load %arg7[%swap3A_316, %swap3A_317] {strides = array<i32>} : memref<66x256xf32, #tpu.memory_space<vmem>>, vector<1x16xf32>,
        %swap3A_319 = vector.shape_cast %swap3A_318 : vector<1x16xf32> to vector<16xf32>
        %swap3A_320 = vector.shape_cast %scan3A_300#3 : vector<16xf32> to vector<1x16xf32>
        tpu.vector_store %arg7[%swap3A_316, %swap3A_317], %swap3A_320 {strides = array<i32>} : memref<66x256xf32, #tpu.memory_space<vmem>>, vector<1x16xf32>,
        %swap3A_321 = arith.index_cast %add3A_280 : i32 to index
        %swap3A_322 = arith.constant 64 : index
        %swap3A_323 = tpu.vector_load %arg7[%swap3A_321, %swap3A_322] {strides = array<i32>} : memref<66x256xf32, #tpu.memory_space<vmem>>, vector<1x16xf32>,
        %swap3A_324 = vector.shape_cast %swap3A_323 : vector<1x16xf32> to vector<16xf32>
        %swap3A_325 = vector.shape_cast %scan3A_300#4 : vector<16xf32> to vector<1x16xf32>
        tpu.vector_store %arg7[%swap3A_321, %swap3A_322], %swap3A_325 {strides = array<i32>} : memref<66x256xf32, #tpu.memory_space<vmem>>, vector<1x16xf32>,
        %swap3A_326 = arith.index_cast %add3A_280 : i32 to index
        %swap3A_327 = arith.constant 80 : index
        %swap3A_328 = tpu.vector_load %arg7[%swap3A_326, %swap3A_327] {strides = array<i32>} : memref<66x256xf32, #tpu.memory_space<vmem>>, vector<1x16xf32>,
        %swap3A_329 = vector.shape_cast %swap3A_328 : vector<1x16xf32> to vector<16xf32>
        %swap3A_330 = vector.shape_cast %scan3A_300#5 : vector<16xf32> to vector<1x16xf32>
        tpu.vector_store %arg7[%swap3A_326, %swap3A_327], %swap3A_330 {strides = array<i32>} : memref<66x256xf32, #tpu.memory_space<vmem>>, vector<1x16xf32>,
        %swap3A_331 = arith.index_cast %add3A_280 : i32 to index
        %swap3A_332 = arith.constant 96 : index
        %swap3A_333 = tpu.vector_load %arg7[%swap3A_331, %swap3A_332] {strides = array<i32>} : memref<66x256xf32, #tpu.memory_space<vmem>>, vector<1x16xf32>,
        %swap3A_334 = vector.shape_cast %swap3A_333 : vector<1x16xf32> to vector<16xf32>
        %swap3A_335 = vector.shape_cast %scan3A_300#6 : vector<16xf32> to vector<1x16xf32>
        tpu.vector_store %arg7[%swap3A_331, %swap3A_332], %swap3A_335 {strides = array<i32>} : memref<66x256xf32, #tpu.memory_space<vmem>>, vector<1x16xf32>,
        %swap3A_336 = arith.index_cast %add3A_280 : i32 to index
        %swap3A_337 = arith.constant 112 : index
        %swap3A_338 = tpu.vector_load %arg7[%swap3A_336, %swap3A_337] {strides = array<i32>} : memref<66x256xf32, #tpu.memory_space<vmem>>, vector<1x16xf32>,
        %swap3A_339 = vector.shape_cast %swap3A_338 : vector<1x16xf32> to vector<16xf32>
        %swap3A_340 = vector.shape_cast %scan3A_300#7 : vector<16xf32> to vector<1x16xf32>
        tpu.vector_store %arg7[%swap3A_336, %swap3A_337], %swap3A_340 {strides = array<i32>} : memref<66x256xf32, #tpu.memory_space<vmem>>, vector<1x16xf32>,
        %swap3A_341 = arith.index_cast %add3A_280 : i32 to index
        %swap3A_342 = arith.constant 128 : index
        %swap3A_343 = tpu.vector_load %arg7[%swap3A_341, %swap3A_342] {strides = array<i32>} : memref<66x256xf32, #tpu.memory_space<vmem>>, vector<1x16xf32>,
        %swap3A_344 = vector.shape_cast %swap3A_343 : vector<1x16xf32> to vector<16xf32>
        %swap3A_345 = vector.shape_cast %scan3A_300#8 : vector<16xf32> to vector<1x16xf32>
        tpu.vector_store %arg7[%swap3A_341, %swap3A_342], %swap3A_345 {strides = array<i32>} : memref<66x256xf32, #tpu.memory_space<vmem>>, vector<1x16xf32>,
        %swap3A_346 = arith.index_cast %add3A_280 : i32 to index
        %swap3A_347 = arith.constant 144 : index
        %swap3A_348 = tpu.vector_load %arg7[%swap3A_346, %swap3A_347] {strides = array<i32>} : memref<66x256xf32, #tpu.memory_space<vmem>>, vector<1x16xf32>,
        %swap3A_349 = vector.shape_cast %swap3A_348 : vector<1x16xf32> to vector<16xf32>
        %swap3A_350 = vector.shape_cast %scan3A_300#9 : vector<16xf32> to vector<1x16xf32>
        tpu.vector_store %arg7[%swap3A_346, %swap3A_347], %swap3A_350 {strides = array<i32>} : memref<66x256xf32, #tpu.memory_space<vmem>>, vector<1x16xf32>,
        %swap3A_351 = arith.index_cast %add3A_280 : i32 to index
        %swap3A_352 = arith.constant 160 : index
        %swap3A_353 = tpu.vector_load %arg7[%swap3A_351, %swap3A_352] {strides = array<i32>} : memref<66x256xf32, #tpu.memory_space<vmem>>, vector<1x16xf32>,
        %swap3A_354 = vector.shape_cast %swap3A_353 : vector<1x16xf32> to vector<16xf32>
        %swap3A_355 = vector.shape_cast %scan3A_300#10 : vector<16xf32> to vector<1x16xf32>
        tpu.vector_store %arg7[%swap3A_351, %swap3A_352], %swap3A_355 {strides = array<i32>} : memref<66x256xf32, #tpu.memory_space<vmem>>, vector<1x16xf32>,
        %swap3A_356 = arith.index_cast %add3A_280 : i32 to index
        %swap3A_357 = arith.constant 176 : index
        %swap3A_358 = tpu.vector_load %arg7[%swap3A_356, %swap3A_357] {strides = array<i32>} : memref<66x256xf32, #tpu.memory_space<vmem>>, vector<1x16xf32>,
        %swap3A_359 = vector.shape_cast %swap3A_358 : vector<1x16xf32> to vector<16xf32>
        %swap3A_360 = vector.shape_cast %scan3A_300#11 : vector<16xf32> to vector<1x16xf32>
        tpu.vector_store %arg7[%swap3A_356, %swap3A_357], %swap3A_360 {strides = array<i32>} : memref<66x256xf32, #tpu.memory_space<vmem>>, vector<1x16xf32>,
        %swap3A_361 = arith.index_cast %add3A_280 : i32 to index
        %swap3A_362 = arith.constant 192 : index
        %swap3A_363 = tpu.vector_load %arg7[%swap3A_361, %swap3A_362] {strides = array<i32>} : memref<66x256xf32, #tpu.memory_space<vmem>>, vector<1x16xf32>,
        %swap3A_364 = vector.shape_cast %swap3A_363 : vector<1x16xf32> to vector<16xf32>
        %swap3A_365 = vector.shape_cast %scan3A_300#12 : vector<16xf32> to vector<1x16xf32>
        tpu.vector_store %arg7[%swap3A_361, %swap3A_362], %swap3A_365 {strides = array<i32>} : memref<66x256xf32, #tpu.memory_space<vmem>>, vector<1x16xf32>,
        %swap3A_366 = arith.index_cast %add3A_280 : i32 to index
        %swap3A_367 = arith.constant 208 : index
        %swap3A_368 = tpu.vector_load %arg7[%swap3A_366, %swap3A_367] {strides = array<i32>} : memref<66x256xf32, #tpu.memory_space<vmem>>, vector<1x16xf32>,
        %swap3A_369 = vector.shape_cast %swap3A_368 : vector<1x16xf32> to vector<16xf32>
        %swap3A_370 = vector.shape_cast %scan3A_300#13 : vector<16xf32> to vector<1x16xf32>
        tpu.vector_store %arg7[%swap3A_366, %swap3A_367], %swap3A_370 {strides = array<i32>} : memref<66x256xf32, #tpu.memory_space<vmem>>, vector<1x16xf32>,
        %swap3A_371 = arith.index_cast %add3A_280 : i32 to index
        %swap3A_372 = arith.constant 224 : index
        %swap3A_373 = tpu.vector_load %arg7[%swap3A_371, %swap3A_372] {strides = array<i32>} : memref<66x256xf32, #tpu.memory_space<vmem>>, vector<1x16xf32>,
        %swap3A_374 = vector.shape_cast %swap3A_373 : vector<1x16xf32> to vector<16xf32>
        %swap3A_375 = vector.shape_cast %scan3A_300#14 : vector<16xf32> to vector<1x16xf32>
        tpu.vector_store %arg7[%swap3A_371, %swap3A_372], %swap3A_375 {strides = array<i32>} : memref<66x256xf32, #tpu.memory_space<vmem>>, vector<1x16xf32>,
        %swap3A_376 = arith.index_cast %add3A_280 : i32 to index
        %swap3A_377 = arith.constant 240 : index
        %swap3A_378 = tpu.vector_load %arg7[%swap3A_376, %swap3A_377] {strides = array<i32>} : memref<66x256xf32, #tpu.memory_space<vmem>>, vector<1x16xf32>,
        %swap3A_379 = vector.shape_cast %swap3A_378 : vector<1x16xf32> to vector<16xf32>
        %swap3A_380 = vector.shape_cast %scan3A_300#15 : vector<16xf32> to vector<1x16xf32>
        tpu.vector_store %arg7[%swap3A_376, %swap3A_377], %swap3A_380 {strides = array<i32>} : memref<66x256xf32, #tpu.memory_space<vmem>>, vector<1x16xf32>,
        %add3A_381 = arith.constant 3 : i32
        %add3A_382 = arith.addi %mul3A_147, %add3A_381 : i32
        %add3A_383 = arith.constant 8 : i32
        %add3A_384 = arith.addi %add3A_382, %add3A_383 : i32
        %add3A_385 = arith.constant 2 : i32
        %add3A_386 = arith.addi %add3A_280, %add3A_385 : i32
        %lt3A_387 = arith.constant 264 : i32
        %lt3A_388 = arith.cmpi slt, %add3A_384, %lt3A_387 : i32
        %convert_element_type3A_389 = arith.extui %lt3A_388 : i1 to i32
        %cond3A_390 = arith.constant 0 : i32
        %cond3A_391 = arith.cmpi ne, %convert_element_type3A_389, %cond3A_390 : i32
        scf.if %cond3A_391 {
          %dma_start3A_640 = arith.constant 3 : i32
          %dma_start3A_641 = arith.constant 3 : i32
          %dma_start3A_642 = arith.constant 3 : i32
          %dma_start3A_643 = arith.constant 0 : i32
          %dma_start3A_644 = arith.constant 0 : i32
          %dma_start3A_645 = tpu.memref_slice %arg6[%dma_start3A_641, %dma_start3A_643, %dma_start3A_644] : memref<8x100x64xi32, #tpu.memory_space<vmem>> -> memref<1x100x64xi32, #tpu.memory_space<vmem>>
          %dma_start3A_646 = tpu.memref_squeeze %dma_start3A_645 : memref<1x100x64xi32, #tpu.memory_space<vmem>> -> memref<100x64xi32, #tpu.memory_space<vmem>>
          %dma_start3A_647 = arith.constant 0 : i32
          %dma_start3A_648 = tpu.memref_slice %arg5[%add3A_386, %dma_start3A_640, %dma_start3A_647] : memref<66x4x100xi32, #tpu.memory_space<vmem>> -> memref<1x1x100xi32, #tpu.memory_space<vmem>>
          %dma_start3A_649 = tpu.memref_squeeze %dma_start3A_648 : memref<1x1x100xi32, #tpu.memory_space<vmem>> -> memref<100xi32, #tpu.memory_space<vmem>>
          %dma_start3A_650 = arith.constant 0 : i32
          %dma_start3A_651 = arith.constant 0 : i32
          %dma_start3A_652 = tpu.memref_slice %arg3[%dma_start3A_650, %dma_start3A_651] : memref<100513x64xi32, #tpu.memory_space<hbm>> -> memref<100513x64xi32, #tpu.memory_space<hbm>>
          %dma_start3A_653 = tpu.memref_slice %arg8[%dma_start3A_642] : memref<8x!tpu.dma_semaphore, #tpu.memory_space<semaphore_mem>> -> memref<1x!tpu.dma_semaphore, #tpu.memory_space<semaphore_mem>>
          %dma_start3A_654 = tpu.memref_squeeze %dma_start3A_653 : memref<1x!tpu.dma_semaphore, #tpu.memory_space<semaphore_mem>> -> memref<!tpu.dma_semaphore, #tpu.memory_space<semaphore_mem>>
          tpu.enqueue_indirect_dma source(%dma_start3A_652 : memref<100513x64xi32, #tpu.memory_space<hbm>>) target(%dma_start3A_646 : memref<100x64xi32, #tpu.memory_space<vmem>>) offsets(%dma_start3A_649 : memref<100xi32, #tpu.memory_space<vmem>>) semaphore(%dma_start3A_654 : memref<!tpu.dma_semaphore, #tpu.memory_space<semaphore_mem>>)
        } else {
        }
        %add3A_392 = arith.constant 1 : i32
        %add3A_393 = arith.addi %mul3A_149, %add3A_392 : i32
        %dma_wait3A_394 = arith.constant 0 : i32
        %dma_wait3A_395 = arith.constant 4 : i32
        %dma_wait3A_396 = arith.constant 4 : i32
        %dma_wait3A_397 = arith.constant 0 : i32
        %dma_wait3A_398 = arith.constant 0 : i32
        %dma_wait3A_399 = tpu.memref_slice %arg6[%dma_wait3A_395, %dma_wait3A_397, %dma_wait3A_398] : memref<8x100x64xi32, #tpu.memory_space<vmem>> -> memref<1x100x64xi32, #tpu.memory_space<vmem>>
        %dma_wait3A_400 = tpu.memref_squeeze %dma_wait3A_399 : memref<1x100x64xi32, #tpu.memory_space<vmem>> -> memref<100x64xi32, #tpu.memory_space<vmem>>
        %dma_wait3A_401 = arith.constant 0 : i32
        %dma_wait3A_402 = tpu.memref_slice %arg5[%add3A_393, %dma_wait3A_394, %dma_wait3A_401] : memref<66x4x100xi32, #tpu.memory_space<vmem>> -> memref<1x1x100xi32, #tpu.memory_space<vmem>>
        %dma_wait3A_403 = tpu.memref_squeeze %dma_wait3A_402 : memref<1x1x100xi32, #tpu.memory_space<vmem>> -> memref<100xi32, #tpu.memory_space<vmem>>
        %dma_wait3A_404 = arith.constant 0 : i32
        %dma_wait3A_405 = arith.constant 0 : i32
        %dma_wait3A_406 = tpu.memref_slice %arg3[%dma_wait3A_404, %dma_wait3A_405] : memref<100513x64xi32, #tpu.memory_space<hbm>> -> memref<100513x64xi32, #tpu.memory_space<hbm>>
        %dma_wait3A_407 = tpu.memref_slice %arg8[%dma_wait3A_396] : memref<8x!tpu.dma_semaphore, #tpu.memory_space<semaphore_mem>> -> memref<1x!tpu.dma_semaphore, #tpu.memory_space<semaphore_mem>>
        %dma_wait3A_408 = tpu.memref_squeeze %dma_wait3A_407 : memref<1x!tpu.dma_semaphore, #tpu.memory_space<semaphore_mem>> -> memref<!tpu.dma_semaphore, #tpu.memory_space<semaphore_mem>>
        tpu.wait_indirect_dma semaphore(%dma_wait3A_408 : memref<!tpu.dma_semaphore, #tpu.memory_space<semaphore_mem>>) src(%dma_wait3A_406 : memref<100513x64xi32, #tpu.memory_space<hbm>>) dst(%dma_wait3A_400 : memref<100x64xi32, #tpu.memory_space<vmem>>)
        %broadcast_in_dim3A_409 = arith.constant 0.000000e+00 : f32
        %broadcast_in_dim3A_410 = vector.broadcast %broadcast_in_dim3A_409 : f32 to vector<16xf32>
        %broadcast_in_dim3A_411 = arith.constant 0.000000e+00 : f32
        %broadcast_in_dim3A_412 = vector.broadcast %broadcast_in_dim3A_411 : f32 to vector<16xf32>
        %broadcast_in_dim3A_413 = arith.constant 0.000000e+00 : f32
        %broadcast_in_dim3A_414 = vector.broadcast %broadcast_in_dim3A_413 : f32 to vector<16xf32>
        %broadcast_in_dim3A_415 = arith.constant 0.000000e+00 : f32
        %broadcast_in_dim3A_416 = vector.broadcast %broadcast_in_dim3A_415 : f32 to vector<16xf32>
        %broadcast_in_dim3A_417 = arith.constant 0.000000e+00 : f32
        %broadcast_in_dim3A_418 = vector.broadcast %broadcast_in_dim3A_417 : f32 to vector<16xf32>
        %broadcast_in_dim3A_419 = arith.constant 0.000000e+00 : f32
        %broadcast_in_dim3A_420 = vector.broadcast %broadcast_in_dim3A_419 : f32 to vector<16xf32>
        %broadcast_in_dim3A_421 = arith.constant 0.000000e+00 : f32
        %broadcast_in_dim3A_422 = vector.broadcast %broadcast_in_dim3A_421 : f32 to vector<16xf32>
        %broadcast_in_dim3A_423 = arith.constant 0.000000e+00 : f32
        %broadcast_in_dim3A_424 = vector.broadcast %broadcast_in_dim3A_423 : f32 to vector<16xf32>
        %broadcast_in_dim3A_425 = arith.constant 0.000000e+00 : f32
        %broadcast_in_dim3A_426 = vector.broadcast %broadcast_in_dim3A_425 : f32 to vector<16xf32>
        %broadcast_in_dim3A_427 = arith.constant 0.000000e+00 : f32
        %broadcast_in_dim3A_428 = vector.broadcast %broadcast_in_dim3A_427 : f32 to vector<16xf32>
        %broadcast_in_dim3A_429 = arith.constant 0.000000e+00 : f32
        %broadcast_in_dim3A_430 = vector.broadcast %broadcast_in_dim3A_429 : f32 to vector<16xf32>
        %broadcast_in_dim3A_431 = arith.constant 0.000000e+00 : f32
        %broadcast_in_dim3A_432 = vector.broadcast %broadcast_in_dim3A_431 : f32 to vector<16xf32>
        %broadcast_in_dim3A_433 = arith.constant 0.000000e+00 : f32
        %broadcast_in_dim3A_434 = vector.broadcast %broadcast_in_dim3A_433 : f32 to vector<16xf32>
        %broadcast_in_dim3A_435 = arith.constant 0.000000e+00 : f32
        %broadcast_in_dim3A_436 = vector.broadcast %broadcast_in_dim3A_435 : f32 to vector<16xf32>
        %broadcast_in_dim3A_437 = arith.constant 0.000000e+00 : f32
        %broadcast_in_dim3A_438 = vector.broadcast %broadcast_in_dim3A_437 : f32 to vector<16xf32>
        %broadcast_in_dim3A_439 = arith.constant 0.000000e+00 : f32
        %broadcast_in_dim3A_440 = vector.broadcast %broadcast_in_dim3A_439 : f32 to vector<16xf32>
        %scan3A_441 = arith.constant 0 : i32
        %scan3A_442 = arith.constant 25 : i32
        %scan3A_443 = arith.addi %scan3A_441, %scan3A_442 : i32
        %scan3A_444 = arith.constant 1 : i32
        %scan3A_445:16 = scf.for %scan3A_640 = %scan3A_441 to %scan3A_443 step %scan3A_444 iter_args(%scan3A_641 = %broadcast_in_dim3A_410, %scan3A_642 = %broadcast_in_dim3A_412, %scan3A_643 = %broadcast_in_dim3A_414, %scan3A_644 = %broadcast_in_dim3A_416, %scan3A_645 = %broadcast_in_dim3A_418, %scan3A_646 = %broadcast_in_dim3A_420, %scan3A_647 = %broadcast_in_dim3A_422, %scan3A_648 = %broadcast_in_dim3A_424, %scan3A_649 = %broadcast_in_dim3A_426, %scan3A_650 = %broadcast_in_dim3A_428, %scan3A_651 = %broadcast_in_dim3A_430, %scan3A_652 = %broadcast_in_dim3A_432, %scan3A_653 = %broadcast_in_dim3A_434, %scan3A_654 = %broadcast_in_dim3A_436, %scan3A_655 = %broadcast_in_dim3A_438, %scan3A_656 = %broadcast_in_dim3A_440) -> (vector<16xf32>, vector<16xf32>, vector<16xf32>, vector<16xf32>, vector<16xf32>, vector<16xf32>, vector<16xf32>, vector<16xf32>, vector<16xf32>, vector<16xf32>, vector<16xf32>, vector<16xf32>, vector<16xf32>, vector<16xf32>, vector<16xf32>, vector<16xf32>)  : i32 {
          %mul3A_657 = arith.constant 4 : i32
          %mul3A_658 = arith.muli %scan3A_640, %mul3A_657 : i32
          %add3A_659 = arith.constant 0 : i32
          %add3A_660 = arith.addi %mul3A_658, %add3A_659 : i32
          %get3A = arith.constant 4 : i32
          %get3A_661 = arith.index_cast %get3A : i32 to index
          %get3A_662 = arith.index_cast %add3A_660 : i32 to index
          %get3A_663 = arith.constant 0 : index
          %get3A_664 = tpu.vector_load %arg6[%get3A_661, %get3A_662, %get3A_663] {strides = array<i32>} : memref<8x100x64xi32, #tpu.memory_space<vmem>>, vector<1x1x16xi32>,
          %get3A_665 = vector.shape_cast %get3A_664 : vector<1x1x16xi32> to vector<16xi32>
          %shift_left3A = arith.constant 16 : i32
          %shift_left3A_666 = vector.broadcast %shift_left3A : i32 to vector<16xi32>
          %shift_left3A_667 = arith.shli %get3A_665, %shift_left3A_666 : vector<16xi32>
          %bitcast_convert_type3A = tpu.bitcast %shift_left3A_667 : vector<16xi32> -> vector<16xf32>
          %and3A = arith.constant -65536 : i32
          %and3A_668 = vector.broadcast %and3A : i32 to vector<16xi32>
          %and3A_669 = arith.andi %get3A_665, %and3A_668 : vector<16xi32>
          %bitcast_convert_type3A_670 = tpu.bitcast %and3A_669 : vector<16xi32> -> vector<16xf32>
          %add3A_671 = arith.addf %scan3A_641, %bitcast_convert_type3A : vector<16xf32>
          %add3A_672 = arith.addf %scan3A_642, %bitcast_convert_type3A_670 : vector<16xf32>
          %get3A_673 = arith.constant 4 : i32
          %get3A_674 = arith.index_cast %get3A_673 : i32 to index
          %get3A_675 = arith.index_cast %add3A_660 : i32 to index
          %get3A_676 = arith.constant 16 : index
          %get3A_677 = tpu.vector_load %arg6[%get3A_674, %get3A_675, %get3A_676] {strides = array<i32>} : memref<8x100x64xi32, #tpu.memory_space<vmem>>, vector<1x1x16xi32>,
          %get3A_678 = vector.shape_cast %get3A_677 : vector<1x1x16xi32> to vector<16xi32>
          %shift_left3A_679 = arith.constant 16 : i32
          %shift_left3A_680 = vector.broadcast %shift_left3A_679 : i32 to vector<16xi32>
          %shift_left3A_681 = arith.shli %get3A_678, %shift_left3A_680 : vector<16xi32>
          %bitcast_convert_type3A_682 = tpu.bitcast %shift_left3A_681 : vector<16xi32> -> vector<16xf32>
          %and3A_683 = arith.constant -65536 : i32
          %and3A_684 = vector.broadcast %and3A_683 : i32 to vector<16xi32>
          %and3A_685 = arith.andi %get3A_678, %and3A_684 : vector<16xi32>
          %bitcast_convert_type3A_686 = tpu.bitcast %and3A_685 : vector<16xi32> -> vector<16xf32>
          %add3A_687 = arith.addf %scan3A_643, %bitcast_convert_type3A_682 : vector<16xf32>
          %add3A_688 = arith.addf %scan3A_644, %bitcast_convert_type3A_686 : vector<16xf32>
          %get3A_689 = arith.constant 4 : i32
          %get3A_690 = arith.index_cast %get3A_689 : i32 to index
          %get3A_691 = arith.index_cast %add3A_660 : i32 to index
          %get3A_692 = arith.constant 32 : index
          %get3A_693 = tpu.vector_load %arg6[%get3A_690, %get3A_691, %get3A_692] {strides = array<i32>} : memref<8x100x64xi32, #tpu.memory_space<vmem>>, vector<1x1x16xi32>,
          %get3A_694 = vector.shape_cast %get3A_693 : vector<1x1x16xi32> to vector<16xi32>
          %shift_left3A_695 = arith.constant 16 : i32
          %shift_left3A_696 = vector.broadcast %shift_left3A_695 : i32 to vector<16xi32>
          %shift_left3A_697 = arith.shli %get3A_694, %shift_left3A_696 : vector<16xi32>
          %bitcast_convert_type3A_698 = tpu.bitcast %shift_left3A_697 : vector<16xi32> -> vector<16xf32>
          %and3A_699 = arith.constant -65536 : i32
          %and3A_700 = vector.broadcast %and3A_699 : i32 to vector<16xi32>
          %and3A_701 = arith.andi %get3A_694, %and3A_700 : vector<16xi32>
          %bitcast_convert_type3A_702 = tpu.bitcast %and3A_701 : vector<16xi32> -> vector<16xf32>
          %add3A_703 = arith.addf %scan3A_645, %bitcast_convert_type3A_698 : vector<16xf32>
          %add3A_704 = arith.addf %scan3A_646, %bitcast_convert_type3A_702 : vector<16xf32>
          %get3A_705 = arith.constant 4 : i32
          %get3A_706 = arith.index_cast %get3A_705 : i32 to index
          %get3A_707 = arith.index_cast %add3A_660 : i32 to index
          %get3A_708 = arith.constant 48 : index
          %get3A_709 = tpu.vector_load %arg6[%get3A_706, %get3A_707, %get3A_708] {strides = array<i32>} : memref<8x100x64xi32, #tpu.memory_space<vmem>>, vector<1x1x16xi32>,
          %get3A_710 = vector.shape_cast %get3A_709 : vector<1x1x16xi32> to vector<16xi32>
          %shift_left3A_711 = arith.constant 16 : i32
          %shift_left3A_712 = vector.broadcast %shift_left3A_711 : i32 to vector<16xi32>
          %shift_left3A_713 = arith.shli %get3A_710, %shift_left3A_712 : vector<16xi32>
          %bitcast_convert_type3A_714 = tpu.bitcast %shift_left3A_713 : vector<16xi32> -> vector<16xf32>
          %and3A_715 = arith.constant -65536 : i32
          %and3A_716 = vector.broadcast %and3A_715 : i32 to vector<16xi32>
          %and3A_717 = arith.andi %get3A_710, %and3A_716 : vector<16xi32>
          %bitcast_convert_type3A_718 = tpu.bitcast %and3A_717 : vector<16xi32> -> vector<16xf32>
          %add3A_719 = arith.addf %scan3A_647, %bitcast_convert_type3A_714 : vector<16xf32>
          %add3A_720 = arith.addf %scan3A_648, %bitcast_convert_type3A_718 : vector<16xf32>
          %mul3A_721 = arith.constant 4 : i32
          %mul3A_722 = arith.muli %scan3A_640, %mul3A_721 : i32
          %add3A_723 = arith.constant 1 : i32
          %add3A_724 = arith.addi %mul3A_722, %add3A_723 : i32
          %get3A_725 = arith.constant 4 : i32
          %get3A_726 = arith.index_cast %get3A_725 : i32 to index
          %get3A_727 = arith.index_cast %add3A_724 : i32 to index
          %get3A_728 = arith.constant 0 : index
          %get3A_729 = tpu.vector_load %arg6[%get3A_726, %get3A_727, %get3A_728] {strides = array<i32>} : memref<8x100x64xi32, #tpu.memory_space<vmem>>, vector<1x1x16xi32>,
          %get3A_730 = vector.shape_cast %get3A_729 : vector<1x1x16xi32> to vector<16xi32>
          %shift_left3A_731 = arith.constant 16 : i32
          %shift_left3A_732 = vector.broadcast %shift_left3A_731 : i32 to vector<16xi32>
          %shift_left3A_733 = arith.shli %get3A_730, %shift_left3A_732 : vector<16xi32>
          %bitcast_convert_type3A_734 = tpu.bitcast %shift_left3A_733 : vector<16xi32> -> vector<16xf32>
          %and3A_735 = arith.constant -65536 : i32
          %and3A_736 = vector.broadcast %and3A_735 : i32 to vector<16xi32>
          %and3A_737 = arith.andi %get3A_730, %and3A_736 : vector<16xi32>
          %bitcast_convert_type3A_738 = tpu.bitcast %and3A_737 : vector<16xi32> -> vector<16xf32>
          %add3A_739 = arith.addf %scan3A_649, %bitcast_convert_type3A_734 : vector<16xf32>
          %add3A_740 = arith.addf %scan3A_650, %bitcast_convert_type3A_738 : vector<16xf32>
          %get3A_741 = arith.constant 4 : i32
          %get3A_742 = arith.index_cast %get3A_741 : i32 to index
          %get3A_743 = arith.index_cast %add3A_724 : i32 to index
          %get3A_744 = arith.constant 16 : index
          %get3A_745 = tpu.vector_load %arg6[%get3A_742, %get3A_743, %get3A_744] {strides = array<i32>} : memref<8x100x64xi32, #tpu.memory_space<vmem>>, vector<1x1x16xi32>,
          %get3A_746 = vector.shape_cast %get3A_745 : vector<1x1x16xi32> to vector<16xi32>
          %shift_left3A_747 = arith.constant 16 : i32
          %shift_left3A_748 = vector.broadcast %shift_left3A_747 : i32 to vector<16xi32>
          %shift_left3A_749 = arith.shli %get3A_746, %shift_left3A_748 : vector<16xi32>
          %bitcast_convert_type3A_750 = tpu.bitcast %shift_left3A_749 : vector<16xi32> -> vector<16xf32>
          %and3A_751 = arith.constant -65536 : i32
          %and3A_752 = vector.broadcast %and3A_751 : i32 to vector<16xi32>
          %and3A_753 = arith.andi %get3A_746, %and3A_752 : vector<16xi32>
          %bitcast_convert_type3A_754 = tpu.bitcast %and3A_753 : vector<16xi32> -> vector<16xf32>
          %add3A_755 = arith.addf %scan3A_651, %bitcast_convert_type3A_750 : vector<16xf32>
          %add3A_756 = arith.addf %scan3A_652, %bitcast_convert_type3A_754 : vector<16xf32>
          %get3A_757 = arith.constant 4 : i32
          %get3A_758 = arith.index_cast %get3A_757 : i32 to index
          %get3A_759 = arith.index_cast %add3A_724 : i32 to index
          %get3A_760 = arith.constant 32 : index
          %get3A_761 = tpu.vector_load %arg6[%get3A_758, %get3A_759, %get3A_760] {strides = array<i32>} : memref<8x100x64xi32, #tpu.memory_space<vmem>>, vector<1x1x16xi32>,
          %get3A_762 = vector.shape_cast %get3A_761 : vector<1x1x16xi32> to vector<16xi32>
          %shift_left3A_763 = arith.constant 16 : i32
          %shift_left3A_764 = vector.broadcast %shift_left3A_763 : i32 to vector<16xi32>
          %shift_left3A_765 = arith.shli %get3A_762, %shift_left3A_764 : vector<16xi32>
          %bitcast_convert_type3A_766 = tpu.bitcast %shift_left3A_765 : vector<16xi32> -> vector<16xf32>
          %and3A_767 = arith.constant -65536 : i32
          %and3A_768 = vector.broadcast %and3A_767 : i32 to vector<16xi32>
          %and3A_769 = arith.andi %get3A_762, %and3A_768 : vector<16xi32>
          %bitcast_convert_type3A_770 = tpu.bitcast %and3A_769 : vector<16xi32> -> vector<16xf32>
          %add3A_771 = arith.addf %scan3A_653, %bitcast_convert_type3A_766 : vector<16xf32>
          %add3A_772 = arith.addf %scan3A_654, %bitcast_convert_type3A_770 : vector<16xf32>
          %get3A_773 = arith.constant 4 : i32
          %get3A_774 = arith.index_cast %get3A_773 : i32 to index
          %get3A_775 = arith.index_cast %add3A_724 : i32 to index
          %get3A_776 = arith.constant 48 : index
          %get3A_777 = tpu.vector_load %arg6[%get3A_774, %get3A_775, %get3A_776] {strides = array<i32>} : memref<8x100x64xi32, #tpu.memory_space<vmem>>, vector<1x1x16xi32>,
          %get3A_778 = vector.shape_cast %get3A_777 : vector<1x1x16xi32> to vector<16xi32>
          %shift_left3A_779 = arith.constant 16 : i32
          %shift_left3A_780 = vector.broadcast %shift_left3A_779 : i32 to vector<16xi32>
          %shift_left3A_781 = arith.shli %get3A_778, %shift_left3A_780 : vector<16xi32>
          %bitcast_convert_type3A_782 = tpu.bitcast %shift_left3A_781 : vector<16xi32> -> vector<16xf32>
          %and3A_783 = arith.constant -65536 : i32
          %and3A_784 = vector.broadcast %and3A_783 : i32 to vector<16xi32>
          %and3A_785 = arith.andi %get3A_778, %and3A_784 : vector<16xi32>
          %bitcast_convert_type3A_786 = tpu.bitcast %and3A_785 : vector<16xi32> -> vector<16xf32>
          %add3A_787 = arith.addf %scan3A_655, %bitcast_convert_type3A_782 : vector<16xf32>
          %add3A_788 = arith.addf %scan3A_656, %bitcast_convert_type3A_786 : vector<16xf32>
          %mul3A_789 = arith.constant 4 : i32
          %mul3A_790 = arith.muli %scan3A_640, %mul3A_789 : i32
          %add3A_791 = arith.constant 2 : i32
          %add3A_792 = arith.addi %mul3A_790, %add3A_791 : i32
          %get3A_793 = arith.constant 4 : i32
          %get3A_794 = arith.index_cast %get3A_793 : i32 to index
          %get3A_795 = arith.index_cast %add3A_792 : i32 to index
          %get3A_796 = arith.constant 0 : index
          %get3A_797 = tpu.vector_load %arg6[%get3A_794, %get3A_795, %get3A_796] {strides = array<i32>} : memref<8x100x64xi32, #tpu.memory_space<vmem>>, vector<1x1x16xi32>,
          %get3A_798 = vector.shape_cast %get3A_797 : vector<1x1x16xi32> to vector<16xi32>
          %shift_left3A_799 = arith.constant 16 : i32
          %shift_left3A_800 = vector.broadcast %shift_left3A_799 : i32 to vector<16xi32>
          %shift_left3A_801 = arith.shli %get3A_798, %shift_left3A_800 : vector<16xi32>
          %bitcast_convert_type3A_802 = tpu.bitcast %shift_left3A_801 : vector<16xi32> -> vector<16xf32>
          %and3A_803 = arith.constant -65536 : i32
          %and3A_804 = vector.broadcast %and3A_803 : i32 to vector<16xi32>
          %and3A_805 = arith.andi %get3A_798, %and3A_804 : vector<16xi32>
          %bitcast_convert_type3A_806 = tpu.bitcast %and3A_805 : vector<16xi32> -> vector<16xf32>
          %add3A_807 = arith.addf %add3A_671, %bitcast_convert_type3A_802 : vector<16xf32>
          %add3A_808 = arith.addf %add3A_672, %bitcast_convert_type3A_806 : vector<16xf32>
          %get3A_809 = arith.constant 4 : i32
          %get3A_810 = arith.index_cast %get3A_809 : i32 to index
          %get3A_811 = arith.index_cast %add3A_792 : i32 to index
          %get3A_812 = arith.constant 16 : index
          %get3A_813 = tpu.vector_load %arg6[%get3A_810, %get3A_811, %get3A_812] {strides = array<i32>} : memref<8x100x64xi32, #tpu.memory_space<vmem>>, vector<1x1x16xi32>,
          %get3A_814 = vector.shape_cast %get3A_813 : vector<1x1x16xi32> to vector<16xi32>
          %shift_left3A_815 = arith.constant 16 : i32
          %shift_left3A_816 = vector.broadcast %shift_left3A_815 : i32 to vector<16xi32>
          %shift_left3A_817 = arith.shli %get3A_814, %shift_left3A_816 : vector<16xi32>
          %bitcast_convert_type3A_818 = tpu.bitcast %shift_left3A_817 : vector<16xi32> -> vector<16xf32>
          %and3A_819 = arith.constant -65536 : i32
          %and3A_820 = vector.broadcast %and3A_819 : i32 to vector<16xi32>
          %and3A_821 = arith.andi %get3A_814, %and3A_820 : vector<16xi32>
          %bitcast_convert_type3A_822 = tpu.bitcast %and3A_821 : vector<16xi32> -> vector<16xf32>
          %add3A_823 = arith.addf %add3A_687, %bitcast_convert_type3A_818 : vector<16xf32>
          %add3A_824 = arith.addf %add3A_688, %bitcast_convert_type3A_822 : vector<16xf32>
          %get3A_825 = arith.constant 4 : i32
          %get3A_826 = arith.index_cast %get3A_825 : i32 to index
          %get3A_827 = arith.index_cast %add3A_792 : i32 to index
          %get3A_828 = arith.constant 32 : index
          %get3A_829 = tpu.vector_load %arg6[%get3A_826, %get3A_827, %get3A_828] {strides = array<i32>} : memref<8x100x64xi32, #tpu.memory_space<vmem>>, vector<1x1x16xi32>,
          %get3A_830 = vector.shape_cast %get3A_829 : vector<1x1x16xi32> to vector<16xi32>
          %shift_left3A_831 = arith.constant 16 : i32
          %shift_left3A_832 = vector.broadcast %shift_left3A_831 : i32 to vector<16xi32>
          %shift_left3A_833 = arith.shli %get3A_830, %shift_left3A_832 : vector<16xi32>
          %bitcast_convert_type3A_834 = tpu.bitcast %shift_left3A_833 : vector<16xi32> -> vector<16xf32>
          %and3A_835 = arith.constant -65536 : i32
          %and3A_836 = vector.broadcast %and3A_835 : i32 to vector<16xi32>
          %and3A_837 = arith.andi %get3A_830, %and3A_836 : vector<16xi32>
          %bitcast_convert_type3A_838 = tpu.bitcast %and3A_837 : vector<16xi32> -> vector<16xf32>
          %add3A_839 = arith.addf %add3A_703, %bitcast_convert_type3A_834 : vector<16xf32>
          %add3A_840 = arith.addf %add3A_704, %bitcast_convert_type3A_838 : vector<16xf32>
          %get3A_841 = arith.constant 4 : i32
          %get3A_842 = arith.index_cast %get3A_841 : i32 to index
          %get3A_843 = arith.index_cast %add3A_792 : i32 to index
          %get3A_844 = arith.constant 48 : index
          %get3A_845 = tpu.vector_load %arg6[%get3A_842, %get3A_843, %get3A_844] {strides = array<i32>} : memref<8x100x64xi32, #tpu.memory_space<vmem>>, vector<1x1x16xi32>,
          %get3A_846 = vector.shape_cast %get3A_845 : vector<1x1x16xi32> to vector<16xi32>
          %shift_left3A_847 = arith.constant 16 : i32
          %shift_left3A_848 = vector.broadcast %shift_left3A_847 : i32 to vector<16xi32>
          %shift_left3A_849 = arith.shli %get3A_846, %shift_left3A_848 : vector<16xi32>
          %bitcast_convert_type3A_850 = tpu.bitcast %shift_left3A_849 : vector<16xi32> -> vector<16xf32>
          %and3A_851 = arith.constant -65536 : i32
          %and3A_852 = vector.broadcast %and3A_851 : i32 to vector<16xi32>
          %and3A_853 = arith.andi %get3A_846, %and3A_852 : vector<16xi32>
          %bitcast_convert_type3A_854 = tpu.bitcast %and3A_853 : vector<16xi32> -> vector<16xf32>
          %add3A_855 = arith.addf %add3A_719, %bitcast_convert_type3A_850 : vector<16xf32>
          %add3A_856 = arith.addf %add3A_720, %bitcast_convert_type3A_854 : vector<16xf32>
          %mul3A_857 = arith.constant 4 : i32
          %mul3A_858 = arith.muli %scan3A_640, %mul3A_857 : i32
          %add3A_859 = arith.constant 3 : i32
          %add3A_860 = arith.addi %mul3A_858, %add3A_859 : i32
          %get3A_861 = arith.constant 4 : i32
          %get3A_862 = arith.index_cast %get3A_861 : i32 to index
          %get3A_863 = arith.index_cast %add3A_860 : i32 to index
          %get3A_864 = arith.constant 0 : index
          %get3A_865 = tpu.vector_load %arg6[%get3A_862, %get3A_863, %get3A_864] {strides = array<i32>} : memref<8x100x64xi32, #tpu.memory_space<vmem>>, vector<1x1x16xi32>,
          %get3A_866 = vector.shape_cast %get3A_865 : vector<1x1x16xi32> to vector<16xi32>
          %shift_left3A_867 = arith.constant 16 : i32
          %shift_left3A_868 = vector.broadcast %shift_left3A_867 : i32 to vector<16xi32>
          %shift_left3A_869 = arith.shli %get3A_866, %shift_left3A_868 : vector<16xi32>
          %bitcast_convert_type3A_870 = tpu.bitcast %shift_left3A_869 : vector<16xi32> -> vector<16xf32>
          %and3A_871 = arith.constant -65536 : i32
          %and3A_872 = vector.broadcast %and3A_871 : i32 to vector<16xi32>
          %and3A_873 = arith.andi %get3A_866, %and3A_872 : vector<16xi32>
          %bitcast_convert_type3A_874 = tpu.bitcast %and3A_873 : vector<16xi32> -> vector<16xf32>
          %add3A_875 = arith.addf %add3A_739, %bitcast_convert_type3A_870 : vector<16xf32>
          %add3A_876 = arith.addf %add3A_740, %bitcast_convert_type3A_874 : vector<16xf32>
          %get3A_877 = arith.constant 4 : i32
          %get3A_878 = arith.index_cast %get3A_877 : i32 to index
          %get3A_879 = arith.index_cast %add3A_860 : i32 to index
          %get3A_880 = arith.constant 16 : index
          %get3A_881 = tpu.vector_load %arg6[%get3A_878, %get3A_879, %get3A_880] {strides = array<i32>} : memref<8x100x64xi32, #tpu.memory_space<vmem>>, vector<1x1x16xi32>,
          %get3A_882 = vector.shape_cast %get3A_881 : vector<1x1x16xi32> to vector<16xi32>
          %shift_left3A_883 = arith.constant 16 : i32
          %shift_left3A_884 = vector.broadcast %shift_left3A_883 : i32 to vector<16xi32>
          %shift_left3A_885 = arith.shli %get3A_882, %shift_left3A_884 : vector<16xi32>
          %bitcast_convert_type3A_886 = tpu.bitcast %shift_left3A_885 : vector<16xi32> -> vector<16xf32>
          %and3A_887 = arith.constant -65536 : i32
          %and3A_888 = vector.broadcast %and3A_887 : i32 to vector<16xi32>
          %and3A_889 = arith.andi %get3A_882, %and3A_888 : vector<16xi32>
          %bitcast_convert_type3A_890 = tpu.bitcast %and3A_889 : vector<16xi32> -> vector<16xf32>
          %add3A_891 = arith.addf %add3A_755, %bitcast_convert_type3A_886 : vector<16xf32>
          %add3A_892 = arith.addf %add3A_756, %bitcast_convert_type3A_890 : vector<16xf32>
          %get3A_893 = arith.constant 4 : i32
          %get3A_894 = arith.index_cast %get3A_893 : i32 to index
          %get3A_895 = arith.index_cast %add3A_860 : i32 to index
          %get3A_896 = arith.constant 32 : index
          %get3A_897 = tpu.vector_load %arg6[%get3A_894, %get3A_895, %get3A_896] {strides = array<i32>} : memref<8x100x64xi32, #tpu.memory_space<vmem>>, vector<1x1x16xi32>,
          %get3A_898 = vector.shape_cast %get3A_897 : vector<1x1x16xi32> to vector<16xi32>
          %shift_left3A_899 = arith.constant 16 : i32
          %shift_left3A_900 = vector.broadcast %shift_left3A_899 : i32 to vector<16xi32>
          %shift_left3A_901 = arith.shli %get3A_898, %shift_left3A_900 : vector<16xi32>
          %bitcast_convert_type3A_902 = tpu.bitcast %shift_left3A_901 : vector<16xi32> -> vector<16xf32>
          %and3A_903 = arith.constant -65536 : i32
          %and3A_904 = vector.broadcast %and3A_903 : i32 to vector<16xi32>
          %and3A_905 = arith.andi %get3A_898, %and3A_904 : vector<16xi32>
          %bitcast_convert_type3A_906 = tpu.bitcast %and3A_905 : vector<16xi32> -> vector<16xf32>
          %add3A_907 = arith.addf %add3A_771, %bitcast_convert_type3A_902 : vector<16xf32>
          %add3A_908 = arith.addf %add3A_772, %bitcast_convert_type3A_906 : vector<16xf32>
          %get3A_909 = arith.constant 4 : i32
          %get3A_910 = arith.index_cast %get3A_909 : i32 to index
          %get3A_911 = arith.index_cast %add3A_860 : i32 to index
          %get3A_912 = arith.constant 48 : index
          %get3A_913 = tpu.vector_load %arg6[%get3A_910, %get3A_911, %get3A_912] {strides = array<i32>} : memref<8x100x64xi32, #tpu.memory_space<vmem>>, vector<1x1x16xi32>,
          %get3A_914 = vector.shape_cast %get3A_913 : vector<1x1x16xi32> to vector<16xi32>
          %shift_left3A_915 = arith.constant 16 : i32
          %shift_left3A_916 = vector.broadcast %shift_left3A_915 : i32 to vector<16xi32>
          %shift_left3A_917 = arith.shli %get3A_914, %shift_left3A_916 : vector<16xi32>
          %bitcast_convert_type3A_918 = tpu.bitcast %shift_left3A_917 : vector<16xi32> -> vector<16xf32>
          %and3A_919 = arith.constant -65536 : i32
          %and3A_920 = vector.broadcast %and3A_919 : i32 to vector<16xi32>
          %and3A_921 = arith.andi %get3A_914, %and3A_920 : vector<16xi32>
          %bitcast_convert_type3A_922 = tpu.bitcast %and3A_921 : vector<16xi32> -> vector<16xf32>
          %add3A_923 = arith.addf %add3A_787, %bitcast_convert_type3A_918 : vector<16xf32>
          %add3A_924 = arith.addf %add3A_788, %bitcast_convert_type3A_922 : vector<16xf32>
          scf.yield %add3A_807, %add3A_808, %add3A_823, %add3A_824, %add3A_839, %add3A_840, %add3A_855, %add3A_856, %add3A_875, %add3A_876, %add3A_891, %add3A_892, %add3A_907, %add3A_908, %add3A_923, %add3A_924 : vector<16xf32>, vector<16xf32>, vector<16xf32>, vector<16xf32>, vector<16xf32>, vector<16xf32>, vector<16xf32>, vector<16xf32>, vector<16xf32>, vector<16xf32>, vector<16xf32>, vector<16xf32>, vector<16xf32>, vector<16xf32>, vector<16xf32>, vector<16xf32>
        }
        %scan3A_446 = arith.constant 25 : i32
        %add3A_447 = arith.constant 4 : i32
        %add3A_448 = arith.addi %mul3A_147, %add3A_447 : i32
        %add3A_449 = arith.constant 8 : i32
        %add3A_450 = arith.addi %add3A_448, %add3A_449 : i32
        %add3A_451 = arith.constant 2 : i32
        %add3A_452 = arith.addi %add3A_393, %add3A_451 : i32
        %lt3A_453 = arith.constant 264 : i32
        %lt3A_454 = arith.cmpi slt, %add3A_450, %lt3A_453 : i32
        %convert_element_type3A_455 = arith.extui %lt3A_454 : i1 to i32
        %cond3A_456 = arith.constant 0 : i32
        %cond3A_457 = arith.cmpi ne, %convert_element_type3A_455, %cond3A_456 : i32
        scf.if %cond3A_457 {
          %dma_start3A_640 = arith.constant 0 : i32
          %dma_start3A_641 = arith.constant 4 : i32
          %dma_start3A_642 = arith.constant 4 : i32
          %dma_start3A_643 = arith.constant 0 : i32
          %dma_start3A_644 = arith.constant 0 : i32
          %dma_start3A_645 = tpu.memref_slice %arg6[%dma_start3A_641, %dma_start3A_643, %dma_start3A_644] : memref<8x100x64xi32, #tpu.memory_space<vmem>> -> memref<1x100x64xi32, #tpu.memory_space<vmem>>
          %dma_start3A_646 = tpu.memref_squeeze %dma_start3A_645 : memref<1x100x64xi32, #tpu.memory_space<vmem>> -> memref<100x64xi32, #tpu.memory_space<vmem>>
          %dma_start3A_647 = arith.constant 0 : i32
          %dma_start3A_648 = tpu.memref_slice %arg5[%add3A_452, %dma_start3A_640, %dma_start3A_647] : memref<66x4x100xi32, #tpu.memory_space<vmem>> -> memref<1x1x100xi32, #tpu.memory_space<vmem>>
          %dma_start3A_649 = tpu.memref_squeeze %dma_start3A_648 : memref<1x1x100xi32, #tpu.memory_space<vmem>> -> memref<100xi32, #tpu.memory_space<vmem>>
          %dma_start3A_650 = arith.constant 0 : i32
          %dma_start3A_651 = arith.constant 0 : i32
          %dma_start3A_652 = tpu.memref_slice %arg3[%dma_start3A_650, %dma_start3A_651] : memref<100513x64xi32, #tpu.memory_space<hbm>> -> memref<100513x64xi32, #tpu.memory_space<hbm>>
          %dma_start3A_653 = tpu.memref_slice %arg8[%dma_start3A_642] : memref<8x!tpu.dma_semaphore, #tpu.memory_space<semaphore_mem>> -> memref<1x!tpu.dma_semaphore, #tpu.memory_space<semaphore_mem>>
          %dma_start3A_654 = tpu.memref_squeeze %dma_start3A_653 : memref<1x!tpu.dma_semaphore, #tpu.memory_space<semaphore_mem>> -> memref<!tpu.dma_semaphore, #tpu.memory_space<semaphore_mem>>
          tpu.enqueue_indirect_dma source(%dma_start3A_652 : memref<100513x64xi32, #tpu.memory_space<hbm>>) target(%dma_start3A_646 : memref<100x64xi32, #tpu.memory_space<vmem>>) offsets(%dma_start3A_649 : memref<100xi32, #tpu.memory_space<vmem>>) semaphore(%dma_start3A_654 : memref<!tpu.dma_semaphore, #tpu.memory_space<semaphore_mem>>)
        } else {
        }
        %add3A_458 = arith.constant 1 : i32
        %add3A_459 = arith.addi %mul3A_149, %add3A_458 : i32
        %dma_wait3A_460 = arith.constant 1 : i32
        %dma_wait3A_461 = arith.constant 5 : i32
        %dma_wait3A_462 = arith.constant 5 : i32
        %dma_wait3A_463 = arith.constant 0 : i32
        %dma_wait3A_464 = arith.constant 0 : i32
        %dma_wait3A_465 = tpu.memref_slice %arg6[%dma_wait3A_461, %dma_wait3A_463, %dma_wait3A_464] : memref<8x100x64xi32, #tpu.memory_space<vmem>> -> memref<1x100x64xi32, #tpu.memory_space<vmem>>
        %dma_wait3A_466 = tpu.memref_squeeze %dma_wait3A_465 : memref<1x100x64xi32, #tpu.memory_space<vmem>> -> memref<100x64xi32, #tpu.memory_space<vmem>>
        %dma_wait3A_467 = arith.constant 0 : i32
        %dma_wait3A_468 = tpu.memref_slice %arg5[%add3A_459, %dma_wait3A_460, %dma_wait3A_467] : memref<66x4x100xi32, #tpu.memory_space<vmem>> -> memref<1x1x100xi32, #tpu.memory_space<vmem>>
        %dma_wait3A_469 = tpu.memref_squeeze %dma_wait3A_468 : memref<1x1x100xi32, #tpu.memory_space<vmem>> -> memref<100xi32, #tpu.memory_space<vmem>>
        %dma_wait3A_470 = arith.constant 0 : i32
        %dma_wait3A_471 = arith.constant 0 : i32
        %dma_wait3A_472 = tpu.memref_slice %arg3[%dma_wait3A_470, %dma_wait3A_471] : memref<100513x64xi32, #tpu.memory_space<hbm>> -> memref<100513x64xi32, #tpu.memory_space<hbm>>
        %dma_wait3A_473 = tpu.memref_slice %arg8[%dma_wait3A_462] : memref<8x!tpu.dma_semaphore, #tpu.memory_space<semaphore_mem>> -> memref<1x!tpu.dma_semaphore, #tpu.memory_space<semaphore_mem>>
        %dma_wait3A_474 = tpu.memref_squeeze %dma_wait3A_473 : memref<1x!tpu.dma_semaphore, #tpu.memory_space<semaphore_mem>> -> memref<!tpu.dma_semaphore, #tpu.memory_space<semaphore_mem>>
        tpu.wait_indirect_dma semaphore(%dma_wait3A_474 : memref<!tpu.dma_semaphore, #tpu.memory_space<semaphore_mem>>) src(%dma_wait3A_472 : memref<100513x64xi32, #tpu.memory_space<hbm>>) dst(%dma_wait3A_466 : memref<100x64xi32, #tpu.memory_space<vmem>>)
        %scan3A_475 = arith.constant 0 : i32
        %scan3A_476 = arith.constant 25 : i32
        %scan3A_477 = arith.addi %scan3A_475, %scan3A_476 : i32
        %scan3A_478 = arith.constant 1 : i32
        %scan3A_479:16 = scf.for %scan3A_640 = %scan3A_475 to %scan3A_477 step %scan3A_478 iter_args(%scan3A_641 = %scan3A_445#0, %scan3A_642 = %scan3A_445#1, %scan3A_643 = %scan3A_445#2, %scan3A_644 = %scan3A_445#3, %scan3A_645 = %scan3A_445#4, %scan3A_646 = %scan3A_445#5, %scan3A_647 = %scan3A_445#6, %scan3A_648 = %scan3A_445#7, %scan3A_649 = %scan3A_445#8, %scan3A_650 = %scan3A_445#9, %scan3A_651 = %scan3A_445#10, %scan3A_652 = %scan3A_445#11, %scan3A_653 = %scan3A_445#12, %scan3A_654 = %scan3A_445#13, %scan3A_655 = %scan3A_445#14, %scan3A_656 = %scan3A_445#15) -> (vector<16xf32>, vector<16xf32>, vector<16xf32>, vector<16xf32>, vector<16xf32>, vector<16xf32>, vector<16xf32>, vector<16xf32>, vector<16xf32>, vector<16xf32>, vector<16xf32>, vector<16xf32>, vector<16xf32>, vector<16xf32>, vector<16xf32>, vector<16xf32>)  : i32 {
          %mul3A_657 = arith.constant 4 : i32
          %mul3A_658 = arith.muli %scan3A_640, %mul3A_657 : i32
          %add3A_659 = arith.constant 0 : i32
          %add3A_660 = arith.addi %mul3A_658, %add3A_659 : i32
          %get3A = arith.constant 5 : i32
          %get3A_661 = arith.index_cast %get3A : i32 to index
          %get3A_662 = arith.index_cast %add3A_660 : i32 to index
          %get3A_663 = arith.constant 0 : index
          %get3A_664 = tpu.vector_load %arg6[%get3A_661, %get3A_662, %get3A_663] {strides = array<i32>} : memref<8x100x64xi32, #tpu.memory_space<vmem>>, vector<1x1x16xi32>,
          %get3A_665 = vector.shape_cast %get3A_664 : vector<1x1x16xi32> to vector<16xi32>
          %shift_left3A = arith.constant 16 : i32
          %shift_left3A_666 = vector.broadcast %shift_left3A : i32 to vector<16xi32>
          %shift_left3A_667 = arith.shli %get3A_665, %shift_left3A_666 : vector<16xi32>
          %bitcast_convert_type3A = tpu.bitcast %shift_left3A_667 : vector<16xi32> -> vector<16xf32>
          %and3A = arith.constant -65536 : i32
          %and3A_668 = vector.broadcast %and3A : i32 to vector<16xi32>
          %and3A_669 = arith.andi %get3A_665, %and3A_668 : vector<16xi32>
          %bitcast_convert_type3A_670 = tpu.bitcast %and3A_669 : vector<16xi32> -> vector<16xf32>
          %add3A_671 = arith.addf %scan3A_641, %bitcast_convert_type3A : vector<16xf32>
          %add3A_672 = arith.addf %scan3A_642, %bitcast_convert_type3A_670 : vector<16xf32>
          %get3A_673 = arith.constant 5 : i32
          %get3A_674 = arith.index_cast %get3A_673 : i32 to index
          %get3A_675 = arith.index_cast %add3A_660 : i32 to index
          %get3A_676 = arith.constant 16 : index
          %get3A_677 = tpu.vector_load %arg6[%get3A_674, %get3A_675, %get3A_676] {strides = array<i32>} : memref<8x100x64xi32, #tpu.memory_space<vmem>>, vector<1x1x16xi32>,
          %get3A_678 = vector.shape_cast %get3A_677 : vector<1x1x16xi32> to vector<16xi32>
          %shift_left3A_679 = arith.constant 16 : i32
          %shift_left3A_680 = vector.broadcast %shift_left3A_679 : i32 to vector<16xi32>
          %shift_left3A_681 = arith.shli %get3A_678, %shift_left3A_680 : vector<16xi32>
          %bitcast_convert_type3A_682 = tpu.bitcast %shift_left3A_681 : vector<16xi32> -> vector<16xf32>
          %and3A_683 = arith.constant -65536 : i32
          %and3A_684 = vector.broadcast %and3A_683 : i32 to vector<16xi32>
          %and3A_685 = arith.andi %get3A_678, %and3A_684 : vector<16xi32>
          %bitcast_convert_type3A_686 = tpu.bitcast %and3A_685 : vector<16xi32> -> vector<16xf32>
          %add3A_687 = arith.addf %scan3A_643, %bitcast_convert_type3A_682 : vector<16xf32>
          %add3A_688 = arith.addf %scan3A_644, %bitcast_convert_type3A_686 : vector<16xf32>
          %get3A_689 = arith.constant 5 : i32
          %get3A_690 = arith.index_cast %get3A_689 : i32 to index
          %get3A_691 = arith.index_cast %add3A_660 : i32 to index
          %get3A_692 = arith.constant 32 : index
          %get3A_693 = tpu.vector_load %arg6[%get3A_690, %get3A_691, %get3A_692] {strides = array<i32>} : memref<8x100x64xi32, #tpu.memory_space<vmem>>, vector<1x1x16xi32>,
          %get3A_694 = vector.shape_cast %get3A_693 : vector<1x1x16xi32> to vector<16xi32>
          %shift_left3A_695 = arith.constant 16 : i32
          %shift_left3A_696 = vector.broadcast %shift_left3A_695 : i32 to vector<16xi32>
          %shift_left3A_697 = arith.shli %get3A_694, %shift_left3A_696 : vector<16xi32>
          %bitcast_convert_type3A_698 = tpu.bitcast %shift_left3A_697 : vector<16xi32> -> vector<16xf32>
          %and3A_699 = arith.constant -65536 : i32
          %and3A_700 = vector.broadcast %and3A_699 : i32 to vector<16xi32>
          %and3A_701 = arith.andi %get3A_694, %and3A_700 : vector<16xi32>
          %bitcast_convert_type3A_702 = tpu.bitcast %and3A_701 : vector<16xi32> -> vector<16xf32>
          %add3A_703 = arith.addf %scan3A_645, %bitcast_convert_type3A_698 : vector<16xf32>
          %add3A_704 = arith.addf %scan3A_646, %bitcast_convert_type3A_702 : vector<16xf32>
          %get3A_705 = arith.constant 5 : i32
          %get3A_706 = arith.index_cast %get3A_705 : i32 to index
          %get3A_707 = arith.index_cast %add3A_660 : i32 to index
          %get3A_708 = arith.constant 48 : index
          %get3A_709 = tpu.vector_load %arg6[%get3A_706, %get3A_707, %get3A_708] {strides = array<i32>} : memref<8x100x64xi32, #tpu.memory_space<vmem>>, vector<1x1x16xi32>,
          %get3A_710 = vector.shape_cast %get3A_709 : vector<1x1x16xi32> to vector<16xi32>
          %shift_left3A_711 = arith.constant 16 : i32
          %shift_left3A_712 = vector.broadcast %shift_left3A_711 : i32 to vector<16xi32>
          %shift_left3A_713 = arith.shli %get3A_710, %shift_left3A_712 : vector<16xi32>
          %bitcast_convert_type3A_714 = tpu.bitcast %shift_left3A_713 : vector<16xi32> -> vector<16xf32>
          %and3A_715 = arith.constant -65536 : i32
          %and3A_716 = vector.broadcast %and3A_715 : i32 to vector<16xi32>
          %and3A_717 = arith.andi %get3A_710, %and3A_716 : vector<16xi32>
          %bitcast_convert_type3A_718 = tpu.bitcast %and3A_717 : vector<16xi32> -> vector<16xf32>
          %add3A_719 = arith.addf %scan3A_647, %bitcast_convert_type3A_714 : vector<16xf32>
          %add3A_720 = arith.addf %scan3A_648, %bitcast_convert_type3A_718 : vector<16xf32>
          %mul3A_721 = arith.constant 4 : i32
          %mul3A_722 = arith.muli %scan3A_640, %mul3A_721 : i32
          %add3A_723 = arith.constant 1 : i32
          %add3A_724 = arith.addi %mul3A_722, %add3A_723 : i32
          %get3A_725 = arith.constant 5 : i32
          %get3A_726 = arith.index_cast %get3A_725 : i32 to index
          %get3A_727 = arith.index_cast %add3A_724 : i32 to index
          %get3A_728 = arith.constant 0 : index
          %get3A_729 = tpu.vector_load %arg6[%get3A_726, %get3A_727, %get3A_728] {strides = array<i32>} : memref<8x100x64xi32, #tpu.memory_space<vmem>>, vector<1x1x16xi32>,
          %get3A_730 = vector.shape_cast %get3A_729 : vector<1x1x16xi32> to vector<16xi32>
          %shift_left3A_731 = arith.constant 16 : i32
          %shift_left3A_732 = vector.broadcast %shift_left3A_731 : i32 to vector<16xi32>
          %shift_left3A_733 = arith.shli %get3A_730, %shift_left3A_732 : vector<16xi32>
          %bitcast_convert_type3A_734 = tpu.bitcast %shift_left3A_733 : vector<16xi32> -> vector<16xf32>
          %and3A_735 = arith.constant -65536 : i32
          %and3A_736 = vector.broadcast %and3A_735 : i32 to vector<16xi32>
          %and3A_737 = arith.andi %get3A_730, %and3A_736 : vector<16xi32>
          %bitcast_convert_type3A_738 = tpu.bitcast %and3A_737 : vector<16xi32> -> vector<16xf32>
          %add3A_739 = arith.addf %scan3A_649, %bitcast_convert_type3A_734 : vector<16xf32>
          %add3A_740 = arith.addf %scan3A_650, %bitcast_convert_type3A_738 : vector<16xf32>
          %get3A_741 = arith.constant 5 : i32
          %get3A_742 = arith.index_cast %get3A_741 : i32 to index
          %get3A_743 = arith.index_cast %add3A_724 : i32 to index
          %get3A_744 = arith.constant 16 : index
          %get3A_745 = tpu.vector_load %arg6[%get3A_742, %get3A_743, %get3A_744] {strides = array<i32>} : memref<8x100x64xi32, #tpu.memory_space<vmem>>, vector<1x1x16xi32>,
          %get3A_746 = vector.shape_cast %get3A_745 : vector<1x1x16xi32> to vector<16xi32>
          %shift_left3A_747 = arith.constant 16 : i32
          %shift_left3A_748 = vector.broadcast %shift_left3A_747 : i32 to vector<16xi32>
          %shift_left3A_749 = arith.shli %get3A_746, %shift_left3A_748 : vector<16xi32>
          %bitcast_convert_type3A_750 = tpu.bitcast %shift_left3A_749 : vector<16xi32> -> vector<16xf32>
          %and3A_751 = arith.constant -65536 : i32
          %and3A_752 = vector.broadcast %and3A_751 : i32 to vector<16xi32>
          %and3A_753 = arith.andi %get3A_746, %and3A_752 : vector<16xi32>
          %bitcast_convert_type3A_754 = tpu.bitcast %and3A_753 : vector<16xi32> -> vector<16xf32>
          %add3A_755 = arith.addf %scan3A_651, %bitcast_convert_type3A_750 : vector<16xf32>
          %add3A_756 = arith.addf %scan3A_652, %bitcast_convert_type3A_754 : vector<16xf32>
          %get3A_757 = arith.constant 5 : i32
          %get3A_758 = arith.index_cast %get3A_757 : i32 to index
          %get3A_759 = arith.index_cast %add3A_724 : i32 to index
          %get3A_760 = arith.constant 32 : index
          %get3A_761 = tpu.vector_load %arg6[%get3A_758, %get3A_759, %get3A_760] {strides = array<i32>} : memref<8x100x64xi32, #tpu.memory_space<vmem>>, vector<1x1x16xi32>,
          %get3A_762 = vector.shape_cast %get3A_761 : vector<1x1x16xi32> to vector<16xi32>
          %shift_left3A_763 = arith.constant 16 : i32
          %shift_left3A_764 = vector.broadcast %shift_left3A_763 : i32 to vector<16xi32>
          %shift_left3A_765 = arith.shli %get3A_762, %shift_left3A_764 : vector<16xi32>
          %bitcast_convert_type3A_766 = tpu.bitcast %shift_left3A_765 : vector<16xi32> -> vector<16xf32>
          %and3A_767 = arith.constant -65536 : i32
          %and3A_768 = vector.broadcast %and3A_767 : i32 to vector<16xi32>
          %and3A_769 = arith.andi %get3A_762, %and3A_768 : vector<16xi32>
          %bitcast_convert_type3A_770 = tpu.bitcast %and3A_769 : vector<16xi32> -> vector<16xf32>
          %add3A_771 = arith.addf %scan3A_653, %bitcast_convert_type3A_766 : vector<16xf32>
          %add3A_772 = arith.addf %scan3A_654, %bitcast_convert_type3A_770 : vector<16xf32>
          %get3A_773 = arith.constant 5 : i32
          %get3A_774 = arith.index_cast %get3A_773 : i32 to index
          %get3A_775 = arith.index_cast %add3A_724 : i32 to index
          %get3A_776 = arith.constant 48 : index
          %get3A_777 = tpu.vector_load %arg6[%get3A_774, %get3A_775, %get3A_776] {strides = array<i32>} : memref<8x100x64xi32, #tpu.memory_space<vmem>>, vector<1x1x16xi32>,
          %get3A_778 = vector.shape_cast %get3A_777 : vector<1x1x16xi32> to vector<16xi32>
          %shift_left3A_779 = arith.constant 16 : i32
          %shift_left3A_780 = vector.broadcast %shift_left3A_779 : i32 to vector<16xi32>
          %shift_left3A_781 = arith.shli %get3A_778, %shift_left3A_780 : vector<16xi32>
          %bitcast_convert_type3A_782 = tpu.bitcast %shift_left3A_781 : vector<16xi32> -> vector<16xf32>
          %and3A_783 = arith.constant -65536 : i32
          %and3A_784 = vector.broadcast %and3A_783 : i32 to vector<16xi32>
          %and3A_785 = arith.andi %get3A_778, %and3A_784 : vector<16xi32>
          %bitcast_convert_type3A_786 = tpu.bitcast %and3A_785 : vector<16xi32> -> vector<16xf32>
          %add3A_787 = arith.addf %scan3A_655, %bitcast_convert_type3A_782 : vector<16xf32>
          %add3A_788 = arith.addf %scan3A_656, %bitcast_convert_type3A_786 : vector<16xf32>
          %mul3A_789 = arith.constant 4 : i32
          %mul3A_790 = arith.muli %scan3A_640, %mul3A_789 : i32
          %add3A_791 = arith.constant 2 : i32
          %add3A_792 = arith.addi %mul3A_790, %add3A_791 : i32
          %get3A_793 = arith.constant 5 : i32
          %get3A_794 = arith.index_cast %get3A_793 : i32 to index
          %get3A_795 = arith.index_cast %add3A_792 : i32 to index
          %get3A_796 = arith.constant 0 : index
          %get3A_797 = tpu.vector_load %arg6[%get3A_794, %get3A_795, %get3A_796] {strides = array<i32>} : memref<8x100x64xi32, #tpu.memory_space<vmem>>, vector<1x1x16xi32>,
          %get3A_798 = vector.shape_cast %get3A_797 : vector<1x1x16xi32> to vector<16xi32>
          %shift_left3A_799 = arith.constant 16 : i32
          %shift_left3A_800 = vector.broadcast %shift_left3A_799 : i32 to vector<16xi32>
          %shift_left3A_801 = arith.shli %get3A_798, %shift_left3A_800 : vector<16xi32>
          %bitcast_convert_type3A_802 = tpu.bitcast %shift_left3A_801 : vector<16xi32> -> vector<16xf32>
          %and3A_803 = arith.constant -65536 : i32
          %and3A_804 = vector.broadcast %and3A_803 : i32 to vector<16xi32>
          %and3A_805 = arith.andi %get3A_798, %and3A_804 : vector<16xi32>
          %bitcast_convert_type3A_806 = tpu.bitcast %and3A_805 : vector<16xi32> -> vector<16xf32>
          %add3A_807 = arith.addf %add3A_671, %bitcast_convert_type3A_802 : vector<16xf32>
          %add3A_808 = arith.addf %add3A_672, %bitcast_convert_type3A_806 : vector<16xf32>
          %get3A_809 = arith.constant 5 : i32
          %get3A_810 = arith.index_cast %get3A_809 : i32 to index
          %get3A_811 = arith.index_cast %add3A_792 : i32 to index
          %get3A_812 = arith.constant 16 : index
          %get3A_813 = tpu.vector_load %arg6[%get3A_810, %get3A_811, %get3A_812] {strides = array<i32>} : memref<8x100x64xi32, #tpu.memory_space<vmem>>, vector<1x1x16xi32>,
          %get3A_814 = vector.shape_cast %get3A_813 : vector<1x1x16xi32> to vector<16xi32>
          %shift_left3A_815 = arith.constant 16 : i32
          %shift_left3A_816 = vector.broadcast %shift_left3A_815 : i32 to vector<16xi32>
          %shift_left3A_817 = arith.shli %get3A_814, %shift_left3A_816 : vector<16xi32>
          %bitcast_convert_type3A_818 = tpu.bitcast %shift_left3A_817 : vector<16xi32> -> vector<16xf32>
          %and3A_819 = arith.constant -65536 : i32
          %and3A_820 = vector.broadcast %and3A_819 : i32 to vector<16xi32>
          %and3A_821 = arith.andi %get3A_814, %and3A_820 : vector<16xi32>
          %bitcast_convert_type3A_822 = tpu.bitcast %and3A_821 : vector<16xi32> -> vector<16xf32>
          %add3A_823 = arith.addf %add3A_687, %bitcast_convert_type3A_818 : vector<16xf32>
          %add3A_824 = arith.addf %add3A_688, %bitcast_convert_type3A_822 : vector<16xf32>
          %get3A_825 = arith.constant 5 : i32
          %get3A_826 = arith.index_cast %get3A_825 : i32 to index
          %get3A_827 = arith.index_cast %add3A_792 : i32 to index
          %get3A_828 = arith.constant 32 : index
          %get3A_829 = tpu.vector_load %arg6[%get3A_826, %get3A_827, %get3A_828] {strides = array<i32>} : memref<8x100x64xi32, #tpu.memory_space<vmem>>, vector<1x1x16xi32>,
          %get3A_830 = vector.shape_cast %get3A_829 : vector<1x1x16xi32> to vector<16xi32>
          %shift_left3A_831 = arith.constant 16 : i32
          %shift_left3A_832 = vector.broadcast %shift_left3A_831 : i32 to vector<16xi32>
          %shift_left3A_833 = arith.shli %get3A_830, %shift_left3A_832 : vector<16xi32>
          %bitcast_convert_type3A_834 = tpu.bitcast %shift_left3A_833 : vector<16xi32> -> vector<16xf32>
          %and3A_835 = arith.constant -65536 : i32
          %and3A_836 = vector.broadcast %and3A_835 : i32 to vector<16xi32>
          %and3A_837 = arith.andi %get3A_830, %and3A_836 : vector<16xi32>
          %bitcast_convert_type3A_838 = tpu.bitcast %and3A_837 : vector<16xi32> -> vector<16xf32>
          %add3A_839 = arith.addf %add3A_703, %bitcast_convert_type3A_834 : vector<16xf32>
          %add3A_840 = arith.addf %add3A_704, %bitcast_convert_type3A_838 : vector<16xf32>
          %get3A_841 = arith.constant 5 : i32
          %get3A_842 = arith.index_cast %get3A_841 : i32 to index
          %get3A_843 = arith.index_cast %add3A_792 : i32 to index
          %get3A_844 = arith.constant 48 : index
          %get3A_845 = tpu.vector_load %arg6[%get3A_842, %get3A_843, %get3A_844] {strides = array<i32>} : memref<8x100x64xi32, #tpu.memory_space<vmem>>, vector<1x1x16xi32>,
          %get3A_846 = vector.shape_cast %get3A_845 : vector<1x1x16xi32> to vector<16xi32>
          %shift_left3A_847 = arith.constant 16 : i32
          %shift_left3A_848 = vector.broadcast %shift_left3A_847 : i32 to vector<16xi32>
          %shift_left3A_849 = arith.shli %get3A_846, %shift_left3A_848 : vector<16xi32>
          %bitcast_convert_type3A_850 = tpu.bitcast %shift_left3A_849 : vector<16xi32> -> vector<16xf32>
          %and3A_851 = arith.constant -65536 : i32
          %and3A_852 = vector.broadcast %and3A_851 : i32 to vector<16xi32>
          %and3A_853 = arith.andi %get3A_846, %and3A_852 : vector<16xi32>
          %bitcast_convert_type3A_854 = tpu.bitcast %and3A_853 : vector<16xi32> -> vector<16xf32>
          %add3A_855 = arith.addf %add3A_719, %bitcast_convert_type3A_850 : vector<16xf32>
          %add3A_856 = arith.addf %add3A_720, %bitcast_convert_type3A_854 : vector<16xf32>
          %mul3A_857 = arith.constant 4 : i32
          %mul3A_858 = arith.muli %scan3A_640, %mul3A_857 : i32
          %add3A_859 = arith.constant 3 : i32
          %add3A_860 = arith.addi %mul3A_858, %add3A_859 : i32
          %get3A_861 = arith.constant 5 : i32
          %get3A_862 = arith.index_cast %get3A_861 : i32 to index
          %get3A_863 = arith.index_cast %add3A_860 : i32 to index
          %get3A_864 = arith.constant 0 : index
          %get3A_865 = tpu.vector_load %arg6[%get3A_862, %get3A_863, %get3A_864] {strides = array<i32>} : memref<8x100x64xi32, #tpu.memory_space<vmem>>, vector<1x1x16xi32>,
          %get3A_866 = vector.shape_cast %get3A_865 : vector<1x1x16xi32> to vector<16xi32>
          %shift_left3A_867 = arith.constant 16 : i32
          %shift_left3A_868 = vector.broadcast %shift_left3A_867 : i32 to vector<16xi32>
          %shift_left3A_869 = arith.shli %get3A_866, %shift_left3A_868 : vector<16xi32>
          %bitcast_convert_type3A_870 = tpu.bitcast %shift_left3A_869 : vector<16xi32> -> vector<16xf32>
          %and3A_871 = arith.constant -65536 : i32
          %and3A_872 = vector.broadcast %and3A_871 : i32 to vector<16xi32>
          %and3A_873 = arith.andi %get3A_866, %and3A_872 : vector<16xi32>
          %bitcast_convert_type3A_874 = tpu.bitcast %and3A_873 : vector<16xi32> -> vector<16xf32>
          %add3A_875 = arith.addf %add3A_739, %bitcast_convert_type3A_870 : vector<16xf32>
          %add3A_876 = arith.addf %add3A_740, %bitcast_convert_type3A_874 : vector<16xf32>
          %get3A_877 = arith.constant 5 : i32
          %get3A_878 = arith.index_cast %get3A_877 : i32 to index
          %get3A_879 = arith.index_cast %add3A_860 : i32 to index
          %get3A_880 = arith.constant 16 : index
          %get3A_881 = tpu.vector_load %arg6[%get3A_878, %get3A_879, %get3A_880] {strides = array<i32>} : memref<8x100x64xi32, #tpu.memory_space<vmem>>, vector<1x1x16xi32>,
          %get3A_882 = vector.shape_cast %get3A_881 : vector<1x1x16xi32> to vector<16xi32>
          %shift_left3A_883 = arith.constant 16 : i32
          %shift_left3A_884 = vector.broadcast %shift_left3A_883 : i32 to vector<16xi32>
          %shift_left3A_885 = arith.shli %get3A_882, %shift_left3A_884 : vector<16xi32>
          %bitcast_convert_type3A_886 = tpu.bitcast %shift_left3A_885 : vector<16xi32> -> vector<16xf32>
          %and3A_887 = arith.constant -65536 : i32
          %and3A_888 = vector.broadcast %and3A_887 : i32 to vector<16xi32>
          %and3A_889 = arith.andi %get3A_882, %and3A_888 : vector<16xi32>
          %bitcast_convert_type3A_890 = tpu.bitcast %and3A_889 : vector<16xi32> -> vector<16xf32>
          %add3A_891 = arith.addf %add3A_755, %bitcast_convert_type3A_886 : vector<16xf32>
          %add3A_892 = arith.addf %add3A_756, %bitcast_convert_type3A_890 : vector<16xf32>
          %get3A_893 = arith.constant 5 : i32
          %get3A_894 = arith.index_cast %get3A_893 : i32 to index
          %get3A_895 = arith.index_cast %add3A_860 : i32 to index
          %get3A_896 = arith.constant 32 : index
          %get3A_897 = tpu.vector_load %arg6[%get3A_894, %get3A_895, %get3A_896] {strides = array<i32>} : memref<8x100x64xi32, #tpu.memory_space<vmem>>, vector<1x1x16xi32>,
          %get3A_898 = vector.shape_cast %get3A_897 : vector<1x1x16xi32> to vector<16xi32>
          %shift_left3A_899 = arith.constant 16 : i32
          %shift_left3A_900 = vector.broadcast %shift_left3A_899 : i32 to vector<16xi32>
          %shift_left3A_901 = arith.shli %get3A_898, %shift_left3A_900 : vector<16xi32>
          %bitcast_convert_type3A_902 = tpu.bitcast %shift_left3A_901 : vector<16xi32> -> vector<16xf32>
          %and3A_903 = arith.constant -65536 : i32
          %and3A_904 = vector.broadcast %and3A_903 : i32 to vector<16xi32>
          %and3A_905 = arith.andi %get3A_898, %and3A_904 : vector<16xi32>
          %bitcast_convert_type3A_906 = tpu.bitcast %and3A_905 : vector<16xi32> -> vector<16xf32>
          %add3A_907 = arith.addf %add3A_771, %bitcast_convert_type3A_902 : vector<16xf32>
          %add3A_908 = arith.addf %add3A_772, %bitcast_convert_type3A_906 : vector<16xf32>
          %get3A_909 = arith.constant 5 : i32
          %get3A_910 = arith.index_cast %get3A_909 : i32 to index
          %get3A_911 = arith.index_cast %add3A_860 : i32 to index
          %get3A_912 = arith.constant 48 : index
          %get3A_913 = tpu.vector_load %arg6[%get3A_910, %get3A_911, %get3A_912] {strides = array<i32>} : memref<8x100x64xi32, #tpu.memory_space<vmem>>, vector<1x1x16xi32>,
          %get3A_914 = vector.shape_cast %get3A_913 : vector<1x1x16xi32> to vector<16xi32>
          %shift_left3A_915 = arith.constant 16 : i32
          %shift_left3A_916 = vector.broadcast %shift_left3A_915 : i32 to vector<16xi32>
          %shift_left3A_917 = arith.shli %get3A_914, %shift_left3A_916 : vector<16xi32>
          %bitcast_convert_type3A_918 = tpu.bitcast %shift_left3A_917 : vector<16xi32> -> vector<16xf32>
          %and3A_919 = arith.constant -65536 : i32
          %and3A_920 = vector.broadcast %and3A_919 : i32 to vector<16xi32>
          %and3A_921 = arith.andi %get3A_914, %and3A_920 : vector<16xi32>
          %bitcast_convert_type3A_922 = tpu.bitcast %and3A_921 : vector<16xi32> -> vector<16xf32>
          %add3A_923 = arith.addf %add3A_787, %bitcast_convert_type3A_918 : vector<16xf32>
          %add3A_924 = arith.addf %add3A_788, %bitcast_convert_type3A_922 : vector<16xf32>
          scf.yield %add3A_807, %add3A_808, %add3A_823, %add3A_824, %add3A_839, %add3A_840, %add3A_855, %add3A_856, %add3A_875, %add3A_876, %add3A_891, %add3A_892, %add3A_907, %add3A_908, %add3A_923, %add3A_924 : vector<16xf32>, vector<16xf32>, vector<16xf32>, vector<16xf32>, vector<16xf32>, vector<16xf32>, vector<16xf32>, vector<16xf32>, vector<16xf32>, vector<16xf32>, vector<16xf32>, vector<16xf32>, vector<16xf32>, vector<16xf32>, vector<16xf32>, vector<16xf32>
        }
        %scan3A_480 = arith.constant 25 : i32
        %add3A_481 = arith.constant 5 : i32
        %add3A_482 = arith.addi %mul3A_147, %add3A_481 : i32
        %add3A_483 = arith.constant 8 : i32
        %add3A_484 = arith.addi %add3A_482, %add3A_483 : i32
        %add3A_485 = arith.constant 2 : i32
        %add3A_486 = arith.addi %add3A_459, %add3A_485 : i32
        %lt3A_487 = arith.constant 264 : i32
        %lt3A_488 = arith.cmpi slt, %add3A_484, %lt3A_487 : i32
        %convert_element_type3A_489 = arith.extui %lt3A_488 : i1 to i32
        %cond3A_490 = arith.constant 0 : i32
        %cond3A_491 = arith.cmpi ne, %convert_element_type3A_489, %cond3A_490 : i32
        scf.if %cond3A_491 {
          %dma_start3A_640 = arith.constant 1 : i32
          %dma_start3A_641 = arith.constant 5 : i32
          %dma_start3A_642 = arith.constant 5 : i32
          %dma_start3A_643 = arith.constant 0 : i32
          %dma_start3A_644 = arith.constant 0 : i32
          %dma_start3A_645 = tpu.memref_slice %arg6[%dma_start3A_641, %dma_start3A_643, %dma_start3A_644] : memref<8x100x64xi32, #tpu.memory_space<vmem>> -> memref<1x100x64xi32, #tpu.memory_space<vmem>>
          %dma_start3A_646 = tpu.memref_squeeze %dma_start3A_645 : memref<1x100x64xi32, #tpu.memory_space<vmem>> -> memref<100x64xi32, #tpu.memory_space<vmem>>
          %dma_start3A_647 = arith.constant 0 : i32
          %dma_start3A_648 = tpu.memref_slice %arg5[%add3A_486, %dma_start3A_640, %dma_start3A_647] : memref<66x4x100xi32, #tpu.memory_space<vmem>> -> memref<1x1x100xi32, #tpu.memory_space<vmem>>
          %dma_start3A_649 = tpu.memref_squeeze %dma_start3A_648 : memref<1x1x100xi32, #tpu.memory_space<vmem>> -> memref<100xi32, #tpu.memory_space<vmem>>
          %dma_start3A_650 = arith.constant 0 : i32
          %dma_start3A_651 = arith.constant 0 : i32
          %dma_start3A_652 = tpu.memref_slice %arg3[%dma_start3A_650, %dma_start3A_651] : memref<100513x64xi32, #tpu.memory_space<hbm>> -> memref<100513x64xi32, #tpu.memory_space<hbm>>
          %dma_start3A_653 = tpu.memref_slice %arg8[%dma_start3A_642] : memref<8x!tpu.dma_semaphore, #tpu.memory_space<semaphore_mem>> -> memref<1x!tpu.dma_semaphore, #tpu.memory_space<semaphore_mem>>
          %dma_start3A_654 = tpu.memref_squeeze %dma_start3A_653 : memref<1x!tpu.dma_semaphore, #tpu.memory_space<semaphore_mem>> -> memref<!tpu.dma_semaphore, #tpu.memory_space<semaphore_mem>>
          tpu.enqueue_indirect_dma source(%dma_start3A_652 : memref<100513x64xi32, #tpu.memory_space<hbm>>) target(%dma_start3A_646 : memref<100x64xi32, #tpu.memory_space<vmem>>) offsets(%dma_start3A_649 : memref<100xi32, #tpu.memory_space<vmem>>) semaphore(%dma_start3A_654 : memref<!tpu.dma_semaphore, #tpu.memory_space<semaphore_mem>>)
        } else {
        }
        %add3A_492 = arith.constant 1 : i32
        %add3A_493 = arith.addi %mul3A_149, %add3A_492 : i32
        %dma_wait3A_494 = arith.constant 2 : i32
        %dma_wait3A_495 = arith.constant 6 : i32
        %dma_wait3A_496 = arith.constant 6 : i32
        %dma_wait3A_497 = arith.constant 0 : i32
        %dma_wait3A_498 = arith.constant 0 : i32
        %dma_wait3A_499 = tpu.memref_slice %arg6[%dma_wait3A_495, %dma_wait3A_497, %dma_wait3A_498] : memref<8x100x64xi32, #tpu.memory_space<vmem>> -> memref<1x100x64xi32, #tpu.memory_space<vmem>>
        %dma_wait3A_500 = tpu.memref_squeeze %dma_wait3A_499 : memref<1x100x64xi32, #tpu.memory_space<vmem>> -> memref<100x64xi32, #tpu.memory_space<vmem>>
        %dma_wait3A_501 = arith.constant 0 : i32
        %dma_wait3A_502 = tpu.memref_slice %arg5[%add3A_493, %dma_wait3A_494, %dma_wait3A_501] : memref<66x4x100xi32, #tpu.memory_space<vmem>> -> memref<1x1x100xi32, #tpu.memory_space<vmem>>
        %dma_wait3A_503 = tpu.memref_squeeze %dma_wait3A_502 : memref<1x1x100xi32, #tpu.memory_space<vmem>> -> memref<100xi32, #tpu.memory_space<vmem>>
        %dma_wait3A_504 = arith.constant 0 : i32
        %dma_wait3A_505 = arith.constant 0 : i32
        %dma_wait3A_506 = tpu.memref_slice %arg3[%dma_wait3A_504, %dma_wait3A_505] : memref<100513x64xi32, #tpu.memory_space<hbm>> -> memref<100513x64xi32, #tpu.memory_space<hbm>>
        %dma_wait3A_507 = tpu.memref_slice %arg8[%dma_wait3A_496] : memref<8x!tpu.dma_semaphore, #tpu.memory_space<semaphore_mem>> -> memref<1x!tpu.dma_semaphore, #tpu.memory_space<semaphore_mem>>
        %dma_wait3A_508 = tpu.memref_squeeze %dma_wait3A_507 : memref<1x!tpu.dma_semaphore, #tpu.memory_space<semaphore_mem>> -> memref<!tpu.dma_semaphore, #tpu.memory_space<semaphore_mem>>
        tpu.wait_indirect_dma semaphore(%dma_wait3A_508 : memref<!tpu.dma_semaphore, #tpu.memory_space<semaphore_mem>>) src(%dma_wait3A_506 : memref<100513x64xi32, #tpu.memory_space<hbm>>) dst(%dma_wait3A_500 : memref<100x64xi32, #tpu.memory_space<vmem>>)
        %scan3A_509 = arith.constant 0 : i32
        %scan3A_510 = arith.constant 25 : i32
        %scan3A_511 = arith.addi %scan3A_509, %scan3A_510 : i32
        %scan3A_512 = arith.constant 1 : i32
        %scan3A_513:16 = scf.for %scan3A_640 = %scan3A_509 to %scan3A_511 step %scan3A_512 iter_args(%scan3A_641 = %scan3A_479#0, %scan3A_642 = %scan3A_479#1, %scan3A_643 = %scan3A_479#2, %scan3A_644 = %scan3A_479#3, %scan3A_645 = %scan3A_479#4, %scan3A_646 = %scan3A_479#5, %scan3A_647 = %scan3A_479#6, %scan3A_648 = %scan3A_479#7, %scan3A_649 = %scan3A_479#8, %scan3A_650 = %scan3A_479#9, %scan3A_651 = %scan3A_479#10, %scan3A_652 = %scan3A_479#11, %scan3A_653 = %scan3A_479#12, %scan3A_654 = %scan3A_479#13, %scan3A_655 = %scan3A_479#14, %scan3A_656 = %scan3A_479#15) -> (vector<16xf32>, vector<16xf32>, vector<16xf32>, vector<16xf32>, vector<16xf32>, vector<16xf32>, vector<16xf32>, vector<16xf32>, vector<16xf32>, vector<16xf32>, vector<16xf32>, vector<16xf32>, vector<16xf32>, vector<16xf32>, vector<16xf32>, vector<16xf32>)  : i32 {
          %mul3A_657 = arith.constant 4 : i32
          %mul3A_658 = arith.muli %scan3A_640, %mul3A_657 : i32
          %add3A_659 = arith.constant 0 : i32
          %add3A_660 = arith.addi %mul3A_658, %add3A_659 : i32
          %get3A = arith.constant 6 : i32
          %get3A_661 = arith.index_cast %get3A : i32 to index
          %get3A_662 = arith.index_cast %add3A_660 : i32 to index
          %get3A_663 = arith.constant 0 : index
          %get3A_664 = tpu.vector_load %arg6[%get3A_661, %get3A_662, %get3A_663] {strides = array<i32>} : memref<8x100x64xi32, #tpu.memory_space<vmem>>, vector<1x1x16xi32>,
          %get3A_665 = vector.shape_cast %get3A_664 : vector<1x1x16xi32> to vector<16xi32>
          %shift_left3A = arith.constant 16 : i32
          %shift_left3A_666 = vector.broadcast %shift_left3A : i32 to vector<16xi32>
          %shift_left3A_667 = arith.shli %get3A_665, %shift_left3A_666 : vector<16xi32>
          %bitcast_convert_type3A = tpu.bitcast %shift_left3A_667 : vector<16xi32> -> vector<16xf32>
          %and3A = arith.constant -65536 : i32
          %and3A_668 = vector.broadcast %and3A : i32 to vector<16xi32>
          %and3A_669 = arith.andi %get3A_665, %and3A_668 : vector<16xi32>
          %bitcast_convert_type3A_670 = tpu.bitcast %and3A_669 : vector<16xi32> -> vector<16xf32>
          %add3A_671 = arith.addf %scan3A_641, %bitcast_convert_type3A : vector<16xf32>
          %add3A_672 = arith.addf %scan3A_642, %bitcast_convert_type3A_670 : vector<16xf32>
          %get3A_673 = arith.constant 6 : i32
          %get3A_674 = arith.index_cast %get3A_673 : i32 to index
          %get3A_675 = arith.index_cast %add3A_660 : i32 to index
          %get3A_676 = arith.constant 16 : index
          %get3A_677 = tpu.vector_load %arg6[%get3A_674, %get3A_675, %get3A_676] {strides = array<i32>} : memref<8x100x64xi32, #tpu.memory_space<vmem>>, vector<1x1x16xi32>,
          %get3A_678 = vector.shape_cast %get3A_677 : vector<1x1x16xi32> to vector<16xi32>
          %shift_left3A_679 = arith.constant 16 : i32
          %shift_left3A_680 = vector.broadcast %shift_left3A_679 : i32 to vector<16xi32>
          %shift_left3A_681 = arith.shli %get3A_678, %shift_left3A_680 : vector<16xi32>
          %bitcast_convert_type3A_682 = tpu.bitcast %shift_left3A_681 : vector<16xi32> -> vector<16xf32>
          %and3A_683 = arith.constant -65536 : i32
          %and3A_684 = vector.broadcast %and3A_683 : i32 to vector<16xi32>
          %and3A_685 = arith.andi %get3A_678, %and3A_684 : vector<16xi32>
          %bitcast_convert_type3A_686 = tpu.bitcast %and3A_685 : vector<16xi32> -> vector<16xf32>
          %add3A_687 = arith.addf %scan3A_643, %bitcast_convert_type3A_682 : vector<16xf32>
          %add3A_688 = arith.addf %scan3A_644, %bitcast_convert_type3A_686 : vector<16xf32>
          %get3A_689 = arith.constant 6 : i32
          %get3A_690 = arith.index_cast %get3A_689 : i32 to index
          %get3A_691 = arith.index_cast %add3A_660 : i32 to index
          %get3A_692 = arith.constant 32 : index
          %get3A_693 = tpu.vector_load %arg6[%get3A_690, %get3A_691, %get3A_692] {strides = array<i32>} : memref<8x100x64xi32, #tpu.memory_space<vmem>>, vector<1x1x16xi32>,
          %get3A_694 = vector.shape_cast %get3A_693 : vector<1x1x16xi32> to vector<16xi32>
          %shift_left3A_695 = arith.constant 16 : i32
          %shift_left3A_696 = vector.broadcast %shift_left3A_695 : i32 to vector<16xi32>
          %shift_left3A_697 = arith.shli %get3A_694, %shift_left3A_696 : vector<16xi32>
          %bitcast_convert_type3A_698 = tpu.bitcast %shift_left3A_697 : vector<16xi32> -> vector<16xf32>
          %and3A_699 = arith.constant -65536 : i32
          %and3A_700 = vector.broadcast %and3A_699 : i32 to vector<16xi32>
          %and3A_701 = arith.andi %get3A_694, %and3A_700 : vector<16xi32>
          %bitcast_convert_type3A_702 = tpu.bitcast %and3A_701 : vector<16xi32> -> vector<16xf32>
          %add3A_703 = arith.addf %scan3A_645, %bitcast_convert_type3A_698 : vector<16xf32>
          %add3A_704 = arith.addf %scan3A_646, %bitcast_convert_type3A_702 : vector<16xf32>
          %get3A_705 = arith.constant 6 : i32
          %get3A_706 = arith.index_cast %get3A_705 : i32 to index
          %get3A_707 = arith.index_cast %add3A_660 : i32 to index
          %get3A_708 = arith.constant 48 : index
          %get3A_709 = tpu.vector_load %arg6[%get3A_706, %get3A_707, %get3A_708] {strides = array<i32>} : memref<8x100x64xi32, #tpu.memory_space<vmem>>, vector<1x1x16xi32>,
          %get3A_710 = vector.shape_cast %get3A_709 : vector<1x1x16xi32> to vector<16xi32>
          %shift_left3A_711 = arith.constant 16 : i32
          %shift_left3A_712 = vector.broadcast %shift_left3A_711 : i32 to vector<16xi32>
          %shift_left3A_713 = arith.shli %get3A_710, %shift_left3A_712 : vector<16xi32>
          %bitcast_convert_type3A_714 = tpu.bitcast %shift_left3A_713 : vector<16xi32> -> vector<16xf32>
          %and3A_715 = arith.constant -65536 : i32
          %and3A_716 = vector.broadcast %and3A_715 : i32 to vector<16xi32>
          %and3A_717 = arith.andi %get3A_710, %and3A_716 : vector<16xi32>
          %bitcast_convert_type3A_718 = tpu.bitcast %and3A_717 : vector<16xi32> -> vector<16xf32>
          %add3A_719 = arith.addf %scan3A_647, %bitcast_convert_type3A_714 : vector<16xf32>
          %add3A_720 = arith.addf %scan3A_648, %bitcast_convert_type3A_718 : vector<16xf32>
          %mul3A_721 = arith.constant 4 : i32
          %mul3A_722 = arith.muli %scan3A_640, %mul3A_721 : i32
          %add3A_723 = arith.constant 1 : i32
          %add3A_724 = arith.addi %mul3A_722, %add3A_723 : i32
          %get3A_725 = arith.constant 6 : i32
          %get3A_726 = arith.index_cast %get3A_725 : i32 to index
          %get3A_727 = arith.index_cast %add3A_724 : i32 to index
          %get3A_728 = arith.constant 0 : index
          %get3A_729 = tpu.vector_load %arg6[%get3A_726, %get3A_727, %get3A_728] {strides = array<i32>} : memref<8x100x64xi32, #tpu.memory_space<vmem>>, vector<1x1x16xi32>,
          %get3A_730 = vector.shape_cast %get3A_729 : vector<1x1x16xi32> to vector<16xi32>
          %shift_left3A_731 = arith.constant 16 : i32
          %shift_left3A_732 = vector.broadcast %shift_left3A_731 : i32 to vector<16xi32>
          %shift_left3A_733 = arith.shli %get3A_730, %shift_left3A_732 : vector<16xi32>
          %bitcast_convert_type3A_734 = tpu.bitcast %shift_left3A_733 : vector<16xi32> -> vector<16xf32>
          %and3A_735 = arith.constant -65536 : i32
          %and3A_736 = vector.broadcast %and3A_735 : i32 to vector<16xi32>
          %and3A_737 = arith.andi %get3A_730, %and3A_736 : vector<16xi32>
          %bitcast_convert_type3A_738 = tpu.bitcast %and3A_737 : vector<16xi32> -> vector<16xf32>
          %add3A_739 = arith.addf %scan3A_649, %bitcast_convert_type3A_734 : vector<16xf32>
          %add3A_740 = arith.addf %scan3A_650, %bitcast_convert_type3A_738 : vector<16xf32>
          %get3A_741 = arith.constant 6 : i32
          %get3A_742 = arith.index_cast %get3A_741 : i32 to index
          %get3A_743 = arith.index_cast %add3A_724 : i32 to index
          %get3A_744 = arith.constant 16 : index
          %get3A_745 = tpu.vector_load %arg6[%get3A_742, %get3A_743, %get3A_744] {strides = array<i32>} : memref<8x100x64xi32, #tpu.memory_space<vmem>>, vector<1x1x16xi32>,
          %get3A_746 = vector.shape_cast %get3A_745 : vector<1x1x16xi32> to vector<16xi32>
          %shift_left3A_747 = arith.constant 16 : i32
          %shift_left3A_748 = vector.broadcast %shift_left3A_747 : i32 to vector<16xi32>
          %shift_left3A_749 = arith.shli %get3A_746, %shift_left3A_748 : vector<16xi32>
          %bitcast_convert_type3A_750 = tpu.bitcast %shift_left3A_749 : vector<16xi32> -> vector<16xf32>
          %and3A_751 = arith.constant -65536 : i32
          %and3A_752 = vector.broadcast %and3A_751 : i32 to vector<16xi32>
          %and3A_753 = arith.andi %get3A_746, %and3A_752 : vector<16xi32>
          %bitcast_convert_type3A_754 = tpu.bitcast %and3A_753 : vector<16xi32> -> vector<16xf32>
          %add3A_755 = arith.addf %scan3A_651, %bitcast_convert_type3A_750 : vector<16xf32>
          %add3A_756 = arith.addf %scan3A_652, %bitcast_convert_type3A_754 : vector<16xf32>
          %get3A_757 = arith.constant 6 : i32
          %get3A_758 = arith.index_cast %get3A_757 : i32 to index
          %get3A_759 = arith.index_cast %add3A_724 : i32 to index
          %get3A_760 = arith.constant 32 : index
          %get3A_761 = tpu.vector_load %arg6[%get3A_758, %get3A_759, %get3A_760] {strides = array<i32>} : memref<8x100x64xi32, #tpu.memory_space<vmem>>, vector<1x1x16xi32>,
          %get3A_762 = vector.shape_cast %get3A_761 : vector<1x1x16xi32> to vector<16xi32>
          %shift_left3A_763 = arith.constant 16 : i32
          %shift_left3A_764 = vector.broadcast %shift_left3A_763 : i32 to vector<16xi32>
          %shift_left3A_765 = arith.shli %get3A_762, %shift_left3A_764 : vector<16xi32>
          %bitcast_convert_type3A_766 = tpu.bitcast %shift_left3A_765 : vector<16xi32> -> vector<16xf32>
          %and3A_767 = arith.constant -65536 : i32
          %and3A_768 = vector.broadcast %and3A_767 : i32 to vector<16xi32>
          %and3A_769 = arith.andi %get3A_762, %and3A_768 : vector<16xi32>
          %bitcast_convert_type3A_770 = tpu.bitcast %and3A_769 : vector<16xi32> -> vector<16xf32>
          %add3A_771 = arith.addf %scan3A_653, %bitcast_convert_type3A_766 : vector<16xf32>
          %add3A_772 = arith.addf %scan3A_654, %bitcast_convert_type3A_770 : vector<16xf32>
          %get3A_773 = arith.constant 6 : i32
          %get3A_774 = arith.index_cast %get3A_773 : i32 to index
          %get3A_775 = arith.index_cast %add3A_724 : i32 to index
          %get3A_776 = arith.constant 48 : index
          %get3A_777 = tpu.vector_load %arg6[%get3A_774, %get3A_775, %get3A_776] {strides = array<i32>} : memref<8x100x64xi32, #tpu.memory_space<vmem>>, vector<1x1x16xi32>,
          %get3A_778 = vector.shape_cast %get3A_777 : vector<1x1x16xi32> to vector<16xi32>
          %shift_left3A_779 = arith.constant 16 : i32
          %shift_left3A_780 = vector.broadcast %shift_left3A_779 : i32 to vector<16xi32>
          %shift_left3A_781 = arith.shli %get3A_778, %shift_left3A_780 : vector<16xi32>
          %bitcast_convert_type3A_782 = tpu.bitcast %shift_left3A_781 : vector<16xi32> -> vector<16xf32>
          %and3A_783 = arith.constant -65536 : i32
          %and3A_784 = vector.broadcast %and3A_783 : i32 to vector<16xi32>
          %and3A_785 = arith.andi %get3A_778, %and3A_784 : vector<16xi32>
          %bitcast_convert_type3A_786 = tpu.bitcast %and3A_785 : vector<16xi32> -> vector<16xf32>
          %add3A_787 = arith.addf %scan3A_655, %bitcast_convert_type3A_782 : vector<16xf32>
          %add3A_788 = arith.addf %scan3A_656, %bitcast_convert_type3A_786 : vector<16xf32>
          %mul3A_789 = arith.constant 4 : i32
          %mul3A_790 = arith.muli %scan3A_640, %mul3A_789 : i32
          %add3A_791 = arith.constant 2 : i32
          %add3A_792 = arith.addi %mul3A_790, %add3A_791 : i32
          %get3A_793 = arith.constant 6 : i32
          %get3A_794 = arith.index_cast %get3A_793 : i32 to index
          %get3A_795 = arith.index_cast %add3A_792 : i32 to index
          %get3A_796 = arith.constant 0 : index
          %get3A_797 = tpu.vector_load %arg6[%get3A_794, %get3A_795, %get3A_796] {strides = array<i32>} : memref<8x100x64xi32, #tpu.memory_space<vmem>>, vector<1x1x16xi32>,
          %get3A_798 = vector.shape_cast %get3A_797 : vector<1x1x16xi32> to vector<16xi32>
          %shift_left3A_799 = arith.constant 16 : i32
          %shift_left3A_800 = vector.broadcast %shift_left3A_799 : i32 to vector<16xi32>
          %shift_left3A_801 = arith.shli %get3A_798, %shift_left3A_800 : vector<16xi32>
          %bitcast_convert_type3A_802 = tpu.bitcast %shift_left3A_801 : vector<16xi32> -> vector<16xf32>
          %and3A_803 = arith.constant -65536 : i32
          %and3A_804 = vector.broadcast %and3A_803 : i32 to vector<16xi32>
          %and3A_805 = arith.andi %get3A_798, %and3A_804 : vector<16xi32>
          %bitcast_convert_type3A_806 = tpu.bitcast %and3A_805 : vector<16xi32> -> vector<16xf32>
          %add3A_807 = arith.addf %add3A_671, %bitcast_convert_type3A_802 : vector<16xf32>
          %add3A_808 = arith.addf %add3A_672, %bitcast_convert_type3A_806 : vector<16xf32>
          %get3A_809 = arith.constant 6 : i32
          %get3A_810 = arith.index_cast %get3A_809 : i32 to index
          %get3A_811 = arith.index_cast %add3A_792 : i32 to index
          %get3A_812 = arith.constant 16 : index
          %get3A_813 = tpu.vector_load %arg6[%get3A_810, %get3A_811, %get3A_812] {strides = array<i32>} : memref<8x100x64xi32, #tpu.memory_space<vmem>>, vector<1x1x16xi32>,
          %get3A_814 = vector.shape_cast %get3A_813 : vector<1x1x16xi32> to vector<16xi32>
          %shift_left3A_815 = arith.constant 16 : i32
          %shift_left3A_816 = vector.broadcast %shift_left3A_815 : i32 to vector<16xi32>
          %shift_left3A_817 = arith.shli %get3A_814, %shift_left3A_816 : vector<16xi32>
          %bitcast_convert_type3A_818 = tpu.bitcast %shift_left3A_817 : vector<16xi32> -> vector<16xf32>
          %and3A_819 = arith.constant -65536 : i32
          %and3A_820 = vector.broadcast %and3A_819 : i32 to vector<16xi32>
          %and3A_821 = arith.andi %get3A_814, %and3A_820 : vector<16xi32>
          %bitcast_convert_type3A_822 = tpu.bitcast %and3A_821 : vector<16xi32> -> vector<16xf32>
          %add3A_823 = arith.addf %add3A_687, %bitcast_convert_type3A_818 : vector<16xf32>
          %add3A_824 = arith.addf %add3A_688, %bitcast_convert_type3A_822 : vector<16xf32>
          %get3A_825 = arith.constant 6 : i32
          %get3A_826 = arith.index_cast %get3A_825 : i32 to index
          %get3A_827 = arith.index_cast %add3A_792 : i32 to index
          %get3A_828 = arith.constant 32 : index
          %get3A_829 = tpu.vector_load %arg6[%get3A_826, %get3A_827, %get3A_828] {strides = array<i32>} : memref<8x100x64xi32, #tpu.memory_space<vmem>>, vector<1x1x16xi32>,
          %get3A_830 = vector.shape_cast %get3A_829 : vector<1x1x16xi32> to vector<16xi32>
          %shift_left3A_831 = arith.constant 16 : i32
          %shift_left3A_832 = vector.broadcast %shift_left3A_831 : i32 to vector<16xi32>
          %shift_left3A_833 = arith.shli %get3A_830, %shift_left3A_832 : vector<16xi32>
          %bitcast_convert_type3A_834 = tpu.bitcast %shift_left3A_833 : vector<16xi32> -> vector<16xf32>
          %and3A_835 = arith.constant -65536 : i32
          %and3A_836 = vector.broadcast %and3A_835 : i32 to vector<16xi32>
          %and3A_837 = arith.andi %get3A_830, %and3A_836 : vector<16xi32>
          %bitcast_convert_type3A_838 = tpu.bitcast %and3A_837 : vector<16xi32> -> vector<16xf32>
          %add3A_839 = arith.addf %add3A_703, %bitcast_convert_type3A_834 : vector<16xf32>
          %add3A_840 = arith.addf %add3A_704, %bitcast_convert_type3A_838 : vector<16xf32>
          %get3A_841 = arith.constant 6 : i32
          %get3A_842 = arith.index_cast %get3A_841 : i32 to index
          %get3A_843 = arith.index_cast %add3A_792 : i32 to index
          %get3A_844 = arith.constant 48 : index
          %get3A_845 = tpu.vector_load %arg6[%get3A_842, %get3A_843, %get3A_844] {strides = array<i32>} : memref<8x100x64xi32, #tpu.memory_space<vmem>>, vector<1x1x16xi32>,
          %get3A_846 = vector.shape_cast %get3A_845 : vector<1x1x16xi32> to vector<16xi32>
          %shift_left3A_847 = arith.constant 16 : i32
          %shift_left3A_848 = vector.broadcast %shift_left3A_847 : i32 to vector<16xi32>
          %shift_left3A_849 = arith.shli %get3A_846, %shift_left3A_848 : vector<16xi32>
          %bitcast_convert_type3A_850 = tpu.bitcast %shift_left3A_849 : vector<16xi32> -> vector<16xf32>
          %and3A_851 = arith.constant -65536 : i32
          %and3A_852 = vector.broadcast %and3A_851 : i32 to vector<16xi32>
          %and3A_853 = arith.andi %get3A_846, %and3A_852 : vector<16xi32>
          %bitcast_convert_type3A_854 = tpu.bitcast %and3A_853 : vector<16xi32> -> vector<16xf32>
          %add3A_855 = arith.addf %add3A_719, %bitcast_convert_type3A_850 : vector<16xf32>
          %add3A_856 = arith.addf %add3A_720, %bitcast_convert_type3A_854 : vector<16xf32>
          %mul3A_857 = arith.constant 4 : i32
          %mul3A_858 = arith.muli %scan3A_640, %mul3A_857 : i32
          %add3A_859 = arith.constant 3 : i32
          %add3A_860 = arith.addi %mul3A_858, %add3A_859 : i32
          %get3A_861 = arith.constant 6 : i32
          %get3A_862 = arith.index_cast %get3A_861 : i32 to index
          %get3A_863 = arith.index_cast %add3A_860 : i32 to index
          %get3A_864 = arith.constant 0 : index
          %get3A_865 = tpu.vector_load %arg6[%get3A_862, %get3A_863, %get3A_864] {strides = array<i32>} : memref<8x100x64xi32, #tpu.memory_space<vmem>>, vector<1x1x16xi32>,
          %get3A_866 = vector.shape_cast %get3A_865 : vector<1x1x16xi32> to vector<16xi32>
          %shift_left3A_867 = arith.constant 16 : i32
          %shift_left3A_868 = vector.broadcast %shift_left3A_867 : i32 to vector<16xi32>
          %shift_left3A_869 = arith.shli %get3A_866, %shift_left3A_868 : vector<16xi32>
          %bitcast_convert_type3A_870 = tpu.bitcast %shift_left3A_869 : vector<16xi32> -> vector<16xf32>
          %and3A_871 = arith.constant -65536 : i32
          %and3A_872 = vector.broadcast %and3A_871 : i32 to vector<16xi32>
          %and3A_873 = arith.andi %get3A_866, %and3A_872 : vector<16xi32>
          %bitcast_convert_type3A_874 = tpu.bitcast %and3A_873 : vector<16xi32> -> vector<16xf32>
          %add3A_875 = arith.addf %add3A_739, %bitcast_convert_type3A_870 : vector<16xf32>
          %add3A_876 = arith.addf %add3A_740, %bitcast_convert_type3A_874 : vector<16xf32>
          %get3A_877 = arith.constant 6 : i32
          %get3A_878 = arith.index_cast %get3A_877 : i32 to index
          %get3A_879 = arith.index_cast %add3A_860 : i32 to index
          %get3A_880 = arith.constant 16 : index
          %get3A_881 = tpu.vector_load %arg6[%get3A_878, %get3A_879, %get3A_880] {strides = array<i32>} : memref<8x100x64xi32, #tpu.memory_space<vmem>>, vector<1x1x16xi32>,
          %get3A_882 = vector.shape_cast %get3A_881 : vector<1x1x16xi32> to vector<16xi32>
          %shift_left3A_883 = arith.constant 16 : i32
          %shift_left3A_884 = vector.broadcast %shift_left3A_883 : i32 to vector<16xi32>
          %shift_left3A_885 = arith.shli %get3A_882, %shift_left3A_884 : vector<16xi32>
          %bitcast_convert_type3A_886 = tpu.bitcast %shift_left3A_885 : vector<16xi32> -> vector<16xf32>
          %and3A_887 = arith.constant -65536 : i32
          %and3A_888 = vector.broadcast %and3A_887 : i32 to vector<16xi32>
          %and3A_889 = arith.andi %get3A_882, %and3A_888 : vector<16xi32>
          %bitcast_convert_type3A_890 = tpu.bitcast %and3A_889 : vector<16xi32> -> vector<16xf32>
          %add3A_891 = arith.addf %add3A_755, %bitcast_convert_type3A_886 : vector<16xf32>
          %add3A_892 = arith.addf %add3A_756, %bitcast_convert_type3A_890 : vector<16xf32>
          %get3A_893 = arith.constant 6 : i32
          %get3A_894 = arith.index_cast %get3A_893 : i32 to index
          %get3A_895 = arith.index_cast %add3A_860 : i32 to index
          %get3A_896 = arith.constant 32 : index
          %get3A_897 = tpu.vector_load %arg6[%get3A_894, %get3A_895, %get3A_896] {strides = array<i32>} : memref<8x100x64xi32, #tpu.memory_space<vmem>>, vector<1x1x16xi32>,
          %get3A_898 = vector.shape_cast %get3A_897 : vector<1x1x16xi32> to vector<16xi32>
          %shift_left3A_899 = arith.constant 16 : i32
          %shift_left3A_900 = vector.broadcast %shift_left3A_899 : i32 to vector<16xi32>
          %shift_left3A_901 = arith.shli %get3A_898, %shift_left3A_900 : vector<16xi32>
          %bitcast_convert_type3A_902 = tpu.bitcast %shift_left3A_901 : vector<16xi32> -> vector<16xf32>
          %and3A_903 = arith.constant -65536 : i32
          %and3A_904 = vector.broadcast %and3A_903 : i32 to vector<16xi32>
          %and3A_905 = arith.andi %get3A_898, %and3A_904 : vector<16xi32>
          %bitcast_convert_type3A_906 = tpu.bitcast %and3A_905 : vector<16xi32> -> vector<16xf32>
          %add3A_907 = arith.addf %add3A_771, %bitcast_convert_type3A_902 : vector<16xf32>
          %add3A_908 = arith.addf %add3A_772, %bitcast_convert_type3A_906 : vector<16xf32>
          %get3A_909 = arith.constant 6 : i32
          %get3A_910 = arith.index_cast %get3A_909 : i32 to index
          %get3A_911 = arith.index_cast %add3A_860 : i32 to index
          %get3A_912 = arith.constant 48 : index
          %get3A_913 = tpu.vector_load %arg6[%get3A_910, %get3A_911, %get3A_912] {strides = array<i32>} : memref<8x100x64xi32, #tpu.memory_space<vmem>>, vector<1x1x16xi32>,
          %get3A_914 = vector.shape_cast %get3A_913 : vector<1x1x16xi32> to vector<16xi32>
          %shift_left3A_915 = arith.constant 16 : i32
          %shift_left3A_916 = vector.broadcast %shift_left3A_915 : i32 to vector<16xi32>
          %shift_left3A_917 = arith.shli %get3A_914, %shift_left3A_916 : vector<16xi32>
          %bitcast_convert_type3A_918 = tpu.bitcast %shift_left3A_917 : vector<16xi32> -> vector<16xf32>
          %and3A_919 = arith.constant -65536 : i32
          %and3A_920 = vector.broadcast %and3A_919 : i32 to vector<16xi32>
          %and3A_921 = arith.andi %get3A_914, %and3A_920 : vector<16xi32>
          %bitcast_convert_type3A_922 = tpu.bitcast %and3A_921 : vector<16xi32> -> vector<16xf32>
          %add3A_923 = arith.addf %add3A_787, %bitcast_convert_type3A_918 : vector<16xf32>
          %add3A_924 = arith.addf %add3A_788, %bitcast_convert_type3A_922 : vector<16xf32>
          scf.yield %add3A_807, %add3A_808, %add3A_823, %add3A_824, %add3A_839, %add3A_840, %add3A_855, %add3A_856, %add3A_875, %add3A_876, %add3A_891, %add3A_892, %add3A_907, %add3A_908, %add3A_923, %add3A_924 : vector<16xf32>, vector<16xf32>, vector<16xf32>, vector<16xf32>, vector<16xf32>, vector<16xf32>, vector<16xf32>, vector<16xf32>, vector<16xf32>, vector<16xf32>, vector<16xf32>, vector<16xf32>, vector<16xf32>, vector<16xf32>, vector<16xf32>, vector<16xf32>
        }
        %scan3A_514 = arith.constant 25 : i32
        %add3A_515 = arith.constant 6 : i32
        %add3A_516 = arith.addi %mul3A_147, %add3A_515 : i32
        %add3A_517 = arith.constant 8 : i32
        %add3A_518 = arith.addi %add3A_516, %add3A_517 : i32
        %add3A_519 = arith.constant 2 : i32
        %add3A_520 = arith.addi %add3A_493, %add3A_519 : i32
        %lt3A_521 = arith.constant 264 : i32
        %lt3A_522 = arith.cmpi slt, %add3A_518, %lt3A_521 : i32
        %convert_element_type3A_523 = arith.extui %lt3A_522 : i1 to i32
        %cond3A_524 = arith.constant 0 : i32
        %cond3A_525 = arith.cmpi ne, %convert_element_type3A_523, %cond3A_524 : i32
        scf.if %cond3A_525 {
          %dma_start3A_640 = arith.constant 2 : i32
          %dma_start3A_641 = arith.constant 6 : i32
          %dma_start3A_642 = arith.constant 6 : i32
          %dma_start3A_643 = arith.constant 0 : i32
          %dma_start3A_644 = arith.constant 0 : i32
          %dma_start3A_645 = tpu.memref_slice %arg6[%dma_start3A_641, %dma_start3A_643, %dma_start3A_644] : memref<8x100x64xi32, #tpu.memory_space<vmem>> -> memref<1x100x64xi32, #tpu.memory_space<vmem>>
          %dma_start3A_646 = tpu.memref_squeeze %dma_start3A_645 : memref<1x100x64xi32, #tpu.memory_space<vmem>> -> memref<100x64xi32, #tpu.memory_space<vmem>>
          %dma_start3A_647 = arith.constant 0 : i32
          %dma_start3A_648 = tpu.memref_slice %arg5[%add3A_520, %dma_start3A_640, %dma_start3A_647] : memref<66x4x100xi32, #tpu.memory_space<vmem>> -> memref<1x1x100xi32, #tpu.memory_space<vmem>>
          %dma_start3A_649 = tpu.memref_squeeze %dma_start3A_648 : memref<1x1x100xi32, #tpu.memory_space<vmem>> -> memref<100xi32, #tpu.memory_space<vmem>>
          %dma_start3A_650 = arith.constant 0 : i32
          %dma_start3A_651 = arith.constant 0 : i32
          %dma_start3A_652 = tpu.memref_slice %arg3[%dma_start3A_650, %dma_start3A_651] : memref<100513x64xi32, #tpu.memory_space<hbm>> -> memref<100513x64xi32, #tpu.memory_space<hbm>>
          %dma_start3A_653 = tpu.memref_slice %arg8[%dma_start3A_642] : memref<8x!tpu.dma_semaphore, #tpu.memory_space<semaphore_mem>> -> memref<1x!tpu.dma_semaphore, #tpu.memory_space<semaphore_mem>>
          %dma_start3A_654 = tpu.memref_squeeze %dma_start3A_653 : memref<1x!tpu.dma_semaphore, #tpu.memory_space<semaphore_mem>> -> memref<!tpu.dma_semaphore, #tpu.memory_space<semaphore_mem>>
          tpu.enqueue_indirect_dma source(%dma_start3A_652 : memref<100513x64xi32, #tpu.memory_space<hbm>>) target(%dma_start3A_646 : memref<100x64xi32, #tpu.memory_space<vmem>>) offsets(%dma_start3A_649 : memref<100xi32, #tpu.memory_space<vmem>>) semaphore(%dma_start3A_654 : memref<!tpu.dma_semaphore, #tpu.memory_space<semaphore_mem>>)
        } else {
        }
        %add3A_526 = arith.constant 1 : i32
        %add3A_527 = arith.addi %mul3A_149, %add3A_526 : i32
        %dma_wait3A_528 = arith.constant 3 : i32
        %dma_wait3A_529 = arith.constant 7 : i32
        %dma_wait3A_530 = arith.constant 7 : i32
        %dma_wait3A_531 = arith.constant 0 : i32
        %dma_wait3A_532 = arith.constant 0 : i32
        %dma_wait3A_533 = tpu.memref_slice %arg6[%dma_wait3A_529, %dma_wait3A_531, %dma_wait3A_532] : memref<8x100x64xi32, #tpu.memory_space<vmem>> -> memref<1x100x64xi32, #tpu.memory_space<vmem>>
        %dma_wait3A_534 = tpu.memref_squeeze %dma_wait3A_533 : memref<1x100x64xi32, #tpu.memory_space<vmem>> -> memref<100x64xi32, #tpu.memory_space<vmem>>
        %dma_wait3A_535 = arith.constant 0 : i32
        %dma_wait3A_536 = tpu.memref_slice %arg5[%add3A_527, %dma_wait3A_528, %dma_wait3A_535] : memref<66x4x100xi32, #tpu.memory_space<vmem>> -> memref<1x1x100xi32, #tpu.memory_space<vmem>>
        %dma_wait3A_537 = tpu.memref_squeeze %dma_wait3A_536 : memref<1x1x100xi32, #tpu.memory_space<vmem>> -> memref<100xi32, #tpu.memory_space<vmem>>
        %dma_wait3A_538 = arith.constant 0 : i32
        %dma_wait3A_539 = arith.constant 0 : i32
        %dma_wait3A_540 = tpu.memref_slice %arg3[%dma_wait3A_538, %dma_wait3A_539] : memref<100513x64xi32, #tpu.memory_space<hbm>> -> memref<100513x64xi32, #tpu.memory_space<hbm>>
        %dma_wait3A_541 = tpu.memref_slice %arg8[%dma_wait3A_530] : memref<8x!tpu.dma_semaphore, #tpu.memory_space<semaphore_mem>> -> memref<1x!tpu.dma_semaphore, #tpu.memory_space<semaphore_mem>>
        %dma_wait3A_542 = tpu.memref_squeeze %dma_wait3A_541 : memref<1x!tpu.dma_semaphore, #tpu.memory_space<semaphore_mem>> -> memref<!tpu.dma_semaphore, #tpu.memory_space<semaphore_mem>>
        tpu.wait_indirect_dma semaphore(%dma_wait3A_542 : memref<!tpu.dma_semaphore, #tpu.memory_space<semaphore_mem>>) src(%dma_wait3A_540 : memref<100513x64xi32, #tpu.memory_space<hbm>>) dst(%dma_wait3A_534 : memref<100x64xi32, #tpu.memory_space<vmem>>)
        %scan3A_543 = arith.constant 0 : i32
        %scan3A_544 = arith.constant 25 : i32
        %scan3A_545 = arith.addi %scan3A_543, %scan3A_544 : i32
        %scan3A_546 = arith.constant 1 : i32
        %scan3A_547:16 = scf.for %scan3A_640 = %scan3A_543 to %scan3A_545 step %scan3A_546 iter_args(%scan3A_641 = %scan3A_513#0, %scan3A_642 = %scan3A_513#1, %scan3A_643 = %scan3A_513#2, %scan3A_644 = %scan3A_513#3, %scan3A_645 = %scan3A_513#4, %scan3A_646 = %scan3A_513#5, %scan3A_647 = %scan3A_513#6, %scan3A_648 = %scan3A_513#7, %scan3A_649 = %scan3A_513#8, %scan3A_650 = %scan3A_513#9, %scan3A_651 = %scan3A_513#10, %scan3A_652 = %scan3A_513#11, %scan3A_653 = %scan3A_513#12, %scan3A_654 = %scan3A_513#13, %scan3A_655 = %scan3A_513#14, %scan3A_656 = %scan3A_513#15) -> (vector<16xf32>, vector<16xf32>, vector<16xf32>, vector<16xf32>, vector<16xf32>, vector<16xf32>, vector<16xf32>, vector<16xf32>, vector<16xf32>, vector<16xf32>, vector<16xf32>, vector<16xf32>, vector<16xf32>, vector<16xf32>, vector<16xf32>, vector<16xf32>)  : i32 {
          %mul3A_657 = arith.constant 4 : i32
          %mul3A_658 = arith.muli %scan3A_640, %mul3A_657 : i32
          %add3A_659 = arith.constant 0 : i32
          %add3A_660 = arith.addi %mul3A_658, %add3A_659 : i32
          %get3A = arith.constant 7 : i32
          %get3A_661 = arith.index_cast %get3A : i32 to index
          %get3A_662 = arith.index_cast %add3A_660 : i32 to index
          %get3A_663 = arith.constant 0 : index
          %get3A_664 = tpu.vector_load %arg6[%get3A_661, %get3A_662, %get3A_663] {strides = array<i32>} : memref<8x100x64xi32, #tpu.memory_space<vmem>>, vector<1x1x16xi32>,
          %get3A_665 = vector.shape_cast %get3A_664 : vector<1x1x16xi32> to vector<16xi32>
          %shift_left3A = arith.constant 16 : i32
          %shift_left3A_666 = vector.broadcast %shift_left3A : i32 to vector<16xi32>
          %shift_left3A_667 = arith.shli %get3A_665, %shift_left3A_666 : vector<16xi32>
          %bitcast_convert_type3A = tpu.bitcast %shift_left3A_667 : vector<16xi32> -> vector<16xf32>
          %and3A = arith.constant -65536 : i32
          %and3A_668 = vector.broadcast %and3A : i32 to vector<16xi32>
          %and3A_669 = arith.andi %get3A_665, %and3A_668 : vector<16xi32>
          %bitcast_convert_type3A_670 = tpu.bitcast %and3A_669 : vector<16xi32> -> vector<16xf32>
          %add3A_671 = arith.addf %scan3A_641, %bitcast_convert_type3A : vector<16xf32>
          %add3A_672 = arith.addf %scan3A_642, %bitcast_convert_type3A_670 : vector<16xf32>
          %get3A_673 = arith.constant 7 : i32
          %get3A_674 = arith.index_cast %get3A_673 : i32 to index
          %get3A_675 = arith.index_cast %add3A_660 : i32 to index
          %get3A_676 = arith.constant 16 : index
          %get3A_677 = tpu.vector_load %arg6[%get3A_674, %get3A_675, %get3A_676] {strides = array<i32>} : memref<8x100x64xi32, #tpu.memory_space<vmem>>, vector<1x1x16xi32>,
          %get3A_678 = vector.shape_cast %get3A_677 : vector<1x1x16xi32> to vector<16xi32>
          %shift_left3A_679 = arith.constant 16 : i32
          %shift_left3A_680 = vector.broadcast %shift_left3A_679 : i32 to vector<16xi32>
          %shift_left3A_681 = arith.shli %get3A_678, %shift_left3A_680 : vector<16xi32>
          %bitcast_convert_type3A_682 = tpu.bitcast %shift_left3A_681 : vector<16xi32> -> vector<16xf32>
          %and3A_683 = arith.constant -65536 : i32
          %and3A_684 = vector.broadcast %and3A_683 : i32 to vector<16xi32>
          %and3A_685 = arith.andi %get3A_678, %and3A_684 : vector<16xi32>
          %bitcast_convert_type3A_686 = tpu.bitcast %and3A_685 : vector<16xi32> -> vector<16xf32>
          %add3A_687 = arith.addf %scan3A_643, %bitcast_convert_type3A_682 : vector<16xf32>
          %add3A_688 = arith.addf %scan3A_644, %bitcast_convert_type3A_686 : vector<16xf32>
          %get3A_689 = arith.constant 7 : i32
          %get3A_690 = arith.index_cast %get3A_689 : i32 to index
          %get3A_691 = arith.index_cast %add3A_660 : i32 to index
          %get3A_692 = arith.constant 32 : index
          %get3A_693 = tpu.vector_load %arg6[%get3A_690, %get3A_691, %get3A_692] {strides = array<i32>} : memref<8x100x64xi32, #tpu.memory_space<vmem>>, vector<1x1x16xi32>,
          %get3A_694 = vector.shape_cast %get3A_693 : vector<1x1x16xi32> to vector<16xi32>
          %shift_left3A_695 = arith.constant 16 : i32
          %shift_left3A_696 = vector.broadcast %shift_left3A_695 : i32 to vector<16xi32>
          %shift_left3A_697 = arith.shli %get3A_694, %shift_left3A_696 : vector<16xi32>
          %bitcast_convert_type3A_698 = tpu.bitcast %shift_left3A_697 : vector<16xi32> -> vector<16xf32>
          %and3A_699 = arith.constant -65536 : i32
          %and3A_700 = vector.broadcast %and3A_699 : i32 to vector<16xi32>
          %and3A_701 = arith.andi %get3A_694, %and3A_700 : vector<16xi32>
          %bitcast_convert_type3A_702 = tpu.bitcast %and3A_701 : vector<16xi32> -> vector<16xf32>
          %add3A_703 = arith.addf %scan3A_645, %bitcast_convert_type3A_698 : vector<16xf32>
          %add3A_704 = arith.addf %scan3A_646, %bitcast_convert_type3A_702 : vector<16xf32>
          %get3A_705 = arith.constant 7 : i32
          %get3A_706 = arith.index_cast %get3A_705 : i32 to index
          %get3A_707 = arith.index_cast %add3A_660 : i32 to index
          %get3A_708 = arith.constant 48 : index
          %get3A_709 = tpu.vector_load %arg6[%get3A_706, %get3A_707, %get3A_708] {strides = array<i32>} : memref<8x100x64xi32, #tpu.memory_space<vmem>>, vector<1x1x16xi32>,
          %get3A_710 = vector.shape_cast %get3A_709 : vector<1x1x16xi32> to vector<16xi32>
          %shift_left3A_711 = arith.constant 16 : i32
          %shift_left3A_712 = vector.broadcast %shift_left3A_711 : i32 to vector<16xi32>
          %shift_left3A_713 = arith.shli %get3A_710, %shift_left3A_712 : vector<16xi32>
          %bitcast_convert_type3A_714 = tpu.bitcast %shift_left3A_713 : vector<16xi32> -> vector<16xf32>
          %and3A_715 = arith.constant -65536 : i32
          %and3A_716 = vector.broadcast %and3A_715 : i32 to vector<16xi32>
          %and3A_717 = arith.andi %get3A_710, %and3A_716 : vector<16xi32>
          %bitcast_convert_type3A_718 = tpu.bitcast %and3A_717 : vector<16xi32> -> vector<16xf32>
          %add3A_719 = arith.addf %scan3A_647, %bitcast_convert_type3A_714 : vector<16xf32>
          %add3A_720 = arith.addf %scan3A_648, %bitcast_convert_type3A_718 : vector<16xf32>
          %mul3A_721 = arith.constant 4 : i32
          %mul3A_722 = arith.muli %scan3A_640, %mul3A_721 : i32
          %add3A_723 = arith.constant 1 : i32
          %add3A_724 = arith.addi %mul3A_722, %add3A_723 : i32
          %get3A_725 = arith.constant 7 : i32
          %get3A_726 = arith.index_cast %get3A_725 : i32 to index
          %get3A_727 = arith.index_cast %add3A_724 : i32 to index
          %get3A_728 = arith.constant 0 : index
          %get3A_729 = tpu.vector_load %arg6[%get3A_726, %get3A_727, %get3A_728] {strides = array<i32>} : memref<8x100x64xi32, #tpu.memory_space<vmem>>, vector<1x1x16xi32>,
          %get3A_730 = vector.shape_cast %get3A_729 : vector<1x1x16xi32> to vector<16xi32>
          %shift_left3A_731 = arith.constant 16 : i32
          %shift_left3A_732 = vector.broadcast %shift_left3A_731 : i32 to vector<16xi32>
          %shift_left3A_733 = arith.shli %get3A_730, %shift_left3A_732 : vector<16xi32>
          %bitcast_convert_type3A_734 = tpu.bitcast %shift_left3A_733 : vector<16xi32> -> vector<16xf32>
          %and3A_735 = arith.constant -65536 : i32
          %and3A_736 = vector.broadcast %and3A_735 : i32 to vector<16xi32>
          %and3A_737 = arith.andi %get3A_730, %and3A_736 : vector<16xi32>
          %bitcast_convert_type3A_738 = tpu.bitcast %and3A_737 : vector<16xi32> -> vector<16xf32>
          %add3A_739 = arith.addf %scan3A_649, %bitcast_convert_type3A_734 : vector<16xf32>
          %add3A_740 = arith.addf %scan3A_650, %bitcast_convert_type3A_738 : vector<16xf32>
          %get3A_741 = arith.constant 7 : i32
          %get3A_742 = arith.index_cast %get3A_741 : i32 to index
          %get3A_743 = arith.index_cast %add3A_724 : i32 to index
          %get3A_744 = arith.constant 16 : index
          %get3A_745 = tpu.vector_load %arg6[%get3A_742, %get3A_743, %get3A_744] {strides = array<i32>} : memref<8x100x64xi32, #tpu.memory_space<vmem>>, vector<1x1x16xi32>,
          %get3A_746 = vector.shape_cast %get3A_745 : vector<1x1x16xi32> to vector<16xi32>
          %shift_left3A_747 = arith.constant 16 : i32
          %shift_left3A_748 = vector.broadcast %shift_left3A_747 : i32 to vector<16xi32>
          %shift_left3A_749 = arith.shli %get3A_746, %shift_left3A_748 : vector<16xi32>
          %bitcast_convert_type3A_750 = tpu.bitcast %shift_left3A_749 : vector<16xi32> -> vector<16xf32>
          %and3A_751 = arith.constant -65536 : i32
          %and3A_752 = vector.broadcast %and3A_751 : i32 to vector<16xi32>
          %and3A_753 = arith.andi %get3A_746, %and3A_752 : vector<16xi32>
          %bitcast_convert_type3A_754 = tpu.bitcast %and3A_753 : vector<16xi32> -> vector<16xf32>
          %add3A_755 = arith.addf %scan3A_651, %bitcast_convert_type3A_750 : vector<16xf32>
          %add3A_756 = arith.addf %scan3A_652, %bitcast_convert_type3A_754 : vector<16xf32>
          %get3A_757 = arith.constant 7 : i32
          %get3A_758 = arith.index_cast %get3A_757 : i32 to index
          %get3A_759 = arith.index_cast %add3A_724 : i32 to index
          %get3A_760 = arith.constant 32 : index
          %get3A_761 = tpu.vector_load %arg6[%get3A_758, %get3A_759, %get3A_760] {strides = array<i32>} : memref<8x100x64xi32, #tpu.memory_space<vmem>>, vector<1x1x16xi32>,
          %get3A_762 = vector.shape_cast %get3A_761 : vector<1x1x16xi32> to vector<16xi32>
          %shift_left3A_763 = arith.constant 16 : i32
          %shift_left3A_764 = vector.broadcast %shift_left3A_763 : i32 to vector<16xi32>
          %shift_left3A_765 = arith.shli %get3A_762, %shift_left3A_764 : vector<16xi32>
          %bitcast_convert_type3A_766 = tpu.bitcast %shift_left3A_765 : vector<16xi32> -> vector<16xf32>
          %and3A_767 = arith.constant -65536 : i32
          %and3A_768 = vector.broadcast %and3A_767 : i32 to vector<16xi32>
          %and3A_769 = arith.andi %get3A_762, %and3A_768 : vector<16xi32>
          %bitcast_convert_type3A_770 = tpu.bitcast %and3A_769 : vector<16xi32> -> vector<16xf32>
          %add3A_771 = arith.addf %scan3A_653, %bitcast_convert_type3A_766 : vector<16xf32>
          %add3A_772 = arith.addf %scan3A_654, %bitcast_convert_type3A_770 : vector<16xf32>
          %get3A_773 = arith.constant 7 : i32
          %get3A_774 = arith.index_cast %get3A_773 : i32 to index
          %get3A_775 = arith.index_cast %add3A_724 : i32 to index
          %get3A_776 = arith.constant 48 : index
          %get3A_777 = tpu.vector_load %arg6[%get3A_774, %get3A_775, %get3A_776] {strides = array<i32>} : memref<8x100x64xi32, #tpu.memory_space<vmem>>, vector<1x1x16xi32>,
          %get3A_778 = vector.shape_cast %get3A_777 : vector<1x1x16xi32> to vector<16xi32>
          %shift_left3A_779 = arith.constant 16 : i32
          %shift_left3A_780 = vector.broadcast %shift_left3A_779 : i32 to vector<16xi32>
          %shift_left3A_781 = arith.shli %get3A_778, %shift_left3A_780 : vector<16xi32>
          %bitcast_convert_type3A_782 = tpu.bitcast %shift_left3A_781 : vector<16xi32> -> vector<16xf32>
          %and3A_783 = arith.constant -65536 : i32
          %and3A_784 = vector.broadcast %and3A_783 : i32 to vector<16xi32>
          %and3A_785 = arith.andi %get3A_778, %and3A_784 : vector<16xi32>
          %bitcast_convert_type3A_786 = tpu.bitcast %and3A_785 : vector<16xi32> -> vector<16xf32>
          %add3A_787 = arith.addf %scan3A_655, %bitcast_convert_type3A_782 : vector<16xf32>
          %add3A_788 = arith.addf %scan3A_656, %bitcast_convert_type3A_786 : vector<16xf32>
          %mul3A_789 = arith.constant 4 : i32
          %mul3A_790 = arith.muli %scan3A_640, %mul3A_789 : i32
          %add3A_791 = arith.constant 2 : i32
          %add3A_792 = arith.addi %mul3A_790, %add3A_791 : i32
          %get3A_793 = arith.constant 7 : i32
          %get3A_794 = arith.index_cast %get3A_793 : i32 to index
          %get3A_795 = arith.index_cast %add3A_792 : i32 to index
          %get3A_796 = arith.constant 0 : index
          %get3A_797 = tpu.vector_load %arg6[%get3A_794, %get3A_795, %get3A_796] {strides = array<i32>} : memref<8x100x64xi32, #tpu.memory_space<vmem>>, vector<1x1x16xi32>,
          %get3A_798 = vector.shape_cast %get3A_797 : vector<1x1x16xi32> to vector<16xi32>
          %shift_left3A_799 = arith.constant 16 : i32
          %shift_left3A_800 = vector.broadcast %shift_left3A_799 : i32 to vector<16xi32>
          %shift_left3A_801 = arith.shli %get3A_798, %shift_left3A_800 : vector<16xi32>
          %bitcast_convert_type3A_802 = tpu.bitcast %shift_left3A_801 : vector<16xi32> -> vector<16xf32>
          %and3A_803 = arith.constant -65536 : i32
          %and3A_804 = vector.broadcast %and3A_803 : i32 to vector<16xi32>
          %and3A_805 = arith.andi %get3A_798, %and3A_804 : vector<16xi32>
          %bitcast_convert_type3A_806 = tpu.bitcast %and3A_805 : vector<16xi32> -> vector<16xf32>
          %add3A_807 = arith.addf %add3A_671, %bitcast_convert_type3A_802 : vector<16xf32>
          %add3A_808 = arith.addf %add3A_672, %bitcast_convert_type3A_806 : vector<16xf32>
          %get3A_809 = arith.constant 7 : i32
          %get3A_810 = arith.index_cast %get3A_809 : i32 to index
          %get3A_811 = arith.index_cast %add3A_792 : i32 to index
          %get3A_812 = arith.constant 16 : index
          %get3A_813 = tpu.vector_load %arg6[%get3A_810, %get3A_811, %get3A_812] {strides = array<i32>} : memref<8x100x64xi32, #tpu.memory_space<vmem>>, vector<1x1x16xi32>,
          %get3A_814 = vector.shape_cast %get3A_813 : vector<1x1x16xi32> to vector<16xi32>
          %shift_left3A_815 = arith.constant 16 : i32
          %shift_left3A_816 = vector.broadcast %shift_left3A_815 : i32 to vector<16xi32>
          %shift_left3A_817 = arith.shli %get3A_814, %shift_left3A_816 : vector<16xi32>
          %bitcast_convert_type3A_818 = tpu.bitcast %shift_left3A_817 : vector<16xi32> -> vector<16xf32>
          %and3A_819 = arith.constant -65536 : i32
          %and3A_820 = vector.broadcast %and3A_819 : i32 to vector<16xi32>
          %and3A_821 = arith.andi %get3A_814, %and3A_820 : vector<16xi32>
          %bitcast_convert_type3A_822 = tpu.bitcast %and3A_821 : vector<16xi32> -> vector<16xf32>
          %add3A_823 = arith.addf %add3A_687, %bitcast_convert_type3A_818 : vector<16xf32>
          %add3A_824 = arith.addf %add3A_688, %bitcast_convert_type3A_822 : vector<16xf32>
          %get3A_825 = arith.constant 7 : i32
          %get3A_826 = arith.index_cast %get3A_825 : i32 to index
          %get3A_827 = arith.index_cast %add3A_792 : i32 to index
          %get3A_828 = arith.constant 32 : index
          %get3A_829 = tpu.vector_load %arg6[%get3A_826, %get3A_827, %get3A_828] {strides = array<i32>} : memref<8x100x64xi32, #tpu.memory_space<vmem>>, vector<1x1x16xi32>,
          %get3A_830 = vector.shape_cast %get3A_829 : vector<1x1x16xi32> to vector<16xi32>
          %shift_left3A_831 = arith.constant 16 : i32
          %shift_left3A_832 = vector.broadcast %shift_left3A_831 : i32 to vector<16xi32>
          %shift_left3A_833 = arith.shli %get3A_830, %shift_left3A_832 : vector<16xi32>
          %bitcast_convert_type3A_834 = tpu.bitcast %shift_left3A_833 : vector<16xi32> -> vector<16xf32>
          %and3A_835 = arith.constant -65536 : i32
          %and3A_836 = vector.broadcast %and3A_835 : i32 to vector<16xi32>
          %and3A_837 = arith.andi %get3A_830, %and3A_836 : vector<16xi32>
          %bitcast_convert_type3A_838 = tpu.bitcast %and3A_837 : vector<16xi32> -> vector<16xf32>
          %add3A_839 = arith.addf %add3A_703, %bitcast_convert_type3A_834 : vector<16xf32>
          %add3A_840 = arith.addf %add3A_704, %bitcast_convert_type3A_838 : vector<16xf32>
          %get3A_841 = arith.constant 7 : i32
          %get3A_842 = arith.index_cast %get3A_841 : i32 to index
          %get3A_843 = arith.index_cast %add3A_792 : i32 to index
          %get3A_844 = arith.constant 48 : index
          %get3A_845 = tpu.vector_load %arg6[%get3A_842, %get3A_843, %get3A_844] {strides = array<i32>} : memref<8x100x64xi32, #tpu.memory_space<vmem>>, vector<1x1x16xi32>,
          %get3A_846 = vector.shape_cast %get3A_845 : vector<1x1x16xi32> to vector<16xi32>
          %shift_left3A_847 = arith.constant 16 : i32
          %shift_left3A_848 = vector.broadcast %shift_left3A_847 : i32 to vector<16xi32>
          %shift_left3A_849 = arith.shli %get3A_846, %shift_left3A_848 : vector<16xi32>
          %bitcast_convert_type3A_850 = tpu.bitcast %shift_left3A_849 : vector<16xi32> -> vector<16xf32>
          %and3A_851 = arith.constant -65536 : i32
          %and3A_852 = vector.broadcast %and3A_851 : i32 to vector<16xi32>
          %and3A_853 = arith.andi %get3A_846, %and3A_852 : vector<16xi32>
          %bitcast_convert_type3A_854 = tpu.bitcast %and3A_853 : vector<16xi32> -> vector<16xf32>
          %add3A_855 = arith.addf %add3A_719, %bitcast_convert_type3A_850 : vector<16xf32>
          %add3A_856 = arith.addf %add3A_720, %bitcast_convert_type3A_854 : vector<16xf32>
          %mul3A_857 = arith.constant 4 : i32
          %mul3A_858 = arith.muli %scan3A_640, %mul3A_857 : i32
          %add3A_859 = arith.constant 3 : i32
          %add3A_860 = arith.addi %mul3A_858, %add3A_859 : i32
          %get3A_861 = arith.constant 7 : i32
          %get3A_862 = arith.index_cast %get3A_861 : i32 to index
          %get3A_863 = arith.index_cast %add3A_860 : i32 to index
          %get3A_864 = arith.constant 0 : index
          %get3A_865 = tpu.vector_load %arg6[%get3A_862, %get3A_863, %get3A_864] {strides = array<i32>} : memref<8x100x64xi32, #tpu.memory_space<vmem>>, vector<1x1x16xi32>,
          %get3A_866 = vector.shape_cast %get3A_865 : vector<1x1x16xi32> to vector<16xi32>
          %shift_left3A_867 = arith.constant 16 : i32
          %shift_left3A_868 = vector.broadcast %shift_left3A_867 : i32 to vector<16xi32>
          %shift_left3A_869 = arith.shli %get3A_866, %shift_left3A_868 : vector<16xi32>
          %bitcast_convert_type3A_870 = tpu.bitcast %shift_left3A_869 : vector<16xi32> -> vector<16xf32>
          %and3A_871 = arith.constant -65536 : i32
          %and3A_872 = vector.broadcast %and3A_871 : i32 to vector<16xi32>
          %and3A_873 = arith.andi %get3A_866, %and3A_872 : vector<16xi32>
          %bitcast_convert_type3A_874 = tpu.bitcast %and3A_873 : vector<16xi32> -> vector<16xf32>
          %add3A_875 = arith.addf %add3A_739, %bitcast_convert_type3A_870 : vector<16xf32>
          %add3A_876 = arith.addf %add3A_740, %bitcast_convert_type3A_874 : vector<16xf32>
          %get3A_877 = arith.constant 7 : i32
          %get3A_878 = arith.index_cast %get3A_877 : i32 to index
          %get3A_879 = arith.index_cast %add3A_860 : i32 to index
          %get3A_880 = arith.constant 16 : index
          %get3A_881 = tpu.vector_load %arg6[%get3A_878, %get3A_879, %get3A_880] {strides = array<i32>} : memref<8x100x64xi32, #tpu.memory_space<vmem>>, vector<1x1x16xi32>,
          %get3A_882 = vector.shape_cast %get3A_881 : vector<1x1x16xi32> to vector<16xi32>
          %shift_left3A_883 = arith.constant 16 : i32
          %shift_left3A_884 = vector.broadcast %shift_left3A_883 : i32 to vector<16xi32>
          %shift_left3A_885 = arith.shli %get3A_882, %shift_left3A_884 : vector<16xi32>
          %bitcast_convert_type3A_886 = tpu.bitcast %shift_left3A_885 : vector<16xi32> -> vector<16xf32>
          %and3A_887 = arith.constant -65536 : i32
          %and3A_888 = vector.broadcast %and3A_887 : i32 to vector<16xi32>
          %and3A_889 = arith.andi %get3A_882, %and3A_888 : vector<16xi32>
          %bitcast_convert_type3A_890 = tpu.bitcast %and3A_889 : vector<16xi32> -> vector<16xf32>
          %add3A_891 = arith.addf %add3A_755, %bitcast_convert_type3A_886 : vector<16xf32>
          %add3A_892 = arith.addf %add3A_756, %bitcast_convert_type3A_890 : vector<16xf32>
          %get3A_893 = arith.constant 7 : i32
          %get3A_894 = arith.index_cast %get3A_893 : i32 to index
          %get3A_895 = arith.index_cast %add3A_860 : i32 to index
          %get3A_896 = arith.constant 32 : index
          %get3A_897 = tpu.vector_load %arg6[%get3A_894, %get3A_895, %get3A_896] {strides = array<i32>} : memref<8x100x64xi32, #tpu.memory_space<vmem>>, vector<1x1x16xi32>,
          %get3A_898 = vector.shape_cast %get3A_897 : vector<1x1x16xi32> to vector<16xi32>
          %shift_left3A_899 = arith.constant 16 : i32
          %shift_left3A_900 = vector.broadcast %shift_left3A_899 : i32 to vector<16xi32>
          %shift_left3A_901 = arith.shli %get3A_898, %shift_left3A_900 : vector<16xi32>
          %bitcast_convert_type3A_902 = tpu.bitcast %shift_left3A_901 : vector<16xi32> -> vector<16xf32>
          %and3A_903 = arith.constant -65536 : i32
          %and3A_904 = vector.broadcast %and3A_903 : i32 to vector<16xi32>
          %and3A_905 = arith.andi %get3A_898, %and3A_904 : vector<16xi32>
          %bitcast_convert_type3A_906 = tpu.bitcast %and3A_905 : vector<16xi32> -> vector<16xf32>
          %add3A_907 = arith.addf %add3A_771, %bitcast_convert_type3A_902 : vector<16xf32>
          %add3A_908 = arith.addf %add3A_772, %bitcast_convert_type3A_906 : vector<16xf32>
          %get3A_909 = arith.constant 7 : i32
          %get3A_910 = arith.index_cast %get3A_909 : i32 to index
          %get3A_911 = arith.index_cast %add3A_860 : i32 to index
          %get3A_912 = arith.constant 48 : index
          %get3A_913 = tpu.vector_load %arg6[%get3A_910, %get3A_911, %get3A_912] {strides = array<i32>} : memref<8x100x64xi32, #tpu.memory_space<vmem>>, vector<1x1x16xi32>,
          %get3A_914 = vector.shape_cast %get3A_913 : vector<1x1x16xi32> to vector<16xi32>
          %shift_left3A_915 = arith.constant 16 : i32
          %shift_left3A_916 = vector.broadcast %shift_left3A_915 : i32 to vector<16xi32>
          %shift_left3A_917 = arith.shli %get3A_914, %shift_left3A_916 : vector<16xi32>
          %bitcast_convert_type3A_918 = tpu.bitcast %shift_left3A_917 : vector<16xi32> -> vector<16xf32>
          %and3A_919 = arith.constant -65536 : i32
          %and3A_920 = vector.broadcast %and3A_919 : i32 to vector<16xi32>
          %and3A_921 = arith.andi %get3A_914, %and3A_920 : vector<16xi32>
          %bitcast_convert_type3A_922 = tpu.bitcast %and3A_921 : vector<16xi32> -> vector<16xf32>
          %add3A_923 = arith.addf %add3A_787, %bitcast_convert_type3A_918 : vector<16xf32>
          %add3A_924 = arith.addf %add3A_788, %bitcast_convert_type3A_922 : vector<16xf32>
          scf.yield %add3A_807, %add3A_808, %add3A_823, %add3A_824, %add3A_839, %add3A_840, %add3A_855, %add3A_856, %add3A_875, %add3A_876, %add3A_891, %add3A_892, %add3A_907, %add3A_908, %add3A_923, %add3A_924 : vector<16xf32>, vector<16xf32>, vector<16xf32>, vector<16xf32>, vector<16xf32>, vector<16xf32>, vector<16xf32>, vector<16xf32>, vector<16xf32>, vector<16xf32>, vector<16xf32>, vector<16xf32>, vector<16xf32>, vector<16xf32>, vector<16xf32>, vector<16xf32>
        }
        %scan3A_548 = arith.constant 25 : i32
        %swap3A_549 = arith.index_cast %add3A_527 : i32 to index
        %swap3A_550 = arith.constant 0 : index
        %swap3A_551 = tpu.vector_load %arg7[%swap3A_549, %swap3A_550] {strides = array<i32>} : memref<66x256xf32, #tpu.memory_space<vmem>>, vector<1x16xf32>,
        %swap3A_552 = vector.shape_cast %swap3A_551 : vector<1x16xf32> to vector<16xf32>
        %swap3A_553 = vector.shape_cast %scan3A_547#0 : vector<16xf32> to vector<1x16xf32>
        tpu.vector_store %arg7[%swap3A_549, %swap3A_550], %swap3A_553 {strides = array<i32>} : memref<66x256xf32, #tpu.memory_space<vmem>>, vector<1x16xf32>,
        %swap3A_554 = arith.index_cast %add3A_527 : i32 to index
        %swap3A_555 = arith.constant 16 : index
        %swap3A_556 = tpu.vector_load %arg7[%swap3A_554, %swap3A_555] {strides = array<i32>} : memref<66x256xf32, #tpu.memory_space<vmem>>, vector<1x16xf32>,
        %swap3A_557 = vector.shape_cast %swap3A_556 : vector<1x16xf32> to vector<16xf32>
        %swap3A_558 = vector.shape_cast %scan3A_547#1 : vector<16xf32> to vector<1x16xf32>
        tpu.vector_store %arg7[%swap3A_554, %swap3A_555], %swap3A_558 {strides = array<i32>} : memref<66x256xf32, #tpu.memory_space<vmem>>, vector<1x16xf32>,
        %swap3A_559 = arith.index_cast %add3A_527 : i32 to index
        %swap3A_560 = arith.constant 32 : index
        %swap3A_561 = tpu.vector_load %arg7[%swap3A_559, %swap3A_560] {strides = array<i32>} : memref<66x256xf32, #tpu.memory_space<vmem>>, vector<1x16xf32>,
        %swap3A_562 = vector.shape_cast %swap3A_561 : vector<1x16xf32> to vector<16xf32>
        %swap3A_563 = vector.shape_cast %scan3A_547#2 : vector<16xf32> to vector<1x16xf32>
        tpu.vector_store %arg7[%swap3A_559, %swap3A_560], %swap3A_563 {strides = array<i32>} : memref<66x256xf32, #tpu.memory_space<vmem>>, vector<1x16xf32>,
        %swap3A_564 = arith.index_cast %add3A_527 : i32 to index
        %swap3A_565 = arith.constant 48 : index
        %swap3A_566 = tpu.vector_load %arg7[%swap3A_564, %swap3A_565] {strides = array<i32>} : memref<66x256xf32, #tpu.memory_space<vmem>>, vector<1x16xf32>,
        %swap3A_567 = vector.shape_cast %swap3A_566 : vector<1x16xf32> to vector<16xf32>
        %swap3A_568 = vector.shape_cast %scan3A_547#3 : vector<16xf32> to vector<1x16xf32>
        tpu.vector_store %arg7[%swap3A_564, %swap3A_565], %swap3A_568 {strides = array<i32>} : memref<66x256xf32, #tpu.memory_space<vmem>>, vector<1x16xf32>,
        %swap3A_569 = arith.index_cast %add3A_527 : i32 to index
        %swap3A_570 = arith.constant 64 : index
        %swap3A_571 = tpu.vector_load %arg7[%swap3A_569, %swap3A_570] {strides = array<i32>} : memref<66x256xf32, #tpu.memory_space<vmem>>, vector<1x16xf32>,
        %swap3A_572 = vector.shape_cast %swap3A_571 : vector<1x16xf32> to vector<16xf32>
        %swap3A_573 = vector.shape_cast %scan3A_547#4 : vector<16xf32> to vector<1x16xf32>
        tpu.vector_store %arg7[%swap3A_569, %swap3A_570], %swap3A_573 {strides = array<i32>} : memref<66x256xf32, #tpu.memory_space<vmem>>, vector<1x16xf32>,
        %swap3A_574 = arith.index_cast %add3A_527 : i32 to index
        %swap3A_575 = arith.constant 80 : index
        %swap3A_576 = tpu.vector_load %arg7[%swap3A_574, %swap3A_575] {strides = array<i32>} : memref<66x256xf32, #tpu.memory_space<vmem>>, vector<1x16xf32>,
        %swap3A_577 = vector.shape_cast %swap3A_576 : vector<1x16xf32> to vector<16xf32>
        %swap3A_578 = vector.shape_cast %scan3A_547#5 : vector<16xf32> to vector<1x16xf32>
        tpu.vector_store %arg7[%swap3A_574, %swap3A_575], %swap3A_578 {strides = array<i32>} : memref<66x256xf32, #tpu.memory_space<vmem>>, vector<1x16xf32>,
        %swap3A_579 = arith.index_cast %add3A_527 : i32 to index
        %swap3A_580 = arith.constant 96 : index
        %swap3A_581 = tpu.vector_load %arg7[%swap3A_579, %swap3A_580] {strides = array<i32>} : memref<66x256xf32, #tpu.memory_space<vmem>>, vector<1x16xf32>,
        %swap3A_582 = vector.shape_cast %swap3A_581 : vector<1x16xf32> to vector<16xf32>
        %swap3A_583 = vector.shape_cast %scan3A_547#6 : vector<16xf32> to vector<1x16xf32>
        tpu.vector_store %arg7[%swap3A_579, %swap3A_580], %swap3A_583 {strides = array<i32>} : memref<66x256xf32, #tpu.memory_space<vmem>>, vector<1x16xf32>,
        %swap3A_584 = arith.index_cast %add3A_527 : i32 to index
        %swap3A_585 = arith.constant 112 : index
        %swap3A_586 = tpu.vector_load %arg7[%swap3A_584, %swap3A_585] {strides = array<i32>} : memref<66x256xf32, #tpu.memory_space<vmem>>, vector<1x16xf32>,
        %swap3A_587 = vector.shape_cast %swap3A_586 : vector<1x16xf32> to vector<16xf32>
        %swap3A_588 = vector.shape_cast %scan3A_547#7 : vector<16xf32> to vector<1x16xf32>
        tpu.vector_store %arg7[%swap3A_584, %swap3A_585], %swap3A_588 {strides = array<i32>} : memref<66x256xf32, #tpu.memory_space<vmem>>, vector<1x16xf32>,
        %swap3A_589 = arith.index_cast %add3A_527 : i32 to index
        %swap3A_590 = arith.constant 128 : index
        %swap3A_591 = tpu.vector_load %arg7[%swap3A_589, %swap3A_590] {strides = array<i32>} : memref<66x256xf32, #tpu.memory_space<vmem>>, vector<1x16xf32>,
        %swap3A_592 = vector.shape_cast %swap3A_591 : vector<1x16xf32> to vector<16xf32>
        %swap3A_593 = vector.shape_cast %scan3A_547#8 : vector<16xf32> to vector<1x16xf32>
        tpu.vector_store %arg7[%swap3A_589, %swap3A_590], %swap3A_593 {strides = array<i32>} : memref<66x256xf32, #tpu.memory_space<vmem>>, vector<1x16xf32>,
        %swap3A_594 = arith.index_cast %add3A_527 : i32 to index
        %swap3A_595 = arith.constant 144 : index
        %swap3A_596 = tpu.vector_load %arg7[%swap3A_594, %swap3A_595] {strides = array<i32>} : memref<66x256xf32, #tpu.memory_space<vmem>>, vector<1x16xf32>,
        %swap3A_597 = vector.shape_cast %swap3A_596 : vector<1x16xf32> to vector<16xf32>
        %swap3A_598 = vector.shape_cast %scan3A_547#9 : vector<16xf32> to vector<1x16xf32>
        tpu.vector_store %arg7[%swap3A_594, %swap3A_595], %swap3A_598 {strides = array<i32>} : memref<66x256xf32, #tpu.memory_space<vmem>>, vector<1x16xf32>,
        %swap3A_599 = arith.index_cast %add3A_527 : i32 to index
        %swap3A_600 = arith.constant 160 : index
        %swap3A_601 = tpu.vector_load %arg7[%swap3A_599, %swap3A_600] {strides = array<i32>} : memref<66x256xf32, #tpu.memory_space<vmem>>, vector<1x16xf32>,
        %swap3A_602 = vector.shape_cast %swap3A_601 : vector<1x16xf32> to vector<16xf32>
        %swap3A_603 = vector.shape_cast %scan3A_547#10 : vector<16xf32> to vector<1x16xf32>
        tpu.vector_store %arg7[%swap3A_599, %swap3A_600], %swap3A_603 {strides = array<i32>} : memref<66x256xf32, #tpu.memory_space<vmem>>, vector<1x16xf32>,
        %swap3A_604 = arith.index_cast %add3A_527 : i32 to index
        %swap3A_605 = arith.constant 176 : index
        %swap3A_606 = tpu.vector_load %arg7[%swap3A_604, %swap3A_605] {strides = array<i32>} : memref<66x256xf32, #tpu.memory_space<vmem>>, vector<1x16xf32>,
        %swap3A_607 = vector.shape_cast %swap3A_606 : vector<1x16xf32> to vector<16xf32>
        %swap3A_608 = vector.shape_cast %scan3A_547#11 : vector<16xf32> to vector<1x16xf32>
        tpu.vector_store %arg7[%swap3A_604, %swap3A_605], %swap3A_608 {strides = array<i32>} : memref<66x256xf32, #tpu.memory_space<vmem>>, vector<1x16xf32>,
        %swap3A_609 = arith.index_cast %add3A_527 : i32 to index
        %swap3A_610 = arith.constant 192 : index
        %swap3A_611 = tpu.vector_load %arg7[%swap3A_609, %swap3A_610] {strides = array<i32>} : memref<66x256xf32, #tpu.memory_space<vmem>>, vector<1x16xf32>,
        %swap3A_612 = vector.shape_cast %swap3A_611 : vector<1x16xf32> to vector<16xf32>
        %swap3A_613 = vector.shape_cast %scan3A_547#12 : vector<16xf32> to vector<1x16xf32>
        tpu.vector_store %arg7[%swap3A_609, %swap3A_610], %swap3A_613 {strides = array<i32>} : memref<66x256xf32, #tpu.memory_space<vmem>>, vector<1x16xf32>,
        %swap3A_614 = arith.index_cast %add3A_527 : i32 to index
        %swap3A_615 = arith.constant 208 : index
        %swap3A_616 = tpu.vector_load %arg7[%swap3A_614, %swap3A_615] {strides = array<i32>} : memref<66x256xf32, #tpu.memory_space<vmem>>, vector<1x16xf32>,
        %swap3A_617 = vector.shape_cast %swap3A_616 : vector<1x16xf32> to vector<16xf32>
        %swap3A_618 = vector.shape_cast %scan3A_547#13 : vector<16xf32> to vector<1x16xf32>
        tpu.vector_store %arg7[%swap3A_614, %swap3A_615], %swap3A_618 {strides = array<i32>} : memref<66x256xf32, #tpu.memory_space<vmem>>, vector<1x16xf32>,
        %swap3A_619 = arith.index_cast %add3A_527 : i32 to index
        %swap3A_620 = arith.constant 224 : index
        %swap3A_621 = tpu.vector_load %arg7[%swap3A_619, %swap3A_620] {strides = array<i32>} : memref<66x256xf32, #tpu.memory_space<vmem>>, vector<1x16xf32>,
        %swap3A_622 = vector.shape_cast %swap3A_621 : vector<1x16xf32> to vector<16xf32>
        %swap3A_623 = vector.shape_cast %scan3A_547#14 : vector<16xf32> to vector<1x16xf32>
        tpu.vector_store %arg7[%swap3A_619, %swap3A_620], %swap3A_623 {strides = array<i32>} : memref<66x256xf32, #tpu.memory_space<vmem>>, vector<1x16xf32>,
        %swap3A_624 = arith.index_cast %add3A_527 : i32 to index
        %swap3A_625 = arith.constant 240 : index
        %swap3A_626 = tpu.vector_load %arg7[%swap3A_624, %swap3A_625] {strides = array<i32>} : memref<66x256xf32, #tpu.memory_space<vmem>>, vector<1x16xf32>,
        %swap3A_627 = vector.shape_cast %swap3A_626 : vector<1x16xf32> to vector<16xf32>
        %swap3A_628 = vector.shape_cast %scan3A_547#15 : vector<16xf32> to vector<1x16xf32>
        tpu.vector_store %arg7[%swap3A_624, %swap3A_625], %swap3A_628 {strides = array<i32>} : memref<66x256xf32, #tpu.memory_space<vmem>>, vector<1x16xf32>,
        %add3A_629 = arith.constant 7 : i32
        %add3A_630 = arith.addi %mul3A_147, %add3A_629 : i32
        %add3A_631 = arith.constant 8 : i32
        %add3A_632 = arith.addi %add3A_630, %add3A_631 : i32
        %add3A_633 = arith.constant 2 : i32
        %add3A_634 = arith.addi %add3A_527, %add3A_633 : i32
        %lt3A_635 = arith.constant 264 : i32
        %lt3A_636 = arith.cmpi slt, %add3A_632, %lt3A_635 : i32
        %convert_element_type3A_637 = arith.extui %lt3A_636 : i1 to i32
        %cond3A_638 = arith.constant 0 : i32
        %cond3A_639 = arith.cmpi ne, %convert_element_type3A_637, %cond3A_638 : i32
        scf.if %cond3A_639 {
          %dma_start3A_640 = arith.constant 3 : i32
          %dma_start3A_641 = arith.constant 7 : i32
          %dma_start3A_642 = arith.constant 7 : i32
          %dma_start3A_643 = arith.constant 0 : i32
          %dma_start3A_644 = arith.constant 0 : i32
          %dma_start3A_645 = tpu.memref_slice %arg6[%dma_start3A_641, %dma_start3A_643, %dma_start3A_644] : memref<8x100x64xi32, #tpu.memory_space<vmem>> -> memref<1x100x64xi32, #tpu.memory_space<vmem>>
          %dma_start3A_646 = tpu.memref_squeeze %dma_start3A_645 : memref<1x100x64xi32, #tpu.memory_space<vmem>> -> memref<100x64xi32, #tpu.memory_space<vmem>>
          %dma_start3A_647 = arith.constant 0 : i32
          %dma_start3A_648 = tpu.memref_slice %arg5[%add3A_634, %dma_start3A_640, %dma_start3A_647] : memref<66x4x100xi32, #tpu.memory_space<vmem>> -> memref<1x1x100xi32, #tpu.memory_space<vmem>>
          %dma_start3A_649 = tpu.memref_squeeze %dma_start3A_648 : memref<1x1x100xi32, #tpu.memory_space<vmem>> -> memref<100xi32, #tpu.memory_space<vmem>>
          %dma_start3A_650 = arith.constant 0 : i32
          %dma_start3A_651 = arith.constant 0 : i32
          %dma_start3A_652 = tpu.memref_slice %arg3[%dma_start3A_650, %dma_start3A_651] : memref<100513x64xi32, #tpu.memory_space<hbm>> -> memref<100513x64xi32, #tpu.memory_space<hbm>>
          %dma_start3A_653 = tpu.memref_slice %arg8[%dma_start3A_642] : memref<8x!tpu.dma_semaphore, #tpu.memory_space<semaphore_mem>> -> memref<1x!tpu.dma_semaphore, #tpu.memory_space<semaphore_mem>>
          %dma_start3A_654 = tpu.memref_squeeze %dma_start3A_653 : memref<1x!tpu.dma_semaphore, #tpu.memory_space<semaphore_mem>> -> memref<!tpu.dma_semaphore, #tpu.memory_space<semaphore_mem>>
          tpu.enqueue_indirect_dma source(%dma_start3A_652 : memref<100513x64xi32, #tpu.memory_space<hbm>>) target(%dma_start3A_646 : memref<100x64xi32, #tpu.memory_space<vmem>>) offsets(%dma_start3A_649 : memref<100xi32, #tpu.memory_space<vmem>>) semaphore(%dma_start3A_654 : memref<!tpu.dma_semaphore, #tpu.memory_space<semaphore_mem>>)
        } else {
        }
      }
      %scan3A_144 = arith.constant 33 : i32
      "tpu.region"() ({
        %run_scoped3A = tpu.sem_alloc : memref<!tpu.dma_semaphore, #tpu.memory_space<semaphore_mem>>
        %dma_start3A_145 = arith.constant 0 : i32
        %dma_start3A_146 = tpu.memref_slice %arg4[%add3A_11, %dma_start3A_145] : memref<8448x256xf32, #tpu.memory_space<hbm>> -> memref<66x256xf32, #tpu.memory_space<hbm>>
        %dma_start3A_147 = arith.constant 0 : i32
        %dma_start3A_148 = tpu.memref_slice %arg4[%add3A_11, %dma_start3A_147] : memref<8448x256xf32, #tpu.memory_space<hbm>> -> memref<66x256xf32, #tpu.memory_space<hbm>>
        tpu.enqueue_dma source(%arg7 : memref<66x256xf32, #tpu.memory_space<vmem>>) target(%dma_start3A_148 : memref<66x256xf32, #tpu.memory_space<hbm>>) target_semaphore(%run_scoped3A : memref<!tpu.dma_semaphore, #tpu.memory_space<semaphore_mem>>)
        %dma_wait3A = arith.constant 0 : i32
        %dma_wait3A_149 = tpu.memref_slice %arg4[%add3A_11, %dma_wait3A] : memref<8448x256xf32, #tpu.memory_space<hbm>> -> memref<66x256xf32, #tpu.memory_space<hbm>>
        %dma_wait3A_150 = arith.constant 0 : i32
        %dma_wait3A_151 = tpu.memref_slice %arg4[%add3A_11, %dma_wait3A_150] : memref<8448x256xf32, #tpu.memory_space<hbm>> -> memref<66x256xf32, #tpu.memory_space<hbm>>
        tpu.wait_dma2 semaphore(%run_scoped3A : memref<!tpu.dma_semaphore, #tpu.memory_space<semaphore_mem>>) src(%arg7 : memref<66x256xf32, #tpu.memory_space<vmem>>) dst(%dma_wait3A_151 : memref<66x256xf32, #tpu.memory_space<hbm>>)
        tpu.yield
      }) : () -> ()
    }
    %scan3A_7 = arith.constant 4 : i32
    return
  }
}

module attributes {stable_mosaic.version = 14 : i64} {
  func.func @body(%arg0: i32, %arg1: memref<512x256xf32, #tpu.memory_space<vmem>>, %arg2: memref<512x256xf32, #tpu.memory_space<vmem>>, %arg3: memref<512x1xf32, #tpu.memory_space<vmem>>, %arg4: memref<512x1xf32, #tpu.memory_space<vmem>>, %arg5: memref<8x256xf32, #tpu.memory_space<vmem>>, %arg6: memref<8x256xf32, #tpu.memory_space<vmem>>, %arg7: memref<8x1xf32, #tpu.memory_space<vmem>>, %arg8: memref<8x1xf32, #tpu.memory_space<vmem>>, %arg9: memref<256x128xf32, #tpu.memory_space<vmem>>, %arg10: memref<1x128xf32, #tpu.memory_space<vmem>>, %arg11: memref<256x512xf32, #tpu.memory_space<vmem>>, %arg12: memref<1x512xf32, #tpu.memory_space<vmem>>, %arg13: memref<512x256xf32, #tpu.memory_space<vmem>>, %arg14: memref<1x256xf32, #tpu.memory_space<vmem>>, %arg15: memref<1x256xf32, #tpu.memory_space<vmem>>, %arg16: memref<1x256xf32, #tpu.memory_space<vmem>>, %arg17: memref<256x2048xf32, #tpu.memory_space<vmem>>, %arg18: memref<512x2048xf32, #tpu.memory_space<vmem>>, %arg19: memref<1x2048xf32, #tpu.memory_space<vmem>>, %arg20: memref<1x2048xf32, #tpu.memory_space<vmem>>, %arg21: memref<512x1xf32, #tpu.memory_space<vmem>>) attributes {dimension_semantics = [#tpu.dimension_semantics<arbitrary>], iteration_bounds = array<i64: 8>, scalar_prefetch = 0 : i64, scratch_operands = 0 : i64, tpu.core_type = #tpu.core_type<tc>, window_params = [{transform_indices = @transform_0, window_bounds = array<i64: 512, 256>}, {transform_indices = @transform_1, window_bounds = array<i64: 512, 256>}, {transform_indices = @transform_2, window_bounds = array<i64: 512, 1>}, {transform_indices = @transform_3, window_bounds = array<i64: 512, 1>}, {pipeline_mode = #tpu.pipeline_mode<synchronous>, transform_indices = @transform_4, window_bounds = array<i64: 8, 256>}, {pipeline_mode = #tpu.pipeline_mode<synchronous>, transform_indices = @transform_5, window_bounds = array<i64: 8, 256>}, {pipeline_mode = #tpu.pipeline_mode<synchronous>, transform_indices = @transform_6, window_bounds = array<i64: 8, 1>}, {pipeline_mode = #tpu.pipeline_mode<synchronous>, transform_indices = @transform_7, window_bounds = array<i64: 8, 1>}, {pipeline_mode = #tpu.pipeline_mode<synchronous>, transform_indices = @transform_8, window_bounds = array<i64: 256, 128>}, {pipeline_mode = #tpu.pipeline_mode<synchronous>, transform_indices = @transform_9, window_bounds = array<i64: 1, 128>}, {pipeline_mode = #tpu.pipeline_mode<synchronous>, transform_indices = @transform_10, window_bounds = array<i64: 256, 512>}, {pipeline_mode = #tpu.pipeline_mode<synchronous>, transform_indices = @transform_11, window_bounds = array<i64: 1, 512>}, {pipeline_mode = #tpu.pipeline_mode<synchronous>, transform_indices = @transform_12, window_bounds = array<i64: 512, 256>}, {pipeline_mode = #tpu.pipeline_mode<synchronous>, transform_indices = @transform_13, window_bounds = array<i64: 1, 256>}, {pipeline_mode = #tpu.pipeline_mode<synchronous>, transform_indices = @transform_14, window_bounds = array<i64: 1, 256>}, {pipeline_mode = #tpu.pipeline_mode<synchronous>, transform_indices = @transform_15, window_bounds = array<i64: 1, 256>}, {pipeline_mode = #tpu.pipeline_mode<synchronous>, transform_indices = @transform_16, window_bounds = array<i64: 256, 2048>}, {pipeline_mode = #tpu.pipeline_mode<synchronous>, transform_indices = @transform_17, window_bounds = array<i64: 512, 2048>}, {pipeline_mode = #tpu.pipeline_mode<synchronous>, transform_indices = @transform_18, window_bounds = array<i64: 1, 2048>}, {pipeline_mode = #tpu.pipeline_mode<synchronous>, transform_indices = @transform_19, window_bounds = array<i64: 1, 2048>}, {transform_indices = @transform_20, window_bounds = array<i64: 512, 1>}]} {
    %get3A = arith.constant 0 : index
    %get3A_0 = arith.constant 0 : index
    %get3A_1 = vector.load %arg9[%get3A, %get3A_0] : memref<256x128xf32, #tpu.memory_space<vmem>>, vector<256x128xf32>
    %get3A_2 = arith.constant 0 : index
    %get3A_3 = arith.constant 0 : index
    %get3A_4 = vector.load %arg10[%get3A_2, %get3A_3] : memref<1x128xf32, #tpu.memory_space<vmem>>, vector<1x128xf32>
    %get3A_5 = arith.constant 0 : index
    %get3A_6 = arith.constant 0 : index
    %get3A_7 = vector.load %arg15[%get3A_5, %get3A_6] : memref<1x256xf32, #tpu.memory_space<vmem>>, vector<1x256xf32>
    %get3A_8 = arith.constant 0 : index
    %get3A_9 = arith.constant 0 : index
    %get3A_10 = vector.load %arg16[%get3A_8, %get3A_9] : memref<1x256xf32, #tpu.memory_space<vmem>>, vector<1x256xf32>
    %get3A_11 = arith.constant 0 : index
    %get3A_12 = arith.constant 0 : index
    %get3A_13 = vector.load %arg11[%get3A_11, %get3A_12] : memref<256x512xf32, #tpu.memory_space<vmem>>, vector<256x512xf32>
    %get3A_14 = arith.constant 0 : index
    %get3A_15 = arith.constant 0 : index
    %get3A_16 = vector.load %arg12[%get3A_14, %get3A_15] : memref<1x512xf32, #tpu.memory_space<vmem>>, vector<1x512xf32>
    %get3A_17 = arith.constant 0 : index
    %get3A_18 = arith.constant 0 : index
    %get3A_19 = vector.load %arg13[%get3A_17, %get3A_18] : memref<512x256xf32, #tpu.memory_space<vmem>>, vector<512x256xf32>
    %get3A_20 = arith.constant 0 : index
    %get3A_21 = arith.constant 0 : index
    %get3A_22 = vector.load %arg14[%get3A_20, %get3A_21] : memref<1x256xf32, #tpu.memory_space<vmem>>, vector<1x256xf32>
    %get3A_23 = arith.constant 0 : index
    %get3A_24 = arith.constant 0 : index
    %get3A_25 = vector.load %arg5[%get3A_23, %get3A_24] : memref<8x256xf32, #tpu.memory_space<vmem>>, vector<8x256xf32>
    %get3A_26 = arith.constant 0 : index
    %get3A_27 = arith.constant 0 : index
    %get3A_28 = vector.load %arg7[%get3A_26, %get3A_27] : memref<8x1xf32, #tpu.memory_space<vmem>>, vector<8x1xf32>
    %dot_general3A = arith.constant dense<0.000000e+00> : vector<8x128xf32>
    %dot_general3A_29 = tpu.matmul %get3A_25, %get3A_1, %dot_general3A {dimension_numbers = #tpu.dot_dimension_numbers<[1], [0], [0], [1], [0, 0, 1, 1], [], []>, transpose_lhs_hint = false} : vector<8x256xf32>, vector<256x128xf32>, vector<8x128xf32> -> vector<8x128xf32>
    %mul3A = arith.constant 2.000000e+02 : f32
    %mul3A_30 = vector.broadcast %mul3A : f32 to vector<1x128xf32>
    %mul3A_31 = arith.mulf %mul3A_30, %get3A_4 : vector<1x128xf32>
    %add3A = vector.broadcast %mul3A_31 : vector<1x128xf32> to vector<8x128xf32>
    %add3A_32 = arith.addf %dot_general3A_29, %add3A : vector<8x128xf32>
    %div3A = vector.broadcast %get3A_28 : vector<8x1xf32> to vector<8x128xf32>
    %div3A_33 = arith.divf %add3A_32, %div3A : vector<8x128xf32>
    %tanh3A = math.tanh %div3A_33 : vector<8x128xf32>
    %get3A_34 = arith.constant 0 : index
    %get3A_35 = arith.constant 0 : index
    %get3A_36 = vector.load %arg6[%get3A_34, %get3A_35] : memref<8x256xf32, #tpu.memory_space<vmem>>, vector<8x256xf32>
    %get3A_37 = arith.constant 0 : index
    %get3A_38 = arith.constant 0 : index
    %get3A_39 = vector.load %arg8[%get3A_37, %get3A_38] : memref<8x1xf32, #tpu.memory_space<vmem>>, vector<8x1xf32>
    %dot_general3A_40 = arith.constant dense<0.000000e+00> : vector<8x128xf32>
    %dot_general3A_41 = tpu.matmul %get3A_36, %get3A_1, %dot_general3A_40 {dimension_numbers = #tpu.dot_dimension_numbers<[1], [0], [0], [1], [0, 0, 1, 1], [], []>, transpose_lhs_hint = false} : vector<8x256xf32>, vector<256x128xf32>, vector<8x128xf32> -> vector<8x128xf32>
    %mul3A_42 = arith.constant 2.000000e+02 : f32
    %mul3A_43 = vector.broadcast %mul3A_42 : f32 to vector<1x128xf32>
    %mul3A_44 = arith.mulf %mul3A_43, %get3A_4 : vector<1x128xf32>
    %add3A_45 = vector.broadcast %mul3A_44 : vector<1x128xf32> to vector<8x128xf32>
    %add3A_46 = arith.addf %dot_general3A_41, %add3A_45 : vector<8x128xf32>
    %div3A_47 = vector.broadcast %get3A_39 : vector<8x1xf32> to vector<8x128xf32>
    %div3A_48 = arith.divf %add3A_46, %div3A_47 : vector<8x128xf32>
    %tanh3A_49 = math.tanh %div3A_48 : vector<8x128xf32>
    %concatenate3A = tpu.concatenate %tanh3A, %tanh3A_49 in 1 : vector<8x128xf32>, vector<8x128xf32> -> vector<8x256xf32>
    %dot_general3A_50 = arith.constant dense<0.000000e+00> : vector<8x512xf32>
    %dot_general3A_51 = tpu.matmul %concatenate3A, %get3A_13, %dot_general3A_50 {dimension_numbers = #tpu.dot_dimension_numbers<[1], [0], [0], [1], [0, 0, 1, 1], [], []>, transpose_lhs_hint = false} : vector<8x256xf32>, vector<256x512xf32>, vector<8x512xf32> -> vector<8x512xf32>
    %add3A_52 = vector.broadcast %get3A_16 : vector<1x512xf32> to vector<8x512xf32>
    %add3A_53 = arith.addf %dot_general3A_51, %add3A_52 : vector<8x512xf32>
    %max3A = arith.constant 0.000000e+00 : f32
    %max3A_54 = vector.broadcast %max3A : f32 to vector<8x512xf32>
    %max3A_55 = arith.maximumf %add3A_53, %max3A_54 : vector<8x512xf32>
    %dot_general3A_56 = arith.constant dense<0.000000e+00> : vector<8x256xf32>
    %dot_general3A_57 = tpu.matmul %max3A_55, %get3A_19, %dot_general3A_56 {dimension_numbers = #tpu.dot_dimension_numbers<[1], [0], [0], [1], [0, 0, 1, 1], [], []>, transpose_lhs_hint = false} : vector<8x512xf32>, vector<512x256xf32>, vector<8x256xf32> -> vector<8x256xf32>
    %add3A_58 = vector.broadcast %get3A_22 : vector<1x256xf32> to vector<8x256xf32>
    %add3A_59 = arith.addf %dot_general3A_57, %add3A_58 : vector<8x256xf32>
    %add3A_60 = arith.addf %add3A_59, %concatenate3A : vector<8x256xf32>
    %reduce_sum3A = arith.constant dense<0.000000e+00> : vector<8xf32>
    %reduce_sum3A_61 = vector.multi_reduction <add>, %add3A_60, %reduce_sum3A [1] : vector<8x256xf32> to vector<8xf32>
    %broadcast_in_dim3A = vector.shape_cast %reduce_sum3A_61 : vector<8xf32> to vector<8x1xf32>
    %div3A_62 = arith.constant 2.560000e+02 : f32
    %div3A_63 = vector.broadcast %div3A_62 : f32 to vector<8x1xf32>
    %div3A_64 = arith.divf %broadcast_in_dim3A, %div3A_63 : vector<8x1xf32>
    %sub3A = vector.broadcast %div3A_64 : vector<8x1xf32> to vector<8x256xf32>
    %sub3A_65 = arith.subf %add3A_60, %sub3A : vector<8x256xf32>
    %integer_pow3A = arith.mulf %sub3A_65, %sub3A_65 : vector<8x256xf32>
    %reduce_sum3A_66 = arith.constant dense<0.000000e+00> : vector<8xf32>
    %reduce_sum3A_67 = vector.multi_reduction <add>, %integer_pow3A, %reduce_sum3A_66 [1] : vector<8x256xf32> to vector<8xf32>
    %broadcast_in_dim3A_68 = vector.shape_cast %reduce_sum3A_67 : vector<8xf32> to vector<8x1xf32>
    %div3A_69 = arith.constant 2.550000e+02 : f32
    %div3A_70 = vector.broadcast %div3A_69 : f32 to vector<8x1xf32>
    %div3A_71 = arith.divf %broadcast_in_dim3A_68, %div3A_70 : vector<8x1xf32>
    %sub3A_72 = vector.broadcast %div3A_64 : vector<8x1xf32> to vector<8x256xf32>
    %sub3A_73 = arith.subf %add3A_60, %sub3A_72 : vector<8x256xf32>
    %sqrt3A = math.sqrt %div3A_71 : vector<8x1xf32>
    %add3A_74 = arith.constant 1.000000e-03 : f32
    %add3A_75 = vector.broadcast %add3A_74 : f32 to vector<8x1xf32>
    %add3A_76 = arith.addf %sqrt3A, %add3A_75 : vector<8x1xf32>
    %div3A_77 = vector.broadcast %add3A_76 : vector<8x1xf32> to vector<8x256xf32>
    %div3A_78 = arith.divf %sub3A_73, %div3A_77 : vector<8x256xf32>
    %mul3A_79 = vector.broadcast %get3A_7 : vector<1x256xf32> to vector<8x256xf32>
    %mul3A_80 = arith.mulf %div3A_78, %mul3A_79 : vector<8x256xf32>
    %add3A_81 = vector.broadcast %get3A_10 : vector<1x256xf32> to vector<8x256xf32>
    %add3A_82 = arith.addf %mul3A_80, %add3A_81 : vector<8x256xf32>
    %iota3A = tpu.iota {dimensions = array<i32: 0>} : vector<8x256xi32>
    %lt3A = arith.constant 5 : i32
    %lt3A_83 = vector.broadcast %lt3A : i32 to vector<8x256xi32>
    %lt3A_84 = arith.cmpi slt, %iota3A, %lt3A_83 : vector<8x256xi32>
    %convert_element_type3A = arith.extui %lt3A_84 : vector<8x256xi1> to vector<8x256xi32>
    %convert_element_type3A_85 = arith.sitofp %convert_element_type3A : vector<8x256xi32> to vector<8x256xf32>
    %mul3A_86 = arith.mulf %add3A_82, %convert_element_type3A_85 : vector<8x256xf32>
    %reduce_sum3A_87 = arith.constant dense<0.000000e+00> : vector<256xf32>
    %reduce_sum3A_88 = vector.multi_reduction <add>, %mul3A_86, %reduce_sum3A_87 [0] : vector<8x256xf32> to vector<256xf32>
    %broadcast_in_dim3A_89 = vector.shape_cast %reduce_sum3A_88 : vector<256xf32> to vector<1x256xf32>
    %div3A_90 = arith.constant 5.000000e+00 : f32
    %div3A_91 = vector.broadcast %div3A_90 : f32 to vector<1x256xf32>
    %div3A_92 = arith.divf %broadcast_in_dim3A_89, %div3A_91 : vector<1x256xf32>
    %get3A_93 = arith.constant 0 : index
    %get3A_94 = arith.constant 0 : index
    %get3A_95 = vector.load %arg1[%get3A_93, %get3A_94] : memref<512x256xf32, #tpu.memory_space<vmem>>, vector<512x256xf32>
    %get3A_96 = arith.constant 0 : index
    %get3A_97 = arith.constant 0 : index
    %get3A_98 = vector.load %arg3[%get3A_96, %get3A_97] : memref<512x1xf32, #tpu.memory_space<vmem>>, vector<512x1xf32>
    %dot_general3A_99 = arith.constant dense<0.000000e+00> : vector<512x128xf32>
    %dot_general3A_100 = tpu.matmul %get3A_95, %get3A_1, %dot_general3A_99 {dimension_numbers = #tpu.dot_dimension_numbers<[1], [0], [0], [1], [0, 0, 1, 1], [], []>, transpose_lhs_hint = false} : vector<512x256xf32>, vector<256x128xf32>, vector<512x128xf32> -> vector<512x128xf32>
    %mul3A_101 = arith.constant 2.000000e+02 : f32
    %mul3A_102 = vector.broadcast %mul3A_101 : f32 to vector<1x128xf32>
    %mul3A_103 = arith.mulf %mul3A_102, %get3A_4 : vector<1x128xf32>
    %add3A_104 = vector.broadcast %mul3A_103 : vector<1x128xf32> to vector<512x128xf32>
    %add3A_105 = arith.addf %dot_general3A_100, %add3A_104 : vector<512x128xf32>
    %div3A_106 = vector.broadcast %get3A_98 : vector<512x1xf32> to vector<512x128xf32>
    %div3A_107 = arith.divf %add3A_105, %div3A_106 : vector<512x128xf32>
    %tanh3A_108 = math.tanh %div3A_107 : vector<512x128xf32>
    %get3A_109 = arith.constant 0 : index
    %get3A_110 = arith.constant 0 : index
    %get3A_111 = vector.load %arg2[%get3A_109, %get3A_110] : memref<512x256xf32, #tpu.memory_space<vmem>>, vector<512x256xf32>
    %get3A_112 = arith.constant 0 : index
    %get3A_113 = arith.constant 0 : index
    %get3A_114 = vector.load %arg4[%get3A_112, %get3A_113] : memref<512x1xf32, #tpu.memory_space<vmem>>, vector<512x1xf32>
    %dot_general3A_115 = arith.constant dense<0.000000e+00> : vector<512x128xf32>
    %dot_general3A_116 = tpu.matmul %get3A_111, %get3A_1, %dot_general3A_115 {dimension_numbers = #tpu.dot_dimension_numbers<[1], [0], [0], [1], [0, 0, 1, 1], [], []>, transpose_lhs_hint = false} : vector<512x256xf32>, vector<256x128xf32>, vector<512x128xf32> -> vector<512x128xf32>
    %mul3A_117 = arith.constant 2.000000e+02 : f32
    %mul3A_118 = vector.broadcast %mul3A_117 : f32 to vector<1x128xf32>
    %mul3A_119 = arith.mulf %mul3A_118, %get3A_4 : vector<1x128xf32>
    %add3A_120 = vector.broadcast %mul3A_119 : vector<1x128xf32> to vector<512x128xf32>
    %add3A_121 = arith.addf %dot_general3A_116, %add3A_120 : vector<512x128xf32>
    %div3A_122 = vector.broadcast %get3A_114 : vector<512x1xf32> to vector<512x128xf32>
    %div3A_123 = arith.divf %add3A_121, %div3A_122 : vector<512x128xf32>
    %tanh3A_124 = math.tanh %div3A_123 : vector<512x128xf32>
    %concatenate3A_125 = tpu.concatenate %tanh3A_108, %tanh3A_124 in 1 : vector<512x128xf32>, vector<512x128xf32> -> vector<512x256xf32>
    %dot_general3A_126 = arith.constant dense<0.000000e+00> : vector<512x512xf32>
    %dot_general3A_127 = tpu.matmul %concatenate3A_125, %get3A_13, %dot_general3A_126 {dimension_numbers = #tpu.dot_dimension_numbers<[1], [0], [0], [1], [0, 0, 1, 1], [], []>, transpose_lhs_hint = false} : vector<512x256xf32>, vector<256x512xf32>, vector<512x512xf32> -> vector<512x512xf32>
    %add3A_128 = vector.broadcast %get3A_16 : vector<1x512xf32> to vector<512x512xf32>
    %add3A_129 = arith.addf %dot_general3A_127, %add3A_128 : vector<512x512xf32>
    %max3A_130 = arith.constant 0.000000e+00 : f32
    %max3A_131 = vector.broadcast %max3A_130 : f32 to vector<512x512xf32>
    %max3A_132 = arith.maximumf %add3A_129, %max3A_131 : vector<512x512xf32>
    %dot_general3A_133 = arith.constant dense<0.000000e+00> : vector<512x256xf32>
    %dot_general3A_134 = tpu.matmul %max3A_132, %get3A_19, %dot_general3A_133 {dimension_numbers = #tpu.dot_dimension_numbers<[1], [0], [0], [1], [0, 0, 1, 1], [], []>, transpose_lhs_hint = false} : vector<512x512xf32>, vector<512x256xf32>, vector<512x256xf32> -> vector<512x256xf32>
    %add3A_135 = vector.broadcast %get3A_22 : vector<1x256xf32> to vector<512x256xf32>
    %add3A_136 = arith.addf %dot_general3A_134, %add3A_135 : vector<512x256xf32>
    %add3A_137 = arith.addf %add3A_136, %concatenate3A_125 : vector<512x256xf32>
    %reduce_sum3A_138 = arith.constant dense<0.000000e+00> : vector<512xf32>
    %reduce_sum3A_139 = vector.multi_reduction <add>, %add3A_137, %reduce_sum3A_138 [1] : vector<512x256xf32> to vector<512xf32>
    %broadcast_in_dim3A_140 = vector.shape_cast %reduce_sum3A_139 : vector<512xf32> to vector<512x1xf32>
    %div3A_141 = arith.constant 2.560000e+02 : f32
    %div3A_142 = vector.broadcast %div3A_141 : f32 to vector<512x1xf32>
    %div3A_143 = arith.divf %broadcast_in_dim3A_140, %div3A_142 : vector<512x1xf32>
    %sub3A_144 = vector.broadcast %div3A_143 : vector<512x1xf32> to vector<512x256xf32>
    %sub3A_145 = arith.subf %add3A_137, %sub3A_144 : vector<512x256xf32>
    %integer_pow3A_146 = arith.mulf %sub3A_145, %sub3A_145 : vector<512x256xf32>
    %reduce_sum3A_147 = arith.constant dense<0.000000e+00> : vector<512xf32>
    %reduce_sum3A_148 = vector.multi_reduction <add>, %integer_pow3A_146, %reduce_sum3A_147 [1] : vector<512x256xf32> to vector<512xf32>
    %broadcast_in_dim3A_149 = vector.shape_cast %reduce_sum3A_148 : vector<512xf32> to vector<512x1xf32>
    %div3A_150 = arith.constant 2.550000e+02 : f32
    %div3A_151 = vector.broadcast %div3A_150 : f32 to vector<512x1xf32>
    %div3A_152 = arith.divf %broadcast_in_dim3A_149, %div3A_151 : vector<512x1xf32>
    %sub3A_153 = vector.broadcast %div3A_143 : vector<512x1xf32> to vector<512x256xf32>
    %sub3A_154 = arith.subf %add3A_137, %sub3A_153 : vector<512x256xf32>
    %sqrt3A_155 = math.sqrt %div3A_152 : vector<512x1xf32>
    %add3A_156 = arith.constant 1.000000e-03 : f32
    %add3A_157 = vector.broadcast %add3A_156 : f32 to vector<512x1xf32>
    %add3A_158 = arith.addf %sqrt3A_155, %add3A_157 : vector<512x1xf32>
    %div3A_159 = vector.broadcast %add3A_158 : vector<512x1xf32> to vector<512x256xf32>
    %div3A_160 = arith.divf %sub3A_154, %div3A_159 : vector<512x256xf32>
    %mul3A_161 = vector.broadcast %get3A_7 : vector<1x256xf32> to vector<512x256xf32>
    %mul3A_162 = arith.mulf %div3A_160, %mul3A_161 : vector<512x256xf32>
    %add3A_163 = vector.broadcast %get3A_10 : vector<1x256xf32> to vector<512x256xf32>
    %add3A_164 = arith.addf %mul3A_162, %add3A_163 : vector<512x256xf32>
    %get3A_165 = arith.constant 0 : index
    %get3A_166 = arith.constant 0 : index
    %get3A_167 = vector.load %arg18[%get3A_165, %get3A_166] : memref<512x2048xf32, #tpu.memory_space<vmem>>, vector<512x2048xf32>
    %get3A_168 = arith.constant 0 : index
    %get3A_169 = arith.constant 0 : index
    %get3A_170 = vector.load %arg17[%get3A_168, %get3A_169] : memref<256x2048xf32, #tpu.memory_space<vmem>>, vector<256x2048xf32>
    %dot_general3A_171 = arith.constant dense<0.000000e+00> : vector<512x2048xf32>
    %dot_general3A_172 = tpu.matmul %add3A_164, %get3A_170, %dot_general3A_171 {dimension_numbers = #tpu.dot_dimension_numbers<[1], [0], [0], [1], [0, 0, 1, 1], [], []>, transpose_lhs_hint = false} : vector<512x256xf32>, vector<256x2048xf32>, vector<512x2048xf32> -> vector<512x2048xf32>
    %get3A_173 = arith.constant 0 : index
    %get3A_174 = arith.constant 0 : index
    %get3A_175 = vector.load %arg19[%get3A_173, %get3A_174] : memref<1x2048xf32, #tpu.memory_space<vmem>>, vector<1x2048xf32>
    %add3A_176 = vector.broadcast %get3A_175 : vector<1x2048xf32> to vector<512x2048xf32>
    %add3A_177 = arith.addf %dot_general3A_172, %add3A_176 : vector<512x2048xf32>
    %get3A_178 = arith.constant 0 : index
    %get3A_179 = arith.constant 0 : index
    %get3A_180 = vector.load %arg20[%get3A_178, %get3A_179] : memref<1x2048xf32, #tpu.memory_space<vmem>>, vector<1x2048xf32>
    %add3A_181 = vector.broadcast %get3A_180 : vector<1x2048xf32> to vector<512x2048xf32>
    %add3A_182 = arith.addf %add3A_177, %add3A_181 : vector<512x2048xf32>
    %slice3A = vector.extract_strided_slice %get3A_167 {offsets = [256, 0], sizes = [256, 2048], strides = [1, 1]} : vector<512x2048xf32> to vector<256x2048xf32>
    %dot_general3A_183 = arith.constant dense<0.000000e+00> : vector<1x2048xf32>
    %dot_general3A_184 = tpu.matmul %div3A_92, %slice3A, %dot_general3A_183 {dimension_numbers = #tpu.dot_dimension_numbers<[1], [0], [0], [1], [0, 0, 1, 1], [], []>, transpose_lhs_hint = false} : vector<1x256xf32>, vector<256x2048xf32>, vector<1x2048xf32> -> vector<1x2048xf32>
    %slice3A_185 = vector.extract_strided_slice %get3A_167 {offsets = [0, 0], sizes = [256, 2048], strides = [1, 1]} : vector<512x2048xf32> to vector<256x2048xf32>
    %slice3A_186 = vector.extract_strided_slice %add3A_182 {offsets = [0, 0], sizes = [512, 512], strides = [1, 1]} : vector<512x2048xf32> to vector<512x512xf32>
    %logistic3A = arith.negf %slice3A_186 : vector<512x512xf32>
    %logistic3A_187 = math.exp %logistic3A : vector<512x512xf32>
    %logistic3A_188 = arith.constant 1.000000e+00 : f32
    %logistic3A_189 = vector.broadcast %logistic3A_188 : f32 to vector<512x512xf32>
    %logistic3A_190 = arith.addf %logistic3A_189, %logistic3A_187 : vector<512x512xf32>
    %logistic3A_191 = arith.divf %logistic3A_189, %logistic3A_190 : vector<512x512xf32>
    %slice3A_192 = vector.extract_strided_slice %add3A_182 {offsets = [0, 1024], sizes = [512, 512], strides = [1, 1]} : vector<512x2048xf32> to vector<512x512xf32>
    %tanh3A_193 = math.tanh %slice3A_192 : vector<512x512xf32>
    %slice3A_194 = vector.extract_strided_slice %add3A_182 {offsets = [0, 1536], sizes = [512, 512], strides = [1, 1]} : vector<512x2048xf32> to vector<512x512xf32>
    %logistic3A_195 = arith.negf %slice3A_194 : vector<512x512xf32>
    %logistic3A_196 = math.exp %logistic3A_195 : vector<512x512xf32>
    %logistic3A_197 = arith.constant 1.000000e+00 : f32
    %logistic3A_198 = vector.broadcast %logistic3A_197 : f32 to vector<512x512xf32>
    %logistic3A_199 = arith.addf %logistic3A_198, %logistic3A_196 : vector<512x512xf32>
    %logistic3A_200 = arith.divf %logistic3A_198, %logistic3A_199 : vector<512x512xf32>
    %mul3A_201 = arith.mulf %logistic3A_191, %tanh3A_193 : vector<512x512xf32>
    %tanh3A_202 = math.tanh %mul3A_201 : vector<512x512xf32>
    %mul3A_203 = arith.mulf %logistic3A_200, %tanh3A_202 : vector<512x512xf32>
    %slice3A_204 = vector.extract_strided_slice %mul3A_203 {offsets = [0, 0], sizes = [512, 256], strides = [1, 1]} : vector<512x512xf32> to vector<512x256xf32>
    %add3A_205 = arith.addf %add3A_164, %slice3A_204 : vector<512x256xf32>
    %dot_general3A_206 = arith.constant dense<0.000000e+00> : vector<512x2048xf32>
    %dot_general3A_207 = tpu.matmul %add3A_205, %slice3A_185, %dot_general3A_206 {dimension_numbers = #tpu.dot_dimension_numbers<[1], [0], [0], [1], [0, 0, 1, 1], [], []>, transpose_lhs_hint = false} : vector<512x256xf32>, vector<256x2048xf32>, vector<512x2048xf32> -> vector<512x2048xf32>
    %add3A_208 = arith.addf %add3A_182, %dot_general3A_207 : vector<512x2048xf32>
    %add3A_209 = vector.broadcast %dot_general3A_184 : vector<1x2048xf32> to vector<512x2048xf32>
    %add3A_210 = arith.addf %add3A_208, %add3A_209 : vector<512x2048xf32>
    %slice3A_211 = vector.extract_strided_slice %add3A_210 {offsets = [0, 0], sizes = [512, 512], strides = [1, 1]} : vector<512x2048xf32> to vector<512x512xf32>
    %logistic3A_212 = arith.negf %slice3A_211 : vector<512x512xf32>
    %logistic3A_213 = math.exp %logistic3A_212 : vector<512x512xf32>
    %logistic3A_214 = arith.constant 1.000000e+00 : f32
    %logistic3A_215 = vector.broadcast %logistic3A_214 : f32 to vector<512x512xf32>
    %logistic3A_216 = arith.addf %logistic3A_215, %logistic3A_213 : vector<512x512xf32>
    %logistic3A_217 = arith.divf %logistic3A_215, %logistic3A_216 : vector<512x512xf32>
    %slice3A_218 = vector.extract_strided_slice %add3A_210 {offsets = [0, 512], sizes = [512, 512], strides = [1, 1]} : vector<512x2048xf32> to vector<512x512xf32>
    %logistic3A_219 = arith.negf %slice3A_218 : vector<512x512xf32>
    %logistic3A_220 = math.exp %logistic3A_219 : vector<512x512xf32>
    %logistic3A_221 = arith.constant 1.000000e+00 : f32
    %logistic3A_222 = vector.broadcast %logistic3A_221 : f32 to vector<512x512xf32>
    %logistic3A_223 = arith.addf %logistic3A_222, %logistic3A_220 : vector<512x512xf32>
    %logistic3A_224 = arith.divf %logistic3A_222, %logistic3A_223 : vector<512x512xf32>
    %slice3A_225 = vector.extract_strided_slice %add3A_210 {offsets = [0, 1024], sizes = [512, 512], strides = [1, 1]} : vector<512x2048xf32> to vector<512x512xf32>
    %tanh3A_226 = math.tanh %slice3A_225 : vector<512x512xf32>
    %slice3A_227 = vector.extract_strided_slice %add3A_210 {offsets = [0, 1536], sizes = [512, 512], strides = [1, 1]} : vector<512x2048xf32> to vector<512x512xf32>
    %logistic3A_228 = arith.negf %slice3A_227 : vector<512x512xf32>
    %logistic3A_229 = math.exp %logistic3A_228 : vector<512x512xf32>
    %logistic3A_230 = arith.constant 1.000000e+00 : f32
    %logistic3A_231 = vector.broadcast %logistic3A_230 : f32 to vector<512x512xf32>
    %logistic3A_232 = arith.addf %logistic3A_231, %logistic3A_229 : vector<512x512xf32>
    %logistic3A_233 = arith.divf %logistic3A_231, %logistic3A_232 : vector<512x512xf32>
    %mul3A_234 = arith.mulf %logistic3A_224, %mul3A_201 : vector<512x512xf32>
    %mul3A_235 = arith.mulf %logistic3A_217, %tanh3A_226 : vector<512x512xf32>
    %add3A_236 = arith.addf %mul3A_234, %mul3A_235 : vector<512x512xf32>
    %tanh3A_237 = math.tanh %add3A_236 : vector<512x512xf32>
    %mul3A_238 = arith.mulf %logistic3A_233, %tanh3A_237 : vector<512x512xf32>
    %slice3A_239 = vector.extract_strided_slice %mul3A_238 {offsets = [0, 0], sizes = [512, 256], strides = [1, 1]} : vector<512x512xf32> to vector<512x256xf32>
    %add3A_240 = arith.addf %add3A_164, %slice3A_239 : vector<512x256xf32>
    %dot_general3A_241 = arith.constant dense<0.000000e+00> : vector<512x2048xf32>
    %dot_general3A_242 = tpu.matmul %add3A_240, %slice3A_185, %dot_general3A_241 {dimension_numbers = #tpu.dot_dimension_numbers<[1], [0], [0], [1], [0, 0, 1, 1], [], []>, transpose_lhs_hint = false} : vector<512x256xf32>, vector<256x2048xf32>, vector<512x2048xf32> -> vector<512x2048xf32>
    %add3A_243 = arith.addf %add3A_182, %dot_general3A_242 : vector<512x2048xf32>
    %add3A_244 = vector.broadcast %dot_general3A_184 : vector<1x2048xf32> to vector<512x2048xf32>
    %add3A_245 = arith.addf %add3A_243, %add3A_244 : vector<512x2048xf32>
    %slice3A_246 = vector.extract_strided_slice %add3A_245 {offsets = [0, 0], sizes = [512, 512], strides = [1, 1]} : vector<512x2048xf32> to vector<512x512xf32>
    %logistic3A_247 = arith.negf %slice3A_246 : vector<512x512xf32>
    %logistic3A_248 = math.exp %logistic3A_247 : vector<512x512xf32>
    %logistic3A_249 = arith.constant 1.000000e+00 : f32
    %logistic3A_250 = vector.broadcast %logistic3A_249 : f32 to vector<512x512xf32>
    %logistic3A_251 = arith.addf %logistic3A_250, %logistic3A_248 : vector<512x512xf32>
    %logistic3A_252 = arith.divf %logistic3A_250, %logistic3A_251 : vector<512x512xf32>
    %slice3A_253 = vector.extract_strided_slice %add3A_245 {offsets = [0, 512], sizes = [512, 512], strides = [1, 1]} : vector<512x2048xf32> to vector<512x512xf32>
    %logistic3A_254 = arith.negf %slice3A_253 : vector<512x512xf32>
    %logistic3A_255 = math.exp %logistic3A_254 : vector<512x512xf32>
    %logistic3A_256 = arith.constant 1.000000e+00 : f32
    %logistic3A_257 = vector.broadcast %logistic3A_256 : f32 to vector<512x512xf32>
    %logistic3A_258 = arith.addf %logistic3A_257, %logistic3A_255 : vector<512x512xf32>
    %logistic3A_259 = arith.divf %logistic3A_257, %logistic3A_258 : vector<512x512xf32>
    %slice3A_260 = vector.extract_strided_slice %add3A_245 {offsets = [0, 1024], sizes = [512, 512], strides = [1, 1]} : vector<512x2048xf32> to vector<512x512xf32>
    %tanh3A_261 = math.tanh %slice3A_260 : vector<512x512xf32>
    %slice3A_262 = vector.extract_strided_slice %add3A_245 {offsets = [0, 1536], sizes = [512, 512], strides = [1, 1]} : vector<512x2048xf32> to vector<512x512xf32>
    %logistic3A_263 = arith.negf %slice3A_262 : vector<512x512xf32>
    %logistic3A_264 = math.exp %logistic3A_263 : vector<512x512xf32>
    %logistic3A_265 = arith.constant 1.000000e+00 : f32
    %logistic3A_266 = vector.broadcast %logistic3A_265 : f32 to vector<512x512xf32>
    %logistic3A_267 = arith.addf %logistic3A_266, %logistic3A_264 : vector<512x512xf32>
    %logistic3A_268 = arith.divf %logistic3A_266, %logistic3A_267 : vector<512x512xf32>
    %mul3A_269 = arith.mulf %logistic3A_259, %add3A_236 : vector<512x512xf32>
    %mul3A_270 = arith.mulf %logistic3A_252, %tanh3A_261 : vector<512x512xf32>
    %add3A_271 = arith.addf %mul3A_269, %mul3A_270 : vector<512x512xf32>
    %tanh3A_272 = math.tanh %add3A_271 : vector<512x512xf32>
    %mul3A_273 = arith.mulf %logistic3A_268, %tanh3A_272 : vector<512x512xf32>
    %slice3A_274 = vector.extract_strided_slice %mul3A_273 {offsets = [0, 0], sizes = [512, 256], strides = [1, 1]} : vector<512x512xf32> to vector<512x256xf32>
    %add3A_275 = arith.addf %add3A_164, %slice3A_274 : vector<512x256xf32>
    %dot_general3A_276 = arith.constant dense<0.000000e+00> : vector<512x2048xf32>
    %dot_general3A_277 = tpu.matmul %add3A_275, %slice3A_185, %dot_general3A_276 {dimension_numbers = #tpu.dot_dimension_numbers<[1], [0], [0], [1], [0, 0, 1, 1], [], []>, transpose_lhs_hint = false} : vector<512x256xf32>, vector<256x2048xf32>, vector<512x2048xf32> -> vector<512x2048xf32>
    %add3A_278 = arith.addf %add3A_182, %dot_general3A_277 : vector<512x2048xf32>
    %add3A_279 = vector.broadcast %dot_general3A_184 : vector<1x2048xf32> to vector<512x2048xf32>
    %add3A_280 = arith.addf %add3A_278, %add3A_279 : vector<512x2048xf32>
    %slice3A_281 = vector.extract_strided_slice %add3A_280 {offsets = [0, 0], sizes = [512, 512], strides = [1, 1]} : vector<512x2048xf32> to vector<512x512xf32>
    %logistic3A_282 = arith.negf %slice3A_281 : vector<512x512xf32>
    %logistic3A_283 = math.exp %logistic3A_282 : vector<512x512xf32>
    %logistic3A_284 = arith.constant 1.000000e+00 : f32
    %logistic3A_285 = vector.broadcast %logistic3A_284 : f32 to vector<512x512xf32>
    %logistic3A_286 = arith.addf %logistic3A_285, %logistic3A_283 : vector<512x512xf32>
    %logistic3A_287 = arith.divf %logistic3A_285, %logistic3A_286 : vector<512x512xf32>
    %slice3A_288 = vector.extract_strided_slice %add3A_280 {offsets = [0, 512], sizes = [512, 512], strides = [1, 1]} : vector<512x2048xf32> to vector<512x512xf32>
    %logistic3A_289 = arith.negf %slice3A_288 : vector<512x512xf32>
    %logistic3A_290 = math.exp %logistic3A_289 : vector<512x512xf32>
    %logistic3A_291 = arith.constant 1.000000e+00 : f32
    %logistic3A_292 = vector.broadcast %logistic3A_291 : f32 to vector<512x512xf32>
    %logistic3A_293 = arith.addf %logistic3A_292, %logistic3A_290 : vector<512x512xf32>
    %logistic3A_294 = arith.divf %logistic3A_292, %logistic3A_293 : vector<512x512xf32>
    %slice3A_295 = vector.extract_strided_slice %add3A_280 {offsets = [0, 1024], sizes = [512, 512], strides = [1, 1]} : vector<512x2048xf32> to vector<512x512xf32>
    %tanh3A_296 = math.tanh %slice3A_295 : vector<512x512xf32>
    %slice3A_297 = vector.extract_strided_slice %add3A_280 {offsets = [0, 1536], sizes = [512, 512], strides = [1, 1]} : vector<512x2048xf32> to vector<512x512xf32>
    %logistic3A_298 = arith.negf %slice3A_297 : vector<512x512xf32>
    %logistic3A_299 = math.exp %logistic3A_298 : vector<512x512xf32>
    %logistic3A_300 = arith.constant 1.000000e+00 : f32
    %logistic3A_301 = vector.broadcast %logistic3A_300 : f32 to vector<512x512xf32>
    %logistic3A_302 = arith.addf %logistic3A_301, %logistic3A_299 : vector<512x512xf32>
    %logistic3A_303 = arith.divf %logistic3A_301, %logistic3A_302 : vector<512x512xf32>
    %mul3A_304 = arith.mulf %logistic3A_294, %add3A_271 : vector<512x512xf32>
    %mul3A_305 = arith.mulf %logistic3A_287, %tanh3A_296 : vector<512x512xf32>
    %add3A_306 = arith.addf %mul3A_304, %mul3A_305 : vector<512x512xf32>
    %tanh3A_307 = math.tanh %add3A_306 : vector<512x512xf32>
    %mul3A_308 = arith.mulf %logistic3A_303, %tanh3A_307 : vector<512x512xf32>
    %slice3A_309 = vector.extract_strided_slice %mul3A_308 {offsets = [0, 0], sizes = [512, 256], strides = [1, 1]} : vector<512x512xf32> to vector<512x256xf32>
    %add3A_310 = arith.addf %add3A_164, %slice3A_309 : vector<512x256xf32>
    %mul3A_311 = vector.broadcast %div3A_92 : vector<1x256xf32> to vector<512x256xf32>
    %mul3A_312 = arith.mulf %add3A_310, %mul3A_311 : vector<512x256xf32>
    %reduce_sum3A_313 = arith.constant dense<0.000000e+00> : vector<512xf32>
    %reduce_sum3A_314 = vector.multi_reduction <add>, %mul3A_312, %reduce_sum3A_313 [1] : vector<512x256xf32> to vector<512xf32>
    %broadcast_in_dim3A_315 = vector.shape_cast %reduce_sum3A_314 : vector<512xf32> to vector<512x1xf32>
    %swap3A = arith.constant 0 : index
    %swap3A_316 = arith.constant 0 : index
    %swap3A_317 = vector.load %arg21[%swap3A, %swap3A_316] : memref<512x1xf32, #tpu.memory_space<vmem>>, vector<512x1xf32>
    tpu.vector_store %arg21[%swap3A, %swap3A_316], %broadcast_in_dim3A_315 {strides = array<i32>} : memref<512x1xf32, #tpu.memory_space<vmem>>, vector<512x1xf32>,
    return
  }
  func.func @transform_0(%arg0: i32) -> (i32, i32) {
    %c0_i32 = arith.constant 0 : i32
    %c0_i32_0 = arith.constant 0 : i32
    return %arg0, %c0_i32 : i32, i32
  }
  func.func @transform_1(%arg0: i32) -> (i32, i32) {
    %add3A = arith.constant 8 : i32
    %add3A_0 = arith.addi %arg0, %add3A : i32
    %c0_i32 = arith.constant 0 : i32
    %c0_i32_1 = arith.constant 0 : i32
    return %add3A_0, %c0_i32 : i32, i32
  }
  func.func @transform_2(%arg0: i32) -> (i32, i32) {
    %c0_i32 = arith.constant 0 : i32
    %c0_i32_0 = arith.constant 0 : i32
    return %arg0, %c0_i32 : i32, i32
  }
  func.func @transform_3(%arg0: i32) -> (i32, i32) {
    %c0_i32 = arith.constant 0 : i32
    %c0_i32_0 = arith.constant 0 : i32
    return %arg0, %c0_i32 : i32, i32
  }
  func.func @transform_4(%arg0: i32) -> (i32, i32) {
    %c0_i32 = arith.constant 0 : i32
    %c0_i32_0 = arith.constant 0 : i32
    %c0_i32_1 = arith.constant 0 : i32
    return %c0_i32, %c0_i32_0 : i32, i32
  }
  func.func @transform_5(%arg0: i32) -> (i32, i32) {
    %c0_i32 = arith.constant 0 : i32
    %c0_i32_0 = arith.constant 0 : i32
    %c0_i32_1 = arith.constant 0 : i32
    return %c0_i32, %c0_i32_0 : i32, i32
  }
  func.func @transform_6(%arg0: i32) -> (i32, i32) {
    %c0_i32 = arith.constant 0 : i32
    %c0_i32_0 = arith.constant 0 : i32
    %c0_i32_1 = arith.constant 0 : i32
    return %c0_i32, %c0_i32_0 : i32, i32
  }
  func.func @transform_7(%arg0: i32) -> (i32, i32) {
    %c0_i32 = arith.constant 0 : i32
    %c0_i32_0 = arith.constant 0 : i32
    %c0_i32_1 = arith.constant 0 : i32
    return %c0_i32, %c0_i32_0 : i32, i32
  }
  func.func @transform_8(%arg0: i32) -> (i32, i32) {
    %c0_i32 = arith.constant 0 : i32
    %c0_i32_0 = arith.constant 0 : i32
    %c0_i32_1 = arith.constant 0 : i32
    return %c0_i32, %c0_i32_0 : i32, i32
  }
  func.func @transform_9(%arg0: i32) -> (i32, i32) {
    %c0_i32 = arith.constant 0 : i32
    %c0_i32_0 = arith.constant 0 : i32
    %c0_i32_1 = arith.constant 0 : i32
    return %c0_i32, %c0_i32_0 : i32, i32
  }
  func.func @transform_10(%arg0: i32) -> (i32, i32) {
    %c0_i32 = arith.constant 0 : i32
    %c0_i32_0 = arith.constant 0 : i32
    %c0_i32_1 = arith.constant 0 : i32
    return %c0_i32, %c0_i32_0 : i32, i32
  }
  func.func @transform_11(%arg0: i32) -> (i32, i32) {
    %c0_i32 = arith.constant 0 : i32
    %c0_i32_0 = arith.constant 0 : i32
    %c0_i32_1 = arith.constant 0 : i32
    return %c0_i32, %c0_i32_0 : i32, i32
  }
  func.func @transform_12(%arg0: i32) -> (i32, i32) {
    %c0_i32 = arith.constant 0 : i32
    %c0_i32_0 = arith.constant 0 : i32
    %c0_i32_1 = arith.constant 0 : i32
    return %c0_i32, %c0_i32_0 : i32, i32
  }
  func.func @transform_13(%arg0: i32) -> (i32, i32) {
    %c0_i32 = arith.constant 0 : i32
    %c0_i32_0 = arith.constant 0 : i32
    %c0_i32_1 = arith.constant 0 : i32
    return %c0_i32, %c0_i32_0 : i32, i32
  }
  func.func @transform_14(%arg0: i32) -> (i32, i32) {
    %c0_i32 = arith.constant 0 : i32
    %c0_i32_0 = arith.constant 0 : i32
    %c0_i32_1 = arith.constant 0 : i32
    return %c0_i32, %c0_i32_0 : i32, i32
  }
  func.func @transform_15(%arg0: i32) -> (i32, i32) {
    %c0_i32 = arith.constant 0 : i32
    %c0_i32_0 = arith.constant 0 : i32
    %c0_i32_1 = arith.constant 0 : i32
    return %c0_i32, %c0_i32_0 : i32, i32
  }
  func.func @transform_16(%arg0: i32) -> (i32, i32) {
    %c0_i32 = arith.constant 0 : i32
    %c0_i32_0 = arith.constant 0 : i32
    %c0_i32_1 = arith.constant 0 : i32
    return %c0_i32, %c0_i32_0 : i32, i32
  }
  func.func @transform_17(%arg0: i32) -> (i32, i32) {
    %c0_i32 = arith.constant 0 : i32
    %c0_i32_0 = arith.constant 0 : i32
    %c0_i32_1 = arith.constant 0 : i32
    return %c0_i32, %c0_i32_0 : i32, i32
  }
  func.func @transform_18(%arg0: i32) -> (i32, i32) {
    %c0_i32 = arith.constant 0 : i32
    %c0_i32_0 = arith.constant 0 : i32
    %c0_i32_1 = arith.constant 0 : i32
    return %c0_i32, %c0_i32_0 : i32, i32
  }
  func.func @transform_19(%arg0: i32) -> (i32, i32) {
    %c0_i32 = arith.constant 0 : i32
    %c0_i32_0 = arith.constant 0 : i32
    %c0_i32_1 = arith.constant 0 : i32
    return %c0_i32, %c0_i32_0 : i32, i32
  }
  func.func @transform_20(%arg0: i32) -> (i32, i32) {
    %c0_i32 = arith.constant 0 : i32
    %c0_i32_0 = arith.constant 0 : i32
    return %arg0, %c0_i32 : i32, i32
  }
}

</mosaic_0001>

<sc_bundles>
// kernel: kernel.4.cloned.1.call-start
scs
__scs_entry_jumppad:
0x0: {  	(pc) =	sbr.rel $0x88, $3  }
0x1: {  	(tag) =	ssettag $0x0;
	lr =	simm.s32 $0x1  }
0x2: {  	[smem:$0x3F8C] =	sst lr;
	_ =	strace $0xD0000000  }
0x3: {  	_ = 	snop  }
0x4: {  	_ = 	snop  }
0x5: {  	_ = 	snop  }
0x6: {  	_ = 	snop  }
0x7: {  	_ = 	snop  }
__scs_overlays_trampoline_lowered:
0x8: {  	[smem:$0x3F9B] =	sst s0  }
0x9: {  	[smem:$0x3F9C] =	sst s1  }
0xa: {  	[smem:$0x3F9D] =	sst s2  }
0xb: {  	[smem:$0x3F9E] =	sst s3  }
0xc: {  	[smem:$0x3F9F] =	sst s4  }
0xd: {  	[smem:$0x3FA0] =	sst s5  }
0xe: {  	[smem:$0x3FA1] =	sst s6  }
0xf: {  	[smem:$0x3FA2] =	sst s7  }
0x10: {  	[smem:$0x3FA3] =	sst s8  }
0x11: {  	[smem:$0x3FA4] =	sst s9;
	s0 =	simm.s32 @!p0 $0x0  }
0x12: {  	s1 =	sld [smem:$0x3F8A];
	s0 =	simm.s32 @p0 $0x1  }
0x13: {  	[smem:$0x3FA5] =	sst s0;
	s0 =	simm.s32 @!p1 $0x0  }
0x14: {  	s2 =	sld [smem:$0x3F89];
	s0 =	simm.s32 @p1 $0x1  }
0x15: {  	[smem:$0x3FA6] =	sst s0;
	s0 =	simm.s32 @!p2 $0x0  }
0x16: {  	s3 =	sld [smem:$0x3FDB];
	s0 =	simm.s32 @p2 $0x1  }
0x17: {  	s4 =	simm.s32 $0x1BF5;
	[smem:$0x3FA8] =	sst s0  }
0x18: {  	s0 =	sld [smem:$0x3F8B];
	_ =	swait.ge [sflag:s4], $0x0  }
0x19: {  	s7 =	sld [smem:$0x3F8C]  }
0x1a: {  	s8 =	sadd.s32 $0xFFFFE003, lr  }
0x1b: {  	s9 =	sadd.s32 $0xFFFFFEF7, lr;
	s5 =	simm.s32 $0xFFFFFFFF;
	p2 =	slt.u32 s8, $0xFFFFF086  }
0x1c: {  	p1 =	slt.u32 s9, $0xF7A;
	s5 =	simm.s32 @!p2 $0x0  }
0x1d: {  	s5 =	simm.s32 @p1 $0x1;
	p0 =	seq.s32 s7, s2  }
0x1e: {  	s7 =	smul.u32 @!p0 $0xF7A, s2;
	p2 =	seq.s32 @!p0 s5, $0x0  }
0x1f: {  	s9 =	smul.u32 $0xF7A, s1;
	s8 =	simm.s32 @!p0 $0x1BF5;
	p2 =	por !p2, p0  }
0x20: {  	[sflag:s8] =	ssyncset.s32 @!p0 $0xFFFFF086;
	s6 =	sadd.s32 @!p0 s3, s7;
	s7 =	simm.s32 @!p0 $0x108  }
0x21: {  	s3 =	sadd.s32 s3, s9;
	s6 =	sadd.s32 @!p0 $0x88, s6;
	s7 =	simm.s32 @p2 $0x1082  }
0x22: {  	[simem:s7], [sflag:s8] =	dma.local @!p0 [hbm:s6], $0xF7A  }
0x23: {  	s9 =	sor.u32 $0xD0000000, s2;
	s6 =	simm.s32 $0x108;
	_ =	swait.ge @!p0 [sflag:s8], $0x0  }
0x24: {  	s3 =	sadd.s32 $0x88, s3;
	s6 =	simm.s32 @!p1 $0x1082;
	[sflag:s4] =	ssyncset.s32 $0xFFFFF086  }
0x25: {  	[simem:s6], [sflag:s4] =	dma.local [hbm:s3], $0xF7A  }
0x26: {  	[smem:$0x3F8C] =	sst s1;
	(tag) =	ssettag s2;
	_ =	strace s9  }
0x27: {  	s1 =	sld [smem:$0x3F9C]  }
0x28: {  	s2 =	sld [smem:$0x3F9D]  }
0x29: {  	s4 =	sld [smem:$0x3F9F]  }
0x2a: {  	p0 =	seq.s32 s5, $0x0;
	s5 =	sld [smem:$0x3FA0]  }
0x2b: {  	s6 =	sld [smem:$0x3FA1]  }
0x2c: {  	s7 =	sld [smem:$0x3FA2]  }
0x2d: {  	s3 =	simm.s32 $0x108;
	s8 =	sld [smem:$0x3FA3]  }
0x2e: {  	s3 =	simm.s32 @!p0 $0x1082;
	s9 =	sld [smem:$0x3FA4]  }
0x2f: {  	lr =	sadd.s32 s0, s3;
	s0 =	sld [smem:$0x3F9B]  }
0x30: {  	s3 =	sld [smem:$0x3F9E]  }
0x31: {  	[smem:$0x3FA7] =	sst s10  }
0x32: {  	s10 =	sld [smem:$0x3FA5];
	_ =	sdelay $0x3  }
0x33: {  	p0 =	seq.s32 s10, $0x1;
	s10 =	sld [smem:$0x3FA7];
	_ =	sdelay $0x3  }
0x34: {  	[smem:$0x3FA7] =	sst s10  }
0x35: {  	s10 =	sld [smem:$0x3FA6];
	_ =	sdelay $0x3  }
0x36: {  	p1 =	seq.s32 s10, $0x1;
	s10 =	sld [smem:$0x3FA7];
	_ =	sdelay $0x3  }
0x37: {  	[smem:$0x3FA7] =	sst s10  }
0x38: {  	s10 =	sld [smem:$0x3FA8]  }
0x39: {  	_ = 	snop;
	(pc) =	sbr.ind lr, $3  }
0x3a: {  	_ = 	snop  }
0x3b: {  	_ = 	snop  }
0x3c: {  	p2 =	seq.s32 s10, $0x1;
	s10 =	sld [smem:$0x3FA7]  }
0x3d: {  	_ =	shalt  }
0x3e: {  	_ =	shalt  }
0x3f: {  	_ =	shalt  }
0x40: {  	_ =	shalt  }
0x41: {  	_ =	shalt  }
0x42: {  	_ =	shalt  }
0x43: {  	_ =	shalt  }
0x44: {  	_ =	shalt  }
0x45: {  	_ =	shalt  }
0x46: {  	_ =	shalt  }
0x47: {  	_ =	shalt  }
0x48: {  	_ =	shalt  }
0x49: {  	_ =	shalt  }
0x4a: {  	_ =	shalt  }
0x4b: {  	_ =	shalt  }
0x4c: {  	_ =	shalt  }
0x4d: {  	_ =	shalt  }
0x4e: {  	_ =	shalt  }
0x4f: {  	_ =	shalt  }
0x50: {  	_ =	shalt  }
0x51: {  	_ =	shalt  }
0x52: {  	_ =	shalt  }
0x53: {  	_ =	shalt  }
0x54: {  	_ =	shalt  }
0x55: {  	_ =	shalt  }
0x56: {  	_ =	shalt  }
0x57: {  	_ =	shalt  }
0x58: {  	_ =	shalt  }
0x59: {  	_ =	shalt  }
0x5a: {  	_ =	shalt  }
0x5b: {  	_ =	shalt  }
0x5c: {  	_ =	shalt  }
0x5d: {  	_ =	shalt  }
0x5e: {  	_ =	shalt  }
0x5f: {  	_ =	shalt  }
0x60: {  	_ =	shalt  }
0x61: {  	_ =	shalt  }
0x62: {  	_ =	shalt  }
0x63: {  	_ =	shalt  }
0x64: {  	_ =	shalt  }
0x65: {  	_ =	shalt  }
0x66: {  	_ =	shalt  }
0x67: {  	_ =	shalt  }
0x68: {  	_ =	shalt  }
0x69: {  	_ =	shalt  }
0x6a: {  	_ =	shalt  }
0x6b: {  	_ =	shalt  }
0x6c: {  	_ =	shalt  }
0x6d: {  	_ =	shalt  }
0x6e: {  	_ =	shalt  }
0x6f: {  	_ =	shalt  }
0x70: {  	_ =	shalt  }
0x71: {  	_ =	shalt  }
0x72: {  	_ =	shalt  }
0x73: {  	_ =	shalt  }
0x74: {  	_ =	shalt  }
0x75: {  	_ =	shalt  }
0x76: {  	_ =	shalt  }
0x77: {  	_ =	shalt  }
0x78: {  	_ =	shalt  }
0x79: {  	_ =	shalt  }
0x7a: {  	_ =	shalt  }
0x7b: {  	_ =	shalt  }
0x7c: {  	_ =	shalt  }
0x7d: {  	_ =	shalt  }
0x7e: {  	_ =	shalt  }
0x7f: {  	_ =	shalt  }
0x80: {  	_ =	shalt  }
0x81: {  	_ =	shalt  }
0x82: {  	_ =	shalt  }
0x83: {  	_ =	shalt  }
0x84: {  	_ =	shalt  }
0x85: {  	_ =	shalt  }
0x86: {  	_ =	shalt  }
0x87: {  	_ =	shalt  }
.Lfunc_end0:
.L_simem_size_0:
called_computation.1_lowered:
.L_overlay_start_0:
0x88: {  	s2 =	sld [smem:$0x3FD9]  }
0x89: {  	s3 =	sld [smem:$0x3FFE];
	_ =	sdelay $0x1  }
0x8a: {  	s1 =	srdreg.scid  }
0x8b: {  	s0 =	sand.u32 $0x1, s1  }
0x8c: {  	s16 =	sshll.u32 s0, $0xA;
	s2 =	sadd.s32 s3, s2  }
0x8d: {  	s2 =	sadd.s32 s2, s16  }
0x8e: {  	[smem:$0x3FB3] =	sst s2  }
0x8f: {  	_ = 	snop  }
0x90: {  	(tm) =	ssettm $0x1  }
0x91: {  	s17 =	sld [smem:$0x3FFB];
	_ =	sdelay $0x3  }
0x92: {  	_ =	strace s17  }
0x93: {  	s2 =	sld [smem:$0x3FFC];
	_ =	sdelay $0x3  }
0x94: {  	_ =	strace s2  }
0x95: {  	s2 =	sld [smem:$0x3FFD];
	_ =	sdelay $0x3  }
0x96: {  	_ =	strace s2  }
0x97: {  	_ =	strace $0x8FFFFFFF  }
0x98: {  	s18 =	sld [smem:$0x3FDB];
	_ =	sdelay $0x1  }
0x99: {  	s19 =	simm.s32 $_scs_section_size  }
0x9a: {  	s4 =	simm.s32 $_size__tile_overlayer_lowered;
	s5 =	simm.s32 $_tile_overlayer_lowered  }
0x9b: {  	s22 =	simm.s32 $0x1BFF;
	s21 =	sshll.u32 s5, $0x1;
	s2 =	sadd.s32 s19, s18  }
0x9c: {  	s6 =	simm.s32 $0x0;
	s20 =	sshll.u32 s4, $0x1;
	s4 =	sadd.s32 s21, s2  }
0x9d: {  	[timem:s6], [sflag:s22] =	dma.local [hbm:s4], s20  }
0x9e: {  	_ =	swait.ge [sflag:s22], s20  }
0x9f: {  	s3 =	ssub.s32 $0x0, s20;
	[sflag:s22] =	ssyncset.done $0x0  }
0xa0: {  	[sflag:s22] =	ssyncadd.s32 s3;
	_ =	sdelay $0x1  }
0xa1: {  	s23 =	simm.s32 $0x1B8B  }
0xa2: {  	_ =	swait.ge [sflag:s23], $0x1  }
0xa3: {  	[sflag:s23] =	ssyncset.done $0x0  }
0xa4: {  	s25 =	simm.s32 $0x1B8E;
	s24 =	sld [smem:$0x3FFE];
	[sflag:s23] =	ssyncadd.s32 $0xFFFFFFFF  }
0xa5: {  	s26 =	simm.s32 $execute0_lowered;
	[smem:$0x3FD2] =	sst s25  }
0xa6: {  	s4 =	sshll.u32 s26, $0x1;
	_ =	strace $0x80000049;
	[dreg:$0x1] =	wrdreg $0xFFFFFFFF  }
0xa7: {  	s28 =	simm.s32 $_size_execute0_lowered;
	s2 =	sadd.s32 s2, s4;
	[dreg:$0x0] =	wrdreg $0x0  }
0xa8: {  	s4 =	sshll.u32 s28, $0x1;
	[dreg:$0x2] =	wrdreg s2  }
0xa9: {  	[dreg:$0x3] =	wrdreg s4  }
0xaa: {  	[dreg:$0x4] =	wrdreg $0xC0  }
0xab: {  	_ =	task [dreg:s6], $0x5FFFF  }
0xac: {  	[dreg:$0x1] =	wrdreg $0xFFFFFFFF  }
0xad: {  	[dreg:$0x0] =	wrdreg $0x60  }
0xae: {  	[dreg:$0x2] =	wrdreg s24  }
0xaf: {  	[dreg:$0x3] =	wrdreg $0x9  }
0xb0: {  	_ =	task.clear_ibuf [dreg:s6], $0x4FFFF;
	_ =	strace $0x90000049  }
0xb1: {  	s29 =	simm.s32 $0x9;
	_ =	strace $0x8000004B  }
0xb2: {  	_ =	swait.ge [sflag:s29], $0x1  }
0xb3: {  	[sflag:s29] =	ssyncadd.s32 $0xFFFFFFFF  }
0xb4: {  	_ =	strace $0x9000004B  }
0xb5: {  	_ =	sfence  }
0xb6: {  	s30 =	sld [smem:$0x0];
	_ =	sdelay $0x2  }
0xb7: {  	s31 =	sshll.u32 s1, $0xD;
	s1 =	sshrl.u32 s1, $0x2  }
0xb8: {  	s3 =	sand.u32 $0x4000, s31;
	s1 =	sadd.s32 s1, s30  }
0xb9: {  	s0 =	sor.u32 s3, s0;
	s1 =	sshll.u32 s1, $0x11  }
0xba: {  	s0 =	sor.u32 s1, s0  }
0xbb: {  	s0 =	sadd.s32 $0x8F2B, s0  }
0xbc: {  	[sflag:s0] =	ssyncadd.remote.s32 $0x1  }
0xbd: {  	_ =	sfence.sel $0xFFFF  }
0xbe: {  	[dreg:$0x0] =	wrdreg $0xFFFFFFFF;
	(pc) =	sbr.abs _section_cstart, $3  }
0xbf: {  	[dreg:$0x1] =	wrdreg $0xFFFFFFFF  }
0xc0: {  	_ =	task.clear_ibuf [dreg:s6], $0x2FFFF;
	_ =	strace $0x9FFFFFFF  }
0xc1: {  	(tm) =	ssettm $0x7FFFFFFF  }
tec
execute0_lowered:
.L_overlay_start_1:
0x0: {  	(tag) =	ssettag $0x1  }
0x1: {  	s0 =	rddreg [dreg:$0x0];
	s2 =	simm.s32 $0x0  }
0x2: {  	s1 =	srdreg.scid;
	s4 =	stileid.u32;
	s8 =	simm.s32 $0x9  }
0x3: {  	s9 =	simm.s32 $0x64;
	s18 =	simm.s32 $0xCF40;
	s19 =	simm.s32 $0x208  }
0x4: {  	s20 =	simm.s32 $0xE840;
	s21 =	simm.s32 $0x270;
	s22 =	simm.s32 $0x10140  }
0x5: {  	s23 =	simm.s32 $0x2D8;
	s24 =	simm.s32 $0x11A40;
	s28 =	simm.s32 $0x3  }
0x6: {  	s29 =	simm.s32 $0x4;
	s30 =	simm.s32 $0x5;
	s31 =	simm.s32 $0x6  }
0x7: {  	s7 =	simm.s32 $0x13340;
	s10 =	simm.s32 $0x0;
	[smem:$0x7FF] =	sst s2  }
0x8: {  	s1 =	sand.u32 $0x1, s1;
	s3 =	sadd.s32 $0x315600, s0;
	s6 =	sshll.u32 s4, $0x1  }
.Ltmp0:
0x9: {  	s4 =	sadd.s32 $0x3A00, s0;
	s25 =	ssub.s32 $0x2, s1;
	(pc) =	sbr.rel .LBB2_1-.Ltmp0, $4  }
0xa: {  	_ =	strace $0x8000004A;
	s1 =	sor.u32 s1, s6;
	s5 =	sshrl.u32 s25, $0x1  }
0xb: {  	s6 =	smul.u32 $0x108, s1;
	s2 =	ssub.s32 s25, s5;
	s5 =	sadd.s32 $0xC8000, s0  }
0xc: {  	s25 =	simm.s32 $0x1;
	s0 =	simm.s32 $0x7;
	s26 =	smax.u32 s2, $0x1  }
0xd: {  	s2 =	simm.s32 $0x8;
	[dreg:$0x2] =	wrdreg s26;
	s26 =	simm.s32 $0x2  }
.LBB2_22:
0xe: {  	s10 =	rddreg [dreg:$0x3]  }
0xf: {  	s1 =	rddreg [dreg:$0x2];
	s10 =	sadd.s32 $0x1, s10  }
0x10: {  	p0 =	sne.s32 s10, s1  }
.Ltmp1:
0x11: {  	_ = 	snop;
	(pc) =	sbr.rel @!p0 .LBB2_23-.Ltmp1, $1  }
0x12: {  	_ =	sdelay $0x3  }
.LBB2_1:
.Ltmp2:
0x13: {  	(pc) =	sbr.rel .LBB2_2-.Ltmp2, $2  }
0x14: {  	_ =	sdelay $0x2  }
0x15: {  	[dreg:$0x3] =	wrdreg s10;
	s1 =	simm.s32 $0x0  }
.LBB2_21:
0x16: {  	s1 =	sadd.s32 $0x1, s1  }
0x17: {  	s10 =	sshll.u32 s10, $0x5;
	p0 =	sne.s32 s1, $0x4  }
.Ltmp3:
0x18: {  	s11 =	simm.s32 $0x0;
	s10 =	sadd.s32 s5, s10;
	(pc) =	sbr.rel @!p0 .LBB2_22-.Ltmp3, $4  }
0x19: {  	[hbm4b:s10+s11] =	stream.linear.scatter [tilespmem:s7], [sflag:$0x9], $0x4200, $0x38;
	[tilespmem:$0x17540] =	vst v63  }
0x1a: {  	_ =	swait.ge [sflag:s8], $0x4200  }
0x1b: {  	[sflag:s8] =	ssyncset.done $0x0  }
0x1c: {  	[sflag:s8] =	ssyncadd.s32 $0xFFFFBE00  }
.LBB2_2:
0x1d: {  	s10 =	smul.u32 $0x42, s1;
	_ =	sdelay $0x1  }
0x1e: {  	s10 =	sadd.s32 s6, s10  }
0x1f: {  	s11 =	smul.u32 $0x34, s10;
	_ =	sdelay $0x1  }
0x20: {  	s12 =	sadd.s32 s3, s11;
	s11 =	simm.s32 $0x0  }
0x21: {  	[tilespmem:s11], [sflag:$0x9] =	stream.linear.gather [hbm4b:s12+s11], $0x6B40, $0x38;
	[tilespmem:$0x17540] =	vst v63  }
0x22: {  	_ =	swait.ge [sflag:s8], $0x6B40  }
0x23: {  	[sflag:s8] =	ssyncset.done $0x0  }
0x24: {  	s16 =	simm.s32 $0x6B40;
	[sflag:s8] =	ssyncadd.s32 $0xFFFF94C0  }
0x25: {  	[tilespmem:s16], [sflag:$0x1] =	stream.indirect.gather [hbm4b:s4+s9], $0x40, s11, s9, $0xb8;
	[tilespmem:$0x17540] =	vst v63  }
0x26: {  	s17 =	simm.s32 $0x68;
	s13 =	simm.s32 $0x8440  }
0x27: {  	[tilespmem:s13], [sflag:$0x2] =	stream.indirect.gather [hbm4b:s4+s9], $0x40, s17, s9, $0xb8;
	[tilespmem:$0x17540] =	vst v63  }
0x28: {  	s14 =	simm.s32 $0x9D40;
	s13 =	simm.s32 $0xD0  }
0x29: {  	[tilespmem:s14], [sflag:$0x3] =	stream.indirect.gather [hbm4b:s4+s9], $0x40, s13, s9, $0xb8;
	[tilespmem:$0x17540] =	vst v63  }
0x2a: {  	s15 =	simm.s32 $0x138;
	s16 =	simm.s32 $0xB640  }
0x2b: {  	[tilespmem:s16], [sflag:$0x4] =	stream.indirect.gather [hbm4b:s4+s9], $0x40, s15, s9, $0xb8;
	[tilespmem:$0x17540] =	vst v63  }
0x2c: {  	s17 =	simm.s32 $0x1A0  }
0x2d: {  	[tilespmem:s18], [sflag:$0x5] =	stream.indirect.gather [hbm4b:s4+s9], $0x40, s17, s9, $0xb8;
	[tilespmem:$0x17540] =	vst v63  }
0x2e: {  	_ = 	snop  }
0x2f: {  	[tilespmem:s20], [sflag:$0x6] =	stream.indirect.gather [hbm4b:s4+s9], $0x40, s19, s9, $0xb8;
	[tilespmem:$0x17540] =	vst v63  }
0x30: {  	_ = 	snop  }
0x31: {  	[tilespmem:s22], [sflag:$0x7] =	stream.indirect.gather [hbm4b:s4+s9], $0x40, s21, s9, $0xb8;
	[tilespmem:$0x17540] =	vst v63  }
0x32: {  	_ = 	snop  }
0x33: {  	[tilespmem:s24], [sflag:$0x8] =	stream.indirect.gather [hbm4b:s4+s9], $0x40, s23, s9, $0xb8;
	[tilespmem:$0x17540] =	vst v63  }
.LBB2_3:
0x34: {  	_ =	swait.ge [sflag:s25], $0x1900  }
0x35: {  	[sflag:s25] =	ssyncset.done $0x0  }
0x36: {  	s13 =	simm.s32 $0x0;
	[sflag:s25] =	ssyncadd.s32 $0xFFFFE700  }
0x37: {  	v0 =	vld [tilespmem:s13+$0x6BF0]  }
0x38: {  	v6 =	vld [tilespmem:s13+$0x6C00]  }
0x39: {  	v3 =	vld [tilespmem:s13+$0x6C30]  }
0x3a: {  	v7 =	vld [tilespmem:s13+$0x6BB0]  }
0x3b: {  	v1 =	vld [tilespmem:s13+$0x6BE0]  }
0x3c: {  	v9 =	vld [tilespmem:s13+$0x6C10]  }
0x3d: {  	v11 =	vld [tilespmem:s13+$0x6B90]  }
0x3e: {  	v14 =	vld [tilespmem:s13+$0x6B70]  }
0x3f: {  	v16 =	vld [tilespmem:s13+$0x6B40]  }
0x40: {  	v5 =	vimm.f32 $0.0e+00;
	v26 =	vimm.f32 $0.0e+00;
	v18 =	vld [tilespmem:s13+$0x6BC0];
	v2 =	vshll.u32 v6, $0x10  }
0x41: {  	v31 =	vld [tilespmem:s13+$0x6B50];
	v10 =	vand.u32 $0xFFFF0000, v7;
	v4 =	vand.u32 $0xFFFF0000, v1;
	v15 =	vshll.u32 v7, $0x10  }
0x42: {  	v20 =	vshll.u32 v3, $0x10;
	v3 =	vand.u32 $0xFFFF0000, v3;
	v12 =	vshll.u32 v9, $0x10  }
0x43: {  	v21 =	vand.u32 $0xFFFF0000, v9;
	v9 =	vshll.u32 v11, $0x10;
	v13 =	vand.u32 $0xFFFF0000, v0  }
0x44: {  	v25 =	vand.u32 $0xFFFF0000, v14;
	v32 =	vand.u32 $0xFFFF0000, v11;
	v33 =	vshll.u32 v0, $0x10  }
0x45: {  	v8 =	vld [tilespmem:s13+$0x6BA0];
	v0 =	vshll.u32 v16, $0x10;
	v28 =	vshll.u32 v18, $0x10;
	v27 =	vand.u32 $0xFFFF0000, v18  }
0x46: {  	v35 =	vand.u32 $0xFFFF0000, v16;
	v36 =	vshll.u32 v31, $0x10;
	v7 =	vadd.f32 v10, v5;
	v10 =	vld [tilespmem:s13+$0x6B60]  }
0x47: {  	v18 =	vimm.f32 $0.0e+00;
	v11 =	vimm.f32 $0.0e+00;
	v16 =	vimm.f32 $0.0e+00  }
0x48: {  	v19 =	vld [tilespmem:s13+$0x6B80];
	v23 =	vadd.f32 v9, v5;
	v29 =	vadd.f32 v15, v5;
	v9 =	vshll.u32 v14, $0x10  }
0x49: {  	v24 =	vld [tilespmem:s13+$0x6C20];
	v30 =	vadd.f32 v0, v5;
	v14 =	vimm.f32 $0.0e+00;
	v15 =	vimm.f32 $0.0e+00  }
0x4a: {  	v0 =	vld [tilespmem:s13+$0x6BD0];
	v3 =	vadd.f32 v3, v7;
	v7 =	vand.u32 $0xFFFF0000, v6;
	v6 =	vand.u32 $0xFFFF0000, v8  }
0x4b: {  	v34 =	vadd.f32 v9, v5;
	v17 =	vadd.f32 v6, v5;
	v6 =	vand.u32 $0xFFFF0000, v10  }
0x4c: {  	s12 =	simm.s32 $0x400;
	v9 =	vimm.f32 $0.0e+00;
	v22 =	vadd.f32 v6, v5;
	v6 =	vimm.f32 $0.0e+00  }
.LBB2_4:
0x4d: {  	s13 =	sshra.s32 s12, $0x2;
	p0 =	sne.s32 s12, $0x6000;
	s12 =	sadd.s32 $0x400, s12;
	v31 =	vand.u32 $0xFFFF0000, v31;
	v5 =	vadd.f32 v36, v5;
	v6 =	vadd.f32 v32, v6  }
0x4e: {  	v26 =	vadd.f32 v35, v26;
	v34 =	vadd.f32 v33, v34;
	v36 =	vld [tilespmem:s13+$0x6BF0];
	v32 =	vand.u32 $0xFFFF0000, v24  }
0x4f: {  	v35 =	vshll.u32 v19, $0x10;
	v37 =	vshll.u32 v0, $0x10;
	v29 =	vadd.f32 v20, v29;
	v33 =	vld [tilespmem:s13+$0x6C00]  }
0x50: {  	v8 =	vshll.u32 v8, $0x10;
	v18 =	vadd.f32 v31, v18;
	v6 =	vadd.f32 v21, v6;
	v38 =	vld [tilespmem:s13+$0x6C30]  }
0x51: {  	v10 =	vshll.u32 v10, $0x10;
	v11 =	vadd.f32 v25, v11;
	v30 =	vadd.f32 v28, v30;
	v20 =	vld [tilespmem:s13+$0x6BE0]  }
0x52: {  	v19 =	vand.u32 $0xFFFF0000, v19;
	v23 =	vadd.f32 v12, v23;
	v5 =	vadd.f32 v37, v5;
	v21 =	vld [tilespmem:s13+$0x6BB0]  }
0x53: {  	v12 =	vadd.f32 v35, v16;
	v16 =	vand.u32 $0xFFFF0000, v0;
	v11 =	vadd.f32 v13, v11;
	v37 =	vld [tilespmem:s13+$0x6BC0]  }
0x54: {  	v26 =	vadd.f32 v27, v26;
	v18 =	vadd.f32 v16, v18;
	v0 =	vld [tilespmem:s13+$0x6BD0]  }
0x55: {  	v24 =	vshll.u32 v24, $0x10;
	v13 =	vadd.f32 v19, v14;
	v17 =	vadd.f32 v32, v17;
	v27 =	vld [tilespmem:s13+$0x6B70]  }
0x56: {  	v15 =	vadd.f32 v8, v15;
	v22 =	vadd.f32 v4, v22;
	v14 =	vshll.u32 v33, $0x10;
	v25 =	vld [tilespmem:s13+$0x6C10]  }
0x57: {  	v9 =	vadd.f32 v10, v9;
	v10 =	vshll.u32 v1, $0x10;
	v16 =	vadd.f32 v2, v12;
	v2 =	vmovc v14;
	v1 =	vmovc v20;
	v28 =	vld [tilespmem:s13+$0x6B90]  }
0x58: {  	v14 =	vadd.f32 v7, v13;
	v12 =	vand.u32 $0xFFFF0000, v21;
	v4 =	vand.u32 $0xFFFF0000, v1;
	v8 =	vld [tilespmem:s13+$0x6BA0]  }
0x59: {  	v9 =	vadd.f32 v10, v9;
	v35 =	vshll.u32 v21, $0x10;
	v3 =	vadd.f32 v12, v3;
	v19 =	vld [tilespmem:s13+$0x6B80]  }
0x5a: {  	v15 =	vadd.f32 v24, v15;
	v7 =	vand.u32 $0xFFFF0000, v38;
	v20 =	vshll.u32 v38, $0x10;
	v39 =	vld [tilespmem:s13+$0x6B40]  }
0x5b: {  	v3 =	vadd.f32 v7, v3;
	v10 =	vld [tilespmem:s13+$0x6B60];
	v12 =	vshll.u32 v25, $0x10;
	v21 =	vand.u32 $0xFFFF0000, v25  }
0x5c: {  	v13 =	vand.u32 $0xFFFF0000, v36;
	v24 =	vshll.u32 v28, $0x10  }
0x5d: {  	v7 =	vand.u32 $0xFFFF0000, v33;
	v25 =	vand.u32 $0xFFFF0000, v27;
	v32 =	vand.u32 $0xFFFF0000, v28;
	v31 =	vld [tilespmem:s13+$0x6B50]  }
.Ltmp4:
0x5e: {  	v29 =	vadd.f32 v35, v29;
	v33 =	vshll.u32 v36, $0x10;
	v23 =	vadd.f32 v24, v23;
	(pc) =	sbr.rel @p0 .LBB2_4-.Ltmp4, $4  }
0x5f: {  	v28 =	vshll.u32 v37, $0x10;
	v36 =	vand.u32 $0xFFFF0000, v8;
	v35 =	vshll.u32 v39, $0x10;
	v24 =	vld [tilespmem:s13+$0x6C20]  }
0x60: {  	v27 =	vshll.u32 v27, $0x10;
	v17 =	vadd.f32 v36, v17;
	v38 =	vand.u32 $0xFFFF0000, v10  }
0x61: {  	v34 =	vadd.f32 v27, v34;
	v27 =	vand.u32 $0xFFFF0000, v37;
	v30 =	vadd.f32 v35, v30  }
0x62: {  	v35 =	vand.u32 $0xFFFF0000, v39;
	v22 =	vadd.f32 v38, v22;
	v36 =	vshll.u32 v31, $0x10  }
0x63: {  	s13 =	sshll.u32 s11, $0x1  }
0x64: {  	p0 =	seq.s32 s11, $0x20;
	s12 =	sadd.s32 $0x2, s13  }
0x65: {  	s12 =	smul.u32 @!p0 $0x680, s12;
	_ =	sdelay $0x1  }
0x66: {  	s15 =	simm.s32 @!p0 $0x6B40;
	s14 =	sshra.s32 @!p0 s12, $0x2;
	s12 =	simm.s32 @!p0 $0x64  }
0x67: {  	[tilespmem:s15], [sflag:$0x1] =	stream.indirect.gather @!p0 [hbm4b:s4+s12], $0x40, s14, s12, $0xb8;
	[tilespmem:$0x17540] =	vst v63  }
0x68: {  	v5 =	vadd.f32 v36, v5;
	_ =	swait.ge [sflag:s26], $0x1900  }
0x69: {  	v6 =	vadd.f32 v32, v6;
	v26 =	vadd.f32 v35, v26;
	[sflag:s26] =	ssyncset.done $0x0  }
0x6a: {  	v34 =	vadd.f32 v33, v34;
	v20 =	vadd.f32 v20, v29;
	s17 =	simm.s32 $0x0;
	[sflag:s26] =	ssyncadd.s32 $0xFFFFE700  }
0x6b: {  	v31 =	vand.u32 $0xFFFF0000, v31;
	v6 =	vadd.f32 v21, v6;
	v21 =	vadd.f32 v25, v11;
	v25 =	vld [tilespmem:s17+$0x84F0]  }
0x6c: {  	v29 =	vshll.u32 v0, $0x10;
	v30 =	vadd.f32 v28, v30;
	v12 =	vadd.f32 v12, v23;
	v28 =	vld [tilespmem:s17+$0x8500]  }
0x6d: {  	v18 =	vadd.f32 v31, v18;
	v31 =	vshll.u32 v19, $0x10;
	v19 =	vand.u32 $0xFFFF0000, v19;
	v23 =	vld [tilespmem:s17+$0x8530]  }
0x6e: {  	v11 =	vadd.f32 v29, v5;
	v29 =	vand.u32 $0xFFFF0000, v0;
	v14 =	vadd.f32 v19, v14;
	v0 =	vld [tilespmem:s17+$0x84E0]  }
0x6f: {  	v5 =	vadd.f32 v13, v21;
	v21 =	vshll.u32 v8, $0x10;
	v8 =	vadd.f32 v29, v18;
	v18 =	vld [tilespmem:s17+$0x84B0]  }
0x70: {  	v10 =	vshll.u32 v10, $0x10;
	v37 =	vadd.f32 v4, v22;
	v15 =	vadd.f32 v21, v15;
	v21 =	vld [tilespmem:s17+$0x8510]  }
0x71: {  	v61 =	vand.u32 $0xFFFF0000, v24;
	v4 =	vadd.f32 v10, v9;
	v9 =	vadd.f32 v7, v14;
	v14 =	vld [tilespmem:s17+$0x8490]  }
0x72: {  	v10 =	vshll.u32 v1, $0x10;
	v16 =	vadd.f32 v31, v16;
	v19 =	vadd.f32 v61, v17;
	v62 =	vld [tilespmem:s17+$0x8470]  }
0x73: {  	v17 =	vshll.u32 v24, $0x10;
	v4 =	vadd.f32 v10, v4;
	v13 =	vadd.f32 v27, v26;
	v31 =	vld [tilespmem:s17+$0x8450]  }
0x74: {  	v1 =	vadd.f32 v2, v16;
	v10 =	vadd.f32 v17, v15  }
0x75: {  	v63 =	vld [tilespmem:s17+$0x8440];
	v2 =	vshll.u32 v28, $0x10;
	v15 =	vand.u32 $0xFFFF0000, v18;
	v7 =	vand.u32 $0xFFFF0000, v0  }
0x76: {  	v16 =	vld [tilespmem:s17+$0x84A0];
	v29 =	vshll.u32 v18, $0x10;
	v22 =	vshll.u32 v23, $0x10;
	v18 =	vand.u32 $0xFFFF0000, v23  }
0x77: {  	v27 =	vld [tilespmem:s17+$0x84C0];
	v23 =	vand.u32 $0xFFFF0000, v21;
	v26 =	vand.u32 $0xFFFF0000, v62;
	v32 =	vand.u32 $0xFFFF0000, v14  }
0x78: {  	v17 =	vld [tilespmem:s17+$0x8460];
	v33 =	vshll.u32 v25, $0x10;
	v35 =	vshll.u32 v62, $0x10;
	v36 =	vshll.u32 v31, $0x10  }
0x79: {  	v3 =	vadd.f32 v15, v3;
	v15 =	vshll.u32 v21, $0x10;
	v21 =	vshll.u32 v14, $0x10  }
0x7a: {  	v29 =	vadd.f32 v29, v20;
	v20 =	vshll.u32 v63, $0x10;
	v24 =	vadd.f32 v21, v12;
	v12 =	vld [tilespmem:s17+$0x84D0]  }
0x7b: {  	v14 =	vand.u32 $0xFFFF0000, v28;
	v21 =	vand.u32 $0xFFFF0000, v16;
	v30 =	vadd.f32 v20, v30;
	v20 =	vld [tilespmem:s17+$0x8520]  }
0x7c: {  	v28 =	vshll.u32 v27, $0x10;
	v34 =	vadd.f32 v35, v34;
	v21 =	vadd.f32 v21, v19;
	v19 =	vld [tilespmem:s17+$0x8480]  }
0x7d: {  	v3 =	vadd.f32 v18, v3;
	v18 =	vand.u32 $0xFFFF0000, v25;
	v25 =	vand.u32 $0xFFFF0000, v17  }
0x7e: {  	s12 =	simm.s32 $0x400;
	v27 =	vand.u32 $0xFFFF0000, v27;
	v35 =	vand.u32 $0xFFFF0000, v63;
	v25 =	vadd.f32 v25, v37  }
.LBB2_6:
0x7f: {  	s15 =	sshra.s32 s12, $0x2;
	p1 =	sne.s32 s12, $0x6000;
	s12 =	sadd.s32 $0x400, s12;
	v31 =	vand.u32 $0xFFFF0000, v31;
	v11 =	vadd.f32 v36, v11;
	v6 =	vadd.f32 v32, v6  }
0x80: {  	v13 =	vadd.f32 v35, v13;
	v34 =	vadd.f32 v33, v34;
	v36 =	vld [tilespmem:s15+$0x84F0];
	v32 =	vand.u32 $0xFFFF0000, v20  }
0x81: {  	v35 =	vshll.u32 v19, $0x10;
	v37 =	vshll.u32 v12, $0x10;
	v29 =	vadd.f32 v22, v29;
	v33 =	vld [tilespmem:s15+$0x8500]  }
0x82: {  	v16 =	vshll.u32 v16, $0x10;
	v8 =	vadd.f32 v31, v8;
	v6 =	vadd.f32 v23, v6;
	v38 =	vld [tilespmem:s15+$0x8530]  }
0x83: {  	v17 =	vshll.u32 v17, $0x10;
	v5 =	vadd.f32 v26, v5;
	v30 =	vadd.f32 v28, v30;
	v22 =	vld [tilespmem:s15+$0x84E0]  }
0x84: {  	v19 =	vand.u32 $0xFFFF0000, v19;
	v24 =	vadd.f32 v15, v24;
	v11 =	vadd.f32 v37, v11;
	v23 =	vld [tilespmem:s15+$0x84B0]  }
0x85: {  	v15 =	vand.u32 $0xFFFF0000, v12;
	v1 =	vadd.f32 v35, v1;
	v5 =	vadd.f32 v18, v5;
	v37 =	vld [tilespmem:s15+$0x84C0]  }
0x86: {  	v13 =	vadd.f32 v27, v13;
	v8 =	vadd.f32 v15, v8;
	v12 =	vld [tilespmem:s15+$0x84D0]  }
0x87: {  	v9 =	vadd.f32 v19, v9;
	v21 =	vadd.f32 v32, v21;
	v15 =	vshll.u32 v20, $0x10;
	v27 =	vld [tilespmem:s15+$0x8470]  }
0x88: {  	v10 =	vadd.f32 v16, v10;
	v25 =	vadd.f32 v7, v25;
	v18 =	vshll.u32 v33, $0x10;
	v20 =	vld [tilespmem:s15+$0x8510]  }
0x89: {  	v4 =	vadd.f32 v17, v4;
	v17 =	vshll.u32 v0, $0x10;
	v1 =	vadd.f32 v2, v1;
	v2 =	vmovc v18;
	v0 =	vmovc v22;
	v28 =	vld [tilespmem:s15+$0x8490]  }
0x8a: {  	v9 =	vadd.f32 v14, v9;
	v18 =	vand.u32 $0xFFFF0000, v23;
	v7 =	vand.u32 $0xFFFF0000, v0;
	v16 =	vld [tilespmem:s15+$0x84A0]  }
0x8b: {  	v4 =	vadd.f32 v17, v4;
	v35 =	vshll.u32 v23, $0x10;
	v3 =	vadd.f32 v18, v3;
	v19 =	vld [tilespmem:s15+$0x8480]  }
0x8c: {  	v10 =	vadd.f32 v15, v10;
	v14 =	vand.u32 $0xFFFF0000, v38;
	v22 =	vshll.u32 v38, $0x10;
	v39 =	vld [tilespmem:s15+$0x8440]  }
0x8d: {  	v3 =	vadd.f32 v14, v3;
	v17 =	vld [tilespmem:s15+$0x8460];
	v15 =	vshll.u32 v20, $0x10;
	v23 =	vand.u32 $0xFFFF0000, v20  }
0x8e: {  	v18 =	vand.u32 $0xFFFF0000, v36;
	v20 =	vshll.u32 v28, $0x10  }
0x8f: {  	v26 =	vand.u32 $0xFFFF0000, v27;
	v14 =	vand.u32 $0xFFFF0000, v33;
	v32 =	vand.u32 $0xFFFF0000, v28;
	v31 =	vld [tilespmem:s15+$0x8450]  }
.Ltmp5:
0x90: {  	v29 =	vadd.f32 v35, v29;
	v33 =	vshll.u32 v36, $0x10;
	v24 =	vadd.f32 v20, v24;
	(pc) =	sbr.rel @p1 .LBB2_6-.Ltmp5, $4  }
0x91: {  	v28 =	vshll.u32 v37, $0x10;
	v36 =	vand.u32 $0xFFFF0000, v16;
	v35 =	vshll.u32 v39, $0x10;
	v20 =	vld [tilespmem:s15+$0x8520]  }
0x92: {  	v27 =	vshll.u32 v27, $0x10;
	v21 =	vadd.f32 v36, v21;
	v38 =	vand.u32 $0xFFFF0000, v17  }
0x93: {  	v34 =	vadd.f32 v27, v34;
	v27 =	vand.u32 $0xFFFF0000, v37;
	v30 =	vadd.f32 v35, v30  }
0x94: {  	v35 =	vand.u32 $0xFFFF0000, v39;
	v25 =	vadd.f32 v38, v25;
	v36 =	vshll.u32 v31, $0x10  }
0x95: {  	s12 =	sadd.s32 @!p0 $0x68, s14;
	s15 =	simm.s32 @!p0 $0x64;
	s16 =	simm.s32 @!p0 $0x8440  }
0x96: {  	[tilespmem:s16], [sflag:$0x2] =	stream.indirect.gather @!p0 [hbm4b:s4+s15], $0x40, s12, s15, $0xb8;
	[tilespmem:$0x17540] =	vst v63  }
0x97: {  	v11 =	vadd.f32 v36, v11;
	_ =	swait.ge [sflag:s28], $0x1900  }
0x98: {  	v6 =	vadd.f32 v32, v6;
	v59 =	vadd.f32 v35, v13;
	[sflag:s28] =	ssyncset.done $0x0  }
0x99: {  	v34 =	vadd.f32 v33, v34;
	v22 =	vadd.f32 v22, v29;
	s17 =	simm.s32 $0x0;
	[sflag:s28] =	ssyncadd.s32 $0xFFFFE700  }
0x9a: {  	v31 =	vand.u32 $0xFFFF0000, v31;
	v5 =	vadd.f32 v26, v5;
	v30 =	vadd.f32 v28, v30;
	v61 =	vld [tilespmem:s17+$0x9DF0]  }
0x9b: {  	v13 =	vshll.u32 v12, $0x10;
	v24 =	vadd.f32 v15, v24;
	v29 =	vadd.f32 v31, v8;
	v28 =	vld [tilespmem:s17+$0x9E00]  }
0x9c: {  	v25 =	vadd.f32 v7, v25;
	v8 =	vadd.f32 v23, v6;
	v6 =	vshll.u32 v19, $0x10;
	v23 =	vld [tilespmem:s17+$0x9E30]  }
0x9d: {  	v13 =	vadd.f32 v13, v11;
	v11 =	vand.u32 $0xFFFF0000, v19;
	v19 =	vadd.f32 v6, v1;
	v1 =	vld [tilespmem:s17+$0x9DE0]  }
0x9e: {  	v60 =	vand.u32 $0xFFFF0000, v20;
	v6 =	vadd.f32 v18, v5;
	v9 =	vadd.f32 v11, v9;
	v18 =	vld [tilespmem:s17+$0x9DB0]  }
0x9f: {  	v15 =	vadd.f32 v27, v59;
	v5 =	vshll.u32 v16, $0x10;
	v16 =	vshll.u32 v20, $0x10;
	v20 =	vld [tilespmem:s17+$0x9E10]  }
0xa0: {  	v21 =	vadd.f32 v60, v21;
	v11 =	vshll.u32 v17, $0x10;
	v9 =	vadd.f32 v14, v9;
	v14 =	vld [tilespmem:s17+$0x9D90]  }
0xa1: {  	v12 =	vand.u32 $0xFFFF0000, v12;
	v10 =	vadd.f32 v5, v10;
	v4 =	vadd.f32 v11, v4;
	v62 =	vld [tilespmem:s17+$0x9D70]  }
0xa2: {  	v0 =	vshll.u32 v0, $0x10;
	v12 =	vadd.f32 v12, v29;
	v11 =	vadd.f32 v2, v19;
	v37 =	vld [tilespmem:s17+$0x9D40]  }
0xa3: {  	v5 =	vadd.f32 v0, v4;
	v10 =	vadd.f32 v16, v10;
	v16 =	vld [tilespmem:s17+$0x9DA0]  }
0xa4: {  	v17 =	vld [tilespmem:s17+$0x9D60];
	v2 =	vshll.u32 v28, $0x10;
	v0 =	vand.u32 $0xFFFF0000, v18;
	v7 =	vand.u32 $0xFFFF0000, v1  }
0xa5: {  	v29 =	vshll.u32 v18, $0x10;
	v4 =	vand.u32 $0xFFFF0000, v23;
	v18 =	vshll.u32 v20, $0x10  }
0xa6: {  	v19 =	vand.u32 $0xFFFF0000, v61;
	v26 =	vand.u32 $0xFFFF0000, v62;
	v32 =	vand.u32 $0xFFFF0000, v14  }
0xa7: {  	v31 =	vld [tilespmem:s17+$0x9D50];
	v33 =	vshll.u32 v61, $0x10;
	v63 =	vshll.u32 v37, $0x10;
	v3 =	vadd.f32 v0, v3  }
0xa8: {  	v27 =	vld [tilespmem:s17+$0x9DC0];
	v0 =	vshll.u32 v23, $0x10;
	v23 =	vand.u32 $0xFFFF0000, v20;
	v20 =	vand.u32 $0xFFFF0000, v16  }
0xa9: {  	v38 =	vand.u32 $0xFFFF0000, v17;
	v29 =	vadd.f32 v29, v22;
	v22 =	vadd.f32 v20, v21;
	v20 =	vld [tilespmem:s17+$0x9D80]  }
0xaa: {  	v36 =	vshll.u32 v62, $0x10;
	v21 =	vld [tilespmem:s17+$0x9E20];
	v4 =	vadd.f32 v4, v3;
	v3 =	vshll.u32 v14, $0x10  }
0xab: {  	v35 =	vand.u32 $0xFFFF0000, v37;
	v30 =	vadd.f32 v63, v30;
	v24 =	vadd.f32 v3, v24;
	v3 =	vld [tilespmem:s17+$0x9DD0]  }
0xac: {  	v34 =	vadd.f32 v36, v34;
	v36 =	vshll.u32 v31, $0x10;
	v25 =	vadd.f32 v38, v25  }
0xad: {  	s12 =	simm.s32 $0x400;
	v14 =	vand.u32 $0xFFFF0000, v28;
	v28 =	vshll.u32 v27, $0x10;
	v27 =	vand.u32 $0xFFFF0000, v27  }
.LBB2_8:
0xae: {  	s15 =	sshra.s32 s12, $0x2;
	p1 =	sne.s32 s12, $0x6000;
	s12 =	sadd.s32 $0x400, s12;
	v31 =	vand.u32 $0xFFFF0000, v31;
	v13 =	vadd.f32 v36, v13;
	v8 =	vadd.f32 v32, v8  }
0xaf: {  	v15 =	vadd.f32 v35, v15;
	v34 =	vadd.f32 v33, v34;
	v36 =	vld [tilespmem:s15+$0x9DF0];
	v32 =	vand.u32 $0xFFFF0000, v21  }
0xb0: {  	v35 =	vshll.u32 v20, $0x10;
	v37 =	vshll.u32 v3, $0x10;
	v29 =	vadd.f32 v0, v29;
	v33 =	vld [tilespmem:s15+$0x9E00]  }
0xb1: {  	v16 =	vshll.u32 v16, $0x10;
	v0 =	vadd.f32 v31, v12;
	v8 =	vadd.f32 v23, v8;
	v38 =	vld [tilespmem:s15+$0x9E30]  }
0xb2: {  	v17 =	vshll.u32 v17, $0x10;
	v6 =	vadd.f32 v26, v6;
	v30 =	vadd.f32 v28, v30;
	v23 =	vld [tilespmem:s15+$0x9DE0]  }
0xb3: {  	v20 =	vand.u32 $0xFFFF0000, v20;
	v24 =	vadd.f32 v18, v24;
	v13 =	vadd.f32 v37, v13;
	v26 =	vld [tilespmem:s15+$0x9DB0]  }
0xb4: {  	v11 =	vadd.f32 v35, v11;
	v12 =	vand.u32 $0xFFFF0000, v3;
	v6 =	vadd.f32 v19, v6;
	v37 =	vld [tilespmem:s15+$0x9DC0]  }
0xb5: {  	v15 =	vadd.f32 v27, v15;
	v12 =	vadd.f32 v12, v0;
	v3 =	vld [tilespmem:s15+$0x9DD0]  }
0xb6: {  	v18 =	vshll.u32 v21, $0x10;
	v22 =	vadd.f32 v32, v22;
	v0 =	vadd.f32 v20, v9;
	v27 =	vld [tilespmem:s15+$0x9D70]  }
0xb7: {  	v10 =	vadd.f32 v16, v10;
	v25 =	vadd.f32 v7, v25;
	v9 =	vshll.u32 v33, $0x10;
	v19 =	vld [tilespmem:s15+$0x9E10]  }
0xb8: {  	v5 =	vadd.f32 v17, v5;
	v17 =	vshll.u32 v1, $0x10;
	v11 =	vadd.f32 v2, v11;
	v2 =	vmovc v9;
	v1 =	vmovc v23;
	v21 =	vld [tilespmem:s15+$0x9D90]  }
0xb9: {  	v9 =	vadd.f32 v14, v0;
	v23 =	vand.u32 $0xFFFF0000, v26;
	v7 =	vand.u32 $0xFFFF0000, v1;
	v16 =	vld [tilespmem:s15+$0x9DA0]  }
0xba: {  	v5 =	vadd.f32 v17, v5;
	v28 =	vshll.u32 v26, $0x10;
	v4 =	vadd.f32 v23, v4;
	v20 =	vld [tilespmem:s15+$0x9D80]  }
0xbb: {  	v10 =	vadd.f32 v18, v10;
	v0 =	vshll.u32 v38, $0x10;
	v14 =	vand.u32 $0xFFFF0000, v38;
	v35 =	vld [tilespmem:s15+$0x9D40]  }
0xbc: {  	v4 =	vadd.f32 v14, v4;
	v17 =	vld [tilespmem:s15+$0x9D60];
	v18 =	vshll.u32 v19, $0x10;
	v23 =	vand.u32 $0xFFFF0000, v19  }
0xbd: {  	v19 =	vand.u32 $0xFFFF0000, v36;
	v38 =	vshll.u32 v21, $0x10  }
0xbe: {  	v26 =	vand.u32 $0xFFFF0000, v27;
	v14 =	vand.u32 $0xFFFF0000, v33;
	v32 =	vand.u32 $0xFFFF0000, v21;
	v31 =	vld [tilespmem:s15+$0x9D50]  }
.Ltmp6:
0xbf: {  	v29 =	vadd.f32 v28, v29;
	v33 =	vshll.u32 v36, $0x10;
	v24 =	vadd.f32 v38, v24;
	(pc) =	sbr.rel @p1 .LBB2_8-.Ltmp6, $4  }
0xc0: {  	v28 =	vshll.u32 v37, $0x10;
	v38 =	vand.u32 $0xFFFF0000, v16;
	v36 =	vshll.u32 v35, $0x10;
	v21 =	vld [tilespmem:s15+$0x9E20]  }
0xc1: {  	v27 =	vshll.u32 v27, $0x10;
	v22 =	vadd.f32 v38, v22;
	v39 =	vand.u32 $0xFFFF0000, v17  }
0xc2: {  	v34 =	vadd.f32 v27, v34;
	v27 =	vand.u32 $0xFFFF0000, v37;
	v30 =	vadd.f32 v36, v30  }
0xc3: {  	v35 =	vand.u32 $0xFFFF0000, v35;
	v25 =	vadd.f32 v39, v25;
	v36 =	vshll.u32 v31, $0x10  }
0xc4: {  	s12 =	sadd.s32 @!p0 $0xD0, s14;
	s15 =	simm.s32 @!p0 $0x64;
	s16 =	simm.s32 @!p0 $0x9D40  }
0xc5: {  	[tilespmem:s16], [sflag:$0x3] =	stream.indirect.gather @!p0 [hbm4b:s4+s15], $0x40, s12, s15, $0xb8;
	[tilespmem:$0x17540] =	vst v63  }
0xc6: {  	v13 =	vadd.f32 v36, v13;
	v8 =	vadd.f32 v32, v8;
	_ =	swait.ge [sflag:s29], $0x1900  }
0xc7: {  	v15 =	vadd.f32 v35, v15;
	v33 =	vadd.f32 v33, v34;
	[sflag:s29] =	ssyncset.done $0x0  }
0xc8: {  	v31 =	vand.u32 $0xFFFF0000, v31;
	v29 =	vadd.f32 v0, v29;
	s17 =	simm.s32 $0x0;
	v6 =	vadd.f32 v26, v6;
	[sflag:s29] =	ssyncadd.s32 $0xFFFFE700  }
0xc9: {  	v28 =	vadd.f32 v28, v30;
	v16 =	vshll.u32 v16, $0x10;
	v0 =	vadd.f32 v23, v8;
	v23 =	vld [tilespmem:s17+$0xB6F0]  }
0xca: {  	v31 =	vadd.f32 v31, v12;
	v12 =	vshll.u32 v3, $0x10;
	v8 =	vshll.u32 v20, $0x10;
	v30 =	vld [tilespmem:s17+$0xB700]  }
0xcb: {  	v12 =	vadd.f32 v12, v13;
	v13 =	vand.u32 $0xFFFF0000, v20;
	v20 =	vadd.f32 v18, v24;
	v18 =	vld [tilespmem:s17+$0xB730]  }
0xcc: {  	v16 =	vadd.f32 v16, v10;
	v8 =	vadd.f32 v8, v11;
	v11 =	vand.u32 $0xFFFF0000, v3;
	v3 =	vld [tilespmem:s17+$0xB6E0]  }
0xcd: {  	v60 =	vand.u32 $0xFFFF0000, v21;
	v37 =	vadd.f32 v7, v25;
	v6 =	vadd.f32 v19, v6;
	v19 =	vld [tilespmem:s17+$0xB6B0]  }
0xce: {  	v9 =	vadd.f32 v13, v9;
	v13 =	vshll.u32 v17, $0x10;
	v17 =	vshll.u32 v21, $0x10;
	v21 =	vld [tilespmem:s17+$0xB710]  }
0xcf: {  	v15 =	vadd.f32 v27, v15;
	v22 =	vadd.f32 v60, v22;
	v24 =	vld [tilespmem:s17+$0xB690]  }
0xd0: {  	v11 =	vadd.f32 v11, v31;
	v5 =	vadd.f32 v13, v5;
	v61 =	vld [tilespmem:s17+$0xB670]  }
0xd1: {  	v1 =	vshll.u32 v1, $0x10;
	v8 =	vadd.f32 v2, v8;
	v7 =	vadd.f32 v14, v9;
	v25 =	vld [tilespmem:s17+$0xB660]  }
0xd2: {  	v10 =	vadd.f32 v1, v5;
	v5 =	vadd.f32 v17, v16  }
0xd3: {  	v62 =	vld [tilespmem:s17+$0xB640];
	v1 =	vshll.u32 v30, $0x10;
	v2 =	vand.u32 $0xFFFF0000, v19;
	v9 =	vand.u32 $0xFFFF0000, v3  }
0xd4: {  	v13 =	vld [tilespmem:s17+$0xB6A0];
	v16 =	vshll.u32 v19, $0x10;
	v14 =	vshll.u32 v18, $0x10;
	v17 =	vshll.u32 v21, $0x10  }
0xd5: {  	v19 =	vand.u32 $0xFFFF0000, v23;
	v26 =	vand.u32 $0xFFFF0000, v61;
	v27 =	vand.u32 $0xFFFF0000, v24  }
0xd6: {  	v32 =	vld [tilespmem:s17+$0xB650];
	v38 =	vand.u32 $0xFFFF0000, v25;
	v63 =	vshll.u32 v61, $0x10;
	v2 =	vadd.f32 v2, v4  }
0xd7: {  	v31 =	vld [tilespmem:s17+$0xB6C0];
	v4 =	vand.u32 $0xFFFF0000, v18;
	v18 =	vand.u32 $0xFFFF0000, v21;
	v21 =	vshll.u32 v24, $0x10  }
0xd8: {  	v24 =	vadd.f32 v16, v29;
	v29 =	vshll.u32 v23, $0x10;
	v23 =	vshll.u32 v62, $0x10;
	v16 =	vld [tilespmem:s17+$0xB6D0]  }
0xd9: {  	v21 =	vadd.f32 v21, v20;
	v20 =	vand.u32 $0xFFFF0000, v13;
	v34 =	vadd.f32 v23, v28;
	v23 =	vld [tilespmem:s17+$0xB720]  }
0xda: {  	v35 =	vand.u32 $0xFFFF0000, v62;
	v33 =	vadd.f32 v63, v33;
	v20 =	vadd.f32 v20, v22;
	v22 =	vld [tilespmem:s17+$0xB680]  }
0xdb: {  	v36 =	vshll.u32 v32, $0x10;
	v28 =	vadd.f32 v38, v37;
	v2 =	vadd.f32 v4, v2  }
0xdc: {  	s12 =	simm.s32 $0x400;
	v4 =	vand.u32 $0xFFFF0000, v30;
	v30 =	vshll.u32 v31, $0x10;
	v31 =	vand.u32 $0xFFFF0000, v31  }
.LBB2_10:
0xdd: {  	s15 =	sshra.s32 s12, $0x2;
	p1 =	sne.s32 s12, $0x6000;
	s12 =	sadd.s32 $0x400, s12;
	v32 =	vand.u32 $0xFFFF0000, v32;
	v12 =	vadd.f32 v36, v12;
	v0 =	vadd.f32 v27, v0  }
0xde: {  	v15 =	vadd.f32 v35, v15;
	v33 =	vadd.f32 v29, v33;
	v36 =	vld [tilespmem:s15+$0xB6F0];
	v27 =	vand.u32 $0xFFFF0000, v23  }
0xdf: {  	v35 =	vshll.u32 v22, $0x10;
	v37 =	vshll.u32 v16, $0x10;
	v24 =	vadd.f32 v14, v24;
	v29 =	vld [tilespmem:s15+$0xB700]  }
0xe0: {  	v13 =	vshll.u32 v13, $0x10;
	v11 =	vadd.f32 v32, v11;
	v0 =	vadd.f32 v18, v0;
	v38 =	vld [tilespmem:s15+$0xB730]  }
0xe1: {  	v6 =	vadd.f32 v26, v6;
	v34 =	vadd.f32 v30, v34;
	v18 =	vshll.u32 v25, $0x10;
	v14 =	vld [tilespmem:s15+$0xB6E0]  }
0xe2: {  	v22 =	vand.u32 $0xFFFF0000, v22;
	v21 =	vadd.f32 v17, v21;
	v12 =	vadd.f32 v37, v12;
	v25 =	vld [tilespmem:s15+$0xB6B0]  }
0xe3: {  	v17 =	vand.u32 $0xFFFF0000, v16;
	v8 =	vadd.f32 v35, v8;
	v6 =	vadd.f32 v19, v6;
	v37 =	vld [tilespmem:s15+$0xB6C0]  }
0xe4: {  	v15 =	vadd.f32 v31, v15;
	v11 =	vadd.f32 v17, v11;
	v16 =	vld [tilespmem:s15+$0xB6D0]  }
0xe5: {  	v7 =	vadd.f32 v22, v7;
	v20 =	vadd.f32 v27, v20;
	v17 =	vshll.u32 v23, $0x10;
	v31 =	vld [tilespmem:s15+$0xB670]  }
0xe6: {  	v5 =	vadd.f32 v13, v5;
	v28 =	vadd.f32 v9, v28;
	v19 =	vshll.u32 v29, $0x10;
	v23 =	vld [tilespmem:s15+$0xB710]  }
0xe7: {  	v10 =	vadd.f32 v18, v10;
	v18 =	vshll.u32 v3, $0x10;
	v8 =	vadd.f32 v1, v8;
	v1 =	vmovc v19;
	v3 =	vmovc v14;
	v27 =	vld [tilespmem:s15+$0xB690]  }
0xe8: {  	v7 =	vadd.f32 v4, v7;
	v14 =	vand.u32 $0xFFFF0000, v25;
	v9 =	vand.u32 $0xFFFF0000, v3;
	v13 =	vld [tilespmem:s15+$0xB6A0]  }
0xe9: {  	v10 =	vadd.f32 v18, v10;
	v30 =	vshll.u32 v25, $0x10;
	v2 =	vadd.f32 v14, v2;
	v22 =	vld [tilespmem:s15+$0xB680]  }
0xea: {  	v5 =	vadd.f32 v17, v5;
	v4 =	vand.u32 $0xFFFF0000, v38;
	v14 =	vshll.u32 v38, $0x10;
	v35 =	vld [tilespmem:s15+$0xB640]  }
0xeb: {  	v2 =	vadd.f32 v4, v2;
	v25 =	vld [tilespmem:s15+$0xB660];
	v17 =	vshll.u32 v23, $0x10;
	v18 =	vand.u32 $0xFFFF0000, v23  }
0xec: {  	v19 =	vand.u32 $0xFFFF0000, v36;
	v23 =	vshll.u32 v27, $0x10  }
0xed: {  	v26 =	vand.u32 $0xFFFF0000, v31;
	v4 =	vand.u32 $0xFFFF0000, v29;
	v27 =	vand.u32 $0xFFFF0000, v27;
	v32 =	vld [tilespmem:s15+$0xB650]  }
.Ltmp7:
0xee: {  	v24 =	vadd.f32 v30, v24;
	v29 =	vshll.u32 v36, $0x10;
	v21 =	vadd.f32 v23, v21;
	(pc) =	sbr.rel @p1 .LBB2_10-.Ltmp7, $4  }
0xef: {  	v30 =	vshll.u32 v37, $0x10;
	v38 =	vand.u32 $0xFFFF0000, v13;
	v36 =	vshll.u32 v35, $0x10;
	v23 =	vld [tilespmem:s15+$0xB720]  }
0xf0: {  	v31 =	vshll.u32 v31, $0x10;
	v20 =	vadd.f32 v38, v20;
	v39 =	vand.u32 $0xFFFF0000, v25  }
0xf1: {  	v33 =	vadd.f32 v31, v33;
	v31 =	vand.u32 $0xFFFF0000, v37;
	v34 =	vadd.f32 v36, v34  }
0xf2: {  	v35 =	vand.u32 $0xFFFF0000, v35;
	v28 =	vadd.f32 v39, v28;
	v36 =	vshll.u32 v32, $0x10  }
0xf3: {  	v30 =	vadd.f32 v30, v34;
	s12 =	sshll.u32 s11, $0x9  }
0xf4: {  	v15 =	vadd.f32 v35, v15;
	s12 =	sand.u32 $0x3FFFFE00, s12  }
0xf5: {  	v32 =	vand.u32 $0xFFFF0000, v32;
	v12 =	vadd.f32 v36, v12;
	v9 =	vadd.f32 v9, v28;
	[tilespmem:s12+$0x13340] =	vst v30  }
0xf6: {  	v63 =	vshll.u32 v16, $0x10;
	v0 =	vadd.f32 v27, v0;
	v15 =	vadd.f32 v31, v15;
	[tilespmem:s12+$0x13430] =	vst v2  }
0xf7: {  	v25 =	vshll.u32 v25, $0x10;
	v11 =	vadd.f32 v32, v11;
	v12 =	vadd.f32 v63, v12;
	[tilespmem:s12+$0x13390] =	vst v9  }
0xf8: {  	v16 =	vand.u32 $0xFFFF0000, v16;
	v10 =	vadd.f32 v25, v10;
	v0 =	vadd.f32 v18, v0;
	[tilespmem:s12+$0x13350] =	vst v15  }
0xf9: {  	v3 =	vshll.u32 v3, $0x10;
	v11 =	vadd.f32 v16, v11;
	[tilespmem:s12+$0x13360] =	vst v12  }
0xfa: {  	v3 =	vadd.f32 v3, v10;
	[tilespmem:s12+$0x133F0] =	vst v0  }
0xfb: {  	v6 =	vadd.f32 v26, v6;
	v10 =	vshll.u32 v22, $0x10;
	v0 =	vadd.f32 v14, v24;
	[tilespmem:s12+$0x13370] =	vst v11  }
0xfc: {  	v12 =	vand.u32 $0xFFFF0000, v22;
	v8 =	vadd.f32 v10, v8;
	v11 =	vadd.f32 v29, v33;
	[tilespmem:s12+$0x13380] =	vst v3  }
0xfd: {  	v3 =	vadd.f32 v19, v6;
	v6 =	vadd.f32 v12, v7;
	[tilespmem:s12+$0x13420] =	vst v0  }
0xfe: {  	v7 =	vshll.u32 v13, $0x10;
	v1 =	vadd.f32 v1, v8;
	[tilespmem:s12+$0x133A0] =	vst v11  }
0xff: {  	v5 =	vadd.f32 v7, v5;
	v4 =	vadd.f32 v4, v6;
	[tilespmem:s12+$0x133B0] =	vst v3  }
0x100: {  	v3 =	vadd.f32 v17, v21;
	[tilespmem:s12+$0x133C0] =	vst v1;
	v1 =	vshll.u32 v23, $0x10  }
0x101: {  	[tilespmem:s12+$0x133D0] =	vst v4;
	v4 =	vand.u32 $0xFFFF0000, v23;
	v1 =	vadd.f32 v1, v5  }
0x102: {  	[tilespmem:s12+$0x133E0] =	vst v3;
	v3 =	vadd.f32 v4, v20  }
0x103: {  	[tilespmem:s12+$0x13400] =	vst v1  }
0x104: {  	s14 =	sadd.s32 @!p0 $0x138, s14;
	s15 =	simm.s32 @!p0 $0x64;
	s16 =	simm.s32 @!p0 $0xB640;
	[tilespmem:s12+$0x13410] =	vst v3  }
0x105: {  	[tilespmem:s16], [sflag:$0x4] =	stream.indirect.gather @!p0 [hbm4b:s4+s15], $0x40, s14, s15, $0xb8;
	[tilespmem:$0x17540] =	vst v63  }
0x106: {  	_ =	swait.ge [sflag:s30], $0x1900  }
0x107: {  	[sflag:s30] =	ssyncset.done $0x0  }
0x108: {  	s17 =	simm.s32 $0x0;
	[sflag:s30] =	ssyncadd.s32 $0xFFFFE700  }
0x109: {  	v0 =	vld [tilespmem:s17+$0xCFF0]  }
0x10a: {  	v6 =	vld [tilespmem:s17+$0xD000]  }
0x10b: {  	v3 =	vld [tilespmem:s17+$0xD030]  }
0x10c: {  	v7 =	vld [tilespmem:s17+$0xCFB0]  }
0x10d: {  	v1 =	vld [tilespmem:s17+$0xCFE0]  }
0x10e: {  	v9 =	vld [tilespmem:s17+$0xD010]  }
0x10f: {  	v11 =	vld [tilespmem:s17+$0xCF90]  }
0x110: {  	v13 =	vld [tilespmem:s17+$0xCF70]  }
0x111: {  	v16 =	vld [tilespmem:s17+$0xCF40]  }
0x112: {  	v26 =	vimm.f32 $0.0e+00;
	v5 =	vimm.f32 $0.0e+00;
	v18 =	vld [tilespmem:s17+$0xCFC0];
	v2 =	vshll.u32 v6, $0x10  }
0x113: {  	v31 =	vld [tilespmem:s17+$0xCF50];
	v10 =	vand.u32 $0xFFFF0000, v7;
	v4 =	vand.u32 $0xFFFF0000, v1;
	v15 =	vshll.u32 v7, $0x10  }
0x114: {  	v20 =	vshll.u32 v3, $0x10;
	v3 =	vand.u32 $0xFFFF0000, v3;
	v12 =	vshll.u32 v9, $0x10  }
0x115: {  	v21 =	vand.u32 $0xFFFF0000, v9;
	v9 =	vshll.u32 v11, $0x10;
	v14 =	vand.u32 $0xFFFF0000, v0  }
0x116: {  	v25 =	vand.u32 $0xFFFF0000, v13;
	v32 =	vand.u32 $0xFFFF0000, v11;
	v33 =	vshll.u32 v0, $0x10  }
0x117: {  	v8 =	vld [tilespmem:s17+$0xCFA0];
	v0 =	vshll.u32 v16, $0x10;
	v28 =	vshll.u32 v18, $0x10;
	v27 =	vand.u32 $0xFFFF0000, v18  }
0x118: {  	v35 =	vand.u32 $0xFFFF0000, v16;
	v36 =	vshll.u32 v31, $0x10;
	v7 =	vadd.f32 v10, v5;
	v10 =	vld [tilespmem:s17+$0xCF60]  }
0x119: {  	v18 =	vimm.f32 $0.0e+00;
	v11 =	vimm.f32 $0.0e+00;
	v16 =	vimm.f32 $0.0e+00  }
0x11a: {  	v19 =	vld [tilespmem:s17+$0xCF80];
	v23 =	vadd.f32 v9, v5;
	v29 =	vadd.f32 v15, v5;
	v9 =	vshll.u32 v13, $0x10  }
0x11b: {  	v24 =	vld [tilespmem:s17+$0xD020];
	v30 =	vadd.f32 v0, v5;
	v13 =	vimm.f32 $0.0e+00;
	v15 =	vimm.f32 $0.0e+00  }
0x11c: {  	v0 =	vld [tilespmem:s17+$0xCFD0];
	v3 =	vadd.f32 v3, v7;
	v7 =	vand.u32 $0xFFFF0000, v6;
	v6 =	vand.u32 $0xFFFF0000, v8  }
0x11d: {  	v34 =	vadd.f32 v9, v5;
	v17 =	vadd.f32 v6, v5;
	v6 =	vand.u32 $0xFFFF0000, v10  }
0x11e: {  	s14 =	simm.s32 $0x400;
	v9 =	vimm.f32 $0.0e+00;
	v22 =	vadd.f32 v6, v5;
	v6 =	vimm.f32 $0.0e+00  }
.LBB2_12:
0x11f: {  	s15 =	sshra.s32 s14, $0x2;
	p1 =	sne.s32 s14, $0x6000;
	s14 =	sadd.s32 $0x400, s14;
	v31 =	vand.u32 $0xFFFF0000, v31;
	v5 =	vadd.f32 v36, v5;
	v6 =	vadd.f32 v32, v6  }
0x120: {  	v26 =	vadd.f32 v35, v26;
	v34 =	vadd.f32 v33, v34;
	v36 =	vld [tilespmem:s15+$0xCFF0];
	v32 =	vand.u32 $0xFFFF0000, v24  }
0x121: {  	v35 =	vshll.u32 v19, $0x10;
	v37 =	vshll.u32 v0, $0x10;
	v29 =	vadd.f32 v20, v29;
	v33 =	vld [tilespmem:s15+$0xD000]  }
0x122: {  	v8 =	vshll.u32 v8, $0x10;
	v18 =	vadd.f32 v31, v18;
	v6 =	vadd.f32 v21, v6;
	v38 =	vld [tilespmem:s15+$0xD030]  }
0x123: {  	v10 =	vshll.u32 v10, $0x10;
	v11 =	vadd.f32 v25, v11;
	v30 =	vadd.f32 v28, v30;
	v20 =	vld [tilespmem:s15+$0xCFE0]  }
0x124: {  	v19 =	vand.u32 $0xFFFF0000, v19;
	v23 =	vadd.f32 v12, v23;
	v5 =	vadd.f32 v37, v5;
	v21 =	vld [tilespmem:s15+$0xCFB0]  }
0x125: {  	v12 =	vadd.f32 v35, v16;
	v16 =	vand.u32 $0xFFFF0000, v0;
	v11 =	vadd.f32 v14, v11;
	v37 =	vld [tilespmem:s15+$0xCFC0]  }
0x126: {  	v26 =	vadd.f32 v27, v26;
	v18 =	vadd.f32 v16, v18;
	v0 =	vld [tilespmem:s15+$0xCFD0]  }
0x127: {  	v13 =	vadd.f32 v19, v13;
	v14 =	vshll.u32 v24, $0x10;
	v17 =	vadd.f32 v32, v17;
	v27 =	vld [tilespmem:s15+$0xCF70]  }
0x128: {  	v15 =	vadd.f32 v8, v15;
	v22 =	vadd.f32 v4, v22;
	v19 =	vshll.u32 v33, $0x10;
	v24 =	vld [tilespmem:s15+$0xD010]  }
0x129: {  	v9 =	vadd.f32 v10, v9;
	v10 =	vshll.u32 v1, $0x10;
	v16 =	vadd.f32 v2, v12;
	v2 =	vmovc v19;
	v1 =	vmovc v20;
	v28 =	vld [tilespmem:s15+$0xCF90]  }
0x12a: {  	v13 =	vadd.f32 v7, v13;
	v12 =	vand.u32 $0xFFFF0000, v21;
	v4 =	vand.u32 $0xFFFF0000, v1;
	v8 =	vld [tilespmem:s15+$0xCFA0]  }
0x12b: {  	v9 =	vadd.f32 v10, v9;
	v35 =	vshll.u32 v21, $0x10;
	v3 =	vadd.f32 v12, v3;
	v19 =	vld [tilespmem:s15+$0xCF80]  }
0x12c: {  	v15 =	vadd.f32 v14, v15;
	v7 =	vand.u32 $0xFFFF0000, v38;
	v20 =	vshll.u32 v38, $0x10;
	v39 =	vld [tilespmem:s15+$0xCF40]  }
0x12d: {  	v3 =	vadd.f32 v7, v3;
	v10 =	vld [tilespmem:s15+$0xCF60];
	v12 =	vshll.u32 v24, $0x10;
	v21 =	vand.u32 $0xFFFF0000, v24  }
0x12e: {  	v14 =	vand.u32 $0xFFFF0000, v36;
	v24 =	vshll.u32 v28, $0x10  }
0x12f: {  	v25 =	vand.u32 $0xFFFF0000, v27;
	v7 =	vand.u32 $0xFFFF0000, v33;
	v32 =	vand.u32 $0xFFFF0000, v28;
	v31 =	vld [tilespmem:s15+$0xCF50]  }
.Ltmp8:
0x130: {  	v29 =	vadd.f32 v35, v29;
	v33 =	vshll.u32 v36, $0x10;
	v23 =	vadd.f32 v24, v23;
	(pc) =	sbr.rel @p1 .LBB2_12-.Ltmp8, $4  }
0x131: {  	v28 =	vshll.u32 v37, $0x10;
	v36 =	vand.u32 $0xFFFF0000, v8;
	v35 =	vshll.u32 v39, $0x10;
	v24 =	vld [tilespmem:s15+$0xD020]  }
0x132: {  	v27 =	vshll.u32 v27, $0x10;
	v17 =	vadd.f32 v36, v17;
	v38 =	vand.u32 $0xFFFF0000, v10  }
0x133: {  	v34 =	vadd.f32 v27, v34;
	v27 =	vand.u32 $0xFFFF0000, v37;
	v30 =	vadd.f32 v35, v30  }
0x134: {  	v35 =	vand.u32 $0xFFFF0000, v39;
	v22 =	vadd.f32 v38, v22;
	v36 =	vshll.u32 v31, $0x10  }
0x135: {  	s13 =	sadd.s32 $0x3, s13  }
0x136: {  	s14 =	smul.u32 @!p0 $0x680, s13;
	_ =	sdelay $0x1  }
0x137: {  	s15 =	simm.s32 @!p0 $0x64;
	s16 =	simm.s32 @!p0 $0xCF40;
	s14 =	sshra.s32 @!p0 s14, $0x2  }
0x138: {  	[tilespmem:s16], [sflag:$0x5] =	stream.indirect.gather @!p0 [hbm4b:s4+s15], $0x40, s14, s15, $0xb8;
	[tilespmem:$0x17540] =	vst v63  }
0x139: {  	v5 =	vadd.f32 v36, v5;
	v6 =	vadd.f32 v32, v6;
	_ =	swait.ge [sflag:s31], $0x1900  }
0x13a: {  	v31 =	vand.u32 $0xFFFF0000, v31;
	v26 =	vadd.f32 v35, v26;
	v34 =	vadd.f32 v33, v34;
	[sflag:s31] =	ssyncset.done $0x0  }
0x13b: {  	v20 =	vadd.f32 v20, v29;
	s17 =	simm.s32 $0x0;
	v29 =	vshll.u32 v0, $0x10;
	v30 =	vadd.f32 v28, v30;
	[sflag:s31] =	ssyncadd.s32 $0xFFFFE700  }
0x13c: {  	v10 =	vshll.u32 v10, $0x10;
	v6 =	vadd.f32 v21, v6;
	v21 =	vadd.f32 v25, v11;
	v25 =	vld [tilespmem:s17+$0xE8F0]  }
0x13d: {  	v18 =	vadd.f32 v31, v18;
	v31 =	vshll.u32 v19, $0x10;
	v37 =	vadd.f32 v4, v22;
	v28 =	vld [tilespmem:s17+$0xE900]  }
0x13e: {  	v19 =	vand.u32 $0xFFFF0000, v19;
	v11 =	vadd.f32 v29, v5;
	v29 =	vadd.f32 v12, v23;
	v23 =	vld [tilespmem:s17+$0xE930]  }
0x13f: {  	v4 =	vadd.f32 v10, v9;
	v16 =	vadd.f32 v31, v16;
	v31 =	vand.u32 $0xFFFF0000, v0;
	v0 =	vld [tilespmem:s17+$0xE8E0]  }
0x140: {  	v5 =	vadd.f32 v14, v21;
	v14 =	vshll.u32 v8, $0x10;
	v8 =	vadd.f32 v31, v18;
	v18 =	vld [tilespmem:s17+$0xE8B0]  }
0x141: {  	v60 =	vand.u32 $0xFFFF0000, v24;
	v12 =	vadd.f32 v27, v26;
	v13 =	vadd.f32 v19, v13;
	v21 =	vld [tilespmem:s17+$0xE910]  }
0x142: {  	v10 =	vshll.u32 v1, $0x10;
	v19 =	vadd.f32 v60, v17;
	v14 =	vadd.f32 v14, v15;
	v61 =	vld [tilespmem:s17+$0xE870]  }
0x143: {  	v4 =	vadd.f32 v10, v4;
	v1 =	vadd.f32 v2, v16;
	v15 =	vshll.u32 v24, $0x10;
	v16 =	vld [tilespmem:s17+$0xE8A0]  }
0x144: {  	v9 =	vadd.f32 v7, v13;
	v10 =	vadd.f32 v15, v14;
	v13 =	vld [tilespmem:s17+$0xE890]  }
0x145: {  	v63 =	vld [tilespmem:s17+$0xE840];
	v2 =	vshll.u32 v28, $0x10;
	v14 =	vand.u32 $0xFFFF0000, v18;
	v7 =	vand.u32 $0xFFFF0000, v0  }
0x146: {  	v17 =	vld [tilespmem:s17+$0xE860];
	v62 =	vshll.u32 v18, $0x10;
	v22 =	vshll.u32 v23, $0x10;
	v15 =	vshll.u32 v21, $0x10  }
0x147: {  	v31 =	vld [tilespmem:s17+$0xE850];
	v18 =	vand.u32 $0xFFFF0000, v25;
	v26 =	vand.u32 $0xFFFF0000, v61;
	v3 =	vadd.f32 v14, v3  }
0x148: {  	v14 =	vand.u32 $0xFFFF0000, v23;
	v23 =	vand.u32 $0xFFFF0000, v21;
	v21 =	vand.u32 $0xFFFF0000, v16  }
0x149: {  	v27 =	vld [tilespmem:s17+$0xE8C0];
	v21 =	vadd.f32 v21, v19;
	v3 =	vadd.f32 v14, v3;
	v14 =	vshll.u32 v13, $0x10  }
0x14a: {  	v19 =	vld [tilespmem:s17+$0xE880];
	v24 =	vadd.f32 v14, v29;
	v29 =	vadd.f32 v62, v20;
	v20 =	vshll.u32 v63, $0x10  }
0x14b: {  	v32 =	vand.u32 $0xFFFF0000, v13;
	v33 =	vshll.u32 v25, $0x10;
	v30 =	vadd.f32 v20, v30;
	v20 =	vld [tilespmem:s17+$0xE920]  }
0x14c: {  	v25 =	vand.u32 $0xFFFF0000, v17;
	v35 =	vshll.u32 v61, $0x10;
	v36 =	vshll.u32 v31, $0x10;
	v14 =	vld [tilespmem:s17+$0xE8D0]  }
0x14d: {  	v34 =	vadd.f32 v35, v34;
	v35 =	vand.u32 $0xFFFF0000, v63;
	v25 =	vadd.f32 v25, v37  }
0x14e: {  	s15 =	simm.s32 $0x400;
	v13 =	vand.u32 $0xFFFF0000, v28;
	v28 =	vshll.u32 v27, $0x10;
	v27 =	vand.u32 $0xFFFF0000, v27  }
.LBB2_14:
0x14f: {  	s16 =	sshra.s32 s15, $0x2;
	p1 =	sne.s32 s15, $0x6000;
	s15 =	sadd.s32 $0x400, s15;
	v31 =	vand.u32 $0xFFFF0000, v31;
	v11 =	vadd.f32 v36, v11;
	v6 =	vadd.f32 v32, v6  }
0x150: {  	v12 =	vadd.f32 v35, v12;
	v34 =	vadd.f32 v33, v34;
	v36 =	vld [tilespmem:s16+$0xE8F0];
	v32 =	vand.u32 $0xFFFF0000, v20  }
0x151: {  	v35 =	vshll.u32 v19, $0x10;
	v37 =	vshll.u32 v14, $0x10;
	v29 =	vadd.f32 v22, v29;
	v33 =	vld [tilespmem:s16+$0xE900]  }
0x152: {  	v16 =	vshll.u32 v16, $0x10;
	v8 =	vadd.f32 v31, v8;
	v6 =	vadd.f32 v23, v6;
	v38 =	vld [tilespmem:s16+$0xE930]  }
0x153: {  	v17 =	vshll.u32 v17, $0x10;
	v5 =	vadd.f32 v26, v5;
	v30 =	vadd.f32 v28, v30;
	v22 =	vld [tilespmem:s16+$0xE8E0]  }
0x154: {  	v19 =	vand.u32 $0xFFFF0000, v19;
	v24 =	vadd.f32 v15, v24;
	v11 =	vadd.f32 v37, v11;
	v23 =	vld [tilespmem:s16+$0xE8B0]  }
0x155: {  	v15 =	vand.u32 $0xFFFF0000, v14;
	v1 =	vadd.f32 v35, v1;
	v5 =	vadd.f32 v18, v5;
	v37 =	vld [tilespmem:s16+$0xE8C0]  }
0x156: {  	v12 =	vadd.f32 v27, v12;
	v8 =	vadd.f32 v15, v8;
	v14 =	vld [tilespmem:s16+$0xE8D0]  }
0x157: {  	v9 =	vadd.f32 v19, v9;
	v21 =	vadd.f32 v32, v21;
	v15 =	vshll.u32 v20, $0x10;
	v27 =	vld [tilespmem:s16+$0xE870]  }
0x158: {  	v10 =	vadd.f32 v16, v10;
	v25 =	vadd.f32 v7, v25;
	v18 =	vshll.u32 v33, $0x10;
	v20 =	vld [tilespmem:s16+$0xE910]  }
0x159: {  	v4 =	vadd.f32 v17, v4;
	v17 =	vshll.u32 v0, $0x10;
	v1 =	vadd.f32 v2, v1;
	v2 =	vmovc v18;
	v0 =	vmovc v22;
	v28 =	vld [tilespmem:s16+$0xE890]  }
0x15a: {  	v9 =	vadd.f32 v13, v9;
	v18 =	vand.u32 $0xFFFF0000, v23;
	v7 =	vand.u32 $0xFFFF0000, v0;
	v16 =	vld [tilespmem:s16+$0xE8A0]  }
0x15b: {  	v4 =	vadd.f32 v17, v4;
	v35 =	vshll.u32 v23, $0x10;
	v3 =	vadd.f32 v18, v3;
	v19 =	vld [tilespmem:s16+$0xE880]  }
0x15c: {  	v10 =	vadd.f32 v15, v10;
	v13 =	vand.u32 $0xFFFF0000, v38;
	v22 =	vshll.u32 v38, $0x10;
	v39 =	vld [tilespmem:s16+$0xE840]  }
0x15d: {  	v3 =	vadd.f32 v13, v3;
	v17 =	vld [tilespmem:s16+$0xE860];
	v15 =	vshll.u32 v20, $0x10;
	v23 =	vand.u32 $0xFFFF0000, v20  }
0x15e: {  	v18 =	vand.u32 $0xFFFF0000, v36;
	v20 =	vshll.u32 v28, $0x10  }
0x15f: {  	v26 =	vand.u32 $0xFFFF0000, v27;
	v13 =	vand.u32 $0xFFFF0000, v33;
	v32 =	vand.u32 $0xFFFF0000, v28;
	v31 =	vld [tilespmem:s16+$0xE850]  }
.Ltmp9:
0x160: {  	v29 =	vadd.f32 v35, v29;
	v33 =	vshll.u32 v36, $0x10;
	v24 =	vadd.f32 v20, v24;
	(pc) =	sbr.rel @p1 .LBB2_14-.Ltmp9, $4  }
0x161: {  	v28 =	vshll.u32 v37, $0x10;
	v36 =	vand.u32 $0xFFFF0000, v16;
	v35 =	vshll.u32 v39, $0x10;
	v20 =	vld [tilespmem:s16+$0xE920]  }
0x162: {  	v27 =	vshll.u32 v27, $0x10;
	v21 =	vadd.f32 v36, v21;
	v38 =	vand.u32 $0xFFFF0000, v17  }
0x163: {  	v34 =	vadd.f32 v27, v34;
	v27 =	vand.u32 $0xFFFF0000, v37;
	v30 =	vadd.f32 v35, v30  }
0x164: {  	v35 =	vand.u32 $0xFFFF0000, v39;
	v25 =	vadd.f32 v38, v25;
	v36 =	vshll.u32 v31, $0x10  }
0x165: {  	s15 =	sadd.s32 @!p0 $0x68, s14;
	s16 =	simm.s32 @!p0 $0x64;
	s17 =	simm.s32 @!p0 $0xE840  }
0x166: {  	v11 =	vadd.f32 v36, v11;
	[tilespmem:s17], [sflag:$0x6] =	stream.indirect.gather @!p0 [hbm4b:s4+s16], $0x40, s15, s16, $0xb8;
	[tilespmem:$0x17540] =	vst v63  }
0x167: {  	v6 =	vadd.f32 v32, v6;
	v59 =	vadd.f32 v35, v12;
	_ =	swait.ge [sflag:s0], $0x1900  }
0x168: {  	v34 =	vadd.f32 v33, v34;
	v22 =	vadd.f32 v22, v29;
	[sflag:s0] =	ssyncset.done $0x0  }
0x169: {  	v31 =	vand.u32 $0xFFFF0000, v31;
	v5 =	vadd.f32 v26, v5;
	v30 =	vadd.f32 v28, v30;
	s17 =	simm.s32 $0x0;
	[sflag:s0] =	ssyncadd.s32 $0xFFFFE700  }
0x16a: {  	v12 =	vshll.u32 v14, $0x10;
	v24 =	vadd.f32 v15, v24;
	v29 =	vadd.f32 v31, v8;
	v61 =	vld [tilespmem:s17+$0x101F0]  }
0x16b: {  	v25 =	vadd.f32 v7, v25;
	v8 =	vadd.f32 v23, v6;
	v6 =	vshll.u32 v19, $0x10;
	v28 =	vld [tilespmem:s17+$0x10200]  }
0x16c: {  	v60 =	vand.u32 $0xFFFF0000, v20;
	v12 =	vadd.f32 v12, v11;
	v23 =	vadd.f32 v6, v1;
	v1 =	vld [tilespmem:s17+$0x101E0]  }
0x16d: {  	v19 =	vand.u32 $0xFFFF0000, v19;
	v11 =	vand.u32 $0xFFFF0000, v14;
	v15 =	vadd.f32 v27, v59;
	v14 =	vld [tilespmem:s17+$0x101B0]  }
0x16e: {  	v6 =	vadd.f32 v18, v5;
	v5 =	vshll.u32 v16, $0x10;
	v9 =	vadd.f32 v19, v9;
	v27 =	vld [tilespmem:s17+$0x101C0]  }
0x16f: {  	v21 =	vadd.f32 v60, v21;
	v16 =	vshll.u32 v17, $0x10;
	v10 =	vadd.f32 v5, v10;
	v19 =	vld [tilespmem:s17+$0x10210]  }
0x170: {  	v0 =	vshll.u32 v0, $0x10;
	v5 =	vadd.f32 v16, v4;
	v9 =	vadd.f32 v13, v9;
	v13 =	vld [tilespmem:s17+$0x10190]  }
0x171: {  	v11 =	vadd.f32 v11, v29;
	v17 =	vshll.u32 v20, $0x10;
	v4 =	vadd.f32 v2, v23;
	v62 =	vld [tilespmem:s17+$0x10140]  }
0x172: {  	v20 =	vld [tilespmem:s17+$0x10170];
	v5 =	vadd.f32 v0, v5;
	v10 =	vadd.f32 v17, v10  }
0x173: {  	v16 =	vld [tilespmem:s17+$0x101A0];
	v2 =	vshll.u32 v28, $0x10;
	v0 =	vand.u32 $0xFFFF0000, v14;
	v7 =	vand.u32 $0xFFFF0000, v1  }
0x174: {  	v26 =	vld [tilespmem:s17+$0x10230];
	v14 =	vshll.u32 v14, $0x10;
	v18 =	vshll.u32 v19, $0x10;
	v23 =	vand.u32 $0xFFFF0000, v19  }
0x175: {  	v29 =	vshll.u32 v13, $0x10;
	v19 =	vand.u32 $0xFFFF0000, v61;
	v32 =	vand.u32 $0xFFFF0000, v13  }
0x176: {  	v17 =	vld [tilespmem:s17+$0x10160];
	v13 =	vand.u32 $0xFFFF0000, v28;
	v33 =	vshll.u32 v61, $0x10;
	v63 =	vshll.u32 v62, $0x10  }
0x177: {  	v31 =	vld [tilespmem:s17+$0x10150];
	v28 =	vshll.u32 v27, $0x10;
	v38 =	vshll.u32 v20, $0x10;
	v3 =	vadd.f32 v0, v3  }
0x178: {  	v24 =	vadd.f32 v29, v24;
	v29 =	vadd.f32 v14, v22;
	v22 =	vand.u32 $0xFFFF0000, v16;
	v14 =	vld [tilespmem:s17+$0x101D0]  }
0x179: {  	v0 =	vshll.u32 v26, $0x10;
	v26 =	vand.u32 $0xFFFF0000, v26;
	v22 =	vadd.f32 v22, v21;
	v21 =	vld [tilespmem:s17+$0x10220]  }
0x17a: {  	v27 =	vand.u32 $0xFFFF0000, v27;
	v3 =	vadd.f32 v26, v3;
	v26 =	vand.u32 $0xFFFF0000, v20;
	v20 =	vld [tilespmem:s17+$0x10180]  }
0x17b: {  	v35 =	vand.u32 $0xFFFF0000, v62;
	v37 =	vand.u32 $0xFFFF0000, v17;
	v30 =	vadd.f32 v63, v30  }
0x17c: {  	s15 =	simm.s32 $0x400;
	v36 =	vshll.u32 v31, $0x10;
	v34 =	vadd.f32 v38, v34;
	v25 =	vadd.f32 v37, v25  }
.LBB2_16:
0x17d: {  	s16 =	sshra.s32 s15, $0x2;
	p1 =	sne.s32 s15, $0x6000;
	s15 =	sadd.s32 $0x400, s15;
	v31 =	vand.u32 $0xFFFF0000, v31;
	v12 =	vadd.f32 v36, v12;
	v8 =	vadd.f32 v32, v8  }
0x17e: {  	v15 =	vadd.f32 v35, v15;
	v34 =	vadd.f32 v33, v34;
	v36 =	vld [tilespmem:s16+$0x101F0];
	v32 =	vand.u32 $0xFFFF0000, v21  }
0x17f: {  	v35 =	vshll.u32 v20, $0x10;
	v37 =	vshll.u32 v14, $0x10;
	v29 =	vadd.f32 v0, v29;
	v33 =	vld [tilespmem:s16+$0x10200]  }
0x180: {  	v16 =	vshll.u32 v16, $0x10;
	v0 =	vadd.f32 v31, v11;
	v8 =	vadd.f32 v23, v8;
	v38 =	vld [tilespmem:s16+$0x10230]  }
0x181: {  	v17 =	vshll.u32 v17, $0x10;
	v6 =	vadd.f32 v26, v6;
	v30 =	vadd.f32 v28, v30;
	v23 =	vld [tilespmem:s16+$0x101E0]  }
0x182: {  	v20 =	vand.u32 $0xFFFF0000, v20;
	v24 =	vadd.f32 v18, v24;
	v12 =	vadd.f32 v37, v12;
	v26 =	vld [tilespmem:s16+$0x101B0]  }
0x183: {  	v4 =	vadd.f32 v35, v4;
	v11 =	vand.u32 $0xFFFF0000, v14;
	v6 =	vadd.f32 v19, v6;
	v37 =	vld [tilespmem:s16+$0x101C0]  }
0x184: {  	v15 =	vadd.f32 v27, v15;
	v11 =	vadd.f32 v11, v0;
	v14 =	vld [tilespmem:s16+$0x101D0]  }
0x185: {  	v18 =	vshll.u32 v21, $0x10;
	v22 =	vadd.f32 v32, v22;
	v0 =	vadd.f32 v20, v9;
	v27 =	vld [tilespmem:s16+$0x10170]  }
0x186: {  	v10 =	vadd.f32 v16, v10;
	v25 =	vadd.f32 v7, v25;
	v9 =	vshll.u32 v33, $0x10;
	v19 =	vld [tilespmem:s16+$0x10210]  }
0x187: {  	v5 =	vadd.f32 v17, v5;
	v17 =	vshll.u32 v1, $0x10;
	v4 =	vadd.f32 v2, v4;
	v2 =	vmovc v9;
	v1 =	vmovc v23;
	v21 =	vld [tilespmem:s16+$0x10190]  }
0x188: {  	v9 =	vadd.f32 v13, v0;
	v23 =	vand.u32 $0xFFFF0000, v26;
	v7 =	vand.u32 $0xFFFF0000, v1;
	v16 =	vld [tilespmem:s16+$0x101A0]  }
0x189: {  	v5 =	vadd.f32 v17, v5;
	v28 =	vshll.u32 v26, $0x10;
	v3 =	vadd.f32 v23, v3;
	v20 =	vld [tilespmem:s16+$0x10180]  }
0x18a: {  	v10 =	vadd.f32 v18, v10;
	v0 =	vshll.u32 v38, $0x10;
	v13 =	vand.u32 $0xFFFF0000, v38;
	v35 =	vld [tilespmem:s16+$0x10140]  }
0x18b: {  	v3 =	vadd.f32 v13, v3;
	v17 =	vld [tilespmem:s16+$0x10160];
	v18 =	vshll.u32 v19, $0x10;
	v23 =	vand.u32 $0xFFFF0000, v19  }
0x18c: {  	v19 =	vand.u32 $0xFFFF0000, v36;
	v38 =	vshll.u32 v21, $0x10  }
0x18d: {  	v26 =	vand.u32 $0xFFFF0000, v27;
	v13 =	vand.u32 $0xFFFF0000, v33;
	v32 =	vand.u32 $0xFFFF0000, v21;
	v31 =	vld [tilespmem:s16+$0x10150]  }
.Ltmp10:
0x18e: {  	v29 =	vadd.f32 v28, v29;
	v33 =	vshll.u32 v36, $0x10;
	v24 =	vadd.f32 v38, v24;
	(pc) =	sbr.rel @p1 .LBB2_16-.Ltmp10, $4  }
0x18f: {  	v28 =	vshll.u32 v37, $0x10;
	v38 =	vand.u32 $0xFFFF0000, v16;
	v36 =	vshll.u32 v35, $0x10;
	v21 =	vld [tilespmem:s16+$0x10220]  }
0x190: {  	v27 =	vshll.u32 v27, $0x10;
	v22 =	vadd.f32 v38, v22;
	v39 =	vand.u32 $0xFFFF0000, v17  }
0x191: {  	v34 =	vadd.f32 v27, v34;
	v27 =	vand.u32 $0xFFFF0000, v37;
	v30 =	vadd.f32 v36, v30  }
0x192: {  	v35 =	vand.u32 $0xFFFF0000, v35;
	v25 =	vadd.f32 v39, v25;
	v36 =	vshll.u32 v31, $0x10  }
0x193: {  	s14 =	sadd.s32 @!p0 $0xD0, s14;
	s15 =	simm.s32 @!p0 $0x64;
	s16 =	simm.s32 @!p0 $0x10140  }
0x194: {  	v12 =	vadd.f32 v36, v12;
	v8 =	vadd.f32 v32, v8;
	[tilespmem:s16], [sflag:$0x7] =	stream.indirect.gather @!p0 [hbm4b:s4+s15], $0x40, s14, s15, $0xb8;
	[tilespmem:$0x17540] =	vst v63  }
0x195: {  	v15 =	vadd.f32 v35, v15;
	v34 =	vadd.f32 v33, v34;
	_ =	swait.ge [sflag:s2], $0x1900  }
0x196: {  	v29 =	vadd.f32 v0, v29;
	v6 =	vadd.f32 v26, v6;
	[sflag:s2] =	ssyncset.done $0x0  }
0x197: {  	v31 =	vand.u32 $0xFFFF0000, v31;
	s17 =	simm.s32 $0x0;
	v28 =	vadd.f32 v28, v30;
	v24 =	vadd.f32 v18, v24;
	[sflag:s2] =	ssyncadd.s32 $0xFFFFE700  }
0x198: {  	v17 =	vshll.u32 v17, $0x10;
	v60 =	vand.u32 $0xFFFF0000, v21;
	v0 =	vadd.f32 v23, v8;
	v23 =	vld [tilespmem:s17+$0x11AF0]  }
0x199: {  	v31 =	vadd.f32 v31, v11;
	v11 =	vshll.u32 v14, $0x10;
	v37 =	vadd.f32 v7, v25;
	v30 =	vld [tilespmem:s17+$0x11B00]  }
0x19a: {  	v5 =	vadd.f32 v17, v5;
	v8 =	vshll.u32 v20, $0x10;
	v11 =	vadd.f32 v11, v12;
	v18 =	vld [tilespmem:s17+$0x11B30]  }
0x19b: {  	v20 =	vand.u32 $0xFFFF0000, v20;
	v12 =	vand.u32 $0xFFFF0000, v14;
	v8 =	vadd.f32 v8, v4;
	v4 =	vld [tilespmem:s17+$0x11AE0]  }
0x19c: {  	v6 =	vadd.f32 v19, v6;
	v14 =	vadd.f32 v27, v15;
	v15 =	vshll.u32 v16, $0x10;
	v16 =	vld [tilespmem:s17+$0x11AB0]  }
0x19d: {  	v19 =	vshll.u32 v21, $0x10;
	v12 =	vadd.f32 v12, v31;
	v9 =	vadd.f32 v20, v9;
	v21 =	vld [tilespmem:s17+$0x11B10]  }
0x19e: {  	v1 =	vshll.u32 v1, $0x10;
	v20 =	vadd.f32 v60, v22;
	v15 =	vadd.f32 v15, v10;
	v61 =	vld [tilespmem:s17+$0x11A70]  }
0x19f: {  	v10 =	vadd.f32 v1, v5;
	v8 =	vadd.f32 v2, v8;
	v22 =	vld [tilespmem:s17+$0x11A90]  }
0x1a0: {  	v7 =	vadd.f32 v13, v9;
	v5 =	vadd.f32 v19, v15;
	v25 =	vld [tilespmem:s17+$0x11A60]  }
0x1a1: {  	v62 =	vld [tilespmem:s17+$0x11A40];
	v1 =	vshll.u32 v30, $0x10;
	v2 =	vand.u32 $0xFFFF0000, v16;
	v9 =	vand.u32 $0xFFFF0000, v4  }
0x1a2: {  	v13 =	vld [tilespmem:s17+$0x11AA0];
	v16 =	vshll.u32 v16, $0x10;
	v15 =	vshll.u32 v18, $0x10;
	v17 =	vshll.u32 v21, $0x10  }
0x1a3: {  	v32 =	vld [tilespmem:s17+$0x11A50];
	v19 =	vand.u32 $0xFFFF0000, v23;
	v26 =	vand.u32 $0xFFFF0000, v61;
	v2 =	vadd.f32 v2, v3  }
0x1a4: {  	v3 =	vand.u32 $0xFFFF0000, v18;
	v18 =	vand.u32 $0xFFFF0000, v21;
	v21 =	vshll.u32 v22, $0x10  }
0x1a5: {  	v31 =	vld [tilespmem:s17+$0x11AC0];
	v27 =	vand.u32 $0xFFFF0000, v22;
	v38 =	vand.u32 $0xFFFF0000, v25;
	v21 =	vadd.f32 v21, v24  }
0x1a6: {  	v24 =	vadd.f32 v16, v29;
	v29 =	vshll.u32 v23, $0x10;
	v23 =	vshll.u32 v62, $0x10;
	v16 =	vld [tilespmem:s17+$0x11AD0]  }
0x1a7: {  	v63 =	vshll.u32 v61, $0x10;
	v22 =	vand.u32 $0xFFFF0000, v13;
	v33 =	vadd.f32 v23, v28;
	v23 =	vld [tilespmem:s17+$0x11B20]  }
0x1a8: {  	v35 =	vand.u32 $0xFFFF0000, v62;
	v36 =	vshll.u32 v32, $0x10;
	v20 =	vadd.f32 v22, v20;
	v22 =	vld [tilespmem:s17+$0x11A80]  }
0x1a9: {  	v34 =	vadd.f32 v63, v34;
	v2 =	vadd.f32 v3, v2;
	v3 =	vand.u32 $0xFFFF0000, v30  }
0x1aa: {  	s14 =	simm.s32 $0x400;
	v30 =	vshll.u32 v31, $0x10;
	v31 =	vand.u32 $0xFFFF0000, v31;
	v28 =	vadd.f32 v38, v37  }
.LBB2_18:
0x1ab: {  	s15 =	sshra.s32 s14, $0x2;
	p1 =	sne.s32 s14, $0x6000;
	s14 =	sadd.s32 $0x400, s14;
	v32 =	vand.u32 $0xFFFF0000, v32;
	v11 =	vadd.f32 v36, v11;
	v0 =	vadd.f32 v27, v0  }
0x1ac: {  	v14 =	vadd.f32 v35, v14;
	v34 =	vadd.f32 v29, v34;
	v36 =	vld [tilespmem:s15+$0x11AF0];
	v27 =	vand.u32 $0xFFFF0000, v23  }
0x1ad: {  	v35 =	vshll.u32 v22, $0x10;
	v37 =	vshll.u32 v16, $0x10;
	v24 =	vadd.f32 v15, v24;
	v29 =	vld [tilespmem:s15+$0x11B00]  }
0x1ae: {  	v13 =	vshll.u32 v13, $0x10;
	v12 =	vadd.f32 v32, v12;
	v0 =	vadd.f32 v18, v0;
	v38 =	vld [tilespmem:s15+$0x11B30]  }
0x1af: {  	v6 =	vadd.f32 v26, v6;
	v33 =	vadd.f32 v30, v33;
	v18 =	vshll.u32 v25, $0x10;
	v15 =	vld [tilespmem:s15+$0x11AE0]  }
0x1b0: {  	v22 =	vand.u32 $0xFFFF0000, v22;
	v21 =	vadd.f32 v17, v21;
	v11 =	vadd.f32 v37, v11;
	v25 =	vld [tilespmem:s15+$0x11AB0]  }
0x1b1: {  	v17 =	vand.u32 $0xFFFF0000, v16;
	v8 =	vadd.f32 v35, v8;
	v6 =	vadd.f32 v19, v6;
	v37 =	vld [tilespmem:s15+$0x11AC0]  }
0x1b2: {  	v14 =	vadd.f32 v31, v14;
	v12 =	vadd.f32 v17, v12;
	v16 =	vld [tilespmem:s15+$0x11AD0]  }
0x1b3: {  	v7 =	vadd.f32 v22, v7;
	v20 =	vadd.f32 v27, v20;
	v17 =	vshll.u32 v23, $0x10;
	v31 =	vld [tilespmem:s15+$0x11A70]  }
0x1b4: {  	v5 =	vadd.f32 v13, v5;
	v28 =	vadd.f32 v9, v28;
	v19 =	vshll.u32 v29, $0x10;
	v23 =	vld [tilespmem:s15+$0x11B10]  }
0x1b5: {  	v10 =	vadd.f32 v18, v10;
	v18 =	vshll.u32 v4, $0x10;
	v8 =	vadd.f32 v1, v8;
	v1 =	vmovc v19;
	v4 =	vmovc v15;
	v27 =	vld [tilespmem:s15+$0x11A90]  }
0x1b6: {  	v7 =	vadd.f32 v3, v7;
	v15 =	vand.u32 $0xFFFF0000, v25;
	v9 =	vand.u32 $0xFFFF0000, v4;
	v13 =	vld [tilespmem:s15+$0x11AA0]  }
0x1b7: {  	v10 =	vadd.f32 v18, v10;
	v30 =	vshll.u32 v25, $0x10;
	v2 =	vadd.f32 v15, v2;
	v22 =	vld [tilespmem:s15+$0x11A80]  }
0x1b8: {  	v5 =	vadd.f32 v17, v5;
	v3 =	vand.u32 $0xFFFF0000, v38;
	v15 =	vshll.u32 v38, $0x10;
	v35 =	vld [tilespmem:s15+$0x11A40]  }
0x1b9: {  	v2 =	vadd.f32 v3, v2;
	v25 =	vld [tilespmem:s15+$0x11A60];
	v17 =	vshll.u32 v23, $0x10;
	v18 =	vand.u32 $0xFFFF0000, v23  }
0x1ba: {  	v19 =	vand.u32 $0xFFFF0000, v36;
	v23 =	vshll.u32 v27, $0x10  }
0x1bb: {  	v26 =	vand.u32 $0xFFFF0000, v31;
	v3 =	vand.u32 $0xFFFF0000, v29;
	v27 =	vand.u32 $0xFFFF0000, v27;
	v32 =	vld [tilespmem:s15+$0x11A50]  }
.Ltmp11:
0x1bc: {  	v24 =	vadd.f32 v30, v24;
	v29 =	vshll.u32 v36, $0x10;
	v21 =	vadd.f32 v23, v21;
	(pc) =	sbr.rel @p1 .LBB2_18-.Ltmp11, $4  }
0x1bd: {  	v30 =	vshll.u32 v37, $0x10;
	v38 =	vand.u32 $0xFFFF0000, v13;
	v36 =	vshll.u32 v35, $0x10;
	v23 =	vld [tilespmem:s15+$0x11B20]  }
0x1be: {  	v31 =	vshll.u32 v31, $0x10;
	v20 =	vadd.f32 v38, v20;
	v39 =	vand.u32 $0xFFFF0000, v25  }
0x1bf: {  	v34 =	vadd.f32 v31, v34;
	v31 =	vand.u32 $0xFFFF0000, v37;
	v33 =	vadd.f32 v36, v33  }
0x1c0: {  	v35 =	vand.u32 $0xFFFF0000, v35;
	v28 =	vadd.f32 v39, v28;
	v36 =	vshll.u32 v32, $0x10  }
0x1c1: {  	v30 =	vadd.f32 v30, v33  }
0x1c2: {  	v55 =	vadd.f32 v29, v34;
	[tilespmem:s12+$0x13530] =	vst v2  }
0x1c3: {  	v60 =	vadd.f32 v17, v21;
	[tilespmem:s12+$0x13440] =	vst v30  }
0x1c4: {  	v32 =	vand.u32 $0xFFFF0000, v32;
	v14 =	vadd.f32 v35, v14;
	v63 =	vadd.f32 v15, v24;
	[tilespmem:s12+$0x134A0] =	vst v55  }
0x1c5: {  	v11 =	vadd.f32 v36, v11;
	v52 =	vshll.u32 v16, $0x10;
	v9 =	vadd.f32 v9, v28;
	[tilespmem:s12+$0x134E0] =	vst v60  }
0x1c6: {  	v25 =	vshll.u32 v25, $0x10;
	v6 =	vadd.f32 v26, v6;
	v14 =	vadd.f32 v31, v14;
	[tilespmem:s12+$0x13520] =	vst v63  }
0x1c7: {  	v53 =	vand.u32 $0xFFFF0000, v16;
	v0 =	vadd.f32 v27, v0;
	v11 =	vadd.f32 v52, v11;
	[tilespmem:s12+$0x13490] =	vst v9  }
0x1c8: {  	v4 =	vshll.u32 v4, $0x10;
	v12 =	vadd.f32 v32, v12;
	v57 =	vadd.f32 v19, v6;
	[tilespmem:s12+$0x13450] =	vst v14  }
0x1c9: {  	v54 =	vshll.u32 v22, $0x10;
	v10 =	vadd.f32 v25, v10;
	v0 =	vadd.f32 v18, v0;
	[tilespmem:s12+$0x13460] =	vst v11  }
0x1ca: {  	v56 =	vand.u32 $0xFFFF0000, v22;
	v8 =	vadd.f32 v54, v8;
	v12 =	vadd.f32 v53, v12;
	[tilespmem:s12+$0x134B0] =	vst v57  }
0x1cb: {  	v59 =	vshll.u32 v13, $0x10;
	v58 =	vadd.f32 v56, v7;
	v4 =	vadd.f32 v4, v10;
	[tilespmem:s12+$0x134F0] =	vst v0  }
0x1cc: {  	v5 =	vadd.f32 v59, v5;
	v1 =	vadd.f32 v1, v8;
	[tilespmem:s12+$0x13470] =	vst v12  }
.Ltmp12:
0x1cd: {  	v61 =	vshll.u32 v23, $0x10;
	v3 =	vadd.f32 v3, v58;
	[tilespmem:s12+$0x13480] =	vst v4;
	(pc) =	sbr.rel @p0 .LBB2_21-.Ltmp12, $4  }
0x1ce: {  	v62 =	vand.u32 $0xFFFF0000, v23;
	[tilespmem:s12+$0x134C0] =	vst v1;
	v1 =	vadd.f32 v61, v5  }
0x1cf: {  	[tilespmem:s12+$0x134D0] =	vst v3;
	v3 =	vadd.f32 v62, v20  }
0x1d0: {  	[tilespmem:s12+$0x13500] =	vst v1  }
0x1d1: {  	[tilespmem:s12+$0x13510] =	vst v3  }
0x1d2: {  	s12 =	smul.u32 $0x680, s13  }
.Ltmp13:
0x1d3: {  	_ = 	snop;
	(pc) =	sbr.rel .LBB2_3-.Ltmp13, $4  }
0x1d4: {  	_ = 	snop  }
0x1d5: {  	s12 =	sshra.s32 s12, $0x2  }
0x1d6: {  	s11 =	sadd.s32 $0x1, s11;
	s12 =	sadd.s32 $0x138, s12  }
0x1d7: {  	[tilespmem:s24], [sflag:$0x8] =	stream.indirect.gather [hbm4b:s4+s9], $0x40, s12, s9, $0xb8;
	[tilespmem:$0x17540] =	vst v63  }
.LBB2_23:
0x1d8: {  	_ =	sfence.sel $0x180000  }
0x1d9: {  	[bflag:$0x0] =	sbarrier.arrive $0xFFFF  }
0x1da: {  	_ =	strace $0x9000004A  }
0x1db: {  	s0 =	stileid.u32;
	[bflag:$0x2] =	sbarrier.arrive $0xFFFF  }
0x1dc: {  	p0 =	sne.s32 s0, $0x0;
	s0 =	rddreg [dreg:$0x1]  }
0x1dd: {  	s0 =	sadd.s32 @!p0 $0x100000, s0  }
0x1de: {  	[sflag:s0] =	ssyncadd.tile.s32 @!p0 $0x1;
	_ =	shalt  }
.Lfunc_end2:
_tile_overlayer_lowered:
.L_overlay_start_2:
0x1df: {  	(tag) =	ssettag $0x2  }
0x1e0: {  	s0 =	rddreg [dreg:$0x0];
	s2 =	stileid.u32  }
0x1e1: {  	s1 =	rddreg [dreg:$0x1];
	p0 =	sne.s32 s2, $0x0  }
0x1e2: {  	s3 =	rddreg [dreg:$0x2];
	[bflag:$0x3] =	sbarrier.arrive $0xFFFF;
	s2 =	simm.s32 @!p0 $0x1C09  }
0x1e3: {  	[timem:s3], [sflag:s2] =	dma.local @!p0 [hbm:s0], s1  }
0x1e4: {  	s0 =	simm.s32 @!p0 $0x9  }
0x1e5: {  	_ =	swait.ge @!p0 [sflag:s0], s1  }
0x1e6: {  	s1 =	ssub.s32 @!p0 $0x0, s1;
	[sflag:s0] =	ssyncset.done @!p0 $0x0  }
0x1e7: {  	[sflag:s0] =	ssyncadd.s32 @!p0 s1  }
0x1e8: {  	[bflag:$0x3] =	sbarrier.arrive $0xFFFF  }
0x1e9: {  	_ =	shalt  }

// kernel: sparse-core-data-format-call.cloned.1.call-start
scs
called_computation_lowered:
.L_overlay_start_0:
0x0: {  	s1 =	sld [smem:$0x3FD9]  }
0x1: {  	s2 =	sld [smem:$0x3FFE];
	_ =	sdelay $0x1  }
0x2: {  	s3 =	srdreg.scid  }
0x3: {  	s0 =	sand.u32 $0x1, s3  }
0x4: {  	s17 =	sshll.u32 s0, $0xA;
	s1 =	sadd.s32 s2, s1  }
0x5: {  	s1 =	sadd.s32 s1, s17  }
0x6: {  	[smem:$0x3FB3] =	sst s1  }
0x7: {  	_ = 	snop  }
0x8: {  	(tm) =	ssettm $0x1  }
0x9: {  	s18 =	sld [smem:$0x3FFB];
	_ =	sdelay $0x3  }
0xa: {  	_ =	strace s18  }
0xb: {  	s1 =	sld [smem:$0x3FFC];
	_ =	sdelay $0x3  }
0xc: {  	_ =	strace s1  }
0xd: {  	s1 =	sld [smem:$0x3FFD];
	_ =	sdelay $0x3  }
0xe: {  	_ =	strace s1  }
0xf: {  	_ =	strace $0x8FFFFFFF  }
0x10: {  	s19 =	sld [smem:$0x3FDB];
	_ =	sdelay $0x1  }
0x11: {  	s20 =	simm.s32 $_scs_section_size  }
0x12: {  	s4 =	simm.s32 $_size__tile_overlayer_lowered;
	s5 =	simm.s32 $_tile_overlayer_lowered  }
0x13: {  	s23 =	simm.s32 $0x1BFF;
	s22 =	sshll.u32 s5, $0x1;
	s1 =	sadd.s32 s20, s19  }
0x14: {  	s6 =	simm.s32 $0x0;
	s21 =	sshll.u32 s4, $0x1;
	s4 =	sadd.s32 s22, s1  }
0x15: {  	[timem:s6], [sflag:s23] =	dma.local [hbm:s4], s21  }
0x16: {  	_ =	swait.ge [sflag:s23], s21  }
0x17: {  	s2 =	ssub.s32 $0x0, s21;
	[sflag:s23] =	ssyncset.done $0x0  }
0x18: {  	[sflag:s23] =	ssyncadd.s32 s2;
	_ =	sdelay $0x1  }
0x19: {  	s24 =	simm.s32 $0x1B8B  }
0x1a: {  	_ =	swait.ge [sflag:s24], $0x1  }
0x1b: {  	[sflag:s24] =	ssyncset.done $0x0  }
0x1c: {  	s26 =	simm.s32 $0x1B8E;
	s25 =	sld [smem:$0x3FFE];
	[sflag:s24] =	ssyncadd.s32 $0xFFFFFFFF  }
0x1d: {  	s27 =	simm.s32 $execute0_lowered;
	[smem:$0x3FD2] =	sst s26  }
0x1e: {  	s4 =	sshll.u32 s27, $0x1;
	_ =	strace $0x80000046;
	[dreg:$0x1] =	wrdreg $0xFFFFFFFF  }
0x1f: {  	s28 =	simm.s32 $_size_execute0_lowered;
	s1 =	sadd.s32 s1, s4;
	[dreg:$0x0] =	wrdreg $0x0  }
0x20: {  	s4 =	sshll.u32 s28, $0x1;
	[dreg:$0x2] =	wrdreg s1  }
0x21: {  	[dreg:$0x3] =	wrdreg s4  }
0x22: {  	[dreg:$0x4] =	wrdreg $0xC0  }
0x23: {  	_ =	task [dreg:s6], $0x5FFFF  }
0x24: {  	[dreg:$0x1] =	wrdreg $0xFFFFFFFF  }
0x25: {  	[dreg:$0x0] =	wrdreg $0x60  }
0x26: {  	[dreg:$0x2] =	wrdreg s25  }
0x27: {  	[dreg:$0x3] =	wrdreg $0x9  }
0x28: {  	_ =	task.clear_ibuf [dreg:s6], $0x4FFFF;
	_ =	strace $0x90000046  }
0x29: {  	s29 =	simm.s32 $0x9;
	_ =	strace $0x80000048  }
0x2a: {  	_ =	swait.ge [sflag:s29], $0x1  }
0x2b: {  	[sflag:s29] =	ssyncadd.s32 $0xFFFFFFFF  }
0x2c: {  	_ =	strace $0x90000048  }
0x2d: {  	_ =	sfence  }
0x2e: {  	s30 =	sld [smem:$0x0];
	_ =	sdelay $0x2  }
0x2f: {  	s31 =	sshll.u32 s3, $0xD;
	s3 =	sshrl.u32 s3, $0x2  }
0x30: {  	s2 =	sand.u32 $0x4000, s31;
	s1 =	sadd.s32 s3, s30  }
0x31: {  	s0 =	sor.u32 s2, s0;
	s1 =	sshll.u32 s1, $0x11  }
0x32: {  	s0 =	sor.u32 s1, s0  }
0x33: {  	s0 =	sadd.s32 $0x8F2B, s0  }
0x34: {  	[sflag:s0] =	ssyncadd.remote.s32 $0x1  }
0x35: {  	_ =	sfence.sel $0xFFFF  }
0x36: {  	[dreg:$0x0] =	wrdreg $0xFFFFFFFF;
	(pc) =	sbr.abs _section_cstart, $3  }
0x37: {  	[dreg:$0x1] =	wrdreg $0xFFFFFFFF  }
0x38: {  	_ =	task.clear_ibuf [dreg:s6], $0x2FFFF;
	_ =	strace $0x9FFFFFFF  }
0x39: {  	(tm) =	ssettm $0x7FFFFFFF  }
tec
execute0_lowered:
.L_overlay_start_1:
0x0: {  	(tag) =	ssettag $0x1  }
0x1: {  	s0 =	srdreg.scid  }
0x2: {  	s4 =	rddreg [dreg:$0x0];
	s1 =	stileid.u32  }
0x3: {  	s5 =	simm.s32 $0x1;
	s7 =	simm.s32 $0x2;
	s0 =	sshll.u32 s0, $0x4  }
0x4: {  	s11 =	simm.s32 $0x0;
	p0 =	por $0x0, $0x0;
	s2 =	sand.u32 $0x10, s0  }
.Ltmp0:
0x5: {  	s8 =	simm.s32 $0xC4800;
	s3 =	sor.u32 s1, s2;
	(pc) =	sbr.rel .LBB1_1-.Ltmp0, $4  }
0x6: {  	s10 =	simm.s32 $0x0;
	s0 =	rddreg [dreg:$0x1];
	s3 =	sshll.u32 s3, $0x7  }
0x7: {  	_ =	strace $0x80000047;
	s2 =	sadd.s32 $0x3A00, s4;
	s6 =	ssub.s32 $0x18880, s3  }
0x8: {  	s4 =	sadd.s32 $0x18C600, s4;
	[sflag:s5] =	ssyncpa.u1 $0x0;
	s6 =	sshrl.u32 s6, $0xC  }
0x9: {  	[sflag:s7] =	ssyncpa.u1 $0x0;
	s9 =	smov.u32 s3;
	s7 =	sadd.s32 $0x2, s6  }
.LBB1_5:
0xa: {  	s13 =	sadd.s32 $0x1000, s9  }
0xb: {  	p2 =	sgt.s32 s13, $0x188A0  }
0xc: {  	s13 =	smov.u32 @p2 s3;
	p2 =	sne.s32 s10, s7  }
.Ltmp1:
0xd: {  	p1 =	slt.u32 s10, $0x2;
	(pc) =	sbr.rel @!p2 .LBB1_6-.Ltmp1, $4  }
0xe: {  	s12 =	simm.s32 @!p1 $0x2  }
0xf: {  	s14 =	sadd.s32 $0x1, s10;
	_ =	swait.ge @!p1 [sflag:s12], $0x4000  }
0x10: {  	s11 =	smov.u32 s9;
	p0 =	por !p0, !p0;
	[sflag:s12] =	ssyncset.done @!p1 $0x0  }
0x11: {  	s10 =	smov.u32 s14;
	s9 =	smov.u32 s13;
	[sflag:s12] =	ssyncadd.s32 @!p1 $0xFFFFC000  }
.LBB1_1:
0x12: {  	p1 =	sgt.u32 s10, s6  }
0x13: {  	s12 =	sand.u32 @!p1 $0x1FFFFFF, s9  }
0x14: {  	p2 =	sgt.s32 @!p1 s9, $0x18828;
	s13 =	smulhi.u32 @!p1 $0x14DCEFB, s12  }
0x15: {  	s14 =	smov.u32 s9;
	s15 =	sshra.s32 @!p1 s9, $0x1F;
	p2 =	por !p2, p1  }
0x16: {  	s15 =	sand.u32 @!p1 s15, s9;
	s14 =	simm.s32 @p2 $0x18828;
	s13 =	sshrl.u32 @!p1 s13, $0x9  }
0x17: {  	s14 =	ssub.s32 @!p1 s14, s15;
	s13 =	smul.u32 @!p1 $0x188A8, s13  }
0x18: {  	s15 =	sxor.u32 @!p1 $0xFFFFFFFF, s10;
	s14 =	sadd.s32 @!p1 $0xFFFE77D8, s14  }
0x19: {  	s15 =	sshll.u32 @!p1 s15, $0xE;
	s12 =	ssub.s32 @!p1 s12, s13;
	s13 =	sshll.u32 @!p1 s14, $0x9  }
0x1a: {  	s15 =	sand.u32 @!p1 $0x4000, s15;
	p2 =	sgt.s32 @!p1 s14, $0x7F;
	s13 =	ssub.s32 @!p1 $0x10000, s13  }
0x1b: {  	p2 =	por !p2, p1;
	s12 =	sshll.u32 @!p1 s12, $0x4;
	s13 =	sshrl.u32 @!p1 s13, $0x2  }
0x1c: {  	s14 =	simm.s32 @!p1 $0x0;
	s12 =	sadd.s32 @!p1 s2, s12;
	s13 =	simm.s32 @!p2 $0x0  }
0x1d: {  	[tilespmem:s15], [sflag:$0x1] =	stream.linear.gather @!p1 [hbm4b:s12+s14], s13, $0x38;
	[tilespmem:$0x10100] =	vst v63  }
0x1e: {  	p1 =	seq.s32 s10, $0x0  }
0x1f: {  	p2 =	sge.u32 @!p1 s10, s7  }
0x20: {  	p1 =	por p1, p2  }
.Ltmp2:
0x21: {  	_ = 	snop;
	(pc) =	sbr.rel @p1 .LBB1_5-.Ltmp2, $1  }
0x22: {  	_ =	sdelay $0x3  }
0x23: {  	p1 =	sgt.s32 s11, $0x18828;
	s12 =	smov.u32 s11;
	s13 =	sshra.s32 s11, $0x1F  }
0x24: {  	s12 =	simm.s32 @!p1 $0x18828;
	s13 =	sand.u32 s13, s11  }
0x25: {  	s12 =	ssub.s32 s12, s13  }
0x26: {  	s12 =	sadd.s32 $0xFFFE77D8, s12  }
0x27: {  	s29 =	sshll.u32 s12, $0x9  }
0x28: {  	s13 =	ssub.s32 $0x10000, s29  }
0x29: {  	p1 =	sgt.s32 s12, $0x7F;
	s12 =	sshrl.u32 s13, $0x2  }
0x2a: {  	s13 =	simm.s32 $0x1;
	s12 =	simm.s32 @p1 $0x0  }
0x2b: {  	s13 =	simm.s32 @!p0 $0x0;
	_ =	swait.ge [sflag:s5], s12  }
0x2c: {  	s14 =	sshll.u32 s13, $0xE;
	s12 =	ssub.s32 $0x0, s12;
	[sflag:s5] =	ssyncset.done $0x0  }
0x2d: {  	s15 =	sor.u32 $0x40, s14;
	[sflag:s5] =	ssyncadd.s32 s12  }
0x2e: {  	s30 =	smul.u32 $0x10200, s13;
	v0 =	vld [tilespmem:s15+$0x30]  }
0x2f: {  	v1 =	vld [tilespmem:s15+$0xFFFFFFD0]  }
0x30: {  	s12 =	sshrl.u32 s30, $0x2;
	v5 =	vld [tilespmem:s15+$0xFFFFFFE0]  }
0x31: {  	s13 =	sor.u32 $0x8000, s12;
	v6 =	vld [tilespmem:s15+$0xFFFFFFF0]  }
0x32: {  	s31 =	sand.u32 $0x1, s10;
	v3 =	vld [tilespmem:s15+$0x0];
	s14 =	sadd.s32 $0x0, s13  }
0x33: {  	s12 =	smul.u32 $0x10200, s31;
	v4 =	vld [tilespmem:s15+$0x10];
	[tilespmem:s14+$0x3870 ss:$0x81] =	vst.msk $0xffff, v0  }
0x34: {  	v2 =	vld [tilespmem:s15+$0x20];
	[tilespmem:s14+$0x810 ss:$0x81] =	vst.msk $0xffff, v1  }
0x35: {  	s12 =	sshrl.u32 s12, $0x2;
	v0 =	vld [tilespmem:s15+$0xFFFFFFC0];
	[tilespmem:s14+$0x1020 ss:$0x81] =	vst.msk $0xffff, v5;
	s15 =	sadd.s32 $0x80, s15  }
0x36: {  	s16 =	simm.s32 $0x4;
	s17 =	simm.s32 $0x8;
	s12 =	sor.u32 $0x8000, s12;
	[tilespmem:s14+$0x1830 ss:$0x81] =	vst.msk $0xffff, v6;
	v1 =	vld [tilespmem:s15+$0x30]  }
.LBB1_3:
0x37: {  	p1 =	sne.s32 s17, $0x1FC;
	v5 =	vld [tilespmem:s15+$0xFFFFFFD0];
	[tilespmem:s14+$0x2040 ss:$0x81] =	vst.msk $0xffff, v3  }
0x38: {  	v6 =	vld [tilespmem:s15+$0xFFFFFFE0];
	[tilespmem:s14+$0x2850 ss:$0x81] =	vst.msk $0xffff, v4  }
0x39: {  	s18 =	sshra.s32 s16, $0x2;
	s16 =	smov.u32 s17;
	v7 =	vld [tilespmem:s15+$0xFFFFFFF0];
	[tilespmem:s14+$0x3060 ss:$0x81] =	vst.msk $0xffff, v2  }
.Ltmp3:
0x3a: {  	v3 =	vld [tilespmem:s15+$0x0];
	[tilespmem:s14+$0x0 ss:$0x81] =	vst.msk $0xffff, v0;
	s14 =	sadd.s32 s18, s13;
	(pc) =	sbr.rel @p1 .LBB1_3-.Ltmp3, $4  }
0x3b: {  	v4 =	vld [tilespmem:s15+$0x10];
	[tilespmem:s14+$0x3870 ss:$0x81] =	vst.msk $0xffff, v1  }
0x3c: {  	[tilespmem:s14+$0x810 ss:$0x81] =	vst.msk $0xffff, v5;
	v2 =	vld [tilespmem:s15+$0x20]  }
0x3d: {  	v0 =	vld [tilespmem:s15+$0xFFFFFFC0];
	[tilespmem:s14+$0x1020 ss:$0x81] =	vst.msk $0xffff, v6;
	s15 =	sadd.s32 $0x80, s15  }
0x3e: {  	s17 =	sadd.s32 $0x4, s17;
	v1 =	vld [tilespmem:s15+$0x30];
	[tilespmem:s14+$0x1830 ss:$0x81] =	vst.msk $0xffff, v7  }
0x3f: {  	v5 =	vld [tilespmem:s15+$0xFFFFFFD0];
	[tilespmem:s14+$0x2040 ss:$0x81] =	vst.msk $0xffff, v3;
	s17 =	sshll.u32 s11, $0x3  }
0x40: {  	v58 =	vld [tilespmem:s15+$0xFFFFFFE0];
	s25 =	sand.u32 $0x7F, s11;
	[tilespmem:s14+$0x2850 ss:$0x81] =	vst.msk $0xffff, v4;
	s17 =	sand.u32 $0xFFFFFC00, s17  }
0x41: {  	s16 =	sshra.s32 s16, $0x2;
	v59 =	vld [tilespmem:s15+$0xFFFFFFF0];
	[tilespmem:s14+$0x3060 ss:$0x81] =	vst.msk $0xffff, v2;
	s11 =	sor.u32 s25, s17  }
0x42: {  	v60 =	vld [tilespmem:s15+$0x0];
	s13 =	sadd.s32 s16, s13;
	[tilespmem:s14+$0x0 ss:$0x81] =	vst.msk $0xffff, v0;
	s26 =	smulhi.u32 $0xA6C21DF7, s11  }
0x43: {  	v61 =	vld [tilespmem:s15+$0x10];
	[tilespmem:s13+$0x3870 ss:$0x81] =	vst.msk $0xffff, v1  }
0x44: {  	v62 =	vld [tilespmem:s15+$0x20];
	s27 =	smulhi.u32 $0xA6C21DF7, s17;
	[tilespmem:s13+$0x810 ss:$0x81] =	vst.msk $0xffff, v5;
	s14 =	sshrl.u32 s26, $0x10  }
0x45: {  	v63 =	vld [tilespmem:s15+$0xFFFFFFC0];
	[tilespmem:s13+$0x1020 ss:$0x81] =	vst.msk $0xffff, v58;
	s14 =	smul.u32 $0x18900, s14  }
0x46: {  	s28 =	sshrl.u32 s27, $0x10;
	[tilespmem:s13+$0x1830 ss:$0x81] =	vst.msk $0xffff, v59  }
.Ltmp4:
0x47: {  	[tilespmem:s13+$0x2040 ss:$0x81] =	vst.msk $0xffff, v60;
	s29 =	sand.u32 $0x7F, s28;
	s11 =	ssub.s32 s11, s14;
	(pc) =	sbr.rel .LBB1_5-.Ltmp4, $4  }
0x48: {  	[tilespmem:s13+$0x2850 ss:$0x81] =	vst.msk $0xffff, v61;
	s14 =	smul.u32 $0x3120, s29;
	s30 =	sshrl.u32 s11, $0x3;
	s11 =	sand.u32 $0x7, s11  }
0x49: {  	[tilespmem:s13+$0x3060 ss:$0x81] =	vst.msk $0xffff, v62;
	s15 =	sadd.s32 s4, s30;
	s11 =	sshll.u32 s11, $0x12  }
0x4a: {  	[tilespmem:s13+$0x0 ss:$0x81] =	vst.msk $0xffff, v63;
	s31 =	sadd.s32 s14, s15;
	s11 =	sor.u32 $0x400, s11  }
0x4b: {  	[hbm4b:s31+s11] =	stream.strided.scatter [tilespmem:s12], [sflag:$0x2], $0x4000, s8, s11, $0x20;
	[tilespmem:$0x10100] =	vst v63  }
.LBB1_6:
0x4c: {  	_ =	sfence.sel $0x180000  }
0x4d: {  	s2 =	simm.s32 $0x1;
	[bflag:$0x0] =	sbarrier.arrive $0xFFFF  }
0x4e: {  	s31 =	simm.s32 $0x2;
	[sflag:s2] =	ssyncpa.u1 $0x1  }
0x4f: {  	[sflag:s31] =	ssyncpa.u1 $0x1  }
0x50: {  	p0 =	sne.s32 s1, $0x0;
	_ =	strace $0x90000047  }
0x51: {  	s0 =	sadd.s32 @!p0 $0x100000, s0;
	[bflag:$0x2] =	sbarrier.arrive $0xFFFF  }
0x52: {  	[sflag:s0] =	ssyncadd.tile.s32 @!p0 $0x1;
	_ =	shalt  }
.Lfunc_end1:
_tile_overlayer_lowered:
.L_overlay_start_2:
0x53: {  	(tag) =	ssettag $0x2  }
0x54: {  	s0 =	rddreg [dreg:$0x0];
	s2 =	stileid.u32  }
0x55: {  	s1 =	rddreg [dreg:$0x1];
	p0 =	sne.s32 s2, $0x0  }
0x56: {  	s3 =	rddreg [dreg:$0x2];
	[bflag:$0x3] =	sbarrier.arrive $0xFFFF;
	s2 =	simm.s32 @!p0 $0x1C01  }
0x57: {  	[timem:s3], [sflag:s2] =	dma.local @!p0 [hbm:s0], s1  }
0x58: {  	s0 =	simm.s32 @!p0 $0x1  }
0x59: {  	_ =	swait.ge @!p0 [sflag:s0], s1  }
0x5a: {  	s1 =	ssub.s32 @!p0 $0x0, s1;
	[sflag:s0] =	ssyncset.done @!p0 $0x0  }
0x5b: {  	[sflag:s0] =	ssyncadd.s32 @!p0 s1  }
0x5c: {  	[bflag:$0x3] =	sbarrier.arrive $0xFFFF  }
0x5d: {  	_ =	shalt  }

</sc_bundles>
